<compile_context>
chip_gen: v7x
topology: tpu7x:2x2x1
jax: 0.10.2.dev20260603
libtpu: 0.0.44.dev20260713+nightly
codegen_flags: <defaults>
</compile_context>

<pallas_src>
import functools

import jax
import jax.numpy as jnp
from jax import lax
from jax.experimental import pallas as pl
from jax.experimental.pallas import tpu as pltpu
from jax.experimental.pallas import tpu_sc as plsc

B = 4096
MAXN = 64
EMBED = 256
HIDDEN = 512

NEG_INF = float("-inf")

_NC = 2
_NS = 16
_NW = _NC * _NS
_PIECES = 8
_BP = B // _PIECES
_NTOT = _BP + _BP + _BP * MAXN
_PER_W = _NTOT // _NW
_CHUNK = 88
_NCHUNK = _PER_W // _CHUNK
assert _PER_W % _CHUNK == 0 and _PER_W % 8 == 0 and _CHUNK % 8 == 0


def _sc_gather(table, idx_all):
    mesh = plsc.VectorSubcoreMesh(core_axis_name="c", subcore_axis_name="s")

    @functools.partial(
        pl.kernel,
        mesh=mesh,
        out_type=jax.ShapeDtypeStruct((_NTOT, EMBED), table.dtype),
        scratch_types=[
            pltpu.VMEM((_PER_W,), jnp.int32),
            pltpu.VMEM((_CHUNK, EMBED), table.dtype),
            pltpu.VMEM((_CHUNK, EMBED), table.dtype),
            pltpu.SemaphoreType.DMA,
            pltpu.SemaphoreType.DMA,
        ],
    )
    def gather_kernel(table_hbm, idx_hbm, out_hbm, idx_v, rows0, rows1,
                      sem0, sem1):
        wid = lax.axis_index("s") * _NC + lax.axis_index("c")
        base = wid * _PER_W
        pltpu.sync_copy(idx_hbm.at[pl.ds(base, _PER_W)], idx_v)

        def start(t, rows, sem):
            pltpu.async_copy(
                table_hbm.at[idx_v.at[pl.ds(t * _CHUNK, _CHUNK)]], rows, sem)

        def wait(rows, sem):
            pltpu.make_async_copy(
                table_hbm.at[pl.ds(0, _CHUNK)], rows, sem).wait()

        def write(t, rows):
            pltpu.sync_copy(rows, out_hbm.at[pl.ds(base + t * _CHUNK, _CHUNK)])

        start(0, rows0, sem0)

        @pl.loop(0, _NCHUNK - 2, step=2)
        def _(t):
            start(t + 1, rows1, sem1)
            wait(rows0, sem0)
            write(t, rows0)
            start(t + 2, rows0, sem0)
            wait(rows1, sem1)
            write(t + 1, rows1)

        start(_NCHUNK - 1, rows1, sem1)
        wait(rows0, sem0)
        write(_NCHUNK - 2, rows0)
        wait(rows1, sem1)
        write(_NCHUNK - 1, rows1)

    return gather_kernel(table, idx_all)


_R = 128


def _tc_body(cur_ref, tgt_ref, nbr_ref, mask_ref,
             w1c_ref, w1n_ref, b1_ref, w2_ref, b2_ref,
             w3c_ref, w3t_ref, w3n_ref, b3_ref, w4_ref, b4_ref,
             out_ref):
    f32 = jnp.float32
    bf16 = jnp.bfloat16

    mask2 = mask_ref[...]
    mask3 = mask2[:, :, None]
    nbr = nbr_ref[...]
    nbr_b = nbr.astype(bf16)

    msum = jnp.sum(nbr.reshape(_R, MAXN, EMBED) * mask3, axis=1)
    cnt = jnp.maximum(jnp.sum(mask2, axis=1, keepdims=True), 1.0)
    agg = (msum / cnt).astype(bf16)

    cur = cur_ref[...].astype(bf16)
    tgt = tgt_ref[...].astype(bf16)

    h = jnp.dot(cur, w1c_ref[...], preferred_element_type=f32)
    h += jnp.dot(agg, w1n_ref[...], preferred_element_type=f32)
    h = jnp.maximum(h + b1_ref[...], 0.0)
    ctx = jnp.dot(h.astype(bf16), w2_ref[...], preferred_element_type=f32)
    ctx = (ctx + b2_ref[...]).astype(bf16)

    a = jnp.dot(ctx, w3c_ref[...], preferred_element_type=f32)
    a += jnp.dot(tgt, w3t_ref[...], preferred_element_type=f32)
    a = (a + b3_ref[...]).astype(bf16)

    n3 = jnp.dot(nbr_b, w3n_ref[...], preferred_element_type=f32).astype(bf16)
    h2 = jnp.maximum(n3.reshape(_R, MAXN, HIDDEN) + a[:, None, :], 0.0)
    h2 = h2.reshape(_R * MAXN, HIDDEN)
    s = jnp.dot(h2, w4_ref[...], preferred_element_type=f32)
    s2 = s.reshape(_R, MAXN) + b4_ref[...]

    out_ref[...] = jnp.where(mask2 > 0.0, s2, NEG_INF)


def _tc_score(gathered, mask2, w1c, w1n, b1, w2, b2, w3c, w3t, w3n, b3, w4, b4):
    grid = (_BP // _R,)
    nbr_rows = _R * MAXN
    return pl.pallas_call(
        _tc_body,
        grid=grid,
        in_specs=[
            pl.BlockSpec((_R, EMBED),
                         lambda i: (_BP * MAXN // _R + i, 0)),
            pl.BlockSpec((_R, EMBED),
                         lambda i: (_BP * MAXN // _R + _BP // _R + i, 0)),
            pl.BlockSpec((nbr_rows, EMBED), lambda i: (i, 0)),
            pl.BlockSpec((_R, MAXN), lambda i: (i, 0)),
            pl.BlockSpec((EMBED, HIDDEN), lambda i: (0, 0)),
            pl.BlockSpec((EMBED, HIDDEN), lambda i: (0, 0)),
            pl.BlockSpec((1, HIDDEN), lambda i: (0, 0)),
            pl.BlockSpec((HIDDEN, EMBED), lambda i: (0, 0)),
            pl.BlockSpec((1, EMBED), lambda i: (0, 0)),
            pl.BlockSpec((EMBED, HIDDEN), lambda i: (0, 0)),
            pl.BlockSpec((EMBED, HIDDEN), lambda i: (0, 0)),
            pl.BlockSpec((EMBED, HIDDEN), lambda i: (0, 0)),
            pl.BlockSpec((1, HIDDEN), lambda i: (0, 0)),
            pl.BlockSpec((HIDDEN, 1), lambda i: (0, 0)),
            pl.BlockSpec((1, 1), lambda i: (0, 0)),
        ],
        out_specs=pl.BlockSpec((_R, MAXN), lambda i: (i, 0)),
        out_shape=jax.ShapeDtypeStruct((_BP, MAXN), jnp.float32),
    )(gathered, gathered, gathered, mask2,
      w1c, w1n, b1, w2, b2, w3c, w3t, w3n, b3, w4, b4)


def kernel(current_idx, target_idx, neighbor_indices, neighbor_mask,
           table, W1, b1, W2, b2, W3, b3, W4, b4):
    bf16 = jnp.bfloat16

    w1t = W1.T.astype(bf16)
    w1c, w1n = w1t[:EMBED], w1t[EMBED:]
    w3tf = W3.T.astype(bf16)
    w3c = w3tf[:EMBED]
    w3t = w3tf[EMBED:2 * EMBED]
    w3n = w3tf[2 * EMBED:]
    w2 = W2.T.astype(bf16)
    w4 = W4.T.astype(bf16)
    b1r, b2r = b1.reshape(1, HIDDEN), b2.reshape(1, EMBED)
    b3r, b4r = b3.reshape(1, HIDDEN), b4.reshape(1, 1)

    maskf = neighbor_mask.astype(jnp.float32)

    pieces = []
    for p in range(_PIECES):
        sl = slice(p * _BP, (p + 1) * _BP)
        idx_p = jnp.concatenate(
            [neighbor_indices[sl].reshape(-1),
             current_idx[sl], target_idx[sl]], axis=0)
        gathered = _sc_gather(table, idx_p)
        pieces.append(_tc_score(
            gathered, maskf[sl],
            w1c, w1n, b1r, w2, b2r, w3c, w3t, w3n, b3r, w4, b4r))
    return jnp.concatenate(pieces, axis=0)

# --- scband reference (transcript-rebuilt; emitter-appended) ---
"""Pipeline reference for scband-graph-sagenavigator-66735201845845 (READ-ONLY COPY).

The authoritative reference and input builder live on the scoring server;
editing this copy changes nothing except your own understanding.
"""

import jax, jax.numpy as jnp
import numpy as np

NUM_NODES = 100000
EMBED = 256
HIDDEN = 512
B = 4096
MAXN = 64


def setup_inputs(seed: int = 0) -> dict:
    key = jax.random.key(seed)
    ks = jax.random.split(key, 13)

    def xavier(k, shape):
        fan_in, fan_out = shape[1], shape[0]
        limit = float(np.sqrt(6.0 / (fan_in + fan_out)))
        return jax.random.uniform(k, shape, jnp.float32, -limit, limit)

    inp = {
        "current_idx": jax.random.randint(ks[0], (B,), 0, NUM_NODES, dtype=jnp.int32),
        "target_idx": jax.random.randint(ks[1], (B,), 0, NUM_NODES, dtype=jnp.int32),
        "neighbor_indices": jax.random.randint(ks[2], (B, MAXN), 0, NUM_NODES, dtype=jnp.int32),
        "neighbor_mask": jax.random.randint(ks[3], (B, MAXN), 0, 2, dtype=jnp.int32).astype(jnp.bool_),
        # parameters
        "table": xavier(ks[4], (NUM_NODES, EMBED)),
        "W1": xavier(ks[5], (HIDDEN, 2 * EMBED)),
        "b1": jnp.zeros((HIDDEN,), jnp.float32),
        "W2": xavier(ks[6], (EMBED, HIDDEN)),
        "b2": jnp.zeros((EMBED,), jnp.float32),
        "W3": xavier(ks[7], (HIDDEN, 3 * EMBED)),
        "b3": jnp.zeros((HIDDEN,), jnp.float32),
        "W4": xavier(ks[8], (1, HIDDEN)),
        "b4": jnp.zeros((1,), jnp.float32),
    }
    return inp


def reference(current_idx, target_idx, neighbor_indices, neighbor_mask,
              table, W1, b1, W2, b2, W3, b3, W4, b4):
    # Embedding lookups (gathers)
    current_emb = jnp.take(table, current_idx, axis=0)            # [B, E]
    target_emb = jnp.take(table, target_idx, axis=0)              # [B, E]
    neighbor_emb = jnp.take(table, neighbor_indices, axis=0)      # [B, N, E]

    mask_expanded = neighbor_mask.astype(jnp.float32)[..., None]  # [B, N, 1]
    neighbor_sum = (neighbor_emb * mask_expanded).sum(axis=1)     # [B, E]
    neighbor_count = jnp.clip(mask_expanded.sum(axis=1), 1.0)     # [B, 1]
    neighbor_agg = neighbor_sum / neighbor_count                  # [B, E]

    combined_context = jnp.concatenate([current_emb, neighbor_agg], axis=-1)  # [B, 2E]
    h = jax.nn.relu(combined_context @ W1.T + b1)                 # dropout = identity (eval)
    context_emb = h @ W2.T + b2                                   # [B, E]

    context_expanded = jnp.broadcast_to(context_emb[:, None, :], (B, MAXN, EMBED))
    target_expanded = jnp.broadcast_to(target_emb[:, None, :], (B, MAXN, EMBED))
    score_input = jnp.concatenate([context_expanded, target_expanded, neighbor_emb], axis=-1)  # [B, N, 3E]

    h2 = jax.nn.relu(score_input @ W3.T + b3)
    scores = (h2 @ W4.T + b4)[..., 0]                             # [B, N]
    scores = jnp.where(neighbor_mask, scores, -jnp.inf)
    return scores

if __name__ == "__main__":
    import jax
    _d = setup_inputs()
    print(jax.jit(kernel)(*tuple(_d.values())))

</pallas_src>

<mosaic_0001>
#map = affine_map<(d0, d1) -> (0, 0)>
#map1 = affine_map<(d0, d1) -> (0)>
module attributes {stable_mosaic.version = 14 : i64} {
  func.func @gather_kernel(%arg0: i32, %arg1: i32, %arg2: memref<100000x256xf32, #tpu.memory_space<hbm>>, %arg3: memref<33792xi32, #tpu.memory_space<hbm>>, %arg4: memref<33792x256xf32, #tpu.memory_space<hbm>>, %arg5: memref<1056xi32, #tpu.memory_space<vmem>>, %arg6: memref<88x256xf32, #tpu.memory_space<vmem>>, %arg7: memref<88x256xf32, #tpu.memory_space<vmem>>, %arg8: memref<!tpu.dma_semaphore, #tpu.memory_space<semaphore_mem>>, %arg9: memref<!tpu.dma_semaphore, #tpu.memory_space<semaphore_mem>>) attributes {dimension_semantics = [#tpu.dimension_semantics<core_parallel>, #tpu.dimension_semantics<subcore_parallel>], iteration_bounds = array<i64: 2, 16>, scalar_prefetch = 0 : i64, scratch_operands = 5 : i64, tpu.core_type = #tpu.core_type<sc_vector_subcore>, window_params = [{transform_indices = #map}, {transform_indices = #map1}, {transform_indices = #map}]} {
    %mul3A = arith.constant 2 : i32
    %mul3A_0 = arith.muli %arg1, %mul3A : i32
    %add3A = arith.addi %mul3A_0, %arg0 : i32
    %mul3A_1 = arith.constant 1056 : i32
    %mul3A_2 = arith.muli %add3A, %mul3A_1 : i32
    "tpu.region"() ({
      %run_scoped3A = tpu.sem_alloc : memref<!tpu.dma_semaphore, #tpu.memory_space<semaphore_mem>>
      %dma_start3A_31 = tpu.memref_slice %arg3[%mul3A_2] : memref<33792xi32, #tpu.memory_space<hbm>> -> memref<1056xi32, #tpu.memory_space<hbm>>
      %dma_start3A_32 = tpu.memref_slice %arg3[%mul3A_2] : memref<33792xi32, #tpu.memory_space<hbm>> -> memref<1056xi32, #tpu.memory_space<hbm>>
      tpu.enqueue_dma source(%dma_start3A_32 : memref<1056xi32, #tpu.memory_space<hbm>>) target(%arg5 : memref<1056xi32, #tpu.memory_space<vmem>>) target_semaphore(%run_scoped3A : memref<!tpu.dma_semaphore, #tpu.memory_space<semaphore_mem>>)
      %dma_wait3A_33 = tpu.memref_slice %arg3[%mul3A_2] : memref<33792xi32, #tpu.memory_space<hbm>> -> memref<1056xi32, #tpu.memory_space<hbm>>
      %dma_wait3A_34 = tpu.memref_slice %arg3[%mul3A_2] : memref<33792xi32, #tpu.memory_space<hbm>> -> memref<1056xi32, #tpu.memory_space<hbm>>
      tpu.wait_dma2 semaphore(%run_scoped3A : memref<!tpu.dma_semaphore, #tpu.memory_space<semaphore_mem>>) src(%dma_wait3A_34 : memref<1056xi32, #tpu.memory_space<hbm>>) dst(%arg5 : memref<1056xi32, #tpu.memory_space<vmem>>)
      tpu.yield
    }) : () -> ()
    %dma_start3A = arith.constant 0 : i32
    %dma_start3A_3 = tpu.memref_slice %arg5[%dma_start3A] : memref<1056xi32, #tpu.memory_space<vmem>> -> memref<88xi32, #tpu.memory_space<vmem>>
    %dma_start3A_4 = arith.constant 0 : i32
    %dma_start3A_5 = arith.constant 0 : i32
    %dma_start3A_6 = tpu.memref_slice %arg2[%dma_start3A_4, %dma_start3A_5] : memref<100000x256xf32, #tpu.memory_space<hbm>> -> memref<100000x256xf32, #tpu.memory_space<hbm>>
    tpu.enqueue_indirect_dma source(%dma_start3A_6 : memref<100000x256xf32, #tpu.memory_space<hbm>>) target(%arg6 : memref<88x256xf32, #tpu.memory_space<vmem>>) offsets(%dma_start3A_3 : memref<88xi32, #tpu.memory_space<vmem>>) semaphore(%arg8 : memref<!tpu.dma_semaphore, #tpu.memory_space<semaphore_mem>>)
    %scan3A = arith.constant 0 : i32
    %scan3A_7 = arith.constant 5 : i32
    %scan3A_8 = arith.addi %scan3A, %scan3A_7 : i32
    %scan3A_9 = arith.constant 1 : i32
    scf.for %scan3A_31 = %scan3A to %scan3A_8 step %scan3A_9  : i32 {
      %mul3A_32 = arith.constant 2 : i32
      %mul3A_33 = arith.muli %scan3A_31, %mul3A_32 : i32
      %add3A_34 = arith.constant 0 : i32
      %add3A_35 = arith.addi %add3A_34, %mul3A_33 : i32
      %add3A_36 = arith.constant 1 : i32
      %add3A_37 = arith.addi %add3A_35, %add3A_36 : i32
      %mul3A_38 = arith.constant 88 : i32
      %mul3A_39 = arith.muli %add3A_37, %mul3A_38 : i32
      %dma_start3A_40 = tpu.memref_slice %arg5[%mul3A_39] : memref<1056xi32, #tpu.memory_space<vmem>> -> memref<88xi32, #tpu.memory_space<vmem>>
      %dma_start3A_41 = arith.constant 0 : i32
      %dma_start3A_42 = arith.constant 0 : i32
      %dma_start3A_43 = tpu.memref_slice %arg2[%dma_start3A_41, %dma_start3A_42] : memref<100000x256xf32, #tpu.memory_space<hbm>> -> memref<100000x256xf32, #tpu.memory_space<hbm>>
      tpu.enqueue_indirect_dma source(%dma_start3A_43 : memref<100000x256xf32, #tpu.memory_space<hbm>>) target(%arg7 : memref<88x256xf32, #tpu.memory_space<vmem>>) offsets(%dma_start3A_40 : memref<88xi32, #tpu.memory_space<vmem>>) semaphore(%arg9 : memref<!tpu.dma_semaphore, #tpu.memory_space<semaphore_mem>>)
      %dma_wait3A_44 = arith.constant 0 : i32
      %dma_wait3A_45 = arith.constant 0 : i32
      %dma_wait3A_46 = tpu.memref_slice %arg2[%dma_wait3A_44, %dma_wait3A_45] : memref<100000x256xf32, #tpu.memory_space<hbm>> -> memref<88x256xf32, #tpu.memory_space<hbm>>
      %dma_wait3A_47 = arith.constant 0 : i32
      %dma_wait3A_48 = arith.constant 0 : i32
      %dma_wait3A_49 = tpu.memref_slice %arg2[%dma_wait3A_47, %dma_wait3A_48] : memref<100000x256xf32, #tpu.memory_space<hbm>> -> memref<88x256xf32, #tpu.memory_space<hbm>>
      tpu.wait_dma2 semaphore(%arg8 : memref<!tpu.dma_semaphore, #tpu.memory_space<semaphore_mem>>) src(%dma_wait3A_49 : memref<88x256xf32, #tpu.memory_space<hbm>>) dst(%arg6 : memref<88x256xf32, #tpu.memory_space<vmem>>)
      %mul3A_50 = arith.constant 88 : i32
      %mul3A_51 = arith.muli %add3A_35, %mul3A_50 : i32
      %add3A_52 = arith.addi %mul3A_2, %mul3A_51 : i32
      "tpu.region"() ({
        %run_scoped3A = tpu.sem_alloc : memref<!tpu.dma_semaphore, #tpu.memory_space<semaphore_mem>>
        %dma_start3A_72 = arith.constant 0 : i32
        %dma_start3A_73 = tpu.memref_slice %arg4[%add3A_52, %dma_start3A_72] : memref<33792x256xf32, #tpu.memory_space<hbm>> -> memref<88x256xf32, #tpu.memory_space<hbm>>
        %dma_start3A_74 = arith.constant 0 : i32
        %dma_start3A_75 = tpu.memref_slice %arg4[%add3A_52, %dma_start3A_74] : memref<33792x256xf32, #tpu.memory_space<hbm>> -> memref<88x256xf32, #tpu.memory_space<hbm>>
        tpu.enqueue_dma source(%arg6 : memref<88x256xf32, #tpu.memory_space<vmem>>) target(%dma_start3A_75 : memref<88x256xf32, #tpu.memory_space<hbm>>) target_semaphore(%run_scoped3A : memref<!tpu.dma_semaphore, #tpu.memory_space<semaphore_mem>>)
        %dma_wait3A_76 = arith.constant 0 : i32
        %dma_wait3A_77 = tpu.memref_slice %arg4[%add3A_52, %dma_wait3A_76] : memref<33792x256xf32, #tpu.memory_space<hbm>> -> memref<88x256xf32, #tpu.memory_space<hbm>>
        %dma_wait3A_78 = arith.constant 0 : i32
        %dma_wait3A_79 = tpu.memref_slice %arg4[%add3A_52, %dma_wait3A_78] : memref<33792x256xf32, #tpu.memory_space<hbm>> -> memref<88x256xf32, #tpu.memory_space<hbm>>
        tpu.wait_dma2 semaphore(%run_scoped3A : memref<!tpu.dma_semaphore, #tpu.memory_space<semaphore_mem>>) src(%arg6 : memref<88x256xf32, #tpu.memory_space<vmem>>) dst(%dma_wait3A_79 : memref<88x256xf32, #tpu.memory_space<hbm>>)
        tpu.yield
      }) : () -> ()
      %add3A_53 = arith.constant 2 : i32
      %add3A_54 = arith.addi %add3A_35, %add3A_53 : i32
      %mul3A_55 = arith.constant 88 : i32
      %mul3A_56 = arith.muli %add3A_54, %mul3A_55 : i32
      %dma_start3A_57 = tpu.memref_slice %arg5[%mul3A_56] : memref<1056xi32, #tpu.memory_space<vmem>> -> memref<88xi32, #tpu.memory_space<vmem>>
      %dma_start3A_58 = arith.constant 0 : i32
      %dma_start3A_59 = arith.constant 0 : i32
      %dma_start3A_60 = tpu.memref_slice %arg2[%dma_start3A_58, %dma_start3A_59] : memref<100000x256xf32, #tpu.memory_space<hbm>> -> memref<100000x256xf32, #tpu.memory_space<hbm>>
      tpu.enqueue_indirect_dma source(%dma_start3A_60 : memref<100000x256xf32, #tpu.memory_space<hbm>>) target(%arg6 : memref<88x256xf32, #tpu.memory_space<vmem>>) offsets(%dma_start3A_57 : memref<88xi32, #tpu.memory_space<vmem>>) semaphore(%arg8 : memref<!tpu.dma_semaphore, #tpu.memory_space<semaphore_mem>>)
      %dma_wait3A_61 = arith.constant 0 : i32
      %dma_wait3A_62 = arith.constant 0 : i32
      %dma_wait3A_63 = tpu.memref_slice %arg2[%dma_wait3A_61, %dma_wait3A_62] : memref<100000x256xf32, #tpu.memory_space<hbm>> -> memref<88x256xf32, #tpu.memory_space<hbm>>
      %dma_wait3A_64 = arith.constant 0 : i32
      %dma_wait3A_65 = arith.constant 0 : i32
      %dma_wait3A_66 = tpu.memref_slice %arg2[%dma_wait3A_64, %dma_wait3A_65] : memref<100000x256xf32, #tpu.memory_space<hbm>> -> memref<88x256xf32, #tpu.memory_space<hbm>>
      tpu.wait_dma2 semaphore(%arg9 : memref<!tpu.dma_semaphore, #tpu.memory_space<semaphore_mem>>) src(%dma_wait3A_66 : memref<88x256xf32, #tpu.memory_space<hbm>>) dst(%arg7 : memref<88x256xf32, #tpu.memory_space<vmem>>)
      %add3A_67 = arith.constant 1 : i32
      %add3A_68 = arith.addi %add3A_35, %add3A_67 : i32
      %mul3A_69 = arith.constant 88 : i32
      %mul3A_70 = arith.muli %add3A_68, %mul3A_69 : i32
      %add3A_71 = arith.addi %mul3A_2, %mul3A_70 : i32
      "tpu.region"() ({
        %run_scoped3A = tpu.sem_alloc : memref<!tpu.dma_semaphore, #tpu.memory_space<semaphore_mem>>
        %dma_start3A_72 = arith.constant 0 : i32
        %dma_start3A_73 = tpu.memref_slice %arg4[%add3A_71, %dma_start3A_72] : memref<33792x256xf32, #tpu.memory_space<hbm>> -> memref<88x256xf32, #tpu.memory_space<hbm>>
        %dma_start3A_74 = arith.constant 0 : i32
        %dma_start3A_75 = tpu.memref_slice %arg4[%add3A_71, %dma_start3A_74] : memref<33792x256xf32, #tpu.memory_space<hbm>> -> memref<88x256xf32, #tpu.memory_space<hbm>>
        tpu.enqueue_dma source(%arg7 : memref<88x256xf32, #tpu.memory_space<vmem>>) target(%dma_start3A_75 : memref<88x256xf32, #tpu.memory_space<hbm>>) target_semaphore(%run_scoped3A : memref<!tpu.dma_semaphore, #tpu.memory_space<semaphore_mem>>)
        %dma_wait3A_76 = arith.constant 0 : i32
        %dma_wait3A_77 = tpu.memref_slice %arg4[%add3A_71, %dma_wait3A_76] : memref<33792x256xf32, #tpu.memory_space<hbm>> -> memref<88x256xf32, #tpu.memory_space<hbm>>
        %dma_wait3A_78 = arith.constant 0 : i32
        %dma_wait3A_79 = tpu.memref_slice %arg4[%add3A_71, %dma_wait3A_78] : memref<33792x256xf32, #tpu.memory_space<hbm>> -> memref<88x256xf32, #tpu.memory_space<hbm>>
        tpu.wait_dma2 semaphore(%run_scoped3A : memref<!tpu.dma_semaphore, #tpu.memory_space<semaphore_mem>>) src(%arg7 : memref<88x256xf32, #tpu.memory_space<vmem>>) dst(%dma_wait3A_79 : memref<88x256xf32, #tpu.memory_space<hbm>>)
        tpu.yield
      }) : () -> ()
    }
    %scan3A_10 = arith.constant 5 : i32
    %dma_start3A_11 = arith.constant 968 : i32
    %dma_start3A_12 = tpu.memref_slice %arg5[%dma_start3A_11] : memref<1056xi32, #tpu.memory_space<vmem>> -> memref<88xi32, #tpu.memory_space<vmem>>
    %dma_start3A_13 = arith.constant 0 : i32
    %dma_start3A_14 = arith.constant 0 : i32
    %dma_start3A_15 = tpu.memref_slice %arg2[%dma_start3A_13, %dma_start3A_14] : memref<100000x256xf32, #tpu.memory_space<hbm>> -> memref<100000x256xf32, #tpu.memory_space<hbm>>
    tpu.enqueue_indirect_dma source(%dma_start3A_15 : memref<100000x256xf32, #tpu.memory_space<hbm>>) target(%arg7 : memref<88x256xf32, #tpu.memory_space<vmem>>) offsets(%dma_start3A_12 : memref<88xi32, #tpu.memory_space<vmem>>) semaphore(%arg9 : memref<!tpu.dma_semaphore, #tpu.memory_space<semaphore_mem>>)
    %dma_wait3A = arith.constant 0 : i32
    %dma_wait3A_16 = arith.constant 0 : i32
    %dma_wait3A_17 = tpu.memref_slice %arg2[%dma_wait3A, %dma_wait3A_16] : memref<100000x256xf32, #tpu.memory_space<hbm>> -> memref<88x256xf32, #tpu.memory_space<hbm>>
    %dma_wait3A_18 = arith.constant 0 : i32
    %dma_wait3A_19 = arith.constant 0 : i32
    %dma_wait3A_20 = tpu.memref_slice %arg2[%dma_wait3A_18, %dma_wait3A_19] : memref<100000x256xf32, #tpu.memory_space<hbm>> -> memref<88x256xf32, #tpu.memory_space<hbm>>
    tpu.wait_dma2 semaphore(%arg8 : memref<!tpu.dma_semaphore, #tpu.memory_space<semaphore_mem>>) src(%dma_wait3A_20 : memref<88x256xf32, #tpu.memory_space<hbm>>) dst(%arg6 : memref<88x256xf32, #tpu.memory_space<vmem>>)
    %add3A_21 = arith.constant 880 : i32
    %add3A_22 = arith.addi %mul3A_2, %add3A_21 : i32
    "tpu.region"() ({
      %run_scoped3A = tpu.sem_alloc : memref<!tpu.dma_semaphore, #tpu.memory_space<semaphore_mem>>
      %dma_start3A_31 = arith.constant 0 : i32
      %dma_start3A_32 = tpu.memref_slice %arg4[%add3A_22, %dma_start3A_31] : memref<33792x256xf32, #tpu.memory_space<hbm>> -> memref<88x256xf32, #tpu.memory_space<hbm>>
      %dma_start3A_33 = arith.constant 0 : i32
      %dma_start3A_34 = tpu.memref_slice %arg4[%add3A_22, %dma_start3A_33] : memref<33792x256xf32, #tpu.memory_space<hbm>> -> memref<88x256xf32, #tpu.memory_space<hbm>>
      tpu.enqueue_dma source(%arg6 : memref<88x256xf32, #tpu.memory_space<vmem>>) target(%dma_start3A_34 : memref<88x256xf32, #tpu.memory_space<hbm>>) target_semaphore(%run_scoped3A : memref<!tpu.dma_semaphore, #tpu.memory_space<semaphore_mem>>)
      %dma_wait3A_35 = arith.constant 0 : i32
      %dma_wait3A_36 = tpu.memref_slice %arg4[%add3A_22, %dma_wait3A_35] : memref<33792x256xf32, #tpu.memory_space<hbm>> -> memref<88x256xf32, #tpu.memory_space<hbm>>
      %dma_wait3A_37 = arith.constant 0 : i32
      %dma_wait3A_38 = tpu.memref_slice %arg4[%add3A_22, %dma_wait3A_37] : memref<33792x256xf32, #tpu.memory_space<hbm>> -> memref<88x256xf32, #tpu.memory_space<hbm>>
      tpu.wait_dma2 semaphore(%run_scoped3A : memref<!tpu.dma_semaphore, #tpu.memory_space<semaphore_mem>>) src(%arg6 : memref<88x256xf32, #tpu.memory_space<vmem>>) dst(%dma_wait3A_38 : memref<88x256xf32, #tpu.memory_space<hbm>>)
      tpu.yield
    }) : () -> ()
    %dma_wait3A_23 = arith.constant 0 : i32
    %dma_wait3A_24 = arith.constant 0 : i32
    %dma_wait3A_25 = tpu.memref_slice %arg2[%dma_wait3A_23, %dma_wait3A_24] : memref<100000x256xf32, #tpu.memory_space<hbm>> -> memref<88x256xf32, #tpu.memory_space<hbm>>
    %dma_wait3A_26 = arith.constant 0 : i32
    %dma_wait3A_27 = arith.constant 0 : i32
    %dma_wait3A_28 = tpu.memref_slice %arg2[%dma_wait3A_26, %dma_wait3A_27] : memref<100000x256xf32, #tpu.memory_space<hbm>> -> memref<88x256xf32, #tpu.memory_space<hbm>>
    tpu.wait_dma2 semaphore(%arg9 : memref<!tpu.dma_semaphore, #tpu.memory_space<semaphore_mem>>) src(%dma_wait3A_28 : memref<88x256xf32, #tpu.memory_space<hbm>>) dst(%arg7 : memref<88x256xf32, #tpu.memory_space<vmem>>)
    %add3A_29 = arith.constant 968 : i32
    %add3A_30 = arith.addi %mul3A_2, %add3A_29 : i32
    "tpu.region"() ({
      %run_scoped3A = tpu.sem_alloc : memref<!tpu.dma_semaphore, #tpu.memory_space<semaphore_mem>>
      %dma_start3A_31 = arith.constant 0 : i32
      %dma_start3A_32 = tpu.memref_slice %arg4[%add3A_30, %dma_start3A_31] : memref<33792x256xf32, #tpu.memory_space<hbm>> -> memref<88x256xf32, #tpu.memory_space<hbm>>
      %dma_start3A_33 = arith.constant 0 : i32
      %dma_start3A_34 = tpu.memref_slice %arg4[%add3A_30, %dma_start3A_33] : memref<33792x256xf32, #tpu.memory_space<hbm>> -> memref<88x256xf32, #tpu.memory_space<hbm>>
      tpu.enqueue_dma source(%arg7 : memref<88x256xf32, #tpu.memory_space<vmem>>) target(%dma_start3A_34 : memref<88x256xf32, #tpu.memory_space<hbm>>) target_semaphore(%run_scoped3A : memref<!tpu.dma_semaphore, #tpu.memory_space<semaphore_mem>>)
      %dma_wait3A_35 = arith.constant 0 : i32
      %dma_wait3A_36 = tpu.memref_slice %arg4[%add3A_30, %dma_wait3A_35] : memref<33792x256xf32, #tpu.memory_space<hbm>> -> memref<88x256xf32, #tpu.memory_space<hbm>>
      %dma_wait3A_37 = arith.constant 0 : i32
      %dma_wait3A_38 = tpu.memref_slice %arg4[%add3A_30, %dma_wait3A_37] : memref<33792x256xf32, #tpu.memory_space<hbm>> -> memref<88x256xf32, #tpu.memory_space<hbm>>
      tpu.wait_dma2 semaphore(%run_scoped3A : memref<!tpu.dma_semaphore, #tpu.memory_space<semaphore_mem>>) src(%arg7 : memref<88x256xf32, #tpu.memory_space<vmem>>) dst(%dma_wait3A_38 : memref<88x256xf32, #tpu.memory_space<hbm>>)
      tpu.yield
    }) : () -> ()
    return
  }
}

#map = affine_map<(d0, d1) -> (0, 0)>
#map1 = affine_map<(d0, d1) -> (0)>
module attributes {stable_mosaic.version = 14 : i64} {
  func.func @gather_kernel(%arg0: i32, %arg1: i32, %arg2: memref<100000x256xf32, #tpu.memory_space<hbm>>, %arg3: memref<33792xi32, #tpu.memory_space<hbm>>, %arg4: memref<33792x256xf32, #tpu.memory_space<hbm>>, %arg5: memref<1056xi32, #tpu.memory_space<vmem>>, %arg6: memref<88x256xf32, #tpu.memory_space<vmem>>, %arg7: memref<88x256xf32, #tpu.memory_space<vmem>>, %arg8: memref<!tpu.dma_semaphore, #tpu.memory_space<semaphore_mem>>, %arg9: memref<!tpu.dma_semaphore, #tpu.memory_space<semaphore_mem>>) attributes {dimension_semantics = [#tpu.dimension_semantics<core_parallel>, #tpu.dimension_semantics<subcore_parallel>], iteration_bounds = array<i64: 2, 16>, scalar_prefetch = 0 : i64, scratch_operands = 5 : i64, tpu.core_type = #tpu.core_type<sc_vector_subcore>, window_params = [{transform_indices = #map}, {transform_indices = #map1}, {transform_indices = #map}]} {
    %mul3A = arith.constant 2 : i32
    %mul3A_0 = arith.muli %arg1, %mul3A : i32
    %add3A = arith.addi %mul3A_0, %arg0 : i32
    %mul3A_1 = arith.constant 1056 : i32
    %mul3A_2 = arith.muli %add3A, %mul3A_1 : i32
    "tpu.region"() ({
      %run_scoped3A = tpu.sem_alloc : memref<!tpu.dma_semaphore, #tpu.memory_space<semaphore_mem>>
      %dma_start3A_31 = tpu.memref_slice %arg3[%mul3A_2] : memref<33792xi32, #tpu.memory_space<hbm>> -> memref<1056xi32, #tpu.memory_space<hbm>>
      %dma_start3A_32 = tpu.memref_slice %arg3[%mul3A_2] : memref<33792xi32, #tpu.memory_space<hbm>> -> memref<1056xi32, #tpu.memory_space<hbm>>
      tpu.enqueue_dma source(%dma_start3A_32 : memref<1056xi32, #tpu.memory_space<hbm>>) target(%arg5 : memref<1056xi32, #tpu.memory_space<vmem>>) target_semaphore(%run_scoped3A : memref<!tpu.dma_semaphore, #tpu.memory_space<semaphore_mem>>)
      %dma_wait3A_33 = tpu.memref_slice %arg3[%mul3A_2] : memref<33792xi32, #tpu.memory_space<hbm>> -> memref<1056xi32, #tpu.memory_space<hbm>>
      %dma_wait3A_34 = tpu.memref_slice %arg3[%mul3A_2] : memref<33792xi32, #tpu.memory_space<hbm>> -> memref<1056xi32, #tpu.memory_space<hbm>>
      tpu.wait_dma2 semaphore(%run_scoped3A : memref<!tpu.dma_semaphore, #tpu.memory_space<semaphore_mem>>) src(%dma_wait3A_34 : memref<1056xi32, #tpu.memory_space<hbm>>) dst(%arg5 : memref<1056xi32, #tpu.memory_space<vmem>>)
      tpu.yield
    }) : () -> ()
    %dma_start3A = arith.constant 0 : i32
    %dma_start3A_3 = tpu.memref_slice %arg5[%dma_start3A] : memref<1056xi32, #tpu.memory_space<vmem>> -> memref<88xi32, #tpu.memory_space<vmem>>
    %dma_start3A_4 = arith.constant 0 : i32
    %dma_start3A_5 = arith.constant 0 : i32
    %dma_start3A_6 = tpu.memref_slice %arg2[%dma_start3A_4, %dma_start3A_5] : memref<100000x256xf32, #tpu.memory_space<hbm>> -> memref<100000x256xf32, #tpu.memory_space<hbm>>
    tpu.enqueue_indirect_dma source(%dma_start3A_6 : memref<100000x256xf32, #tpu.memory_space<hbm>>) target(%arg6 : memref<88x256xf32, #tpu.memory_space<vmem>>) offsets(%dma_start3A_3 : memref<88xi32, #tpu.memory_space<vmem>>) semaphore(%arg8 : memref<!tpu.dma_semaphore, #tpu.memory_space<semaphore_mem>>)
    %scan3A = arith.constant 0 : i32
    %scan3A_7 = arith.constant 5 : i32
    %scan3A_8 = arith.addi %scan3A, %scan3A_7 : i32
    %scan3A_9 = arith.constant 1 : i32
    scf.for %scan3A_31 = %scan3A to %scan3A_8 step %scan3A_9  : i32 {
      %mul3A_32 = arith.constant 2 : i32
      %mul3A_33 = arith.muli %scan3A_31, %mul3A_32 : i32
      %add3A_34 = arith.constant 0 : i32
      %add3A_35 = arith.addi %add3A_34, %mul3A_33 : i32
      %add3A_36 = arith.constant 1 : i32
      %add3A_37 = arith.addi %add3A_35, %add3A_36 : i32
      %mul3A_38 = arith.constant 88 : i32
      %mul3A_39 = arith.muli %add3A_37, %mul3A_38 : i32
      %dma_start3A_40 = tpu.memref_slice %arg5[%mul3A_39] : memref<1056xi32, #tpu.memory_space<vmem>> -> memref<88xi32, #tpu.memory_space<vmem>>
      %dma_start3A_41 = arith.constant 0 : i32
      %dma_start3A_42 = arith.constant 0 : i32
      %dma_start3A_43 = tpu.memref_slice %arg2[%dma_start3A_41, %dma_start3A_42] : memref<100000x256xf32, #tpu.memory_space<hbm>> -> memref<100000x256xf32, #tpu.memory_space<hbm>>
      tpu.enqueue_indirect_dma source(%dma_start3A_43 : memref<100000x256xf32, #tpu.memory_space<hbm>>) target(%arg7 : memref<88x256xf32, #tpu.memory_space<vmem>>) offsets(%dma_start3A_40 : memref<88xi32, #tpu.memory_space<vmem>>) semaphore(%arg9 : memref<!tpu.dma_semaphore, #tpu.memory_space<semaphore_mem>>)
      %dma_wait3A_44 = arith.constant 0 : i32
      %dma_wait3A_45 = arith.constant 0 : i32
      %dma_wait3A_46 = tpu.memref_slice %arg2[%dma_wait3A_44, %dma_wait3A_45] : memref<100000x256xf32, #tpu.memory_space<hbm>> -> memref<88x256xf32, #tpu.memory_space<hbm>>
      %dma_wait3A_47 = arith.constant 0 : i32
      %dma_wait3A_48 = arith.constant 0 : i32
      %dma_wait3A_49 = tpu.memref_slice %arg2[%dma_wait3A_47, %dma_wait3A_48] : memref<100000x256xf32, #tpu.memory_space<hbm>> -> memref<88x256xf32, #tpu.memory_space<hbm>>
      tpu.wait_dma2 semaphore(%arg8 : memref<!tpu.dma_semaphore, #tpu.memory_space<semaphore_mem>>) src(%dma_wait3A_49 : memref<88x256xf32, #tpu.memory_space<hbm>>) dst(%arg6 : memref<88x256xf32, #tpu.memory_space<vmem>>)
      %mul3A_50 = arith.constant 88 : i32
      %mul3A_51 = arith.muli %add3A_35, %mul3A_50 : i32
      %add3A_52 = arith.addi %mul3A_2, %mul3A_51 : i32
      "tpu.region"() ({
        %run_scoped3A = tpu.sem_alloc : memref<!tpu.dma_semaphore, #tpu.memory_space<semaphore_mem>>
        %dma_start3A_72 = arith.constant 0 : i32
        %dma_start3A_73 = tpu.memref_slice %arg4[%add3A_52, %dma_start3A_72] : memref<33792x256xf32, #tpu.memory_space<hbm>> -> memref<88x256xf32, #tpu.memory_space<hbm>>
        %dma_start3A_74 = arith.constant 0 : i32
        %dma_start3A_75 = tpu.memref_slice %arg4[%add3A_52, %dma_start3A_74] : memref<33792x256xf32, #tpu.memory_space<hbm>> -> memref<88x256xf32, #tpu.memory_space<hbm>>
        tpu.enqueue_dma source(%arg6 : memref<88x256xf32, #tpu.memory_space<vmem>>) target(%dma_start3A_75 : memref<88x256xf32, #tpu.memory_space<hbm>>) target_semaphore(%run_scoped3A : memref<!tpu.dma_semaphore, #tpu.memory_space<semaphore_mem>>)
        %dma_wait3A_76 = arith.constant 0 : i32
        %dma_wait3A_77 = tpu.memref_slice %arg4[%add3A_52, %dma_wait3A_76] : memref<33792x256xf32, #tpu.memory_space<hbm>> -> memref<88x256xf32, #tpu.memory_space<hbm>>
        %dma_wait3A_78 = arith.constant 0 : i32
        %dma_wait3A_79 = tpu.memref_slice %arg4[%add3A_52, %dma_wait3A_78] : memref<33792x256xf32, #tpu.memory_space<hbm>> -> memref<88x256xf32, #tpu.memory_space<hbm>>
        tpu.wait_dma2 semaphore(%run_scoped3A : memref<!tpu.dma_semaphore, #tpu.memory_space<semaphore_mem>>) src(%arg6 : memref<88x256xf32, #tpu.memory_space<vmem>>) dst(%dma_wait3A_79 : memref<88x256xf32, #tpu.memory_space<hbm>>)
        tpu.yield
      }) : () -> ()
      %add3A_53 = arith.constant 2 : i32
      %add3A_54 = arith.addi %add3A_35, %add3A_53 : i32
      %mul3A_55 = arith.constant 88 : i32
      %mul3A_56 = arith.muli %add3A_54, %mul3A_55 : i32
      %dma_start3A_57 = tpu.memref_slice %arg5[%mul3A_56] : memref<1056xi32, #tpu.memory_space<vmem>> -> memref<88xi32, #tpu.memory_space<vmem>>
      %dma_start3A_58 = arith.constant 0 : i32
      %dma_start3A_59 = arith.constant 0 : i32
      %dma_start3A_60 = tpu.memref_slice %arg2[%dma_start3A_58, %dma_start3A_59] : memref<100000x256xf32, #tpu.memory_space<hbm>> -> memref<100000x256xf32, #tpu.memory_space<hbm>>
      tpu.enqueue_indirect_dma source(%dma_start3A_60 : memref<100000x256xf32, #tpu.memory_space<hbm>>) target(%arg6 : memref<88x256xf32, #tpu.memory_space<vmem>>) offsets(%dma_start3A_57 : memref<88xi32, #tpu.memory_space<vmem>>) semaphore(%arg8 : memref<!tpu.dma_semaphore, #tpu.memory_space<semaphore_mem>>)
      %dma_wait3A_61 = arith.constant 0 : i32
      %dma_wait3A_62 = arith.constant 0 : i32
      %dma_wait3A_63 = tpu.memref_slice %arg2[%dma_wait3A_61, %dma_wait3A_62] : memref<100000x256xf32, #tpu.memory_space<hbm>> -> memref<88x256xf32, #tpu.memory_space<hbm>>
      %dma_wait3A_64 = arith.constant 0 : i32
      %dma_wait3A_65 = arith.constant 0 : i32
      %dma_wait3A_66 = tpu.memref_slice %arg2[%dma_wait3A_64, %dma_wait3A_65] : memref<100000x256xf32, #tpu.memory_space<hbm>> -> memref<88x256xf32, #tpu.memory_space<hbm>>
      tpu.wait_dma2 semaphore(%arg9 : memref<!tpu.dma_semaphore, #tpu.memory_space<semaphore_mem>>) src(%dma_wait3A_66 : memref<88x256xf32, #tpu.memory_space<hbm>>) dst(%arg7 : memref<88x256xf32, #tpu.memory_space<vmem>>)
      %add3A_67 = arith.constant 1 : i32
      %add3A_68 = arith.addi %add3A_35, %add3A_67 : i32
      %mul3A_69 = arith.constant 88 : i32
      %mul3A_70 = arith.muli %add3A_68, %mul3A_69 : i32
      %add3A_71 = arith.addi %mul3A_2, %mul3A_70 : i32
      "tpu.region"() ({
        %run_scoped3A = tpu.sem_alloc : memref<!tpu.dma_semaphore, #tpu.memory_space<semaphore_mem>>
        %dma_start3A_72 = arith.constant 0 : i32
        %dma_start3A_73 = tpu.memref_slice %arg4[%add3A_71, %dma_start3A_72] : memref<33792x256xf32, #tpu.memory_space<hbm>> -> memref<88x256xf32, #tpu.memory_space<hbm>>
        %dma_start3A_74 = arith.constant 0 : i32
        %dma_start3A_75 = tpu.memref_slice %arg4[%add3A_71, %dma_start3A_74] : memref<33792x256xf32, #tpu.memory_space<hbm>> -> memref<88x256xf32, #tpu.memory_space<hbm>>
        tpu.enqueue_dma source(%arg7 : memref<88x256xf32, #tpu.memory_space<vmem>>) target(%dma_start3A_75 : memref<88x256xf32, #tpu.memory_space<hbm>>) target_semaphore(%run_scoped3A : memref<!tpu.dma_semaphore, #tpu.memory_space<semaphore_mem>>)
        %dma_wait3A_76 = arith.constant 0 : i32
        %dma_wait3A_77 = tpu.memref_slice %arg4[%add3A_71, %dma_wait3A_76] : memref<33792x256xf32, #tpu.memory_space<hbm>> -> memref<88x256xf32, #tpu.memory_space<hbm>>
        %dma_wait3A_78 = arith.constant 0 : i32
        %dma_wait3A_79 = tpu.memref_slice %arg4[%add3A_71, %dma_wait3A_78] : memref<33792x256xf32, #tpu.memory_space<hbm>> -> memref<88x256xf32, #tpu.memory_space<hbm>>
        tpu.wait_dma2 semaphore(%run_scoped3A : memref<!tpu.dma_semaphore, #tpu.memory_space<semaphore_mem>>) src(%arg7 : memref<88x256xf32, #tpu.memory_space<vmem>>) dst(%dma_wait3A_79 : memref<88x256xf32, #tpu.memory_space<hbm>>)
        tpu.yield
      }) : () -> ()
    }
    %scan3A_10 = arith.constant 5 : i32
    %dma_start3A_11 = arith.constant 968 : i32
    %dma_start3A_12 = tpu.memref_slice %arg5[%dma_start3A_11] : memref<1056xi32, #tpu.memory_space<vmem>> -> memref<88xi32, #tpu.memory_space<vmem>>
    %dma_start3A_13 = arith.constant 0 : i32
    %dma_start3A_14 = arith.constant 0 : i32
    %dma_start3A_15 = tpu.memref_slice %arg2[%dma_start3A_13, %dma_start3A_14] : memref<100000x256xf32, #tpu.memory_space<hbm>> -> memref<100000x256xf32, #tpu.memory_space<hbm>>
    tpu.enqueue_indirect_dma source(%dma_start3A_15 : memref<100000x256xf32, #tpu.memory_space<hbm>>) target(%arg7 : memref<88x256xf32, #tpu.memory_space<vmem>>) offsets(%dma_start3A_12 : memref<88xi32, #tpu.memory_space<vmem>>) semaphore(%arg9 : memref<!tpu.dma_semaphore, #tpu.memory_space<semaphore_mem>>)
    %dma_wait3A = arith.constant 0 : i32
    %dma_wait3A_16 = arith.constant 0 : i32
    %dma_wait3A_17 = tpu.memref_slice %arg2[%dma_wait3A, %dma_wait3A_16] : memref<100000x256xf32, #tpu.memory_space<hbm>> -> memref<88x256xf32, #tpu.memory_space<hbm>>
    %dma_wait3A_18 = arith.constant 0 : i32
    %dma_wait3A_19 = arith.constant 0 : i32
    %dma_wait3A_20 = tpu.memref_slice %arg2[%dma_wait3A_18, %dma_wait3A_19] : memref<100000x256xf32, #tpu.memory_space<hbm>> -> memref<88x256xf32, #tpu.memory_space<hbm>>
    tpu.wait_dma2 semaphore(%arg8 : memref<!tpu.dma_semaphore, #tpu.memory_space<semaphore_mem>>) src(%dma_wait3A_20 : memref<88x256xf32, #tpu.memory_space<hbm>>) dst(%arg6 : memref<88x256xf32, #tpu.memory_space<vmem>>)
    %add3A_21 = arith.constant 880 : i32
    %add3A_22 = arith.addi %mul3A_2, %add3A_21 : i32
    "tpu.region"() ({
      %run_scoped3A = tpu.sem_alloc : memref<!tpu.dma_semaphore, #tpu.memory_space<semaphore_mem>>
      %dma_start3A_31 = arith.constant 0 : i32
      %dma_start3A_32 = tpu.memref_slice %arg4[%add3A_22, %dma_start3A_31] : memref<33792x256xf32, #tpu.memory_space<hbm>> -> memref<88x256xf32, #tpu.memory_space<hbm>>
      %dma_start3A_33 = arith.constant 0 : i32
      %dma_start3A_34 = tpu.memref_slice %arg4[%add3A_22, %dma_start3A_33] : memref<33792x256xf32, #tpu.memory_space<hbm>> -> memref<88x256xf32, #tpu.memory_space<hbm>>
      tpu.enqueue_dma source(%arg6 : memref<88x256xf32, #tpu.memory_space<vmem>>) target(%dma_start3A_34 : memref<88x256xf32, #tpu.memory_space<hbm>>) target_semaphore(%run_scoped3A : memref<!tpu.dma_semaphore, #tpu.memory_space<semaphore_mem>>)
      %dma_wait3A_35 = arith.constant 0 : i32
      %dma_wait3A_36 = tpu.memref_slice %arg4[%add3A_22, %dma_wait3A_35] : memref<33792x256xf32, #tpu.memory_space<hbm>> -> memref<88x256xf32, #tpu.memory_space<hbm>>
      %dma_wait3A_37 = arith.constant 0 : i32
      %dma_wait3A_38 = tpu.memref_slice %arg4[%add3A_22, %dma_wait3A_37] : memref<33792x256xf32, #tpu.memory_space<hbm>> -> memref<88x256xf32, #tpu.memory_space<hbm>>
      tpu.wait_dma2 semaphore(%run_scoped3A : memref<!tpu.dma_semaphore, #tpu.memory_space<semaphore_mem>>) src(%arg6 : memref<88x256xf32, #tpu.memory_space<vmem>>) dst(%dma_wait3A_38 : memref<88x256xf32, #tpu.memory_space<hbm>>)
      tpu.yield
    }) : () -> ()
    %dma_wait3A_23 = arith.constant 0 : i32
    %dma_wait3A_24 = arith.constant 0 : i32
    %dma_wait3A_25 = tpu.memref_slice %arg2[%dma_wait3A_23, %dma_wait3A_24] : memref<100000x256xf32, #tpu.memory_space<hbm>> -> memref<88x256xf32, #tpu.memory_space<hbm>>
    %dma_wait3A_26 = arith.constant 0 : i32
    %dma_wait3A_27 = arith.constant 0 : i32
    %dma_wait3A_28 = tpu.memref_slice %arg2[%dma_wait3A_26, %dma_wait3A_27] : memref<100000x256xf32, #tpu.memory_space<hbm>> -> memref<88x256xf32, #tpu.memory_space<hbm>>
    tpu.wait_dma2 semaphore(%arg9 : memref<!tpu.dma_semaphore, #tpu.memory_space<semaphore_mem>>) src(%dma_wait3A_28 : memref<88x256xf32, #tpu.memory_space<hbm>>) dst(%arg7 : memref<88x256xf32, #tpu.memory_space<vmem>>)
    %add3A_29 = arith.constant 968 : i32
    %add3A_30 = arith.addi %mul3A_2, %add3A_29 : i32
    "tpu.region"() ({
      %run_scoped3A = tpu.sem_alloc : memref<!tpu.dma_semaphore, #tpu.memory_space<semaphore_mem>>
      %dma_start3A_31 = arith.constant 0 : i32
      %dma_start3A_32 = tpu.memref_slice %arg4[%add3A_30, %dma_start3A_31] : memref<33792x256xf32, #tpu.memory_space<hbm>> -> memref<88x256xf32, #tpu.memory_space<hbm>>
      %dma_start3A_33 = arith.constant 0 : i32
      %dma_start3A_34 = tpu.memref_slice %arg4[%add3A_30, %dma_start3A_33] : memref<33792x256xf32, #tpu.memory_space<hbm>> -> memref<88x256xf32, #tpu.memory_space<hbm>>
      tpu.enqueue_dma source(%arg7 : memref<88x256xf32, #tpu.memory_space<vmem>>) target(%dma_start3A_34 : memref<88x256xf32, #tpu.memory_space<hbm>>) target_semaphore(%run_scoped3A : memref<!tpu.dma_semaphore, #tpu.memory_space<semaphore_mem>>)
      %dma_wait3A_35 = arith.constant 0 : i32
      %dma_wait3A_36 = tpu.memref_slice %arg4[%add3A_30, %dma_wait3A_35] : memref<33792x256xf32, #tpu.memory_space<hbm>> -> memref<88x256xf32, #tpu.memory_space<hbm>>
      %dma_wait3A_37 = arith.constant 0 : i32
      %dma_wait3A_38 = tpu.memref_slice %arg4[%add3A_30, %dma_wait3A_37] : memref<33792x256xf32, #tpu.memory_space<hbm>> -> memref<88x256xf32, #tpu.memory_space<hbm>>
      tpu.wait_dma2 semaphore(%run_scoped3A : memref<!tpu.dma_semaphore, #tpu.memory_space<semaphore_mem>>) src(%arg7 : memref<88x256xf32, #tpu.memory_space<vmem>>) dst(%dma_wait3A_38 : memref<88x256xf32, #tpu.memory_space<hbm>>)
      tpu.yield
    }) : () -> ()
    return
  }
}

#map = affine_map<(d0, d1) -> (0, 0)>
#map1 = affine_map<(d0, d1) -> (0)>
module attributes {stable_mosaic.version = 14 : i64} {
  func.func @gather_kernel(%arg0: i32, %arg1: i32, %arg2: memref<100000x256xf32, #tpu.memory_space<hbm>>, %arg3: memref<33792xi32, #tpu.memory_space<hbm>>, %arg4: memref<33792x256xf32, #tpu.memory_space<hbm>>, %arg5: memref<1056xi32, #tpu.memory_space<vmem>>, %arg6: memref<88x256xf32, #tpu.memory_space<vmem>>, %arg7: memref<88x256xf32, #tpu.memory_space<vmem>>, %arg8: memref<!tpu.dma_semaphore, #tpu.memory_space<semaphore_mem>>, %arg9: memref<!tpu.dma_semaphore, #tpu.memory_space<semaphore_mem>>) attributes {dimension_semantics = [#tpu.dimension_semantics<core_parallel>, #tpu.dimension_semantics<subcore_parallel>], iteration_bounds = array<i64: 2, 16>, scalar_prefetch = 0 : i64, scratch_operands = 5 : i64, tpu.core_type = #tpu.core_type<sc_vector_subcore>, window_params = [{transform_indices = #map}, {transform_indices = #map1}, {transform_indices = #map}]} {
    %mul3A = arith.constant 2 : i32
    %mul3A_0 = arith.muli %arg1, %mul3A : i32
    %add3A = arith.addi %mul3A_0, %arg0 : i32
    %mul3A_1 = arith.constant 1056 : i32
    %mul3A_2 = arith.muli %add3A, %mul3A_1 : i32
    "tpu.region"() ({
      %run_scoped3A = tpu.sem_alloc : memref<!tpu.dma_semaphore, #tpu.memory_space<semaphore_mem>>
      %dma_start3A_31 = tpu.memref_slice %arg3[%mul3A_2] : memref<33792xi32, #tpu.memory_space<hbm>> -> memref<1056xi32, #tpu.memory_space<hbm>>
      %dma_start3A_32 = tpu.memref_slice %arg3[%mul3A_2] : memref<33792xi32, #tpu.memory_space<hbm>> -> memref<1056xi32, #tpu.memory_space<hbm>>
      tpu.enqueue_dma source(%dma_start3A_32 : memref<1056xi32, #tpu.memory_space<hbm>>) target(%arg5 : memref<1056xi32, #tpu.memory_space<vmem>>) target_semaphore(%run_scoped3A : memref<!tpu.dma_semaphore, #tpu.memory_space<semaphore_mem>>)
      %dma_wait3A_33 = tpu.memref_slice %arg3[%mul3A_2] : memref<33792xi32, #tpu.memory_space<hbm>> -> memref<1056xi32, #tpu.memory_space<hbm>>
      %dma_wait3A_34 = tpu.memref_slice %arg3[%mul3A_2] : memref<33792xi32, #tpu.memory_space<hbm>> -> memref<1056xi32, #tpu.memory_space<hbm>>
      tpu.wait_dma2 semaphore(%run_scoped3A : memref<!tpu.dma_semaphore, #tpu.memory_space<semaphore_mem>>) src(%dma_wait3A_34 : memref<1056xi32, #tpu.memory_space<hbm>>) dst(%arg5 : memref<1056xi32, #tpu.memory_space<vmem>>)
      tpu.yield
    }) : () -> ()
    %dma_start3A = arith.constant 0 : i32
    %dma_start3A_3 = tpu.memref_slice %arg5[%dma_start3A] : memref<1056xi32, #tpu.memory_space<vmem>> -> memref<88xi32, #tpu.memory_space<vmem>>
    %dma_start3A_4 = arith.constant 0 : i32
    %dma_start3A_5 = arith.constant 0 : i32
    %dma_start3A_6 = tpu.memref_slice %arg2[%dma_start3A_4, %dma_start3A_5] : memref<100000x256xf32, #tpu.memory_space<hbm>> -> memref<100000x256xf32, #tpu.memory_space<hbm>>
    tpu.enqueue_indirect_dma source(%dma_start3A_6 : memref<100000x256xf32, #tpu.memory_space<hbm>>) target(%arg6 : memref<88x256xf32, #tpu.memory_space<vmem>>) offsets(%dma_start3A_3 : memref<88xi32, #tpu.memory_space<vmem>>) semaphore(%arg8 : memref<!tpu.dma_semaphore, #tpu.memory_space<semaphore_mem>>)
    %scan3A = arith.constant 0 : i32
    %scan3A_7 = arith.constant 5 : i32
    %scan3A_8 = arith.addi %scan3A, %scan3A_7 : i32
    %scan3A_9 = arith.constant 1 : i32
    scf.for %scan3A_31 = %scan3A to %scan3A_8 step %scan3A_9  : i32 {
      %mul3A_32 = arith.constant 2 : i32
      %mul3A_33 = arith.muli %scan3A_31, %mul3A_32 : i32
      %add3A_34 = arith.constant 0 : i32
      %add3A_35 = arith.addi %add3A_34, %mul3A_33 : i32
      %add3A_36 = arith.constant 1 : i32
      %add3A_37 = arith.addi %add3A_35, %add3A_36 : i32
      %mul3A_38 = arith.constant 88 : i32
      %mul3A_39 = arith.muli %add3A_37, %mul3A_38 : i32
      %dma_start3A_40 = tpu.memref_slice %arg5[%mul3A_39] : memref<1056xi32, #tpu.memory_space<vmem>> -> memref<88xi32, #tpu.memory_space<vmem>>
      %dma_start3A_41 = arith.constant 0 : i32
      %dma_start3A_42 = arith.constant 0 : i32
      %dma_start3A_43 = tpu.memref_slice %arg2[%dma_start3A_41, %dma_start3A_42] : memref<100000x256xf32, #tpu.memory_space<hbm>> -> memref<100000x256xf32, #tpu.memory_space<hbm>>
      tpu.enqueue_indirect_dma source(%dma_start3A_43 : memref<100000x256xf32, #tpu.memory_space<hbm>>) target(%arg7 : memref<88x256xf32, #tpu.memory_space<vmem>>) offsets(%dma_start3A_40 : memref<88xi32, #tpu.memory_space<vmem>>) semaphore(%arg9 : memref<!tpu.dma_semaphore, #tpu.memory_space<semaphore_mem>>)
      %dma_wait3A_44 = arith.constant 0 : i32
      %dma_wait3A_45 = arith.constant 0 : i32
      %dma_wait3A_46 = tpu.memref_slice %arg2[%dma_wait3A_44, %dma_wait3A_45] : memref<100000x256xf32, #tpu.memory_space<hbm>> -> memref<88x256xf32, #tpu.memory_space<hbm>>
      %dma_wait3A_47 = arith.constant 0 : i32
      %dma_wait3A_48 = arith.constant 0 : i32
      %dma_wait3A_49 = tpu.memref_slice %arg2[%dma_wait3A_47, %dma_wait3A_48] : memref<100000x256xf32, #tpu.memory_space<hbm>> -> memref<88x256xf32, #tpu.memory_space<hbm>>
      tpu.wait_dma2 semaphore(%arg8 : memref<!tpu.dma_semaphore, #tpu.memory_space<semaphore_mem>>) src(%dma_wait3A_49 : memref<88x256xf32, #tpu.memory_space<hbm>>) dst(%arg6 : memref<88x256xf32, #tpu.memory_space<vmem>>)
      %mul3A_50 = arith.constant 88 : i32
      %mul3A_51 = arith.muli %add3A_35, %mul3A_50 : i32
      %add3A_52 = arith.addi %mul3A_2, %mul3A_51 : i32
      "tpu.region"() ({
        %run_scoped3A = tpu.sem_alloc : memref<!tpu.dma_semaphore, #tpu.memory_space<semaphore_mem>>
        %dma_start3A_72 = arith.constant 0 : i32
        %dma_start3A_73 = tpu.memref_slice %arg4[%add3A_52, %dma_start3A_72] : memref<33792x256xf32, #tpu.memory_space<hbm>> -> memref<88x256xf32, #tpu.memory_space<hbm>>
        %dma_start3A_74 = arith.constant 0 : i32
        %dma_start3A_75 = tpu.memref_slice %arg4[%add3A_52, %dma_start3A_74] : memref<33792x256xf32, #tpu.memory_space<hbm>> -> memref<88x256xf32, #tpu.memory_space<hbm>>
        tpu.enqueue_dma source(%arg6 : memref<88x256xf32, #tpu.memory_space<vmem>>) target(%dma_start3A_75 : memref<88x256xf32, #tpu.memory_space<hbm>>) target_semaphore(%run_scoped3A : memref<!tpu.dma_semaphore, #tpu.memory_space<semaphore_mem>>)
        %dma_wait3A_76 = arith.constant 0 : i32
        %dma_wait3A_77 = tpu.memref_slice %arg4[%add3A_52, %dma_wait3A_76] : memref<33792x256xf32, #tpu.memory_space<hbm>> -> memref<88x256xf32, #tpu.memory_space<hbm>>
        %dma_wait3A_78 = arith.constant 0 : i32
        %dma_wait3A_79 = tpu.memref_slice %arg4[%add3A_52, %dma_wait3A_78] : memref<33792x256xf32, #tpu.memory_space<hbm>> -> memref<88x256xf32, #tpu.memory_space<hbm>>
        tpu.wait_dma2 semaphore(%run_scoped3A : memref<!tpu.dma_semaphore, #tpu.memory_space<semaphore_mem>>) src(%arg6 : memref<88x256xf32, #tpu.memory_space<vmem>>) dst(%dma_wait3A_79 : memref<88x256xf32, #tpu.memory_space<hbm>>)
        tpu.yield
      }) : () -> ()
      %add3A_53 = arith.constant 2 : i32
      %add3A_54 = arith.addi %add3A_35, %add3A_53 : i32
      %mul3A_55 = arith.constant 88 : i32
      %mul3A_56 = arith.muli %add3A_54, %mul3A_55 : i32
      %dma_start3A_57 = tpu.memref_slice %arg5[%mul3A_56] : memref<1056xi32, #tpu.memory_space<vmem>> -> memref<88xi32, #tpu.memory_space<vmem>>
      %dma_start3A_58 = arith.constant 0 : i32
      %dma_start3A_59 = arith.constant 0 : i32
      %dma_start3A_60 = tpu.memref_slice %arg2[%dma_start3A_58, %dma_start3A_59] : memref<100000x256xf32, #tpu.memory_space<hbm>> -> memref<100000x256xf32, #tpu.memory_space<hbm>>
      tpu.enqueue_indirect_dma source(%dma_start3A_60 : memref<100000x256xf32, #tpu.memory_space<hbm>>) target(%arg6 : memref<88x256xf32, #tpu.memory_space<vmem>>) offsets(%dma_start3A_57 : memref<88xi32, #tpu.memory_space<vmem>>) semaphore(%arg8 : memref<!tpu.dma_semaphore, #tpu.memory_space<semaphore_mem>>)
      %dma_wait3A_61 = arith.constant 0 : i32
      %dma_wait3A_62 = arith.constant 0 : i32
      %dma_wait3A_63 = tpu.memref_slice %arg2[%dma_wait3A_61, %dma_wait3A_62] : memref<100000x256xf32, #tpu.memory_space<hbm>> -> memref<88x256xf32, #tpu.memory_space<hbm>>
      %dma_wait3A_64 = arith.constant 0 : i32
      %dma_wait3A_65 = arith.constant 0 : i32
      %dma_wait3A_66 = tpu.memref_slice %arg2[%dma_wait3A_64, %dma_wait3A_65] : memref<100000x256xf32, #tpu.memory_space<hbm>> -> memref<88x256xf32, #tpu.memory_space<hbm>>
      tpu.wait_dma2 semaphore(%arg9 : memref<!tpu.dma_semaphore, #tpu.memory_space<semaphore_mem>>) src(%dma_wait3A_66 : memref<88x256xf32, #tpu.memory_space<hbm>>) dst(%arg7 : memref<88x256xf32, #tpu.memory_space<vmem>>)
      %add3A_67 = arith.constant 1 : i32
      %add3A_68 = arith.addi %add3A_35, %add3A_67 : i32
      %mul3A_69 = arith.constant 88 : i32
      %mul3A_70 = arith.muli %add3A_68, %mul3A_69 : i32
      %add3A_71 = arith.addi %mul3A_2, %mul3A_70 : i32
      "tpu.region"() ({
        %run_scoped3A = tpu.sem_alloc : memref<!tpu.dma_semaphore, #tpu.memory_space<semaphore_mem>>
        %dma_start3A_72 = arith.constant 0 : i32
        %dma_start3A_73 = tpu.memref_slice %arg4[%add3A_71, %dma_start3A_72] : memref<33792x256xf32, #tpu.memory_space<hbm>> -> memref<88x256xf32, #tpu.memory_space<hbm>>
        %dma_start3A_74 = arith.constant 0 : i32
        %dma_start3A_75 = tpu.memref_slice %arg4[%add3A_71, %dma_start3A_74] : memref<33792x256xf32, #tpu.memory_space<hbm>> -> memref<88x256xf32, #tpu.memory_space<hbm>>
        tpu.enqueue_dma source(%arg7 : memref<88x256xf32, #tpu.memory_space<vmem>>) target(%dma_start3A_75 : memref<88x256xf32, #tpu.memory_space<hbm>>) target_semaphore(%run_scoped3A : memref<!tpu.dma_semaphore, #tpu.memory_space<semaphore_mem>>)
        %dma_wait3A_76 = arith.constant 0 : i32
        %dma_wait3A_77 = tpu.memref_slice %arg4[%add3A_71, %dma_wait3A_76] : memref<33792x256xf32, #tpu.memory_space<hbm>> -> memref<88x256xf32, #tpu.memory_space<hbm>>
        %dma_wait3A_78 = arith.constant 0 : i32
        %dma_wait3A_79 = tpu.memref_slice %arg4[%add3A_71, %dma_wait3A_78] : memref<33792x256xf32, #tpu.memory_space<hbm>> -> memref<88x256xf32, #tpu.memory_space<hbm>>
        tpu.wait_dma2 semaphore(%run_scoped3A : memref<!tpu.dma_semaphore, #tpu.memory_space<semaphore_mem>>) src(%arg7 : memref<88x256xf32, #tpu.memory_space<vmem>>) dst(%dma_wait3A_79 : memref<88x256xf32, #tpu.memory_space<hbm>>)
        tpu.yield
      }) : () -> ()
    }
    %scan3A_10 = arith.constant 5 : i32
    %dma_start3A_11 = arith.constant 968 : i32
    %dma_start3A_12 = tpu.memref_slice %arg5[%dma_start3A_11] : memref<1056xi32, #tpu.memory_space<vmem>> -> memref<88xi32, #tpu.memory_space<vmem>>
    %dma_start3A_13 = arith.constant 0 : i32
    %dma_start3A_14 = arith.constant 0 : i32
    %dma_start3A_15 = tpu.memref_slice %arg2[%dma_start3A_13, %dma_start3A_14] : memref<100000x256xf32, #tpu.memory_space<hbm>> -> memref<100000x256xf32, #tpu.memory_space<hbm>>
    tpu.enqueue_indirect_dma source(%dma_start3A_15 : memref<100000x256xf32, #tpu.memory_space<hbm>>) target(%arg7 : memref<88x256xf32, #tpu.memory_space<vmem>>) offsets(%dma_start3A_12 : memref<88xi32, #tpu.memory_space<vmem>>) semaphore(%arg9 : memref<!tpu.dma_semaphore, #tpu.memory_space<semaphore_mem>>)
    %dma_wait3A = arith.constant 0 : i32
    %dma_wait3A_16 = arith.constant 0 : i32
    %dma_wait3A_17 = tpu.memref_slice %arg2[%dma_wait3A, %dma_wait3A_16] : memref<100000x256xf32, #tpu.memory_space<hbm>> -> memref<88x256xf32, #tpu.memory_space<hbm>>
    %dma_wait3A_18 = arith.constant 0 : i32
    %dma_wait3A_19 = arith.constant 0 : i32
    %dma_wait3A_20 = tpu.memref_slice %arg2[%dma_wait3A_18, %dma_wait3A_19] : memref<100000x256xf32, #tpu.memory_space<hbm>> -> memref<88x256xf32, #tpu.memory_space<hbm>>
    tpu.wait_dma2 semaphore(%arg8 : memref<!tpu.dma_semaphore, #tpu.memory_space<semaphore_mem>>) src(%dma_wait3A_20 : memref<88x256xf32, #tpu.memory_space<hbm>>) dst(%arg6 : memref<88x256xf32, #tpu.memory_space<vmem>>)
    %add3A_21 = arith.constant 880 : i32
    %add3A_22 = arith.addi %mul3A_2, %add3A_21 : i32
    "tpu.region"() ({
      %run_scoped3A = tpu.sem_alloc : memref<!tpu.dma_semaphore, #tpu.memory_space<semaphore_mem>>
      %dma_start3A_31 = arith.constant 0 : i32
      %dma_start3A_32 = tpu.memref_slice %arg4[%add3A_22, %dma_start3A_31] : memref<33792x256xf32, #tpu.memory_space<hbm>> -> memref<88x256xf32, #tpu.memory_space<hbm>>
      %dma_start3A_33 = arith.constant 0 : i32
      %dma_start3A_34 = tpu.memref_slice %arg4[%add3A_22, %dma_start3A_33] : memref<33792x256xf32, #tpu.memory_space<hbm>> -> memref<88x256xf32, #tpu.memory_space<hbm>>
      tpu.enqueue_dma source(%arg6 : memref<88x256xf32, #tpu.memory_space<vmem>>) target(%dma_start3A_34 : memref<88x256xf32, #tpu.memory_space<hbm>>) target_semaphore(%run_scoped3A : memref<!tpu.dma_semaphore, #tpu.memory_space<semaphore_mem>>)
      %dma_wait3A_35 = arith.constant 0 : i32
      %dma_wait3A_36 = tpu.memref_slice %arg4[%add3A_22, %dma_wait3A_35] : memref<33792x256xf32, #tpu.memory_space<hbm>> -> memref<88x256xf32, #tpu.memory_space<hbm>>
      %dma_wait3A_37 = arith.constant 0 : i32
      %dma_wait3A_38 = tpu.memref_slice %arg4[%add3A_22, %dma_wait3A_37] : memref<33792x256xf32, #tpu.memory_space<hbm>> -> memref<88x256xf32, #tpu.memory_space<hbm>>
      tpu.wait_dma2 semaphore(%run_scoped3A : memref<!tpu.dma_semaphore, #tpu.memory_space<semaphore_mem>>) src(%arg6 : memref<88x256xf32, #tpu.memory_space<vmem>>) dst(%dma_wait3A_38 : memref<88x256xf32, #tpu.memory_space<hbm>>)
      tpu.yield
    }) : () -> ()
    %dma_wait3A_23 = arith.constant 0 : i32
    %dma_wait3A_24 = arith.constant 0 : i32
    %dma_wait3A_25 = tpu.memref_slice %arg2[%dma_wait3A_23, %dma_wait3A_24] : memref<100000x256xf32, #tpu.memory_space<hbm>> -> memref<88x256xf32, #tpu.memory_space<hbm>>
    %dma_wait3A_26 = arith.constant 0 : i32
    %dma_wait3A_27 = arith.constant 0 : i32
    %dma_wait3A_28 = tpu.memref_slice %arg2[%dma_wait3A_26, %dma_wait3A_27] : memref<100000x256xf32, #tpu.memory_space<hbm>> -> memref<88x256xf32, #tpu.memory_space<hbm>>
    tpu.wait_dma2 semaphore(%arg9 : memref<!tpu.dma_semaphore, #tpu.memory_space<semaphore_mem>>) src(%dma_wait3A_28 : memref<88x256xf32, #tpu.memory_space<hbm>>) dst(%arg7 : memref<88x256xf32, #tpu.memory_space<vmem>>)
    %add3A_29 = arith.constant 968 : i32
    %add3A_30 = arith.addi %mul3A_2, %add3A_29 : i32
    "tpu.region"() ({
      %run_scoped3A = tpu.sem_alloc : memref<!tpu.dma_semaphore, #tpu.memory_space<semaphore_mem>>
      %dma_start3A_31 = arith.constant 0 : i32
      %dma_start3A_32 = tpu.memref_slice %arg4[%add3A_30, %dma_start3A_31] : memref<33792x256xf32, #tpu.memory_space<hbm>> -> memref<88x256xf32, #tpu.memory_space<hbm>>
      %dma_start3A_33 = arith.constant 0 : i32
      %dma_start3A_34 = tpu.memref_slice %arg4[%add3A_30, %dma_start3A_33] : memref<33792x256xf32, #tpu.memory_space<hbm>> -> memref<88x256xf32, #tpu.memory_space<hbm>>
      tpu.enqueue_dma source(%arg7 : memref<88x256xf32, #tpu.memory_space<vmem>>) target(%dma_start3A_34 : memref<88x256xf32, #tpu.memory_space<hbm>>) target_semaphore(%run_scoped3A : memref<!tpu.dma_semaphore, #tpu.memory_space<semaphore_mem>>)
      %dma_wait3A_35 = arith.constant 0 : i32
      %dma_wait3A_36 = tpu.memref_slice %arg4[%add3A_30, %dma_wait3A_35] : memref<33792x256xf32, #tpu.memory_space<hbm>> -> memref<88x256xf32, #tpu.memory_space<hbm>>
      %dma_wait3A_37 = arith.constant 0 : i32
      %dma_wait3A_38 = tpu.memref_slice %arg4[%add3A_30, %dma_wait3A_37] : memref<33792x256xf32, #tpu.memory_space<hbm>> -> memref<88x256xf32, #tpu.memory_space<hbm>>
      tpu.wait_dma2 semaphore(%run_scoped3A : memref<!tpu.dma_semaphore, #tpu.memory_space<semaphore_mem>>) src(%arg7 : memref<88x256xf32, #tpu.memory_space<vmem>>) dst(%dma_wait3A_38 : memref<88x256xf32, #tpu.memory_space<hbm>>)
      tpu.yield
    }) : () -> ()
    return
  }
}

#map = affine_map<(d0, d1) -> (0, 0)>
#map1 = affine_map<(d0, d1) -> (0)>
module attributes {stable_mosaic.version = 14 : i64} {
  func.func @gather_kernel(%arg0: i32, %arg1: i32, %arg2: memref<100000x256xf32, #tpu.memory_space<hbm>>, %arg3: memref<33792xi32, #tpu.memory_space<hbm>>, %arg4: memref<33792x256xf32, #tpu.memory_space<hbm>>, %arg5: memref<1056xi32, #tpu.memory_space<vmem>>, %arg6: memref<88x256xf32, #tpu.memory_space<vmem>>, %arg7: memref<88x256xf32, #tpu.memory_space<vmem>>, %arg8: memref<!tpu.dma_semaphore, #tpu.memory_space<semaphore_mem>>, %arg9: memref<!tpu.dma_semaphore, #tpu.memory_space<semaphore_mem>>) attributes {dimension_semantics = [#tpu.dimension_semantics<core_parallel>, #tpu.dimension_semantics<subcore_parallel>], iteration_bounds = array<i64: 2, 16>, scalar_prefetch = 0 : i64, scratch_operands = 5 : i64, tpu.core_type = #tpu.core_type<sc_vector_subcore>, window_params = [{transform_indices = #map}, {transform_indices = #map1}, {transform_indices = #map}]} {
    %mul3A = arith.constant 2 : i32
    %mul3A_0 = arith.muli %arg1, %mul3A : i32
    %add3A = arith.addi %mul3A_0, %arg0 : i32
    %mul3A_1 = arith.constant 1056 : i32
    %mul3A_2 = arith.muli %add3A, %mul3A_1 : i32
    "tpu.region"() ({
      %run_scoped3A = tpu.sem_alloc : memref<!tpu.dma_semaphore, #tpu.memory_space<semaphore_mem>>
      %dma_start3A_31 = tpu.memref_slice %arg3[%mul3A_2] : memref<33792xi32, #tpu.memory_space<hbm>> -> memref<1056xi32, #tpu.memory_space<hbm>>
      %dma_start3A_32 = tpu.memref_slice %arg3[%mul3A_2] : memref<33792xi32, #tpu.memory_space<hbm>> -> memref<1056xi32, #tpu.memory_space<hbm>>
      tpu.enqueue_dma source(%dma_start3A_32 : memref<1056xi32, #tpu.memory_space<hbm>>) target(%arg5 : memref<1056xi32, #tpu.memory_space<vmem>>) target_semaphore(%run_scoped3A : memref<!tpu.dma_semaphore, #tpu.memory_space<semaphore_mem>>)
      %dma_wait3A_33 = tpu.memref_slice %arg3[%mul3A_2] : memref<33792xi32, #tpu.memory_space<hbm>> -> memref<1056xi32, #tpu.memory_space<hbm>>
      %dma_wait3A_34 = tpu.memref_slice %arg3[%mul3A_2] : memref<33792xi32, #tpu.memory_space<hbm>> -> memref<1056xi32, #tpu.memory_space<hbm>>
      tpu.wait_dma2 semaphore(%run_scoped3A : memref<!tpu.dma_semaphore, #tpu.memory_space<semaphore_mem>>) src(%dma_wait3A_34 : memref<1056xi32, #tpu.memory_space<hbm>>) dst(%arg5 : memref<1056xi32, #tpu.memory_space<vmem>>)
      tpu.yield
    }) : () -> ()
    %dma_start3A = arith.constant 0 : i32
    %dma_start3A_3 = tpu.memref_slice %arg5[%dma_start3A] : memref<1056xi32, #tpu.memory_space<vmem>> -> memref<88xi32, #tpu.memory_space<vmem>>
    %dma_start3A_4 = arith.constant 0 : i32
    %dma_start3A_5 = arith.constant 0 : i32
    %dma_start3A_6 = tpu.memref_slice %arg2[%dma_start3A_4, %dma_start3A_5] : memref<100000x256xf32, #tpu.memory_space<hbm>> -> memref<100000x256xf32, #tpu.memory_space<hbm>>
    tpu.enqueue_indirect_dma source(%dma_start3A_6 : memref<100000x256xf32, #tpu.memory_space<hbm>>) target(%arg6 : memref<88x256xf32, #tpu.memory_space<vmem>>) offsets(%dma_start3A_3 : memref<88xi32, #tpu.memory_space<vmem>>) semaphore(%arg8 : memref<!tpu.dma_semaphore, #tpu.memory_space<semaphore_mem>>)
    %scan3A = arith.constant 0 : i32
    %scan3A_7 = arith.constant 5 : i32
    %scan3A_8 = arith.addi %scan3A, %scan3A_7 : i32
    %scan3A_9 = arith.constant 1 : i32
    scf.for %scan3A_31 = %scan3A to %scan3A_8 step %scan3A_9  : i32 {
      %mul3A_32 = arith.constant 2 : i32
      %mul3A_33 = arith.muli %scan3A_31, %mul3A_32 : i32
      %add3A_34 = arith.constant 0 : i32
      %add3A_35 = arith.addi %add3A_34, %mul3A_33 : i32
      %add3A_36 = arith.constant 1 : i32
      %add3A_37 = arith.addi %add3A_35, %add3A_36 : i32
      %mul3A_38 = arith.constant 88 : i32
      %mul3A_39 = arith.muli %add3A_37, %mul3A_38 : i32
      %dma_start3A_40 = tpu.memref_slice %arg5[%mul3A_39] : memref<1056xi32, #tpu.memory_space<vmem>> -> memref<88xi32, #tpu.memory_space<vmem>>
      %dma_start3A_41 = arith.constant 0 : i32
      %dma_start3A_42 = arith.constant 0 : i32
      %dma_start3A_43 = tpu.memref_slice %arg2[%dma_start3A_41, %dma_start3A_42] : memref<100000x256xf32, #tpu.memory_space<hbm>> -> memref<100000x256xf32, #tpu.memory_space<hbm>>
      tpu.enqueue_indirect_dma source(%dma_start3A_43 : memref<100000x256xf32, #tpu.memory_space<hbm>>) target(%arg7 : memref<88x256xf32, #tpu.memory_space<vmem>>) offsets(%dma_start3A_40 : memref<88xi32, #tpu.memory_space<vmem>>) semaphore(%arg9 : memref<!tpu.dma_semaphore, #tpu.memory_space<semaphore_mem>>)
      %dma_wait3A_44 = arith.constant 0 : i32
      %dma_wait3A_45 = arith.constant 0 : i32
      %dma_wait3A_46 = tpu.memref_slice %arg2[%dma_wait3A_44, %dma_wait3A_45] : memref<100000x256xf32, #tpu.memory_space<hbm>> -> memref<88x256xf32, #tpu.memory_space<hbm>>
      %dma_wait3A_47 = arith.constant 0 : i32
      %dma_wait3A_48 = arith.constant 0 : i32
      %dma_wait3A_49 = tpu.memref_slice %arg2[%dma_wait3A_47, %dma_wait3A_48] : memref<100000x256xf32, #tpu.memory_space<hbm>> -> memref<88x256xf32, #tpu.memory_space<hbm>>
      tpu.wait_dma2 semaphore(%arg8 : memref<!tpu.dma_semaphore, #tpu.memory_space<semaphore_mem>>) src(%dma_wait3A_49 : memref<88x256xf32, #tpu.memory_space<hbm>>) dst(%arg6 : memref<88x256xf32, #tpu.memory_space<vmem>>)
      %mul3A_50 = arith.constant 88 : i32
      %mul3A_51 = arith.muli %add3A_35, %mul3A_50 : i32
      %add3A_52 = arith.addi %mul3A_2, %mul3A_51 : i32
      "tpu.region"() ({
        %run_scoped3A = tpu.sem_alloc : memref<!tpu.dma_semaphore, #tpu.memory_space<semaphore_mem>>
        %dma_start3A_72 = arith.constant 0 : i32
        %dma_start3A_73 = tpu.memref_slice %arg4[%add3A_52, %dma_start3A_72] : memref<33792x256xf32, #tpu.memory_space<hbm>> -> memref<88x256xf32, #tpu.memory_space<hbm>>
        %dma_start3A_74 = arith.constant 0 : i32
        %dma_start3A_75 = tpu.memref_slice %arg4[%add3A_52, %dma_start3A_74] : memref<33792x256xf32, #tpu.memory_space<hbm>> -> memref<88x256xf32, #tpu.memory_space<hbm>>
        tpu.enqueue_dma source(%arg6 : memref<88x256xf32, #tpu.memory_space<vmem>>) target(%dma_start3A_75 : memref<88x256xf32, #tpu.memory_space<hbm>>) target_semaphore(%run_scoped3A : memref<!tpu.dma_semaphore, #tpu.memory_space<semaphore_mem>>)
        %dma_wait3A_76 = arith.constant 0 : i32
        %dma_wait3A_77 = tpu.memref_slice %arg4[%add3A_52, %dma_wait3A_76] : memref<33792x256xf32, #tpu.memory_space<hbm>> -> memref<88x256xf32, #tpu.memory_space<hbm>>
        %dma_wait3A_78 = arith.constant 0 : i32
        %dma_wait3A_79 = tpu.memref_slice %arg4[%add3A_52, %dma_wait3A_78] : memref<33792x256xf32, #tpu.memory_space<hbm>> -> memref<88x256xf32, #tpu.memory_space<hbm>>
        tpu.wait_dma2 semaphore(%run_scoped3A : memref<!tpu.dma_semaphore, #tpu.memory_space<semaphore_mem>>) src(%arg6 : memref<88x256xf32, #tpu.memory_space<vmem>>) dst(%dma_wait3A_79 : memref<88x256xf32, #tpu.memory_space<hbm>>)
        tpu.yield
      }) : () -> ()
      %add3A_53 = arith.constant 2 : i32
      %add3A_54 = arith.addi %add3A_35, %add3A_53 : i32
      %mul3A_55 = arith.constant 88 : i32
      %mul3A_56 = arith.muli %add3A_54, %mul3A_55 : i32
      %dma_start3A_57 = tpu.memref_slice %arg5[%mul3A_56] : memref<1056xi32, #tpu.memory_space<vmem>> -> memref<88xi32, #tpu.memory_space<vmem>>
      %dma_start3A_58 = arith.constant 0 : i32
      %dma_start3A_59 = arith.constant 0 : i32
      %dma_start3A_60 = tpu.memref_slice %arg2[%dma_start3A_58, %dma_start3A_59] : memref<100000x256xf32, #tpu.memory_space<hbm>> -> memref<100000x256xf32, #tpu.memory_space<hbm>>
      tpu.enqueue_indirect_dma source(%dma_start3A_60 : memref<100000x256xf32, #tpu.memory_space<hbm>>) target(%arg6 : memref<88x256xf32, #tpu.memory_space<vmem>>) offsets(%dma_start3A_57 : memref<88xi32, #tpu.memory_space<vmem>>) semaphore(%arg8 : memref<!tpu.dma_semaphore, #tpu.memory_space<semaphore_mem>>)
      %dma_wait3A_61 = arith.constant 0 : i32
      %dma_wait3A_62 = arith.constant 0 : i32
      %dma_wait3A_63 = tpu.memref_slice %arg2[%dma_wait3A_61, %dma_wait3A_62] : memref<100000x256xf32, #tpu.memory_space<hbm>> -> memref<88x256xf32, #tpu.memory_space<hbm>>
      %dma_wait3A_64 = arith.constant 0 : i32
      %dma_wait3A_65 = arith.constant 0 : i32
      %dma_wait3A_66 = tpu.memref_slice %arg2[%dma_wait3A_64, %dma_wait3A_65] : memref<100000x256xf32, #tpu.memory_space<hbm>> -> memref<88x256xf32, #tpu.memory_space<hbm>>
      tpu.wait_dma2 semaphore(%arg9 : memref<!tpu.dma_semaphore, #tpu.memory_space<semaphore_mem>>) src(%dma_wait3A_66 : memref<88x256xf32, #tpu.memory_space<hbm>>) dst(%arg7 : memref<88x256xf32, #tpu.memory_space<vmem>>)
      %add3A_67 = arith.constant 1 : i32
      %add3A_68 = arith.addi %add3A_35, %add3A_67 : i32
      %mul3A_69 = arith.constant 88 : i32
      %mul3A_70 = arith.muli %add3A_68, %mul3A_69 : i32
      %add3A_71 = arith.addi %mul3A_2, %mul3A_70 : i32
      "tpu.region"() ({
        %run_scoped3A = tpu.sem_alloc : memref<!tpu.dma_semaphore, #tpu.memory_space<semaphore_mem>>
        %dma_start3A_72 = arith.constant 0 : i32
        %dma_start3A_73 = tpu.memref_slice %arg4[%add3A_71, %dma_start3A_72] : memref<33792x256xf32, #tpu.memory_space<hbm>> -> memref<88x256xf32, #tpu.memory_space<hbm>>
        %dma_start3A_74 = arith.constant 0 : i32
        %dma_start3A_75 = tpu.memref_slice %arg4[%add3A_71, %dma_start3A_74] : memref<33792x256xf32, #tpu.memory_space<hbm>> -> memref<88x256xf32, #tpu.memory_space<hbm>>
        tpu.enqueue_dma source(%arg7 : memref<88x256xf32, #tpu.memory_space<vmem>>) target(%dma_start3A_75 : memref<88x256xf32, #tpu.memory_space<hbm>>) target_semaphore(%run_scoped3A : memref<!tpu.dma_semaphore, #tpu.memory_space<semaphore_mem>>)
        %dma_wait3A_76 = arith.constant 0 : i32
        %dma_wait3A_77 = tpu.memref_slice %arg4[%add3A_71, %dma_wait3A_76] : memref<33792x256xf32, #tpu.memory_space<hbm>> -> memref<88x256xf32, #tpu.memory_space<hbm>>
        %dma_wait3A_78 = arith.constant 0 : i32
        %dma_wait3A_79 = tpu.memref_slice %arg4[%add3A_71, %dma_wait3A_78] : memref<33792x256xf32, #tpu.memory_space<hbm>> -> memref<88x256xf32, #tpu.memory_space<hbm>>
        tpu.wait_dma2 semaphore(%run_scoped3A : memref<!tpu.dma_semaphore, #tpu.memory_space<semaphore_mem>>) src(%arg7 : memref<88x256xf32, #tpu.memory_space<vmem>>) dst(%dma_wait3A_79 : memref<88x256xf32, #tpu.memory_space<hbm>>)
        tpu.yield
      }) : () -> ()
    }
    %scan3A_10 = arith.constant 5 : i32
    %dma_start3A_11 = arith.constant 968 : i32
    %dma_start3A_12 = tpu.memref_slice %arg5[%dma_start3A_11] : memref<1056xi32, #tpu.memory_space<vmem>> -> memref<88xi32, #tpu.memory_space<vmem>>
    %dma_start3A_13 = arith.constant 0 : i32
    %dma_start3A_14 = arith.constant 0 : i32
    %dma_start3A_15 = tpu.memref_slice %arg2[%dma_start3A_13, %dma_start3A_14] : memref<100000x256xf32, #tpu.memory_space<hbm>> -> memref<100000x256xf32, #tpu.memory_space<hbm>>
    tpu.enqueue_indirect_dma source(%dma_start3A_15 : memref<100000x256xf32, #tpu.memory_space<hbm>>) target(%arg7 : memref<88x256xf32, #tpu.memory_space<vmem>>) offsets(%dma_start3A_12 : memref<88xi32, #tpu.memory_space<vmem>>) semaphore(%arg9 : memref<!tpu.dma_semaphore, #tpu.memory_space<semaphore_mem>>)
    %dma_wait3A = arith.constant 0 : i32
    %dma_wait3A_16 = arith.constant 0 : i32
    %dma_wait3A_17 = tpu.memref_slice %arg2[%dma_wait3A, %dma_wait3A_16] : memref<100000x256xf32, #tpu.memory_space<hbm>> -> memref<88x256xf32, #tpu.memory_space<hbm>>
    %dma_wait3A_18 = arith.constant 0 : i32
    %dma_wait3A_19 = arith.constant 0 : i32
    %dma_wait3A_20 = tpu.memref_slice %arg2[%dma_wait3A_18, %dma_wait3A_19] : memref<100000x256xf32, #tpu.memory_space<hbm>> -> memref<88x256xf32, #tpu.memory_space<hbm>>
    tpu.wait_dma2 semaphore(%arg8 : memref<!tpu.dma_semaphore, #tpu.memory_space<semaphore_mem>>) src(%dma_wait3A_20 : memref<88x256xf32, #tpu.memory_space<hbm>>) dst(%arg6 : memref<88x256xf32, #tpu.memory_space<vmem>>)
    %add3A_21 = arith.constant 880 : i32
    %add3A_22 = arith.addi %mul3A_2, %add3A_21 : i32
    "tpu.region"() ({
      %run_scoped3A = tpu.sem_alloc : memref<!tpu.dma_semaphore, #tpu.memory_space<semaphore_mem>>
      %dma_start3A_31 = arith.constant 0 : i32
      %dma_start3A_32 = tpu.memref_slice %arg4[%add3A_22, %dma_start3A_31] : memref<33792x256xf32, #tpu.memory_space<hbm>> -> memref<88x256xf32, #tpu.memory_space<hbm>>
      %dma_start3A_33 = arith.constant 0 : i32
      %dma_start3A_34 = tpu.memref_slice %arg4[%add3A_22, %dma_start3A_33] : memref<33792x256xf32, #tpu.memory_space<hbm>> -> memref<88x256xf32, #tpu.memory_space<hbm>>
      tpu.enqueue_dma source(%arg6 : memref<88x256xf32, #tpu.memory_space<vmem>>) target(%dma_start3A_34 : memref<88x256xf32, #tpu.memory_space<hbm>>) target_semaphore(%run_scoped3A : memref<!tpu.dma_semaphore, #tpu.memory_space<semaphore_mem>>)
      %dma_wait3A_35 = arith.constant 0 : i32
      %dma_wait3A_36 = tpu.memref_slice %arg4[%add3A_22, %dma_wait3A_35] : memref<33792x256xf32, #tpu.memory_space<hbm>> -> memref<88x256xf32, #tpu.memory_space<hbm>>
      %dma_wait3A_37 = arith.constant 0 : i32
      %dma_wait3A_38 = tpu.memref_slice %arg4[%add3A_22, %dma_wait3A_37] : memref<33792x256xf32, #tpu.memory_space<hbm>> -> memref<88x256xf32, #tpu.memory_space<hbm>>
      tpu.wait_dma2 semaphore(%run_scoped3A : memref<!tpu.dma_semaphore, #tpu.memory_space<semaphore_mem>>) src(%arg6 : memref<88x256xf32, #tpu.memory_space<vmem>>) dst(%dma_wait3A_38 : memref<88x256xf32, #tpu.memory_space<hbm>>)
      tpu.yield
    }) : () -> ()
    %dma_wait3A_23 = arith.constant 0 : i32
    %dma_wait3A_24 = arith.constant 0 : i32
    %dma_wait3A_25 = tpu.memref_slice %arg2[%dma_wait3A_23, %dma_wait3A_24] : memref<100000x256xf32, #tpu.memory_space<hbm>> -> memref<88x256xf32, #tpu.memory_space<hbm>>
    %dma_wait3A_26 = arith.constant 0 : i32
    %dma_wait3A_27 = arith.constant 0 : i32
    %dma_wait3A_28 = tpu.memref_slice %arg2[%dma_wait3A_26, %dma_wait3A_27] : memref<100000x256xf32, #tpu.memory_space<hbm>> -> memref<88x256xf32, #tpu.memory_space<hbm>>
    tpu.wait_dma2 semaphore(%arg9 : memref<!tpu.dma_semaphore, #tpu.memory_space<semaphore_mem>>) src(%dma_wait3A_28 : memref<88x256xf32, #tpu.memory_space<hbm>>) dst(%arg7 : memref<88x256xf32, #tpu.memory_space<vmem>>)
    %add3A_29 = arith.constant 968 : i32
    %add3A_30 = arith.addi %mul3A_2, %add3A_29 : i32
    "tpu.region"() ({
      %run_scoped3A = tpu.sem_alloc : memref<!tpu.dma_semaphore, #tpu.memory_space<semaphore_mem>>
      %dma_start3A_31 = arith.constant 0 : i32
      %dma_start3A_32 = tpu.memref_slice %arg4[%add3A_30, %dma_start3A_31] : memref<33792x256xf32, #tpu.memory_space<hbm>> -> memref<88x256xf32, #tpu.memory_space<hbm>>
      %dma_start3A_33 = arith.constant 0 : i32
      %dma_start3A_34 = tpu.memref_slice %arg4[%add3A_30, %dma_start3A_33] : memref<33792x256xf32, #tpu.memory_space<hbm>> -> memref<88x256xf32, #tpu.memory_space<hbm>>
      tpu.enqueue_dma source(%arg7 : memref<88x256xf32, #tpu.memory_space<vmem>>) target(%dma_start3A_34 : memref<88x256xf32, #tpu.memory_space<hbm>>) target_semaphore(%run_scoped3A : memref<!tpu.dma_semaphore, #tpu.memory_space<semaphore_mem>>)
      %dma_wait3A_35 = arith.constant 0 : i32
      %dma_wait3A_36 = tpu.memref_slice %arg4[%add3A_30, %dma_wait3A_35] : memref<33792x256xf32, #tpu.memory_space<hbm>> -> memref<88x256xf32, #tpu.memory_space<hbm>>
      %dma_wait3A_37 = arith.constant 0 : i32
      %dma_wait3A_38 = tpu.memref_slice %arg4[%add3A_30, %dma_wait3A_37] : memref<33792x256xf32, #tpu.memory_space<hbm>> -> memref<88x256xf32, #tpu.memory_space<hbm>>
      tpu.wait_dma2 semaphore(%run_scoped3A : memref<!tpu.dma_semaphore, #tpu.memory_space<semaphore_mem>>) src(%arg7 : memref<88x256xf32, #tpu.memory_space<vmem>>) dst(%dma_wait3A_38 : memref<88x256xf32, #tpu.memory_space<hbm>>)
      tpu.yield
    }) : () -> ()
    return
  }
}

#map = affine_map<(d0, d1) -> (0, 0)>
#map1 = affine_map<(d0, d1) -> (0)>
module attributes {stable_mosaic.version = 14 : i64} {
  func.func @gather_kernel(%arg0: i32, %arg1: i32, %arg2: memref<100000x256xf32, #tpu.memory_space<hbm>>, %arg3: memref<33792xi32, #tpu.memory_space<hbm>>, %arg4: memref<33792x256xf32, #tpu.memory_space<hbm>>, %arg5: memref<1056xi32, #tpu.memory_space<vmem>>, %arg6: memref<88x256xf32, #tpu.memory_space<vmem>>, %arg7: memref<88x256xf32, #tpu.memory_space<vmem>>, %arg8: memref<!tpu.dma_semaphore, #tpu.memory_space<semaphore_mem>>, %arg9: memref<!tpu.dma_semaphore, #tpu.memory_space<semaphore_mem>>) attributes {dimension_semantics = [#tpu.dimension_semantics<core_parallel>, #tpu.dimension_semantics<subcore_parallel>], iteration_bounds = array<i64: 2, 16>, scalar_prefetch = 0 : i64, scratch_operands = 5 : i64, tpu.core_type = #tpu.core_type<sc_vector_subcore>, window_params = [{transform_indices = #map}, {transform_indices = #map1}, {transform_indices = #map}]} {
    %mul3A = arith.constant 2 : i32
    %mul3A_0 = arith.muli %arg1, %mul3A : i32
    %add3A = arith.addi %mul3A_0, %arg0 : i32
    %mul3A_1 = arith.constant 1056 : i32
    %mul3A_2 = arith.muli %add3A, %mul3A_1 : i32
    "tpu.region"() ({
      %run_scoped3A = tpu.sem_alloc : memref<!tpu.dma_semaphore, #tpu.memory_space<semaphore_mem>>
      %dma_start3A_31 = tpu.memref_slice %arg3[%mul3A_2] : memref<33792xi32, #tpu.memory_space<hbm>> -> memref<1056xi32, #tpu.memory_space<hbm>>
      %dma_start3A_32 = tpu.memref_slice %arg3[%mul3A_2] : memref<33792xi32, #tpu.memory_space<hbm>> -> memref<1056xi32, #tpu.memory_space<hbm>>
      tpu.enqueue_dma source(%dma_start3A_32 : memref<1056xi32, #tpu.memory_space<hbm>>) target(%arg5 : memref<1056xi32, #tpu.memory_space<vmem>>) target_semaphore(%run_scoped3A : memref<!tpu.dma_semaphore, #tpu.memory_space<semaphore_mem>>)
      %dma_wait3A_33 = tpu.memref_slice %arg3[%mul3A_2] : memref<33792xi32, #tpu.memory_space<hbm>> -> memref<1056xi32, #tpu.memory_space<hbm>>
      %dma_wait3A_34 = tpu.memref_slice %arg3[%mul3A_2] : memref<33792xi32, #tpu.memory_space<hbm>> -> memref<1056xi32, #tpu.memory_space<hbm>>
      tpu.wait_dma2 semaphore(%run_scoped3A : memref<!tpu.dma_semaphore, #tpu.memory_space<semaphore_mem>>) src(%dma_wait3A_34 : memref<1056xi32, #tpu.memory_space<hbm>>) dst(%arg5 : memref<1056xi32, #tpu.memory_space<vmem>>)
      tpu.yield
    }) : () -> ()
    %dma_start3A = arith.constant 0 : i32
    %dma_start3A_3 = tpu.memref_slice %arg5[%dma_start3A] : memref<1056xi32, #tpu.memory_space<vmem>> -> memref<88xi32, #tpu.memory_space<vmem>>
    %dma_start3A_4 = arith.constant 0 : i32
    %dma_start3A_5 = arith.constant 0 : i32
    %dma_start3A_6 = tpu.memref_slice %arg2[%dma_start3A_4, %dma_start3A_5] : memref<100000x256xf32, #tpu.memory_space<hbm>> -> memref<100000x256xf32, #tpu.memory_space<hbm>>
    tpu.enqueue_indirect_dma source(%dma_start3A_6 : memref<100000x256xf32, #tpu.memory_space<hbm>>) target(%arg6 : memref<88x256xf32, #tpu.memory_space<vmem>>) offsets(%dma_start3A_3 : memref<88xi32, #tpu.memory_space<vmem>>) semaphore(%arg8 : memref<!tpu.dma_semaphore, #tpu.memory_space<semaphore_mem>>)
    %scan3A = arith.constant 0 : i32
    %scan3A_7 = arith.constant 5 : i32
    %scan3A_8 = arith.addi %scan3A, %scan3A_7 : i32
    %scan3A_9 = arith.constant 1 : i32
    scf.for %scan3A_31 = %scan3A to %scan3A_8 step %scan3A_9  : i32 {
      %mul3A_32 = arith.constant 2 : i32
      %mul3A_33 = arith.muli %scan3A_31, %mul3A_32 : i32
      %add3A_34 = arith.constant 0 : i32
      %add3A_35 = arith.addi %add3A_34, %mul3A_33 : i32
      %add3A_36 = arith.constant 1 : i32
      %add3A_37 = arith.addi %add3A_35, %add3A_36 : i32
      %mul3A_38 = arith.constant 88 : i32
      %mul3A_39 = arith.muli %add3A_37, %mul3A_38 : i32
      %dma_start3A_40 = tpu.memref_slice %arg5[%mul3A_39] : memref<1056xi32, #tpu.memory_space<vmem>> -> memref<88xi32, #tpu.memory_space<vmem>>
      %dma_start3A_41 = arith.constant 0 : i32
      %dma_start3A_42 = arith.constant 0 : i32
      %dma_start3A_43 = tpu.memref_slice %arg2[%dma_start3A_41, %dma_start3A_42] : memref<100000x256xf32, #tpu.memory_space<hbm>> -> memref<100000x256xf32, #tpu.memory_space<hbm>>
      tpu.enqueue_indirect_dma source(%dma_start3A_43 : memref<100000x256xf32, #tpu.memory_space<hbm>>) target(%arg7 : memref<88x256xf32, #tpu.memory_space<vmem>>) offsets(%dma_start3A_40 : memref<88xi32, #tpu.memory_space<vmem>>) semaphore(%arg9 : memref<!tpu.dma_semaphore, #tpu.memory_space<semaphore_mem>>)
      %dma_wait3A_44 = arith.constant 0 : i32
      %dma_wait3A_45 = arith.constant 0 : i32
      %dma_wait3A_46 = tpu.memref_slice %arg2[%dma_wait3A_44, %dma_wait3A_45] : memref<100000x256xf32, #tpu.memory_space<hbm>> -> memref<88x256xf32, #tpu.memory_space<hbm>>
      %dma_wait3A_47 = arith.constant 0 : i32
      %dma_wait3A_48 = arith.constant 0 : i32
      %dma_wait3A_49 = tpu.memref_slice %arg2[%dma_wait3A_47, %dma_wait3A_48] : memref<100000x256xf32, #tpu.memory_space<hbm>> -> memref<88x256xf32, #tpu.memory_space<hbm>>
      tpu.wait_dma2 semaphore(%arg8 : memref<!tpu.dma_semaphore, #tpu.memory_space<semaphore_mem>>) src(%dma_wait3A_49 : memref<88x256xf32, #tpu.memory_space<hbm>>) dst(%arg6 : memref<88x256xf32, #tpu.memory_space<vmem>>)
      %mul3A_50 = arith.constant 88 : i32
      %mul3A_51 = arith.muli %add3A_35, %mul3A_50 : i32
      %add3A_52 = arith.addi %mul3A_2, %mul3A_51 : i32
      "tpu.region"() ({
        %run_scoped3A = tpu.sem_alloc : memref<!tpu.dma_semaphore, #tpu.memory_space<semaphore_mem>>
        %dma_start3A_72 = arith.constant 0 : i32
        %dma_start3A_73 = tpu.memref_slice %arg4[%add3A_52, %dma_start3A_72] : memref<33792x256xf32, #tpu.memory_space<hbm>> -> memref<88x256xf32, #tpu.memory_space<hbm>>
        %dma_start3A_74 = arith.constant 0 : i32
        %dma_start3A_75 = tpu.memref_slice %arg4[%add3A_52, %dma_start3A_74] : memref<33792x256xf32, #tpu.memory_space<hbm>> -> memref<88x256xf32, #tpu.memory_space<hbm>>
        tpu.enqueue_dma source(%arg6 : memref<88x256xf32, #tpu.memory_space<vmem>>) target(%dma_start3A_75 : memref<88x256xf32, #tpu.memory_space<hbm>>) target_semaphore(%run_scoped3A : memref<!tpu.dma_semaphore, #tpu.memory_space<semaphore_mem>>)
        %dma_wait3A_76 = arith.constant 0 : i32
        %dma_wait3A_77 = tpu.memref_slice %arg4[%add3A_52, %dma_wait3A_76] : memref<33792x256xf32, #tpu.memory_space<hbm>> -> memref<88x256xf32, #tpu.memory_space<hbm>>
        %dma_wait3A_78 = arith.constant 0 : i32
        %dma_wait3A_79 = tpu.memref_slice %arg4[%add3A_52, %dma_wait3A_78] : memref<33792x256xf32, #tpu.memory_space<hbm>> -> memref<88x256xf32, #tpu.memory_space<hbm>>
        tpu.wait_dma2 semaphore(%run_scoped3A : memref<!tpu.dma_semaphore, #tpu.memory_space<semaphore_mem>>) src(%arg6 : memref<88x256xf32, #tpu.memory_space<vmem>>) dst(%dma_wait3A_79 : memref<88x256xf32, #tpu.memory_space<hbm>>)
        tpu.yield
      }) : () -> ()
      %add3A_53 = arith.constant 2 : i32
      %add3A_54 = arith.addi %add3A_35, %add3A_53 : i32
      %mul3A_55 = arith.constant 88 : i32
      %mul3A_56 = arith.muli %add3A_54, %mul3A_55 : i32
      %dma_start3A_57 = tpu.memref_slice %arg5[%mul3A_56] : memref<1056xi32, #tpu.memory_space<vmem>> -> memref<88xi32, #tpu.memory_space<vmem>>
      %dma_start3A_58 = arith.constant 0 : i32
      %dma_start3A_59 = arith.constant 0 : i32
      %dma_start3A_60 = tpu.memref_slice %arg2[%dma_start3A_58, %dma_start3A_59] : memref<100000x256xf32, #tpu.memory_space<hbm>> -> memref<100000x256xf32, #tpu.memory_space<hbm>>
      tpu.enqueue_indirect_dma source(%dma_start3A_60 : memref<100000x256xf32, #tpu.memory_space<hbm>>) target(%arg6 : memref<88x256xf32, #tpu.memory_space<vmem>>) offsets(%dma_start3A_57 : memref<88xi32, #tpu.memory_space<vmem>>) semaphore(%arg8 : memref<!tpu.dma_semaphore, #tpu.memory_space<semaphore_mem>>)
      %dma_wait3A_61 = arith.constant 0 : i32
      %dma_wait3A_62 = arith.constant 0 : i32
      %dma_wait3A_63 = tpu.memref_slice %arg2[%dma_wait3A_61, %dma_wait3A_62] : memref<100000x256xf32, #tpu.memory_space<hbm>> -> memref<88x256xf32, #tpu.memory_space<hbm>>
      %dma_wait3A_64 = arith.constant 0 : i32
      %dma_wait3A_65 = arith.constant 0 : i32
      %dma_wait3A_66 = tpu.memref_slice %arg2[%dma_wait3A_64, %dma_wait3A_65] : memref<100000x256xf32, #tpu.memory_space<hbm>> -> memref<88x256xf32, #tpu.memory_space<hbm>>
      tpu.wait_dma2 semaphore(%arg9 : memref<!tpu.dma_semaphore, #tpu.memory_space<semaphore_mem>>) src(%dma_wait3A_66 : memref<88x256xf32, #tpu.memory_space<hbm>>) dst(%arg7 : memref<88x256xf32, #tpu.memory_space<vmem>>)
      %add3A_67 = arith.constant 1 : i32
      %add3A_68 = arith.addi %add3A_35, %add3A_67 : i32
      %mul3A_69 = arith.constant 88 : i32
      %mul3A_70 = arith.muli %add3A_68, %mul3A_69 : i32
      %add3A_71 = arith.addi %mul3A_2, %mul3A_70 : i32
      "tpu.region"() ({
        %run_scoped3A = tpu.sem_alloc : memref<!tpu.dma_semaphore, #tpu.memory_space<semaphore_mem>>
        %dma_start3A_72 = arith.constant 0 : i32
        %dma_start3A_73 = tpu.memref_slice %arg4[%add3A_71, %dma_start3A_72] : memref<33792x256xf32, #tpu.memory_space<hbm>> -> memref<88x256xf32, #tpu.memory_space<hbm>>
        %dma_start3A_74 = arith.constant 0 : i32
        %dma_start3A_75 = tpu.memref_slice %arg4[%add3A_71, %dma_start3A_74] : memref<33792x256xf32, #tpu.memory_space<hbm>> -> memref<88x256xf32, #tpu.memory_space<hbm>>
        tpu.enqueue_dma source(%arg7 : memref<88x256xf32, #tpu.memory_space<vmem>>) target(%dma_start3A_75 : memref<88x256xf32, #tpu.memory_space<hbm>>) target_semaphore(%run_scoped3A : memref<!tpu.dma_semaphore, #tpu.memory_space<semaphore_mem>>)
        %dma_wait3A_76 = arith.constant 0 : i32
        %dma_wait3A_77 = tpu.memref_slice %arg4[%add3A_71, %dma_wait3A_76] : memref<33792x256xf32, #tpu.memory_space<hbm>> -> memref<88x256xf32, #tpu.memory_space<hbm>>
        %dma_wait3A_78 = arith.constant 0 : i32
        %dma_wait3A_79 = tpu.memref_slice %arg4[%add3A_71, %dma_wait3A_78] : memref<33792x256xf32, #tpu.memory_space<hbm>> -> memref<88x256xf32, #tpu.memory_space<hbm>>
        tpu.wait_dma2 semaphore(%run_scoped3A : memref<!tpu.dma_semaphore, #tpu.memory_space<semaphore_mem>>) src(%arg7 : memref<88x256xf32, #tpu.memory_space<vmem>>) dst(%dma_wait3A_79 : memref<88x256xf32, #tpu.memory_space<hbm>>)
        tpu.yield
      }) : () -> ()
    }
    %scan3A_10 = arith.constant 5 : i32
    %dma_start3A_11 = arith.constant 968 : i32
    %dma_start3A_12 = tpu.memref_slice %arg5[%dma_start3A_11] : memref<1056xi32, #tpu.memory_space<vmem>> -> memref<88xi32, #tpu.memory_space<vmem>>
    %dma_start3A_13 = arith.constant 0 : i32
    %dma_start3A_14 = arith.constant 0 : i32
    %dma_start3A_15 = tpu.memref_slice %arg2[%dma_start3A_13, %dma_start3A_14] : memref<100000x256xf32, #tpu.memory_space<hbm>> -> memref<100000x256xf32, #tpu.memory_space<hbm>>
    tpu.enqueue_indirect_dma source(%dma_start3A_15 : memref<100000x256xf32, #tpu.memory_space<hbm>>) target(%arg7 : memref<88x256xf32, #tpu.memory_space<vmem>>) offsets(%dma_start3A_12 : memref<88xi32, #tpu.memory_space<vmem>>) semaphore(%arg9 : memref<!tpu.dma_semaphore, #tpu.memory_space<semaphore_mem>>)
    %dma_wait3A = arith.constant 0 : i32
    %dma_wait3A_16 = arith.constant 0 : i32
    %dma_wait3A_17 = tpu.memref_slice %arg2[%dma_wait3A, %dma_wait3A_16] : memref<100000x256xf32, #tpu.memory_space<hbm>> -> memref<88x256xf32, #tpu.memory_space<hbm>>
    %dma_wait3A_18 = arith.constant 0 : i32
    %dma_wait3A_19 = arith.constant 0 : i32
    %dma_wait3A_20 = tpu.memref_slice %arg2[%dma_wait3A_18, %dma_wait3A_19] : memref<100000x256xf32, #tpu.memory_space<hbm>> -> memref<88x256xf32, #tpu.memory_space<hbm>>
    tpu.wait_dma2 semaphore(%arg8 : memref<!tpu.dma_semaphore, #tpu.memory_space<semaphore_mem>>) src(%dma_wait3A_20 : memref<88x256xf32, #tpu.memory_space<hbm>>) dst(%arg6 : memref<88x256xf32, #tpu.memory_space<vmem>>)
    %add3A_21 = arith.constant 880 : i32
    %add3A_22 = arith.addi %mul3A_2, %add3A_21 : i32
    "tpu.region"() ({
      %run_scoped3A = tpu.sem_alloc : memref<!tpu.dma_semaphore, #tpu.memory_space<semaphore_mem>>
      %dma_start3A_31 = arith.constant 0 : i32
      %dma_start3A_32 = tpu.memref_slice %arg4[%add3A_22, %dma_start3A_31] : memref<33792x256xf32, #tpu.memory_space<hbm>> -> memref<88x256xf32, #tpu.memory_space<hbm>>
      %dma_start3A_33 = arith.constant 0 : i32
      %dma_start3A_34 = tpu.memref_slice %arg4[%add3A_22, %dma_start3A_33] : memref<33792x256xf32, #tpu.memory_space<hbm>> -> memref<88x256xf32, #tpu.memory_space<hbm>>
      tpu.enqueue_dma source(%arg6 : memref<88x256xf32, #tpu.memory_space<vmem>>) target(%dma_start3A_34 : memref<88x256xf32, #tpu.memory_space<hbm>>) target_semaphore(%run_scoped3A : memref<!tpu.dma_semaphore, #tpu.memory_space<semaphore_mem>>)
      %dma_wait3A_35 = arith.constant 0 : i32
      %dma_wait3A_36 = tpu.memref_slice %arg4[%add3A_22, %dma_wait3A_35] : memref<33792x256xf32, #tpu.memory_space<hbm>> -> memref<88x256xf32, #tpu.memory_space<hbm>>
      %dma_wait3A_37 = arith.constant 0 : i32
      %dma_wait3A_38 = tpu.memref_slice %arg4[%add3A_22, %dma_wait3A_37] : memref<33792x256xf32, #tpu.memory_space<hbm>> -> memref<88x256xf32, #tpu.memory_space<hbm>>
      tpu.wait_dma2 semaphore(%run_scoped3A : memref<!tpu.dma_semaphore, #tpu.memory_space<semaphore_mem>>) src(%arg6 : memref<88x256xf32, #tpu.memory_space<vmem>>) dst(%dma_wait3A_38 : memref<88x256xf32, #tpu.memory_space<hbm>>)
      tpu.yield
    }) : () -> ()
    %dma_wait3A_23 = arith.constant 0 : i32
    %dma_wait3A_24 = arith.constant 0 : i32
    %dma_wait3A_25 = tpu.memref_slice %arg2[%dma_wait3A_23, %dma_wait3A_24] : memref<100000x256xf32, #tpu.memory_space<hbm>> -> memref<88x256xf32, #tpu.memory_space<hbm>>
    %dma_wait3A_26 = arith.constant 0 : i32
    %dma_wait3A_27 = arith.constant 0 : i32
    %dma_wait3A_28 = tpu.memref_slice %arg2[%dma_wait3A_26, %dma_wait3A_27] : memref<100000x256xf32, #tpu.memory_space<hbm>> -> memref<88x256xf32, #tpu.memory_space<hbm>>
    tpu.wait_dma2 semaphore(%arg9 : memref<!tpu.dma_semaphore, #tpu.memory_space<semaphore_mem>>) src(%dma_wait3A_28 : memref<88x256xf32, #tpu.memory_space<hbm>>) dst(%arg7 : memref<88x256xf32, #tpu.memory_space<vmem>>)
    %add3A_29 = arith.constant 968 : i32
    %add3A_30 = arith.addi %mul3A_2, %add3A_29 : i32
    "tpu.region"() ({
      %run_scoped3A = tpu.sem_alloc : memref<!tpu.dma_semaphore, #tpu.memory_space<semaphore_mem>>
      %dma_start3A_31 = arith.constant 0 : i32
      %dma_start3A_32 = tpu.memref_slice %arg4[%add3A_30, %dma_start3A_31] : memref<33792x256xf32, #tpu.memory_space<hbm>> -> memref<88x256xf32, #tpu.memory_space<hbm>>
      %dma_start3A_33 = arith.constant 0 : i32
      %dma_start3A_34 = tpu.memref_slice %arg4[%add3A_30, %dma_start3A_33] : memref<33792x256xf32, #tpu.memory_space<hbm>> -> memref<88x256xf32, #tpu.memory_space<hbm>>
      tpu.enqueue_dma source(%arg7 : memref<88x256xf32, #tpu.memory_space<vmem>>) target(%dma_start3A_34 : memref<88x256xf32, #tpu.memory_space<hbm>>) target_semaphore(%run_scoped3A : memref<!tpu.dma_semaphore, #tpu.memory_space<semaphore_mem>>)
      %dma_wait3A_35 = arith.constant 0 : i32
      %dma_wait3A_36 = tpu.memref_slice %arg4[%add3A_30, %dma_wait3A_35] : memref<33792x256xf32, #tpu.memory_space<hbm>> -> memref<88x256xf32, #tpu.memory_space<hbm>>
      %dma_wait3A_37 = arith.constant 0 : i32
      %dma_wait3A_38 = tpu.memref_slice %arg4[%add3A_30, %dma_wait3A_37] : memref<33792x256xf32, #tpu.memory_space<hbm>> -> memref<88x256xf32, #tpu.memory_space<hbm>>
      tpu.wait_dma2 semaphore(%run_scoped3A : memref<!tpu.dma_semaphore, #tpu.memory_space<semaphore_mem>>) src(%arg7 : memref<88x256xf32, #tpu.memory_space<vmem>>) dst(%dma_wait3A_38 : memref<88x256xf32, #tpu.memory_space<hbm>>)
      tpu.yield
    }) : () -> ()
    return
  }
}

#map = affine_map<(d0, d1) -> (0, 0)>
#map1 = affine_map<(d0, d1) -> (0)>
module attributes {stable_mosaic.version = 14 : i64} {
  func.func @gather_kernel(%arg0: i32, %arg1: i32, %arg2: memref<100000x256xf32, #tpu.memory_space<hbm>>, %arg3: memref<33792xi32, #tpu.memory_space<hbm>>, %arg4: memref<33792x256xf32, #tpu.memory_space<hbm>>, %arg5: memref<1056xi32, #tpu.memory_space<vmem>>, %arg6: memref<88x256xf32, #tpu.memory_space<vmem>>, %arg7: memref<88x256xf32, #tpu.memory_space<vmem>>, %arg8: memref<!tpu.dma_semaphore, #tpu.memory_space<semaphore_mem>>, %arg9: memref<!tpu.dma_semaphore, #tpu.memory_space<semaphore_mem>>) attributes {dimension_semantics = [#tpu.dimension_semantics<core_parallel>, #tpu.dimension_semantics<subcore_parallel>], iteration_bounds = array<i64: 2, 16>, scalar_prefetch = 0 : i64, scratch_operands = 5 : i64, tpu.core_type = #tpu.core_type<sc_vector_subcore>, window_params = [{transform_indices = #map}, {transform_indices = #map1}, {transform_indices = #map}]} {
    %mul3A = arith.constant 2 : i32
    %mul3A_0 = arith.muli %arg1, %mul3A : i32
    %add3A = arith.addi %mul3A_0, %arg0 : i32
    %mul3A_1 = arith.constant 1056 : i32
    %mul3A_2 = arith.muli %add3A, %mul3A_1 : i32
    "tpu.region"() ({
      %run_scoped3A = tpu.sem_alloc : memref<!tpu.dma_semaphore, #tpu.memory_space<semaphore_mem>>
      %dma_start3A_31 = tpu.memref_slice %arg3[%mul3A_2] : memref<33792xi32, #tpu.memory_space<hbm>> -> memref<1056xi32, #tpu.memory_space<hbm>>
      %dma_start3A_32 = tpu.memref_slice %arg3[%mul3A_2] : memref<33792xi32, #tpu.memory_space<hbm>> -> memref<1056xi32, #tpu.memory_space<hbm>>
      tpu.enqueue_dma source(%dma_start3A_32 : memref<1056xi32, #tpu.memory_space<hbm>>) target(%arg5 : memref<1056xi32, #tpu.memory_space<vmem>>) target_semaphore(%run_scoped3A : memref<!tpu.dma_semaphore, #tpu.memory_space<semaphore_mem>>)
      %dma_wait3A_33 = tpu.memref_slice %arg3[%mul3A_2] : memref<33792xi32, #tpu.memory_space<hbm>> -> memref<1056xi32, #tpu.memory_space<hbm>>
      %dma_wait3A_34 = tpu.memref_slice %arg3[%mul3A_2] : memref<33792xi32, #tpu.memory_space<hbm>> -> memref<1056xi32, #tpu.memory_space<hbm>>
      tpu.wait_dma2 semaphore(%run_scoped3A : memref<!tpu.dma_semaphore, #tpu.memory_space<semaphore_mem>>) src(%dma_wait3A_34 : memref<1056xi32, #tpu.memory_space<hbm>>) dst(%arg5 : memref<1056xi32, #tpu.memory_space<vmem>>)
      tpu.yield
    }) : () -> ()
    %dma_start3A = arith.constant 0 : i32
    %dma_start3A_3 = tpu.memref_slice %arg5[%dma_start3A] : memref<1056xi32, #tpu.memory_space<vmem>> -> memref<88xi32, #tpu.memory_space<vmem>>
    %dma_start3A_4 = arith.constant 0 : i32
    %dma_start3A_5 = arith.constant 0 : i32
    %dma_start3A_6 = tpu.memref_slice %arg2[%dma_start3A_4, %dma_start3A_5] : memref<100000x256xf32, #tpu.memory_space<hbm>> -> memref<100000x256xf32, #tpu.memory_space<hbm>>
    tpu.enqueue_indirect_dma source(%dma_start3A_6 : memref<100000x256xf32, #tpu.memory_space<hbm>>) target(%arg6 : memref<88x256xf32, #tpu.memory_space<vmem>>) offsets(%dma_start3A_3 : memref<88xi32, #tpu.memory_space<vmem>>) semaphore(%arg8 : memref<!tpu.dma_semaphore, #tpu.memory_space<semaphore_mem>>)
    %scan3A = arith.constant 0 : i32
    %scan3A_7 = arith.constant 5 : i32
    %scan3A_8 = arith.addi %scan3A, %scan3A_7 : i32
    %scan3A_9 = arith.constant 1 : i32
    scf.for %scan3A_31 = %scan3A to %scan3A_8 step %scan3A_9  : i32 {
      %mul3A_32 = arith.constant 2 : i32
      %mul3A_33 = arith.muli %scan3A_31, %mul3A_32 : i32
      %add3A_34 = arith.constant 0 : i32
      %add3A_35 = arith.addi %add3A_34, %mul3A_33 : i32
      %add3A_36 = arith.constant 1 : i32
      %add3A_37 = arith.addi %add3A_35, %add3A_36 : i32
      %mul3A_38 = arith.constant 88 : i32
      %mul3A_39 = arith.muli %add3A_37, %mul3A_38 : i32
      %dma_start3A_40 = tpu.memref_slice %arg5[%mul3A_39] : memref<1056xi32, #tpu.memory_space<vmem>> -> memref<88xi32, #tpu.memory_space<vmem>>
      %dma_start3A_41 = arith.constant 0 : i32
      %dma_start3A_42 = arith.constant 0 : i32
      %dma_start3A_43 = tpu.memref_slice %arg2[%dma_start3A_41, %dma_start3A_42] : memref<100000x256xf32, #tpu.memory_space<hbm>> -> memref<100000x256xf32, #tpu.memory_space<hbm>>
      tpu.enqueue_indirect_dma source(%dma_start3A_43 : memref<100000x256xf32, #tpu.memory_space<hbm>>) target(%arg7 : memref<88x256xf32, #tpu.memory_space<vmem>>) offsets(%dma_start3A_40 : memref<88xi32, #tpu.memory_space<vmem>>) semaphore(%arg9 : memref<!tpu.dma_semaphore, #tpu.memory_space<semaphore_mem>>)
      %dma_wait3A_44 = arith.constant 0 : i32
      %dma_wait3A_45 = arith.constant 0 : i32
      %dma_wait3A_46 = tpu.memref_slice %arg2[%dma_wait3A_44, %dma_wait3A_45] : memref<100000x256xf32, #tpu.memory_space<hbm>> -> memref<88x256xf32, #tpu.memory_space<hbm>>
      %dma_wait3A_47 = arith.constant 0 : i32
      %dma_wait3A_48 = arith.constant 0 : i32
      %dma_wait3A_49 = tpu.memref_slice %arg2[%dma_wait3A_47, %dma_wait3A_48] : memref<100000x256xf32, #tpu.memory_space<hbm>> -> memref<88x256xf32, #tpu.memory_space<hbm>>
      tpu.wait_dma2 semaphore(%arg8 : memref<!tpu.dma_semaphore, #tpu.memory_space<semaphore_mem>>) src(%dma_wait3A_49 : memref<88x256xf32, #tpu.memory_space<hbm>>) dst(%arg6 : memref<88x256xf32, #tpu.memory_space<vmem>>)
      %mul3A_50 = arith.constant 88 : i32
      %mul3A_51 = arith.muli %add3A_35, %mul3A_50 : i32
      %add3A_52 = arith.addi %mul3A_2, %mul3A_51 : i32
      "tpu.region"() ({
        %run_scoped3A = tpu.sem_alloc : memref<!tpu.dma_semaphore, #tpu.memory_space<semaphore_mem>>
        %dma_start3A_72 = arith.constant 0 : i32
        %dma_start3A_73 = tpu.memref_slice %arg4[%add3A_52, %dma_start3A_72] : memref<33792x256xf32, #tpu.memory_space<hbm>> -> memref<88x256xf32, #tpu.memory_space<hbm>>
        %dma_start3A_74 = arith.constant 0 : i32
        %dma_start3A_75 = tpu.memref_slice %arg4[%add3A_52, %dma_start3A_74] : memref<33792x256xf32, #tpu.memory_space<hbm>> -> memref<88x256xf32, #tpu.memory_space<hbm>>
        tpu.enqueue_dma source(%arg6 : memref<88x256xf32, #tpu.memory_space<vmem>>) target(%dma_start3A_75 : memref<88x256xf32, #tpu.memory_space<hbm>>) target_semaphore(%run_scoped3A : memref<!tpu.dma_semaphore, #tpu.memory_space<semaphore_mem>>)
        %dma_wait3A_76 = arith.constant 0 : i32
        %dma_wait3A_77 = tpu.memref_slice %arg4[%add3A_52, %dma_wait3A_76] : memref<33792x256xf32, #tpu.memory_space<hbm>> -> memref<88x256xf32, #tpu.memory_space<hbm>>
        %dma_wait3A_78 = arith.constant 0 : i32
        %dma_wait3A_79 = tpu.memref_slice %arg4[%add3A_52, %dma_wait3A_78] : memref<33792x256xf32, #tpu.memory_space<hbm>> -> memref<88x256xf32, #tpu.memory_space<hbm>>
        tpu.wait_dma2 semaphore(%run_scoped3A : memref<!tpu.dma_semaphore, #tpu.memory_space<semaphore_mem>>) src(%arg6 : memref<88x256xf32, #tpu.memory_space<vmem>>) dst(%dma_wait3A_79 : memref<88x256xf32, #tpu.memory_space<hbm>>)
        tpu.yield
      }) : () -> ()
      %add3A_53 = arith.constant 2 : i32
      %add3A_54 = arith.addi %add3A_35, %add3A_53 : i32
      %mul3A_55 = arith.constant 88 : i32
      %mul3A_56 = arith.muli %add3A_54, %mul3A_55 : i32
      %dma_start3A_57 = tpu.memref_slice %arg5[%mul3A_56] : memref<1056xi32, #tpu.memory_space<vmem>> -> memref<88xi32, #tpu.memory_space<vmem>>
      %dma_start3A_58 = arith.constant 0 : i32
      %dma_start3A_59 = arith.constant 0 : i32
      %dma_start3A_60 = tpu.memref_slice %arg2[%dma_start3A_58, %dma_start3A_59] : memref<100000x256xf32, #tpu.memory_space<hbm>> -> memref<100000x256xf32, #tpu.memory_space<hbm>>
      tpu.enqueue_indirect_dma source(%dma_start3A_60 : memref<100000x256xf32, #tpu.memory_space<hbm>>) target(%arg6 : memref<88x256xf32, #tpu.memory_space<vmem>>) offsets(%dma_start3A_57 : memref<88xi32, #tpu.memory_space<vmem>>) semaphore(%arg8 : memref<!tpu.dma_semaphore, #tpu.memory_space<semaphore_mem>>)
      %dma_wait3A_61 = arith.constant 0 : i32
      %dma_wait3A_62 = arith.constant 0 : i32
      %dma_wait3A_63 = tpu.memref_slice %arg2[%dma_wait3A_61, %dma_wait3A_62] : memref<100000x256xf32, #tpu.memory_space<hbm>> -> memref<88x256xf32, #tpu.memory_space<hbm>>
      %dma_wait3A_64 = arith.constant 0 : i32
      %dma_wait3A_65 = arith.constant 0 : i32
      %dma_wait3A_66 = tpu.memref_slice %arg2[%dma_wait3A_64, %dma_wait3A_65] : memref<100000x256xf32, #tpu.memory_space<hbm>> -> memref<88x256xf32, #tpu.memory_space<hbm>>
      tpu.wait_dma2 semaphore(%arg9 : memref<!tpu.dma_semaphore, #tpu.memory_space<semaphore_mem>>) src(%dma_wait3A_66 : memref<88x256xf32, #tpu.memory_space<hbm>>) dst(%arg7 : memref<88x256xf32, #tpu.memory_space<vmem>>)
      %add3A_67 = arith.constant 1 : i32
      %add3A_68 = arith.addi %add3A_35, %add3A_67 : i32
      %mul3A_69 = arith.constant 88 : i32
      %mul3A_70 = arith.muli %add3A_68, %mul3A_69 : i32
      %add3A_71 = arith.addi %mul3A_2, %mul3A_70 : i32
      "tpu.region"() ({
        %run_scoped3A = tpu.sem_alloc : memref<!tpu.dma_semaphore, #tpu.memory_space<semaphore_mem>>
        %dma_start3A_72 = arith.constant 0 : i32
        %dma_start3A_73 = tpu.memref_slice %arg4[%add3A_71, %dma_start3A_72] : memref<33792x256xf32, #tpu.memory_space<hbm>> -> memref<88x256xf32, #tpu.memory_space<hbm>>
        %dma_start3A_74 = arith.constant 0 : i32
        %dma_start3A_75 = tpu.memref_slice %arg4[%add3A_71, %dma_start3A_74] : memref<33792x256xf32, #tpu.memory_space<hbm>> -> memref<88x256xf32, #tpu.memory_space<hbm>>
        tpu.enqueue_dma source(%arg7 : memref<88x256xf32, #tpu.memory_space<vmem>>) target(%dma_start3A_75 : memref<88x256xf32, #tpu.memory_space<hbm>>) target_semaphore(%run_scoped3A : memref<!tpu.dma_semaphore, #tpu.memory_space<semaphore_mem>>)
        %dma_wait3A_76 = arith.constant 0 : i32
        %dma_wait3A_77 = tpu.memref_slice %arg4[%add3A_71, %dma_wait3A_76] : memref<33792x256xf32, #tpu.memory_space<hbm>> -> memref<88x256xf32, #tpu.memory_space<hbm>>
        %dma_wait3A_78 = arith.constant 0 : i32
        %dma_wait3A_79 = tpu.memref_slice %arg4[%add3A_71, %dma_wait3A_78] : memref<33792x256xf32, #tpu.memory_space<hbm>> -> memref<88x256xf32, #tpu.memory_space<hbm>>
        tpu.wait_dma2 semaphore(%run_scoped3A : memref<!tpu.dma_semaphore, #tpu.memory_space<semaphore_mem>>) src(%arg7 : memref<88x256xf32, #tpu.memory_space<vmem>>) dst(%dma_wait3A_79 : memref<88x256xf32, #tpu.memory_space<hbm>>)
        tpu.yield
      }) : () -> ()
    }
    %scan3A_10 = arith.constant 5 : i32
    %dma_start3A_11 = arith.constant 968 : i32
    %dma_start3A_12 = tpu.memref_slice %arg5[%dma_start3A_11] : memref<1056xi32, #tpu.memory_space<vmem>> -> memref<88xi32, #tpu.memory_space<vmem>>
    %dma_start3A_13 = arith.constant 0 : i32
    %dma_start3A_14 = arith.constant 0 : i32
    %dma_start3A_15 = tpu.memref_slice %arg2[%dma_start3A_13, %dma_start3A_14] : memref<100000x256xf32, #tpu.memory_space<hbm>> -> memref<100000x256xf32, #tpu.memory_space<hbm>>
    tpu.enqueue_indirect_dma source(%dma_start3A_15 : memref<100000x256xf32, #tpu.memory_space<hbm>>) target(%arg7 : memref<88x256xf32, #tpu.memory_space<vmem>>) offsets(%dma_start3A_12 : memref<88xi32, #tpu.memory_space<vmem>>) semaphore(%arg9 : memref<!tpu.dma_semaphore, #tpu.memory_space<semaphore_mem>>)
    %dma_wait3A = arith.constant 0 : i32
    %dma_wait3A_16 = arith.constant 0 : i32
    %dma_wait3A_17 = tpu.memref_slice %arg2[%dma_wait3A, %dma_wait3A_16] : memref<100000x256xf32, #tpu.memory_space<hbm>> -> memref<88x256xf32, #tpu.memory_space<hbm>>
    %dma_wait3A_18 = arith.constant 0 : i32
    %dma_wait3A_19 = arith.constant 0 : i32
    %dma_wait3A_20 = tpu.memref_slice %arg2[%dma_wait3A_18, %dma_wait3A_19] : memref<100000x256xf32, #tpu.memory_space<hbm>> -> memref<88x256xf32, #tpu.memory_space<hbm>>
    tpu.wait_dma2 semaphore(%arg8 : memref<!tpu.dma_semaphore, #tpu.memory_space<semaphore_mem>>) src(%dma_wait3A_20 : memref<88x256xf32, #tpu.memory_space<hbm>>) dst(%arg6 : memref<88x256xf32, #tpu.memory_space<vmem>>)
    %add3A_21 = arith.constant 880 : i32
    %add3A_22 = arith.addi %mul3A_2, %add3A_21 : i32
    "tpu.region"() ({
      %run_scoped3A = tpu.sem_alloc : memref<!tpu.dma_semaphore, #tpu.memory_space<semaphore_mem>>
      %dma_start3A_31 = arith.constant 0 : i32
      %dma_start3A_32 = tpu.memref_slice %arg4[%add3A_22, %dma_start3A_31] : memref<33792x256xf32, #tpu.memory_space<hbm>> -> memref<88x256xf32, #tpu.memory_space<hbm>>
      %dma_start3A_33 = arith.constant 0 : i32
      %dma_start3A_34 = tpu.memref_slice %arg4[%add3A_22, %dma_start3A_33] : memref<33792x256xf32, #tpu.memory_space<hbm>> -> memref<88x256xf32, #tpu.memory_space<hbm>>
      tpu.enqueue_dma source(%arg6 : memref<88x256xf32, #tpu.memory_space<vmem>>) target(%dma_start3A_34 : memref<88x256xf32, #tpu.memory_space<hbm>>) target_semaphore(%run_scoped3A : memref<!tpu.dma_semaphore, #tpu.memory_space<semaphore_mem>>)
      %dma_wait3A_35 = arith.constant 0 : i32
      %dma_wait3A_36 = tpu.memref_slice %arg4[%add3A_22, %dma_wait3A_35] : memref<33792x256xf32, #tpu.memory_space<hbm>> -> memref<88x256xf32, #tpu.memory_space<hbm>>
      %dma_wait3A_37 = arith.constant 0 : i32
      %dma_wait3A_38 = tpu.memref_slice %arg4[%add3A_22, %dma_wait3A_37] : memref<33792x256xf32, #tpu.memory_space<hbm>> -> memref<88x256xf32, #tpu.memory_space<hbm>>
      tpu.wait_dma2 semaphore(%run_scoped3A : memref<!tpu.dma_semaphore, #tpu.memory_space<semaphore_mem>>) src(%arg6 : memref<88x256xf32, #tpu.memory_space<vmem>>) dst(%dma_wait3A_38 : memref<88x256xf32, #tpu.memory_space<hbm>>)
      tpu.yield
    }) : () -> ()
    %dma_wait3A_23 = arith.constant 0 : i32
    %dma_wait3A_24 = arith.constant 0 : i32
    %dma_wait3A_25 = tpu.memref_slice %arg2[%dma_wait3A_23, %dma_wait3A_24] : memref<100000x256xf32, #tpu.memory_space<hbm>> -> memref<88x256xf32, #tpu.memory_space<hbm>>
    %dma_wait3A_26 = arith.constant 0 : i32
    %dma_wait3A_27 = arith.constant 0 : i32
    %dma_wait3A_28 = tpu.memref_slice %arg2[%dma_wait3A_26, %dma_wait3A_27] : memref<100000x256xf32, #tpu.memory_space<hbm>> -> memref<88x256xf32, #tpu.memory_space<hbm>>
    tpu.wait_dma2 semaphore(%arg9 : memref<!tpu.dma_semaphore, #tpu.memory_space<semaphore_mem>>) src(%dma_wait3A_28 : memref<88x256xf32, #tpu.memory_space<hbm>>) dst(%arg7 : memref<88x256xf32, #tpu.memory_space<vmem>>)
    %add3A_29 = arith.constant 968 : i32
    %add3A_30 = arith.addi %mul3A_2, %add3A_29 : i32
    "tpu.region"() ({
      %run_scoped3A = tpu.sem_alloc : memref<!tpu.dma_semaphore, #tpu.memory_space<semaphore_mem>>
      %dma_start3A_31 = arith.constant 0 : i32
      %dma_start3A_32 = tpu.memref_slice %arg4[%add3A_30, %dma_start3A_31] : memref<33792x256xf32, #tpu.memory_space<hbm>> -> memref<88x256xf32, #tpu.memory_space<hbm>>
      %dma_start3A_33 = arith.constant 0 : i32
      %dma_start3A_34 = tpu.memref_slice %arg4[%add3A_30, %dma_start3A_33] : memref<33792x256xf32, #tpu.memory_space<hbm>> -> memref<88x256xf32, #tpu.memory_space<hbm>>
      tpu.enqueue_dma source(%arg7 : memref<88x256xf32, #tpu.memory_space<vmem>>) target(%dma_start3A_34 : memref<88x256xf32, #tpu.memory_space<hbm>>) target_semaphore(%run_scoped3A : memref<!tpu.dma_semaphore, #tpu.memory_space<semaphore_mem>>)
      %dma_wait3A_35 = arith.constant 0 : i32
      %dma_wait3A_36 = tpu.memref_slice %arg4[%add3A_30, %dma_wait3A_35] : memref<33792x256xf32, #tpu.memory_space<hbm>> -> memref<88x256xf32, #tpu.memory_space<hbm>>
      %dma_wait3A_37 = arith.constant 0 : i32
      %dma_wait3A_38 = tpu.memref_slice %arg4[%add3A_30, %dma_wait3A_37] : memref<33792x256xf32, #tpu.memory_space<hbm>> -> memref<88x256xf32, #tpu.memory_space<hbm>>
      tpu.wait_dma2 semaphore(%run_scoped3A : memref<!tpu.dma_semaphore, #tpu.memory_space<semaphore_mem>>) src(%arg7 : memref<88x256xf32, #tpu.memory_space<vmem>>) dst(%dma_wait3A_38 : memref<88x256xf32, #tpu.memory_space<hbm>>)
      tpu.yield
    }) : () -> ()
    return
  }
}

#map = affine_map<(d0, d1) -> (0, 0)>
#map1 = affine_map<(d0, d1) -> (0)>
module attributes {stable_mosaic.version = 14 : i64} {
  func.func @gather_kernel(%arg0: i32, %arg1: i32, %arg2: memref<100000x256xf32, #tpu.memory_space<hbm>>, %arg3: memref<33792xi32, #tpu.memory_space<hbm>>, %arg4: memref<33792x256xf32, #tpu.memory_space<hbm>>, %arg5: memref<1056xi32, #tpu.memory_space<vmem>>, %arg6: memref<88x256xf32, #tpu.memory_space<vmem>>, %arg7: memref<88x256xf32, #tpu.memory_space<vmem>>, %arg8: memref<!tpu.dma_semaphore, #tpu.memory_space<semaphore_mem>>, %arg9: memref<!tpu.dma_semaphore, #tpu.memory_space<semaphore_mem>>) attributes {dimension_semantics = [#tpu.dimension_semantics<core_parallel>, #tpu.dimension_semantics<subcore_parallel>], iteration_bounds = array<i64: 2, 16>, scalar_prefetch = 0 : i64, scratch_operands = 5 : i64, tpu.core_type = #tpu.core_type<sc_vector_subcore>, window_params = [{transform_indices = #map}, {transform_indices = #map1}, {transform_indices = #map}]} {
    %mul3A = arith.constant 2 : i32
    %mul3A_0 = arith.muli %arg1, %mul3A : i32
    %add3A = arith.addi %mul3A_0, %arg0 : i32
    %mul3A_1 = arith.constant 1056 : i32
    %mul3A_2 = arith.muli %add3A, %mul3A_1 : i32
    "tpu.region"() ({
      %run_scoped3A = tpu.sem_alloc : memref<!tpu.dma_semaphore, #tpu.memory_space<semaphore_mem>>
      %dma_start3A_31 = tpu.memref_slice %arg3[%mul3A_2] : memref<33792xi32, #tpu.memory_space<hbm>> -> memref<1056xi32, #tpu.memory_space<hbm>>
      %dma_start3A_32 = tpu.memref_slice %arg3[%mul3A_2] : memref<33792xi32, #tpu.memory_space<hbm>> -> memref<1056xi32, #tpu.memory_space<hbm>>
      tpu.enqueue_dma source(%dma_start3A_32 : memref<1056xi32, #tpu.memory_space<hbm>>) target(%arg5 : memref<1056xi32, #tpu.memory_space<vmem>>) target_semaphore(%run_scoped3A : memref<!tpu.dma_semaphore, #tpu.memory_space<semaphore_mem>>)
      %dma_wait3A_33 = tpu.memref_slice %arg3[%mul3A_2] : memref<33792xi32, #tpu.memory_space<hbm>> -> memref<1056xi32, #tpu.memory_space<hbm>>
      %dma_wait3A_34 = tpu.memref_slice %arg3[%mul3A_2] : memref<33792xi32, #tpu.memory_space<hbm>> -> memref<1056xi32, #tpu.memory_space<hbm>>
      tpu.wait_dma2 semaphore(%run_scoped3A : memref<!tpu.dma_semaphore, #tpu.memory_space<semaphore_mem>>) src(%dma_wait3A_34 : memref<1056xi32, #tpu.memory_space<hbm>>) dst(%arg5 : memref<1056xi32, #tpu.memory_space<vmem>>)
      tpu.yield
    }) : () -> ()
    %dma_start3A = arith.constant 0 : i32
    %dma_start3A_3 = tpu.memref_slice %arg5[%dma_start3A] : memref<1056xi32, #tpu.memory_space<vmem>> -> memref<88xi32, #tpu.memory_space<vmem>>
    %dma_start3A_4 = arith.constant 0 : i32
    %dma_start3A_5 = arith.constant 0 : i32
    %dma_start3A_6 = tpu.memref_slice %arg2[%dma_start3A_4, %dma_start3A_5] : memref<100000x256xf32, #tpu.memory_space<hbm>> -> memref<100000x256xf32, #tpu.memory_space<hbm>>
    tpu.enqueue_indirect_dma source(%dma_start3A_6 : memref<100000x256xf32, #tpu.memory_space<hbm>>) target(%arg6 : memref<88x256xf32, #tpu.memory_space<vmem>>) offsets(%dma_start3A_3 : memref<88xi32, #tpu.memory_space<vmem>>) semaphore(%arg8 : memref<!tpu.dma_semaphore, #tpu.memory_space<semaphore_mem>>)
    %scan3A = arith.constant 0 : i32
    %scan3A_7 = arith.constant 5 : i32
    %scan3A_8 = arith.addi %scan3A, %scan3A_7 : i32
    %scan3A_9 = arith.constant 1 : i32
    scf.for %scan3A_31 = %scan3A to %scan3A_8 step %scan3A_9  : i32 {
      %mul3A_32 = arith.constant 2 : i32
      %mul3A_33 = arith.muli %scan3A_31, %mul3A_32 : i32
      %add3A_34 = arith.constant 0 : i32
      %add3A_35 = arith.addi %add3A_34, %mul3A_33 : i32
      %add3A_36 = arith.constant 1 : i32
      %add3A_37 = arith.addi %add3A_35, %add3A_36 : i32
      %mul3A_38 = arith.constant 88 : i32
      %mul3A_39 = arith.muli %add3A_37, %mul3A_38 : i32
      %dma_start3A_40 = tpu.memref_slice %arg5[%mul3A_39] : memref<1056xi32, #tpu.memory_space<vmem>> -> memref<88xi32, #tpu.memory_space<vmem>>
      %dma_start3A_41 = arith.constant 0 : i32
      %dma_start3A_42 = arith.constant 0 : i32
      %dma_start3A_43 = tpu.memref_slice %arg2[%dma_start3A_41, %dma_start3A_42] : memref<100000x256xf32, #tpu.memory_space<hbm>> -> memref<100000x256xf32, #tpu.memory_space<hbm>>
      tpu.enqueue_indirect_dma source(%dma_start3A_43 : memref<100000x256xf32, #tpu.memory_space<hbm>>) target(%arg7 : memref<88x256xf32, #tpu.memory_space<vmem>>) offsets(%dma_start3A_40 : memref<88xi32, #tpu.memory_space<vmem>>) semaphore(%arg9 : memref<!tpu.dma_semaphore, #tpu.memory_space<semaphore_mem>>)
      %dma_wait3A_44 = arith.constant 0 : i32
      %dma_wait3A_45 = arith.constant 0 : i32
      %dma_wait3A_46 = tpu.memref_slice %arg2[%dma_wait3A_44, %dma_wait3A_45] : memref<100000x256xf32, #tpu.memory_space<hbm>> -> memref<88x256xf32, #tpu.memory_space<hbm>>
      %dma_wait3A_47 = arith.constant 0 : i32
      %dma_wait3A_48 = arith.constant 0 : i32
      %dma_wait3A_49 = tpu.memref_slice %arg2[%dma_wait3A_47, %dma_wait3A_48] : memref<100000x256xf32, #tpu.memory_space<hbm>> -> memref<88x256xf32, #tpu.memory_space<hbm>>
      tpu.wait_dma2 semaphore(%arg8 : memref<!tpu.dma_semaphore, #tpu.memory_space<semaphore_mem>>) src(%dma_wait3A_49 : memref<88x256xf32, #tpu.memory_space<hbm>>) dst(%arg6 : memref<88x256xf32, #tpu.memory_space<vmem>>)
      %mul3A_50 = arith.constant 88 : i32
      %mul3A_51 = arith.muli %add3A_35, %mul3A_50 : i32
      %add3A_52 = arith.addi %mul3A_2, %mul3A_51 : i32
      "tpu.region"() ({
        %run_scoped3A = tpu.sem_alloc : memref<!tpu.dma_semaphore, #tpu.memory_space<semaphore_mem>>
        %dma_start3A_72 = arith.constant 0 : i32
        %dma_start3A_73 = tpu.memref_slice %arg4[%add3A_52, %dma_start3A_72] : memref<33792x256xf32, #tpu.memory_space<hbm>> -> memref<88x256xf32, #tpu.memory_space<hbm>>
        %dma_start3A_74 = arith.constant 0 : i32
        %dma_start3A_75 = tpu.memref_slice %arg4[%add3A_52, %dma_start3A_74] : memref<33792x256xf32, #tpu.memory_space<hbm>> -> memref<88x256xf32, #tpu.memory_space<hbm>>
        tpu.enqueue_dma source(%arg6 : memref<88x256xf32, #tpu.memory_space<vmem>>) target(%dma_start3A_75 : memref<88x256xf32, #tpu.memory_space<hbm>>) target_semaphore(%run_scoped3A : memref<!tpu.dma_semaphore, #tpu.memory_space<semaphore_mem>>)
        %dma_wait3A_76 = arith.constant 0 : i32
        %dma_wait3A_77 = tpu.memref_slice %arg4[%add3A_52, %dma_wait3A_76] : memref<33792x256xf32, #tpu.memory_space<hbm>> -> memref<88x256xf32, #tpu.memory_space<hbm>>
        %dma_wait3A_78 = arith.constant 0 : i32
        %dma_wait3A_79 = tpu.memref_slice %arg4[%add3A_52, %dma_wait3A_78] : memref<33792x256xf32, #tpu.memory_space<hbm>> -> memref<88x256xf32, #tpu.memory_space<hbm>>
        tpu.wait_dma2 semaphore(%run_scoped3A : memref<!tpu.dma_semaphore, #tpu.memory_space<semaphore_mem>>) src(%arg6 : memref<88x256xf32, #tpu.memory_space<vmem>>) dst(%dma_wait3A_79 : memref<88x256xf32, #tpu.memory_space<hbm>>)
        tpu.yield
      }) : () -> ()
      %add3A_53 = arith.constant 2 : i32
      %add3A_54 = arith.addi %add3A_35, %add3A_53 : i32
      %mul3A_55 = arith.constant 88 : i32
      %mul3A_56 = arith.muli %add3A_54, %mul3A_55 : i32
      %dma_start3A_57 = tpu.memref_slice %arg5[%mul3A_56] : memref<1056xi32, #tpu.memory_space<vmem>> -> memref<88xi32, #tpu.memory_space<vmem>>
      %dma_start3A_58 = arith.constant 0 : i32
      %dma_start3A_59 = arith.constant 0 : i32
      %dma_start3A_60 = tpu.memref_slice %arg2[%dma_start3A_58, %dma_start3A_59] : memref<100000x256xf32, #tpu.memory_space<hbm>> -> memref<100000x256xf32, #tpu.memory_space<hbm>>
      tpu.enqueue_indirect_dma source(%dma_start3A_60 : memref<100000x256xf32, #tpu.memory_space<hbm>>) target(%arg6 : memref<88x256xf32, #tpu.memory_space<vmem>>) offsets(%dma_start3A_57 : memref<88xi32, #tpu.memory_space<vmem>>) semaphore(%arg8 : memref<!tpu.dma_semaphore, #tpu.memory_space<semaphore_mem>>)
      %dma_wait3A_61 = arith.constant 0 : i32
      %dma_wait3A_62 = arith.constant 0 : i32
      %dma_wait3A_63 = tpu.memref_slice %arg2[%dma_wait3A_61, %dma_wait3A_62] : memref<100000x256xf32, #tpu.memory_space<hbm>> -> memref<88x256xf32, #tpu.memory_space<hbm>>
      %dma_wait3A_64 = arith.constant 0 : i32
      %dma_wait3A_65 = arith.constant 0 : i32
      %dma_wait3A_66 = tpu.memref_slice %arg2[%dma_wait3A_64, %dma_wait3A_65] : memref<100000x256xf32, #tpu.memory_space<hbm>> -> memref<88x256xf32, #tpu.memory_space<hbm>>
      tpu.wait_dma2 semaphore(%arg9 : memref<!tpu.dma_semaphore, #tpu.memory_space<semaphore_mem>>) src(%dma_wait3A_66 : memref<88x256xf32, #tpu.memory_space<hbm>>) dst(%arg7 : memref<88x256xf32, #tpu.memory_space<vmem>>)
      %add3A_67 = arith.constant 1 : i32
      %add3A_68 = arith.addi %add3A_35, %add3A_67 : i32
      %mul3A_69 = arith.constant 88 : i32
      %mul3A_70 = arith.muli %add3A_68, %mul3A_69 : i32
      %add3A_71 = arith.addi %mul3A_2, %mul3A_70 : i32
      "tpu.region"() ({
        %run_scoped3A = tpu.sem_alloc : memref<!tpu.dma_semaphore, #tpu.memory_space<semaphore_mem>>
        %dma_start3A_72 = arith.constant 0 : i32
        %dma_start3A_73 = tpu.memref_slice %arg4[%add3A_71, %dma_start3A_72] : memref<33792x256xf32, #tpu.memory_space<hbm>> -> memref<88x256xf32, #tpu.memory_space<hbm>>
        %dma_start3A_74 = arith.constant 0 : i32
        %dma_start3A_75 = tpu.memref_slice %arg4[%add3A_71, %dma_start3A_74] : memref<33792x256xf32, #tpu.memory_space<hbm>> -> memref<88x256xf32, #tpu.memory_space<hbm>>
        tpu.enqueue_dma source(%arg7 : memref<88x256xf32, #tpu.memory_space<vmem>>) target(%dma_start3A_75 : memref<88x256xf32, #tpu.memory_space<hbm>>) target_semaphore(%run_scoped3A : memref<!tpu.dma_semaphore, #tpu.memory_space<semaphore_mem>>)
        %dma_wait3A_76 = arith.constant 0 : i32
        %dma_wait3A_77 = tpu.memref_slice %arg4[%add3A_71, %dma_wait3A_76] : memref<33792x256xf32, #tpu.memory_space<hbm>> -> memref<88x256xf32, #tpu.memory_space<hbm>>
        %dma_wait3A_78 = arith.constant 0 : i32
        %dma_wait3A_79 = tpu.memref_slice %arg4[%add3A_71, %dma_wait3A_78] : memref<33792x256xf32, #tpu.memory_space<hbm>> -> memref<88x256xf32, #tpu.memory_space<hbm>>
        tpu.wait_dma2 semaphore(%run_scoped3A : memref<!tpu.dma_semaphore, #tpu.memory_space<semaphore_mem>>) src(%arg7 : memref<88x256xf32, #tpu.memory_space<vmem>>) dst(%dma_wait3A_79 : memref<88x256xf32, #tpu.memory_space<hbm>>)
        tpu.yield
      }) : () -> ()
    }
    %scan3A_10 = arith.constant 5 : i32
    %dma_start3A_11 = arith.constant 968 : i32
    %dma_start3A_12 = tpu.memref_slice %arg5[%dma_start3A_11] : memref<1056xi32, #tpu.memory_space<vmem>> -> memref<88xi32, #tpu.memory_space<vmem>>
    %dma_start3A_13 = arith.constant 0 : i32
    %dma_start3A_14 = arith.constant 0 : i32
    %dma_start3A_15 = tpu.memref_slice %arg2[%dma_start3A_13, %dma_start3A_14] : memref<100000x256xf32, #tpu.memory_space<hbm>> -> memref<100000x256xf32, #tpu.memory_space<hbm>>
    tpu.enqueue_indirect_dma source(%dma_start3A_15 : memref<100000x256xf32, #tpu.memory_space<hbm>>) target(%arg7 : memref<88x256xf32, #tpu.memory_space<vmem>>) offsets(%dma_start3A_12 : memref<88xi32, #tpu.memory_space<vmem>>) semaphore(%arg9 : memref<!tpu.dma_semaphore, #tpu.memory_space<semaphore_mem>>)
    %dma_wait3A = arith.constant 0 : i32
    %dma_wait3A_16 = arith.constant 0 : i32
    %dma_wait3A_17 = tpu.memref_slice %arg2[%dma_wait3A, %dma_wait3A_16] : memref<100000x256xf32, #tpu.memory_space<hbm>> -> memref<88x256xf32, #tpu.memory_space<hbm>>
    %dma_wait3A_18 = arith.constant 0 : i32
    %dma_wait3A_19 = arith.constant 0 : i32
    %dma_wait3A_20 = tpu.memref_slice %arg2[%dma_wait3A_18, %dma_wait3A_19] : memref<100000x256xf32, #tpu.memory_space<hbm>> -> memref<88x256xf32, #tpu.memory_space<hbm>>
    tpu.wait_dma2 semaphore(%arg8 : memref<!tpu.dma_semaphore, #tpu.memory_space<semaphore_mem>>) src(%dma_wait3A_20 : memref<88x256xf32, #tpu.memory_space<hbm>>) dst(%arg6 : memref<88x256xf32, #tpu.memory_space<vmem>>)
    %add3A_21 = arith.constant 880 : i32
    %add3A_22 = arith.addi %mul3A_2, %add3A_21 : i32
    "tpu.region"() ({
      %run_scoped3A = tpu.sem_alloc : memref<!tpu.dma_semaphore, #tpu.memory_space<semaphore_mem>>
      %dma_start3A_31 = arith.constant 0 : i32
      %dma_start3A_32 = tpu.memref_slice %arg4[%add3A_22, %dma_start3A_31] : memref<33792x256xf32, #tpu.memory_space<hbm>> -> memref<88x256xf32, #tpu.memory_space<hbm>>
      %dma_start3A_33 = arith.constant 0 : i32
      %dma_start3A_34 = tpu.memref_slice %arg4[%add3A_22, %dma_start3A_33] : memref<33792x256xf32, #tpu.memory_space<hbm>> -> memref<88x256xf32, #tpu.memory_space<hbm>>
      tpu.enqueue_dma source(%arg6 : memref<88x256xf32, #tpu.memory_space<vmem>>) target(%dma_start3A_34 : memref<88x256xf32, #tpu.memory_space<hbm>>) target_semaphore(%run_scoped3A : memref<!tpu.dma_semaphore, #tpu.memory_space<semaphore_mem>>)
      %dma_wait3A_35 = arith.constant 0 : i32
      %dma_wait3A_36 = tpu.memref_slice %arg4[%add3A_22, %dma_wait3A_35] : memref<33792x256xf32, #tpu.memory_space<hbm>> -> memref<88x256xf32, #tpu.memory_space<hbm>>
      %dma_wait3A_37 = arith.constant 0 : i32
      %dma_wait3A_38 = tpu.memref_slice %arg4[%add3A_22, %dma_wait3A_37] : memref<33792x256xf32, #tpu.memory_space<hbm>> -> memref<88x256xf32, #tpu.memory_space<hbm>>
      tpu.wait_dma2 semaphore(%run_scoped3A : memref<!tpu.dma_semaphore, #tpu.memory_space<semaphore_mem>>) src(%arg6 : memref<88x256xf32, #tpu.memory_space<vmem>>) dst(%dma_wait3A_38 : memref<88x256xf32, #tpu.memory_space<hbm>>)
      tpu.yield
    }) : () -> ()
    %dma_wait3A_23 = arith.constant 0 : i32
    %dma_wait3A_24 = arith.constant 0 : i32
    %dma_wait3A_25 = tpu.memref_slice %arg2[%dma_wait3A_23, %dma_wait3A_24] : memref<100000x256xf32, #tpu.memory_space<hbm>> -> memref<88x256xf32, #tpu.memory_space<hbm>>
    %dma_wait3A_26 = arith.constant 0 : i32
    %dma_wait3A_27 = arith.constant 0 : i32
    %dma_wait3A_28 = tpu.memref_slice %arg2[%dma_wait3A_26, %dma_wait3A_27] : memref<100000x256xf32, #tpu.memory_space<hbm>> -> memref<88x256xf32, #tpu.memory_space<hbm>>
    tpu.wait_dma2 semaphore(%arg9 : memref<!tpu.dma_semaphore, #tpu.memory_space<semaphore_mem>>) src(%dma_wait3A_28 : memref<88x256xf32, #tpu.memory_space<hbm>>) dst(%arg7 : memref<88x256xf32, #tpu.memory_space<vmem>>)
    %add3A_29 = arith.constant 968 : i32
    %add3A_30 = arith.addi %mul3A_2, %add3A_29 : i32
    "tpu.region"() ({
      %run_scoped3A = tpu.sem_alloc : memref<!tpu.dma_semaphore, #tpu.memory_space<semaphore_mem>>
      %dma_start3A_31 = arith.constant 0 : i32
      %dma_start3A_32 = tpu.memref_slice %arg4[%add3A_30, %dma_start3A_31] : memref<33792x256xf32, #tpu.memory_space<hbm>> -> memref<88x256xf32, #tpu.memory_space<hbm>>
      %dma_start3A_33 = arith.constant 0 : i32
      %dma_start3A_34 = tpu.memref_slice %arg4[%add3A_30, %dma_start3A_33] : memref<33792x256xf32, #tpu.memory_space<hbm>> -> memref<88x256xf32, #tpu.memory_space<hbm>>
      tpu.enqueue_dma source(%arg7 : memref<88x256xf32, #tpu.memory_space<vmem>>) target(%dma_start3A_34 : memref<88x256xf32, #tpu.memory_space<hbm>>) target_semaphore(%run_scoped3A : memref<!tpu.dma_semaphore, #tpu.memory_space<semaphore_mem>>)
      %dma_wait3A_35 = arith.constant 0 : i32
      %dma_wait3A_36 = tpu.memref_slice %arg4[%add3A_30, %dma_wait3A_35] : memref<33792x256xf32, #tpu.memory_space<hbm>> -> memref<88x256xf32, #tpu.memory_space<hbm>>
      %dma_wait3A_37 = arith.constant 0 : i32
      %dma_wait3A_38 = tpu.memref_slice %arg4[%add3A_30, %dma_wait3A_37] : memref<33792x256xf32, #tpu.memory_space<hbm>> -> memref<88x256xf32, #tpu.memory_space<hbm>>
      tpu.wait_dma2 semaphore(%run_scoped3A : memref<!tpu.dma_semaphore, #tpu.memory_space<semaphore_mem>>) src(%arg7 : memref<88x256xf32, #tpu.memory_space<vmem>>) dst(%dma_wait3A_38 : memref<88x256xf32, #tpu.memory_space<hbm>>)
      tpu.yield
    }) : () -> ()
    return
  }
}

#map = affine_map<(d0, d1) -> (0, 0)>
#map1 = affine_map<(d0, d1) -> (0)>
module attributes {stable_mosaic.version = 14 : i64} {
  func.func @gather_kernel(%arg0: i32, %arg1: i32, %arg2: memref<100000x256xf32, #tpu.memory_space<hbm>>, %arg3: memref<33792xi32, #tpu.memory_space<hbm>>, %arg4: memref<33792x256xf32, #tpu.memory_space<hbm>>, %arg5: memref<1056xi32, #tpu.memory_space<vmem>>, %arg6: memref<88x256xf32, #tpu.memory_space<vmem>>, %arg7: memref<88x256xf32, #tpu.memory_space<vmem>>, %arg8: memref<!tpu.dma_semaphore, #tpu.memory_space<semaphore_mem>>, %arg9: memref<!tpu.dma_semaphore, #tpu.memory_space<semaphore_mem>>) attributes {dimension_semantics = [#tpu.dimension_semantics<core_parallel>, #tpu.dimension_semantics<subcore_parallel>], iteration_bounds = array<i64: 2, 16>, scalar_prefetch = 0 : i64, scratch_operands = 5 : i64, tpu.core_type = #tpu.core_type<sc_vector_subcore>, window_params = [{transform_indices = #map}, {transform_indices = #map1}, {transform_indices = #map}]} {
    %mul3A = arith.constant 2 : i32
    %mul3A_0 = arith.muli %arg1, %mul3A : i32
    %add3A = arith.addi %mul3A_0, %arg0 : i32
    %mul3A_1 = arith.constant 1056 : i32
    %mul3A_2 = arith.muli %add3A, %mul3A_1 : i32
    "tpu.region"() ({
      %run_scoped3A = tpu.sem_alloc : memref<!tpu.dma_semaphore, #tpu.memory_space<semaphore_mem>>
      %dma_start3A_31 = tpu.memref_slice %arg3[%mul3A_2] : memref<33792xi32, #tpu.memory_space<hbm>> -> memref<1056xi32, #tpu.memory_space<hbm>>
      %dma_start3A_32 = tpu.memref_slice %arg3[%mul3A_2] : memref<33792xi32, #tpu.memory_space<hbm>> -> memref<1056xi32, #tpu.memory_space<hbm>>
      tpu.enqueue_dma source(%dma_start3A_32 : memref<1056xi32, #tpu.memory_space<hbm>>) target(%arg5 : memref<1056xi32, #tpu.memory_space<vmem>>) target_semaphore(%run_scoped3A : memref<!tpu.dma_semaphore, #tpu.memory_space<semaphore_mem>>)
      %dma_wait3A_33 = tpu.memref_slice %arg3[%mul3A_2] : memref<33792xi32, #tpu.memory_space<hbm>> -> memref<1056xi32, #tpu.memory_space<hbm>>
      %dma_wait3A_34 = tpu.memref_slice %arg3[%mul3A_2] : memref<33792xi32, #tpu.memory_space<hbm>> -> memref<1056xi32, #tpu.memory_space<hbm>>
      tpu.wait_dma2 semaphore(%run_scoped3A : memref<!tpu.dma_semaphore, #tpu.memory_space<semaphore_mem>>) src(%dma_wait3A_34 : memref<1056xi32, #tpu.memory_space<hbm>>) dst(%arg5 : memref<1056xi32, #tpu.memory_space<vmem>>)
      tpu.yield
    }) : () -> ()
    %dma_start3A = arith.constant 0 : i32
    %dma_start3A_3 = tpu.memref_slice %arg5[%dma_start3A] : memref<1056xi32, #tpu.memory_space<vmem>> -> memref<88xi32, #tpu.memory_space<vmem>>
    %dma_start3A_4 = arith.constant 0 : i32
    %dma_start3A_5 = arith.constant 0 : i32
    %dma_start3A_6 = tpu.memref_slice %arg2[%dma_start3A_4, %dma_start3A_5] : memref<100000x256xf32, #tpu.memory_space<hbm>> -> memref<100000x256xf32, #tpu.memory_space<hbm>>
    tpu.enqueue_indirect_dma source(%dma_start3A_6 : memref<100000x256xf32, #tpu.memory_space<hbm>>) target(%arg6 : memref<88x256xf32, #tpu.memory_space<vmem>>) offsets(%dma_start3A_3 : memref<88xi32, #tpu.memory_space<vmem>>) semaphore(%arg8 : memref<!tpu.dma_semaphore, #tpu.memory_space<semaphore_mem>>)
    %scan3A = arith.constant 0 : i32
    %scan3A_7 = arith.constant 5 : i32
    %scan3A_8 = arith.addi %scan3A, %scan3A_7 : i32
    %scan3A_9 = arith.constant 1 : i32
    scf.for %scan3A_31 = %scan3A to %scan3A_8 step %scan3A_9  : i32 {
      %mul3A_32 = arith.constant 2 : i32
      %mul3A_33 = arith.muli %scan3A_31, %mul3A_32 : i32
      %add3A_34 = arith.constant 0 : i32
      %add3A_35 = arith.addi %add3A_34, %mul3A_33 : i32
      %add3A_36 = arith.constant 1 : i32
      %add3A_37 = arith.addi %add3A_35, %add3A_36 : i32
      %mul3A_38 = arith.constant 88 : i32
      %mul3A_39 = arith.muli %add3A_37, %mul3A_38 : i32
      %dma_start3A_40 = tpu.memref_slice %arg5[%mul3A_39] : memref<1056xi32, #tpu.memory_space<vmem>> -> memref<88xi32, #tpu.memory_space<vmem>>
      %dma_start3A_41 = arith.constant 0 : i32
      %dma_start3A_42 = arith.constant 0 : i32
      %dma_start3A_43 = tpu.memref_slice %arg2[%dma_start3A_41, %dma_start3A_42] : memref<100000x256xf32, #tpu.memory_space<hbm>> -> memref<100000x256xf32, #tpu.memory_space<hbm>>
      tpu.enqueue_indirect_dma source(%dma_start3A_43 : memref<100000x256xf32, #tpu.memory_space<hbm>>) target(%arg7 : memref<88x256xf32, #tpu.memory_space<vmem>>) offsets(%dma_start3A_40 : memref<88xi32, #tpu.memory_space<vmem>>) semaphore(%arg9 : memref<!tpu.dma_semaphore, #tpu.memory_space<semaphore_mem>>)
      %dma_wait3A_44 = arith.constant 0 : i32
      %dma_wait3A_45 = arith.constant 0 : i32
      %dma_wait3A_46 = tpu.memref_slice %arg2[%dma_wait3A_44, %dma_wait3A_45] : memref<100000x256xf32, #tpu.memory_space<hbm>> -> memref<88x256xf32, #tpu.memory_space<hbm>>
      %dma_wait3A_47 = arith.constant 0 : i32
      %dma_wait3A_48 = arith.constant 0 : i32
      %dma_wait3A_49 = tpu.memref_slice %arg2[%dma_wait3A_47, %dma_wait3A_48] : memref<100000x256xf32, #tpu.memory_space<hbm>> -> memref<88x256xf32, #tpu.memory_space<hbm>>
      tpu.wait_dma2 semaphore(%arg8 : memref<!tpu.dma_semaphore, #tpu.memory_space<semaphore_mem>>) src(%dma_wait3A_49 : memref<88x256xf32, #tpu.memory_space<hbm>>) dst(%arg6 : memref<88x256xf32, #tpu.memory_space<vmem>>)
      %mul3A_50 = arith.constant 88 : i32
      %mul3A_51 = arith.muli %add3A_35, %mul3A_50 : i32
      %add3A_52 = arith.addi %mul3A_2, %mul3A_51 : i32
      "tpu.region"() ({
        %run_scoped3A = tpu.sem_alloc : memref<!tpu.dma_semaphore, #tpu.memory_space<semaphore_mem>>
        %dma_start3A_72 = arith.constant 0 : i32
        %dma_start3A_73 = tpu.memref_slice %arg4[%add3A_52, %dma_start3A_72] : memref<33792x256xf32, #tpu.memory_space<hbm>> -> memref<88x256xf32, #tpu.memory_space<hbm>>
        %dma_start3A_74 = arith.constant 0 : i32
        %dma_start3A_75 = tpu.memref_slice %arg4[%add3A_52, %dma_start3A_74] : memref<33792x256xf32, #tpu.memory_space<hbm>> -> memref<88x256xf32, #tpu.memory_space<hbm>>
        tpu.enqueue_dma source(%arg6 : memref<88x256xf32, #tpu.memory_space<vmem>>) target(%dma_start3A_75 : memref<88x256xf32, #tpu.memory_space<hbm>>) target_semaphore(%run_scoped3A : memref<!tpu.dma_semaphore, #tpu.memory_space<semaphore_mem>>)
        %dma_wait3A_76 = arith.constant 0 : i32
        %dma_wait3A_77 = tpu.memref_slice %arg4[%add3A_52, %dma_wait3A_76] : memref<33792x256xf32, #tpu.memory_space<hbm>> -> memref<88x256xf32, #tpu.memory_space<hbm>>
        %dma_wait3A_78 = arith.constant 0 : i32
        %dma_wait3A_79 = tpu.memref_slice %arg4[%add3A_52, %dma_wait3A_78] : memref<33792x256xf32, #tpu.memory_space<hbm>> -> memref<88x256xf32, #tpu.memory_space<hbm>>
        tpu.wait_dma2 semaphore(%run_scoped3A : memref<!tpu.dma_semaphore, #tpu.memory_space<semaphore_mem>>) src(%arg6 : memref<88x256xf32, #tpu.memory_space<vmem>>) dst(%dma_wait3A_79 : memref<88x256xf32, #tpu.memory_space<hbm>>)
        tpu.yield
      }) : () -> ()
      %add3A_53 = arith.constant 2 : i32
      %add3A_54 = arith.addi %add3A_35, %add3A_53 : i32
      %mul3A_55 = arith.constant 88 : i32
      %mul3A_56 = arith.muli %add3A_54, %mul3A_55 : i32
      %dma_start3A_57 = tpu.memref_slice %arg5[%mul3A_56] : memref<1056xi32, #tpu.memory_space<vmem>> -> memref<88xi32, #tpu.memory_space<vmem>>
      %dma_start3A_58 = arith.constant 0 : i32
      %dma_start3A_59 = arith.constant 0 : i32
      %dma_start3A_60 = tpu.memref_slice %arg2[%dma_start3A_58, %dma_start3A_59] : memref<100000x256xf32, #tpu.memory_space<hbm>> -> memref<100000x256xf32, #tpu.memory_space<hbm>>
      tpu.enqueue_indirect_dma source(%dma_start3A_60 : memref<100000x256xf32, #tpu.memory_space<hbm>>) target(%arg6 : memref<88x256xf32, #tpu.memory_space<vmem>>) offsets(%dma_start3A_57 : memref<88xi32, #tpu.memory_space<vmem>>) semaphore(%arg8 : memref<!tpu.dma_semaphore, #tpu.memory_space<semaphore_mem>>)
      %dma_wait3A_61 = arith.constant 0 : i32
      %dma_wait3A_62 = arith.constant 0 : i32
      %dma_wait3A_63 = tpu.memref_slice %arg2[%dma_wait3A_61, %dma_wait3A_62] : memref<100000x256xf32, #tpu.memory_space<hbm>> -> memref<88x256xf32, #tpu.memory_space<hbm>>
      %dma_wait3A_64 = arith.constant 0 : i32
      %dma_wait3A_65 = arith.constant 0 : i32
      %dma_wait3A_66 = tpu.memref_slice %arg2[%dma_wait3A_64, %dma_wait3A_65] : memref<100000x256xf32, #tpu.memory_space<hbm>> -> memref<88x256xf32, #tpu.memory_space<hbm>>
      tpu.wait_dma2 semaphore(%arg9 : memref<!tpu.dma_semaphore, #tpu.memory_space<semaphore_mem>>) src(%dma_wait3A_66 : memref<88x256xf32, #tpu.memory_space<hbm>>) dst(%arg7 : memref<88x256xf32, #tpu.memory_space<vmem>>)
      %add3A_67 = arith.constant 1 : i32
      %add3A_68 = arith.addi %add3A_35, %add3A_67 : i32
      %mul3A_69 = arith.constant 88 : i32
      %mul3A_70 = arith.muli %add3A_68, %mul3A_69 : i32
      %add3A_71 = arith.addi %mul3A_2, %mul3A_70 : i32
      "tpu.region"() ({
        %run_scoped3A = tpu.sem_alloc : memref<!tpu.dma_semaphore, #tpu.memory_space<semaphore_mem>>
        %dma_start3A_72 = arith.constant 0 : i32
        %dma_start3A_73 = tpu.memref_slice %arg4[%add3A_71, %dma_start3A_72] : memref<33792x256xf32, #tpu.memory_space<hbm>> -> memref<88x256xf32, #tpu.memory_space<hbm>>
        %dma_start3A_74 = arith.constant 0 : i32
        %dma_start3A_75 = tpu.memref_slice %arg4[%add3A_71, %dma_start3A_74] : memref<33792x256xf32, #tpu.memory_space<hbm>> -> memref<88x256xf32, #tpu.memory_space<hbm>>
        tpu.enqueue_dma source(%arg7 : memref<88x256xf32, #tpu.memory_space<vmem>>) target(%dma_start3A_75 : memref<88x256xf32, #tpu.memory_space<hbm>>) target_semaphore(%run_scoped3A : memref<!tpu.dma_semaphore, #tpu.memory_space<semaphore_mem>>)
        %dma_wait3A_76 = arith.constant 0 : i32
        %dma_wait3A_77 = tpu.memref_slice %arg4[%add3A_71, %dma_wait3A_76] : memref<33792x256xf32, #tpu.memory_space<hbm>> -> memref<88x256xf32, #tpu.memory_space<hbm>>
        %dma_wait3A_78 = arith.constant 0 : i32
        %dma_wait3A_79 = tpu.memref_slice %arg4[%add3A_71, %dma_wait3A_78] : memref<33792x256xf32, #tpu.memory_space<hbm>> -> memref<88x256xf32, #tpu.memory_space<hbm>>
        tpu.wait_dma2 semaphore(%run_scoped3A : memref<!tpu.dma_semaphore, #tpu.memory_space<semaphore_mem>>) src(%arg7 : memref<88x256xf32, #tpu.memory_space<vmem>>) dst(%dma_wait3A_79 : memref<88x256xf32, #tpu.memory_space<hbm>>)
        tpu.yield
      }) : () -> ()
    }
    %scan3A_10 = arith.constant 5 : i32
    %dma_start3A_11 = arith.constant 968 : i32
    %dma_start3A_12 = tpu.memref_slice %arg5[%dma_start3A_11] : memref<1056xi32, #tpu.memory_space<vmem>> -> memref<88xi32, #tpu.memory_space<vmem>>
    %dma_start3A_13 = arith.constant 0 : i32
    %dma_start3A_14 = arith.constant 0 : i32
    %dma_start3A_15 = tpu.memref_slice %arg2[%dma_start3A_13, %dma_start3A_14] : memref<100000x256xf32, #tpu.memory_space<hbm>> -> memref<100000x256xf32, #tpu.memory_space<hbm>>
    tpu.enqueue_indirect_dma source(%dma_start3A_15 : memref<100000x256xf32, #tpu.memory_space<hbm>>) target(%arg7 : memref<88x256xf32, #tpu.memory_space<vmem>>) offsets(%dma_start3A_12 : memref<88xi32, #tpu.memory_space<vmem>>) semaphore(%arg9 : memref<!tpu.dma_semaphore, #tpu.memory_space<semaphore_mem>>)
    %dma_wait3A = arith.constant 0 : i32
    %dma_wait3A_16 = arith.constant 0 : i32
    %dma_wait3A_17 = tpu.memref_slice %arg2[%dma_wait3A, %dma_wait3A_16] : memref<100000x256xf32, #tpu.memory_space<hbm>> -> memref<88x256xf32, #tpu.memory_space<hbm>>
    %dma_wait3A_18 = arith.constant 0 : i32
    %dma_wait3A_19 = arith.constant 0 : i32
    %dma_wait3A_20 = tpu.memref_slice %arg2[%dma_wait3A_18, %dma_wait3A_19] : memref<100000x256xf32, #tpu.memory_space<hbm>> -> memref<88x256xf32, #tpu.memory_space<hbm>>
    tpu.wait_dma2 semaphore(%arg8 : memref<!tpu.dma_semaphore, #tpu.memory_space<semaphore_mem>>) src(%dma_wait3A_20 : memref<88x256xf32, #tpu.memory_space<hbm>>) dst(%arg6 : memref<88x256xf32, #tpu.memory_space<vmem>>)
    %add3A_21 = arith.constant 880 : i32
    %add3A_22 = arith.addi %mul3A_2, %add3A_21 : i32
    "tpu.region"() ({
      %run_scoped3A = tpu.sem_alloc : memref<!tpu.dma_semaphore, #tpu.memory_space<semaphore_mem>>
      %dma_start3A_31 = arith.constant 0 : i32
      %dma_start3A_32 = tpu.memref_slice %arg4[%add3A_22, %dma_start3A_31] : memref<33792x256xf32, #tpu.memory_space<hbm>> -> memref<88x256xf32, #tpu.memory_space<hbm>>
      %dma_start3A_33 = arith.constant 0 : i32
      %dma_start3A_34 = tpu.memref_slice %arg4[%add3A_22, %dma_start3A_33] : memref<33792x256xf32, #tpu.memory_space<hbm>> -> memref<88x256xf32, #tpu.memory_space<hbm>>
      tpu.enqueue_dma source(%arg6 : memref<88x256xf32, #tpu.memory_space<vmem>>) target(%dma_start3A_34 : memref<88x256xf32, #tpu.memory_space<hbm>>) target_semaphore(%run_scoped3A : memref<!tpu.dma_semaphore, #tpu.memory_space<semaphore_mem>>)
      %dma_wait3A_35 = arith.constant 0 : i32
      %dma_wait3A_36 = tpu.memref_slice %arg4[%add3A_22, %dma_wait3A_35] : memref<33792x256xf32, #tpu.memory_space<hbm>> -> memref<88x256xf32, #tpu.memory_space<hbm>>
      %dma_wait3A_37 = arith.constant 0 : i32
      %dma_wait3A_38 = tpu.memref_slice %arg4[%add3A_22, %dma_wait3A_37] : memref<33792x256xf32, #tpu.memory_space<hbm>> -> memref<88x256xf32, #tpu.memory_space<hbm>>
      tpu.wait_dma2 semaphore(%run_scoped3A : memref<!tpu.dma_semaphore, #tpu.memory_space<semaphore_mem>>) src(%arg6 : memref<88x256xf32, #tpu.memory_space<vmem>>) dst(%dma_wait3A_38 : memref<88x256xf32, #tpu.memory_space<hbm>>)
      tpu.yield
    }) : () -> ()
    %dma_wait3A_23 = arith.constant 0 : i32
    %dma_wait3A_24 = arith.constant 0 : i32
    %dma_wait3A_25 = tpu.memref_slice %arg2[%dma_wait3A_23, %dma_wait3A_24] : memref<100000x256xf32, #tpu.memory_space<hbm>> -> memref<88x256xf32, #tpu.memory_space<hbm>>
    %dma_wait3A_26 = arith.constant 0 : i32
    %dma_wait3A_27 = arith.constant 0 : i32
    %dma_wait3A_28 = tpu.memref_slice %arg2[%dma_wait3A_26, %dma_wait3A_27] : memref<100000x256xf32, #tpu.memory_space<hbm>> -> memref<88x256xf32, #tpu.memory_space<hbm>>
    tpu.wait_dma2 semaphore(%arg9 : memref<!tpu.dma_semaphore, #tpu.memory_space<semaphore_mem>>) src(%dma_wait3A_28 : memref<88x256xf32, #tpu.memory_space<hbm>>) dst(%arg7 : memref<88x256xf32, #tpu.memory_space<vmem>>)
    %add3A_29 = arith.constant 968 : i32
    %add3A_30 = arith.addi %mul3A_2, %add3A_29 : i32
    "tpu.region"() ({
      %run_scoped3A = tpu.sem_alloc : memref<!tpu.dma_semaphore, #tpu.memory_space<semaphore_mem>>
      %dma_start3A_31 = arith.constant 0 : i32
      %dma_start3A_32 = tpu.memref_slice %arg4[%add3A_30, %dma_start3A_31] : memref<33792x256xf32, #tpu.memory_space<hbm>> -> memref<88x256xf32, #tpu.memory_space<hbm>>
      %dma_start3A_33 = arith.constant 0 : i32
      %dma_start3A_34 = tpu.memref_slice %arg4[%add3A_30, %dma_start3A_33] : memref<33792x256xf32, #tpu.memory_space<hbm>> -> memref<88x256xf32, #tpu.memory_space<hbm>>
      tpu.enqueue_dma source(%arg7 : memref<88x256xf32, #tpu.memory_space<vmem>>) target(%dma_start3A_34 : memref<88x256xf32, #tpu.memory_space<hbm>>) target_semaphore(%run_scoped3A : memref<!tpu.dma_semaphore, #tpu.memory_space<semaphore_mem>>)
      %dma_wait3A_35 = arith.constant 0 : i32
      %dma_wait3A_36 = tpu.memref_slice %arg4[%add3A_30, %dma_wait3A_35] : memref<33792x256xf32, #tpu.memory_space<hbm>> -> memref<88x256xf32, #tpu.memory_space<hbm>>
      %dma_wait3A_37 = arith.constant 0 : i32
      %dma_wait3A_38 = tpu.memref_slice %arg4[%add3A_30, %dma_wait3A_37] : memref<33792x256xf32, #tpu.memory_space<hbm>> -> memref<88x256xf32, #tpu.memory_space<hbm>>
      tpu.wait_dma2 semaphore(%run_scoped3A : memref<!tpu.dma_semaphore, #tpu.memory_space<semaphore_mem>>) src(%arg7 : memref<88x256xf32, #tpu.memory_space<vmem>>) dst(%dma_wait3A_38 : memref<88x256xf32, #tpu.memory_space<hbm>>)
      tpu.yield
    }) : () -> ()
    return
  }
}

module attributes {stable_mosaic.version = 14 : i64} {
  func.func @_tc_body(%arg0: i32, %arg1: memref<128x256xf32, #tpu.memory_space<vmem>>, %arg2: memref<128x256xf32, #tpu.memory_space<vmem>>, %arg3: memref<8192x256xf32, #tpu.memory_space<vmem>>, %arg4: memref<128x64xf32, #tpu.memory_space<vmem>>, %arg5: memref<256x512xbf16, #tpu.memory_space<vmem>>, %arg6: memref<256x512xbf16, #tpu.memory_space<vmem>>, %arg7: memref<1x512xf32, #tpu.memory_space<vmem>>, %arg8: memref<512x256xbf16, #tpu.memory_space<vmem>>, %arg9: memref<1x256xf32, #tpu.memory_space<vmem>>, %arg10: memref<256x512xbf16, #tpu.memory_space<vmem>>, %arg11: memref<256x512xbf16, #tpu.memory_space<vmem>>, %arg12: memref<256x512xbf16, #tpu.memory_space<vmem>>, %arg13: memref<1x512xf32, #tpu.memory_space<vmem>>, %arg14: memref<512x1xbf16, #tpu.memory_space<vmem>>, %arg15: memref<1x1xf32, #tpu.memory_space<vmem>>, %arg16: memref<128x64xf32, #tpu.memory_space<vmem>>) attributes {dimension_semantics = [#tpu.dimension_semantics<arbitrary>], iteration_bounds = array<i64: 4>, scalar_prefetch = 0 : i64, scratch_operands = 0 : i64, tpu.core_type = #tpu.core_type<tc>, window_params = [{transform_indices = @transform_0, window_bounds = array<i64: 128, 256>}, {transform_indices = @transform_1, window_bounds = array<i64: 128, 256>}, {transform_indices = @transform_2, window_bounds = array<i64: 8192, 256>}, {transform_indices = @transform_3, window_bounds = array<i64: 128, 64>}, {pipeline_mode = #tpu.pipeline_mode<synchronous>, transform_indices = @transform_4, window_bounds = array<i64: 256, 512>}, {pipeline_mode = #tpu.pipeline_mode<synchronous>, transform_indices = @transform_5, window_bounds = array<i64: 256, 512>}, {pipeline_mode = #tpu.pipeline_mode<synchronous>, transform_indices = @transform_6, window_bounds = array<i64: 1, 512>}, {pipeline_mode = #tpu.pipeline_mode<synchronous>, transform_indices = @transform_7, window_bounds = array<i64: 512, 256>}, {pipeline_mode = #tpu.pipeline_mode<synchronous>, transform_indices = @transform_8, window_bounds = array<i64: 1, 256>}, {pipeline_mode = #tpu.pipeline_mode<synchronous>, transform_indices = @transform_9, window_bounds = array<i64: 256, 512>}, {pipeline_mode = #tpu.pipeline_mode<synchronous>, transform_indices = @transform_10, window_bounds = array<i64: 256, 512>}, {pipeline_mode = #tpu.pipeline_mode<synchronous>, transform_indices = @transform_11, window_bounds = array<i64: 256, 512>}, {pipeline_mode = #tpu.pipeline_mode<synchronous>, transform_indices = @transform_12, window_bounds = array<i64: 1, 512>}, {pipeline_mode = #tpu.pipeline_mode<synchronous>, transform_indices = @transform_13, window_bounds = array<i64: 512, 1>}, {pipeline_mode = #tpu.pipeline_mode<synchronous>, transform_indices = @transform_14, window_bounds = array<i64: 1, 1>}, {transform_indices = @transform_15, window_bounds = array<i64: 128, 64>}]} {
    %get3A = arith.constant 0 : index
    %get3A_0 = arith.constant 0 : index
    %get3A_1 = vector.load %arg4[%get3A, %get3A_0] : memref<128x64xf32, #tpu.memory_space<vmem>>, vector<128x64xf32>
    %broadcast_in_dim3A = vector.shape_cast %get3A_1 : vector<128x64xf32> to vector<128x64x1xf32>
    %get3A_2 = arith.constant 0 : index
    %get3A_3 = arith.constant 0 : index
    %get3A_4 = vector.load %arg3[%get3A_2, %get3A_3] : memref<8192x256xf32, #tpu.memory_space<vmem>>, vector<8192x256xf32>
    %convert_element_type3A = arith.truncf %get3A_4 : vector<8192x256xf32> to vector<8192x256xbf16>
    %reshape3A = vector.shape_cast %get3A_4 : vector<8192x256xf32> to vector<128x64x256xf32>
    %mul3A = vector.broadcast %broadcast_in_dim3A : vector<128x64x1xf32> to vector<128x64x256xf32>
    %mul3A_5 = arith.mulf %reshape3A, %mul3A : vector<128x64x256xf32>
    %reduce_sum3A = arith.constant dense<0.000000e+00> : vector<128x256xf32>
    %reduce_sum3A_6 = vector.multi_reduction <add>, %mul3A_5, %reduce_sum3A [1] : vector<128x64x256xf32> to vector<128x256xf32>
    %reduce_sum3A_7 = arith.constant dense<0.000000e+00> : vector<128xf32>
    %reduce_sum3A_8 = vector.multi_reduction <add>, %get3A_1, %reduce_sum3A_7 [1] : vector<128x64xf32> to vector<128xf32>
    %broadcast_in_dim3A_9 = vector.shape_cast %reduce_sum3A_8 : vector<128xf32> to vector<128x1xf32>
    %max3A = arith.constant 1.000000e+00 : f32
    %max3A_10 = vector.broadcast %max3A : f32 to vector<128x1xf32>
    %max3A_11 = arith.maximumf %broadcast_in_dim3A_9, %max3A_10 : vector<128x1xf32>
    %div3A = vector.broadcast %max3A_11 : vector<128x1xf32> to vector<128x256xf32>
    %div3A_12 = arith.divf %reduce_sum3A_6, %div3A : vector<128x256xf32>
    %convert_element_type3A_13 = arith.truncf %div3A_12 : vector<128x256xf32> to vector<128x256xbf16>
    %get3A_14 = arith.constant 0 : index
    %get3A_15 = arith.constant 0 : index
    %get3A_16 = vector.load %arg1[%get3A_14, %get3A_15] : memref<128x256xf32, #tpu.memory_space<vmem>>, vector<128x256xf32>
    %convert_element_type3A_17 = arith.truncf %get3A_16 : vector<128x256xf32> to vector<128x256xbf16>
    %get3A_18 = arith.constant 0 : index
    %get3A_19 = arith.constant 0 : index
    %get3A_20 = vector.load %arg2[%get3A_18, %get3A_19] : memref<128x256xf32, #tpu.memory_space<vmem>>, vector<128x256xf32>
    %convert_element_type3A_21 = arith.truncf %get3A_20 : vector<128x256xf32> to vector<128x256xbf16>
    %get3A_22 = arith.constant 0 : index
    %get3A_23 = arith.constant 0 : index
    %get3A_24 = vector.load %arg5[%get3A_22, %get3A_23] : memref<256x512xbf16, #tpu.memory_space<vmem>>, vector<256x512xbf16>
    %dot_general3A = arith.constant dense<0.000000e+00> : vector<128x512xf32>
    %dot_general3A_25 = tpu.matmul %convert_element_type3A_17, %get3A_24, %dot_general3A {dimension_numbers = #tpu.dot_dimension_numbers<[1], [0], [0], [1], [0, 0, 1, 1], [], []>, transpose_lhs_hint = false} : vector<128x256xbf16>, vector<256x512xbf16>, vector<128x512xf32> -> vector<128x512xf32>
    %get3A_26 = arith.constant 0 : index
    %get3A_27 = arith.constant 0 : index
    %get3A_28 = vector.load %arg6[%get3A_26, %get3A_27] : memref<256x512xbf16, #tpu.memory_space<vmem>>, vector<256x512xbf16>
    %dot_general3A_29 = arith.constant dense<0.000000e+00> : vector<128x512xf32>
    %dot_general3A_30 = tpu.matmul %convert_element_type3A_13, %get3A_28, %dot_general3A_29 {dimension_numbers = #tpu.dot_dimension_numbers<[1], [0], [0], [1], [0, 0, 1, 1], [], []>, transpose_lhs_hint = false} : vector<128x256xbf16>, vector<256x512xbf16>, vector<128x512xf32> -> vector<128x512xf32>
    %add3A = arith.addf %dot_general3A_25, %dot_general3A_30 : vector<128x512xf32>
    %get3A_31 = arith.constant 0 : index
    %get3A_32 = arith.constant 0 : index
    %get3A_33 = vector.load %arg7[%get3A_31, %get3A_32] : memref<1x512xf32, #tpu.memory_space<vmem>>, vector<1x512xf32>
    %add3A_34 = vector.broadcast %get3A_33 : vector<1x512xf32> to vector<128x512xf32>
    %add3A_35 = arith.addf %add3A, %add3A_34 : vector<128x512xf32>
    %max3A_36 = arith.constant 0.000000e+00 : f32
    %max3A_37 = vector.broadcast %max3A_36 : f32 to vector<128x512xf32>
    %max3A_38 = arith.maximumf %add3A_35, %max3A_37 : vector<128x512xf32>
    %convert_element_type3A_39 = arith.truncf %max3A_38 : vector<128x512xf32> to vector<128x512xbf16>
    %get3A_40 = arith.constant 0 : index
    %get3A_41 = arith.constant 0 : index
    %get3A_42 = vector.load %arg8[%get3A_40, %get3A_41] : memref<512x256xbf16, #tpu.memory_space<vmem>>, vector<512x256xbf16>
    %dot_general3A_43 = arith.constant dense<0.000000e+00> : vector<128x256xf32>
    %dot_general3A_44 = tpu.matmul %convert_element_type3A_39, %get3A_42, %dot_general3A_43 {dimension_numbers = #tpu.dot_dimension_numbers<[1], [0], [0], [1], [0, 0, 1, 1], [], []>, transpose_lhs_hint = false} : vector<128x512xbf16>, vector<512x256xbf16>, vector<128x256xf32> -> vector<128x256xf32>
    %get3A_45 = arith.constant 0 : index
    %get3A_46 = arith.constant 0 : index
    %get3A_47 = vector.load %arg9[%get3A_45, %get3A_46] : memref<1x256xf32, #tpu.memory_space<vmem>>, vector<1x256xf32>
    %add3A_48 = vector.broadcast %get3A_47 : vector<1x256xf32> to vector<128x256xf32>
    %add3A_49 = arith.addf %dot_general3A_44, %add3A_48 : vector<128x256xf32>
    %convert_element_type3A_50 = arith.truncf %add3A_49 : vector<128x256xf32> to vector<128x256xbf16>
    %get3A_51 = arith.constant 0 : index
    %get3A_52 = arith.constant 0 : index
    %get3A_53 = vector.load %arg10[%get3A_51, %get3A_52] : memref<256x512xbf16, #tpu.memory_space<vmem>>, vector<256x512xbf16>
    %dot_general3A_54 = arith.constant dense<0.000000e+00> : vector<128x512xf32>
    %dot_general3A_55 = tpu.matmul %convert_element_type3A_50, %get3A_53, %dot_general3A_54 {dimension_numbers = #tpu.dot_dimension_numbers<[1], [0], [0], [1], [0, 0, 1, 1], [], []>, transpose_lhs_hint = false} : vector<128x256xbf16>, vector<256x512xbf16>, vector<128x512xf32> -> vector<128x512xf32>
    %get3A_56 = arith.constant 0 : index
    %get3A_57 = arith.constant 0 : index
    %get3A_58 = vector.load %arg11[%get3A_56, %get3A_57] : memref<256x512xbf16, #tpu.memory_space<vmem>>, vector<256x512xbf16>
    %dot_general3A_59 = arith.constant dense<0.000000e+00> : vector<128x512xf32>
    %dot_general3A_60 = tpu.matmul %convert_element_type3A_21, %get3A_58, %dot_general3A_59 {dimension_numbers = #tpu.dot_dimension_numbers<[1], [0], [0], [1], [0, 0, 1, 1], [], []>, transpose_lhs_hint = false} : vector<128x256xbf16>, vector<256x512xbf16>, vector<128x512xf32> -> vector<128x512xf32>
    %add3A_61 = arith.addf %dot_general3A_55, %dot_general3A_60 : vector<128x512xf32>
    %get3A_62 = arith.constant 0 : index
    %get3A_63 = arith.constant 0 : index
    %get3A_64 = vector.load %arg13[%get3A_62, %get3A_63] : memref<1x512xf32, #tpu.memory_space<vmem>>, vector<1x512xf32>
    %add3A_65 = vector.broadcast %get3A_64 : vector<1x512xf32> to vector<128x512xf32>
    %add3A_66 = arith.addf %add3A_61, %add3A_65 : vector<128x512xf32>
    %convert_element_type3A_67 = arith.truncf %add3A_66 : vector<128x512xf32> to vector<128x512xbf16>
    %get3A_68 = arith.constant 0 : index
    %get3A_69 = arith.constant 0 : index
    %get3A_70 = vector.load %arg12[%get3A_68, %get3A_69] : memref<256x512xbf16, #tpu.memory_space<vmem>>, vector<256x512xbf16>
    %dot_general3A_71 = arith.constant dense<0.000000e+00> : vector<8192x512xf32>
    %dot_general3A_72 = tpu.matmul %convert_element_type3A, %get3A_70, %dot_general3A_71 {dimension_numbers = #tpu.dot_dimension_numbers<[1], [0], [0], [1], [0, 0, 1, 1], [], []>, transpose_lhs_hint = false} : vector<8192x256xbf16>, vector<256x512xbf16>, vector<8192x512xf32> -> vector<8192x512xf32>
    %convert_element_type3A_73 = arith.truncf %dot_general3A_72 : vector<8192x512xf32> to vector<8192x512xbf16>
    %reshape3A_74 = vector.shape_cast %convert_element_type3A_73 : vector<8192x512xbf16> to vector<128x64x512xbf16>
    %broadcast_in_dim3A_75 = vector.shape_cast %convert_element_type3A_67 : vector<128x512xbf16> to vector<128x1x512xbf16>
    %add3A_76 = vector.broadcast %broadcast_in_dim3A_75 : vector<128x1x512xbf16> to vector<128x64x512xbf16>
    %add3A_77 = arith.addf %reshape3A_74, %add3A_76 : vector<128x64x512xbf16>
    %max3A_78 = arith.constant 0.000000e+00 : bf16
    %max3A_79 = vector.broadcast %max3A_78 : bf16 to vector<128x64x512xbf16>
    %max3A_80 = arith.maximumf %add3A_77, %max3A_79 : vector<128x64x512xbf16>
    %reshape3A_81 = vector.shape_cast %max3A_80 : vector<128x64x512xbf16> to vector<8192x512xbf16>
    %get3A_82 = arith.constant 0 : index
    %get3A_83 = arith.constant 0 : index
    %get3A_84 = vector.load %arg14[%get3A_82, %get3A_83] : memref<512x1xbf16, #tpu.memory_space<vmem>>, vector<512x1xbf16>
    %dot_general3A_85 = arith.constant dense<0.000000e+00> : vector<8192x1xf32>
    %dot_general3A_86 = tpu.matmul %reshape3A_81, %get3A_84, %dot_general3A_85 {dimension_numbers = #tpu.dot_dimension_numbers<[1], [0], [0], [1], [0, 0, 1, 1], [], []>, transpose_lhs_hint = false} : vector<8192x512xbf16>, vector<512x1xbf16>, vector<8192x1xf32> -> vector<8192x1xf32>
    %reshape3A_87 = vector.shape_cast %dot_general3A_86 : vector<8192x1xf32> to vector<128x64xf32>
    %get3A_88 = arith.constant 0 : index
    %get3A_89 = arith.constant 0 : index
    %get3A_90 = vector.load %arg15[%get3A_88, %get3A_89] : memref<1x1xf32, #tpu.memory_space<vmem>>, vector<1x1xf32>
    %add3A_91 = vector.broadcast %get3A_90 : vector<1x1xf32> to vector<128x64xf32>
    %add3A_92 = arith.addf %reshape3A_87, %add3A_91 : vector<128x64xf32>
    %gt3A = arith.constant 0.000000e+00 : f32
    %gt3A_93 = vector.broadcast %gt3A : f32 to vector<128x64xf32>
    %gt3A_94 = arith.cmpf ogt, %get3A_1, %gt3A_93 : vector<128x64xf32>
    %jit3A = arith.constant 0xFF800000 : f32
    %broadcast_in_dim3A_95 = vector.broadcast %jit3A : f32 to vector<128x64xf32>
    %select_n3A = arith.select %gt3A_94, %add3A_92, %broadcast_in_dim3A_95 : vector<128x64xi1>, vector<128x64xf32>
    %swap3A = arith.constant 0 : index
    %swap3A_96 = arith.constant 0 : index
    %swap3A_97 = vector.load %arg16[%swap3A, %swap3A_96] : memref<128x64xf32, #tpu.memory_space<vmem>>, vector<128x64xf32>
    tpu.vector_store %arg16[%swap3A, %swap3A_96], %select_n3A {strides = array<i32>} : memref<128x64xf32, #tpu.memory_space<vmem>>, vector<128x64xf32>,
    return
  }
  func.func @transform_0(%arg0: i32) -> (i32, i32) {
    %add3A = arith.constant 256 : i32
    %add3A_0 = arith.addi %add3A, %arg0 : i32
    %c0_i32 = arith.constant 0 : i32
    %c0_i32_1 = arith.constant 0 : i32
    return %add3A_0, %c0_i32 : i32, i32
  }
  func.func @transform_1(%arg0: i32) -> (i32, i32) {
    %add3A = arith.constant 260 : i32
    %add3A_0 = arith.addi %add3A, %arg0 : i32
    %c0_i32 = arith.constant 0 : i32
    %c0_i32_1 = arith.constant 0 : i32
    return %add3A_0, %c0_i32 : i32, i32
  }
  func.func @transform_2(%arg0: i32) -> (i32, i32) {
    %c0_i32 = arith.constant 0 : i32
    %c0_i32_0 = arith.constant 0 : i32
    return %arg0, %c0_i32 : i32, i32
  }
  func.func @transform_3(%arg0: i32) -> (i32, i32) {
    %c0_i32 = arith.constant 0 : i32
    %c0_i32_0 = arith.constant 0 : i32
    return %arg0, %c0_i32 : i32, i32
  }
  func.func @transform_4(%arg0: i32) -> (i32, i32) {
    %c0_i32 = arith.constant 0 : i32
    %c0_i32_0 = arith.constant 0 : i32
    %c0_i32_1 = arith.constant 0 : i32
    return %c0_i32, %c0_i32_0 : i32, i32
  }
  func.func @transform_5(%arg0: i32) -> (i32, i32) {
    %c0_i32 = arith.constant 0 : i32
    %c0_i32_0 = arith.constant 0 : i32
    %c0_i32_1 = arith.constant 0 : i32
    return %c0_i32, %c0_i32_0 : i32, i32
  }
  func.func @transform_6(%arg0: i32) -> (i32, i32) {
    %c0_i32 = arith.constant 0 : i32
    %c0_i32_0 = arith.constant 0 : i32
    %c0_i32_1 = arith.constant 0 : i32
    return %c0_i32, %c0_i32_0 : i32, i32
  }
  func.func @transform_7(%arg0: i32) -> (i32, i32) {
    %c0_i32 = arith.constant 0 : i32
    %c0_i32_0 = arith.constant 0 : i32
    %c0_i32_1 = arith.constant 0 : i32
    return %c0_i32, %c0_i32_0 : i32, i32
  }
  func.func @transform_8(%arg0: i32) -> (i32, i32) {
    %c0_i32 = arith.constant 0 : i32
    %c0_i32_0 = arith.constant 0 : i32
    %c0_i32_1 = arith.constant 0 : i32
    return %c0_i32, %c0_i32_0 : i32, i32
  }
  func.func @transform_9(%arg0: i32) -> (i32, i32) {
    %c0_i32 = arith.constant 0 : i32
    %c0_i32_0 = arith.constant 0 : i32
    %c0_i32_1 = arith.constant 0 : i32
    return %c0_i32, %c0_i32_0 : i32, i32
  }
  func.func @transform_10(%arg0: i32) -> (i32, i32) {
    %c0_i32 = arith.constant 0 : i32
    %c0_i32_0 = arith.constant 0 : i32
    %c0_i32_1 = arith.constant 0 : i32
    return %c0_i32, %c0_i32_0 : i32, i32
  }
  func.func @transform_11(%arg0: i32) -> (i32, i32) {
    %c0_i32 = arith.constant 0 : i32
    %c0_i32_0 = arith.constant 0 : i32
    %c0_i32_1 = arith.constant 0 : i32
    return %c0_i32, %c0_i32_0 : i32, i32
  }
  func.func @transform_12(%arg0: i32) -> (i32, i32) {
    %c0_i32 = arith.constant 0 : i32
    %c0_i32_0 = arith.constant 0 : i32
    %c0_i32_1 = arith.constant 0 : i32
    return %c0_i32, %c0_i32_0 : i32, i32
  }
  func.func @transform_13(%arg0: i32) -> (i32, i32) {
    %c0_i32 = arith.constant 0 : i32
    %c0_i32_0 = arith.constant 0 : i32
    %c0_i32_1 = arith.constant 0 : i32
    return %c0_i32, %c0_i32_0 : i32, i32
  }
  func.func @transform_14(%arg0: i32) -> (i32, i32) {
    %c0_i32 = arith.constant 0 : i32
    %c0_i32_0 = arith.constant 0 : i32
    %c0_i32_1 = arith.constant 0 : i32
    return %c0_i32, %c0_i32_0 : i32, i32
  }
  func.func @transform_15(%arg0: i32) -> (i32, i32) {
    %c0_i32 = arith.constant 0 : i32
    %c0_i32_0 = arith.constant 0 : i32
    return %arg0, %c0_i32 : i32, i32
  }
}

</mosaic_0001>

<sc_bundles>
// kernel: kernel.18.cloned.1.call-start
scs
__scs_entry_jumppad:
0x0: {  	(pc) =	sbr.rel $0x88, $3  }
0x1: {  	(tag) =	ssettag $0x0;
	lr =	simm.s32 $0x1  }
0x2: {  	[smem:$0x3F94] =	sst lr;
	_ =	strace $0xD0000000  }
0x3: {  	_ = 	snop  }
0x4: {  	_ = 	snop  }
0x5: {  	_ = 	snop  }
0x6: {  	_ = 	snop  }
0x7: {  	_ = 	snop  }
__scs_overlays_trampoline_lowered:
0x8: {  	[smem:$0x3FA3] =	sst s0  }
0x9: {  	[smem:$0x3FA4] =	sst s1  }
0xa: {  	[smem:$0x3FA5] =	sst s2  }
0xb: {  	[smem:$0x3FA6] =	sst s3  }
0xc: {  	[smem:$0x3FA7] =	sst s4  }
0xd: {  	[smem:$0x3FA8] =	sst s5  }
0xe: {  	[smem:$0x3FA9] =	sst s6  }
0xf: {  	[smem:$0x3FAA] =	sst s7  }
0x10: {  	[smem:$0x3FAB] =	sst s8  }
0x11: {  	[smem:$0x3FAC] =	sst s9;
	s0 =	simm.s32 @!p0 $0x0  }
0x12: {  	s1 =	sld [smem:$0x3F92];
	s0 =	simm.s32 @p0 $0x1  }
0x13: {  	[smem:$0x3FAD] =	sst s0;
	s0 =	simm.s32 @!p1 $0x0  }
0x14: {  	s2 =	sld [smem:$0x3F91];
	s0 =	simm.s32 @p1 $0x1  }
0x15: {  	[smem:$0x3FAE] =	sst s0;
	s0 =	simm.s32 @!p2 $0x0  }
0x16: {  	s3 =	sld [smem:$0x3FDB];
	s0 =	simm.s32 @p2 $0x1  }
0x17: {  	s4 =	simm.s32 $0x1BF5;
	[smem:$0x3FB0] =	sst s0  }
0x18: {  	s0 =	sld [smem:$0x3F93];
	_ =	swait.ge [sflag:s4], $0x0  }
0x19: {  	s7 =	sld [smem:$0x3F94]  }
0x1a: {  	s8 =	sadd.s32 $0xFFFFE003, lr  }
0x1b: {  	s9 =	sadd.s32 $0xFFFFFEF7, lr;
	s5 =	simm.s32 $0xFFFFFFFF;
	p2 =	slt.u32 s8, $0xFFFFF086  }
0x1c: {  	p1 =	slt.u32 s9, $0xF7A;
	s5 =	simm.s32 @!p2 $0x0  }
0x1d: {  	s5 =	simm.s32 @p1 $0x1;
	p0 =	seq.s32 s7, s2  }
0x1e: {  	s7 =	smul.u32 @!p0 $0xF7A, s2;
	p2 =	seq.s32 @!p0 s5, $0x0  }
0x1f: {  	s9 =	smul.u32 $0xF7A, s1;
	s8 =	simm.s32 @!p0 $0x1BF5;
	p2 =	por !p2, p0  }
0x20: {  	[sflag:s8] =	ssyncset.s32 @!p0 $0xFFFFF086;
	s6 =	sadd.s32 @!p0 s3, s7;
	s7 =	simm.s32 @!p0 $0x108  }
0x21: {  	s3 =	sadd.s32 s3, s9;
	s6 =	sadd.s32 @!p0 $0x88, s6;
	s7 =	simm.s32 @p2 $0x1082  }
0x22: {  	[simem:s7], [sflag:s8] =	dma.local @!p0 [hbm:s6], $0xF7A  }
0x23: {  	s9 =	sor.u32 $0xD0000000, s2;
	s6 =	simm.s32 $0x108;
	_ =	swait.ge @!p0 [sflag:s8], $0x0  }
0x24: {  	s3 =	sadd.s32 $0x88, s3;
	s6 =	simm.s32 @!p1 $0x1082;
	[sflag:s4] =	ssyncset.s32 $0xFFFFF086  }
0x25: {  	[simem:s6], [sflag:s4] =	dma.local [hbm:s3], $0xF7A  }
0x26: {  	[smem:$0x3F94] =	sst s1;
	(tag) =	ssettag s2;
	_ =	strace s9  }
0x27: {  	s1 =	sld [smem:$0x3FA4]  }
0x28: {  	s2 =	sld [smem:$0x3FA5]  }
0x29: {  	s4 =	sld [smem:$0x3FA7]  }
0x2a: {  	p0 =	seq.s32 s5, $0x0;
	s5 =	sld [smem:$0x3FA8]  }
0x2b: {  	s6 =	sld [smem:$0x3FA9]  }
0x2c: {  	s7 =	sld [smem:$0x3FAA]  }
0x2d: {  	s3 =	simm.s32 $0x108;
	s8 =	sld [smem:$0x3FAB]  }
0x2e: {  	s3 =	simm.s32 @!p0 $0x1082;
	s9 =	sld [smem:$0x3FAC]  }
0x2f: {  	lr =	sadd.s32 s0, s3;
	s0 =	sld [smem:$0x3FA3]  }
0x30: {  	s3 =	sld [smem:$0x3FA6]  }
0x31: {  	[smem:$0x3FAF] =	sst s10  }
0x32: {  	s10 =	sld [smem:$0x3FAD];
	_ =	sdelay $0x3  }
0x33: {  	p0 =	seq.s32 s10, $0x1;
	s10 =	sld [smem:$0x3FAF];
	_ =	sdelay $0x3  }
0x34: {  	[smem:$0x3FAF] =	sst s10  }
0x35: {  	s10 =	sld [smem:$0x3FAE];
	_ =	sdelay $0x3  }
0x36: {  	p1 =	seq.s32 s10, $0x1;
	s10 =	sld [smem:$0x3FAF];
	_ =	sdelay $0x3  }
0x37: {  	[smem:$0x3FAF] =	sst s10  }
0x38: {  	s10 =	sld [smem:$0x3FB0]  }
0x39: {  	_ = 	snop;
	(pc) =	sbr.ind lr, $3  }
0x3a: {  	_ = 	snop  }
0x3b: {  	_ = 	snop  }
0x3c: {  	p2 =	seq.s32 s10, $0x1;
	s10 =	sld [smem:$0x3FAF]  }
0x3d: {  	_ =	shalt  }
0x3e: {  	_ =	shalt  }
0x3f: {  	_ =	shalt  }
0x40: {  	_ =	shalt  }
0x41: {  	_ =	shalt  }
0x42: {  	_ =	shalt  }
0x43: {  	_ =	shalt  }
0x44: {  	_ =	shalt  }
0x45: {  	_ =	shalt  }
0x46: {  	_ =	shalt  }
0x47: {  	_ =	shalt  }
0x48: {  	_ =	shalt  }
0x49: {  	_ =	shalt  }
0x4a: {  	_ =	shalt  }
0x4b: {  	_ =	shalt  }
0x4c: {  	_ =	shalt  }
0x4d: {  	_ =	shalt  }
0x4e: {  	_ =	shalt  }
0x4f: {  	_ =	shalt  }
0x50: {  	_ =	shalt  }
0x51: {  	_ =	shalt  }
0x52: {  	_ =	shalt  }
0x53: {  	_ =	shalt  }
0x54: {  	_ =	shalt  }
0x55: {  	_ =	shalt  }
0x56: {  	_ =	shalt  }
0x57: {  	_ =	shalt  }
0x58: {  	_ =	shalt  }
0x59: {  	_ =	shalt  }
0x5a: {  	_ =	shalt  }
0x5b: {  	_ =	shalt  }
0x5c: {  	_ =	shalt  }
0x5d: {  	_ =	shalt  }
0x5e: {  	_ =	shalt  }
0x5f: {  	_ =	shalt  }
0x60: {  	_ =	shalt  }
0x61: {  	_ =	shalt  }
0x62: {  	_ =	shalt  }
0x63: {  	_ =	shalt  }
0x64: {  	_ =	shalt  }
0x65: {  	_ =	shalt  }
0x66: {  	_ =	shalt  }
0x67: {  	_ =	shalt  }
0x68: {  	_ =	shalt  }
0x69: {  	_ =	shalt  }
0x6a: {  	_ =	shalt  }
0x6b: {  	_ =	shalt  }
0x6c: {  	_ =	shalt  }
0x6d: {  	_ =	shalt  }
0x6e: {  	_ =	shalt  }
0x6f: {  	_ =	shalt  }
0x70: {  	_ =	shalt  }
0x71: {  	_ =	shalt  }
0x72: {  	_ =	shalt  }
0x73: {  	_ =	shalt  }
0x74: {  	_ =	shalt  }
0x75: {  	_ =	shalt  }
0x76: {  	_ =	shalt  }
0x77: {  	_ =	shalt  }
0x78: {  	_ =	shalt  }
0x79: {  	_ =	shalt  }
0x7a: {  	_ =	shalt  }
0x7b: {  	_ =	shalt  }
0x7c: {  	_ =	shalt  }
0x7d: {  	_ =	shalt  }
0x7e: {  	_ =	shalt  }
0x7f: {  	_ =	shalt  }
0x80: {  	_ =	shalt  }
0x81: {  	_ =	shalt  }
0x82: {  	_ =	shalt  }
0x83: {  	_ =	shalt  }
0x84: {  	_ =	shalt  }
0x85: {  	_ =	shalt  }
0x86: {  	_ =	shalt  }
0x87: {  	_ =	shalt  }
.Lfunc_end0:
.L_simem_size_0:
called_computation_lowered:
.L_overlay_start_0:
0x88: {  	s2 =	sld [smem:$0x3FD9]  }
0x89: {  	s3 =	sld [smem:$0x3FFE];
	_ =	sdelay $0x1  }
0x8a: {  	s1 =	srdreg.scid  }
0x8b: {  	s0 =	sand.u32 $0x1, s1  }
0x8c: {  	s17 =	sshll.u32 s0, $0xA;
	s2 =	sadd.s32 s3, s2  }
0x8d: {  	s2 =	sadd.s32 s2, s17  }
0x8e: {  	[smem:$0x3FBB] =	sst s2  }
0x8f: {  	_ = 	snop  }
0x90: {  	s18 =	sld [smem:$0x3FC5];
	(tm) =	ssettm $0x1  }
0x91: {  	s19 =	sld [smem:$0x3FFB];
	_ =	sdelay $0x3  }
0x92: {  	_ =	strace s19  }
0x93: {  	s2 =	sld [smem:$0x3FFC];
	_ =	sdelay $0x3  }
0x94: {  	_ =	strace s2  }
0x95: {  	s2 =	sld [smem:$0x3FFD];
	_ =	sdelay $0x3  }
0x96: {  	_ =	strace s2  }
0x97: {  	_ =	strace $0x8FFFFFFF  }
0x98: {  	s20 =	sld [smem:$0x3FDB];
	_ =	sdelay $0x1  }
0x99: {  	s4 =	simm.s32 $_scs_section_size  }
0x9a: {  	s5 =	simm.s32 $_size__tile_overlayer_lowered;
	s6 =	simm.s32 $_tile_overlayer_lowered  }
0x9b: {  	s7 =	simm.s32 $0x1BFF;
	s21 =	sshll.u32 s6, $0x1;
	s4 =	sadd.s32 s4, s20  }
0x9c: {  	s22 =	simm.s32 $0x0;
	s5 =	sshll.u32 s5, $0x1;
	s6 =	sadd.s32 s21, s4  }
0x9d: {  	[timem:s22], [sflag:s7] =	dma.local [hbm:s6], s5  }
0x9e: {  	_ =	swait.ge [sflag:s7], s5  }
0x9f: {  	s5 =	ssub.s32 $0x0, s5;
	[sflag:s7] =	ssyncset.done $0x0  }
0xa0: {  	[sflag:s7] =	ssyncadd.s32 s5;
	_ =	sdelay $0x1  }
0xa1: {  	s23 =	simm.s32 $0x1B8B  }
0xa2: {  	_ =	swait.ge [sflag:s23], $0x1  }
0xa3: {  	[sflag:s23] =	ssyncset.done $0x0  }
0xa4: {  	[sflag:s23] =	ssyncadd.s32 $0xFFFFFFFF  }
0xa5: {  	s5 =	sld [smem:$0x0]  }
0xa6: {  	s6 =	sand.u32 $0xFFFFFFFE, s1  }
0xa7: {  	p0 =	sne.s32 s1, s6  }
0xa8: {  	s6 =	sshll.u32 @p0 s6, $0xE  }
0xa9: {  	s6 =	sadd.s32 @p0 $0x11B8D, s6;
	s7 =	sshll.u32 @p0 s5, $0x11  }
0xaa: {  	s6 =	sor.u32 @p0 s7, s6  }
0xab: {  	[sflag:s6] =	ssyncadd.remote.s32 @p0 $0x1;
	_ =	sdelay $0x1  }
0xac: {  	s6 =	simm.s32 @p0 $0x1B8D  }
0xad: {  	_ =	swait.eq @p0 [sflag:s6], $0x1  }
0xae: {  	[sflag:s6] =	ssyncadd.s32 @p0 $0xFFFFFFFF  }
0xaf: {  	s7 =	sshll.u32 @!p0 s1, $0xE  }
0xb0: {  	s7 =	sor.u32 @!p0 $0x4000, s7;
	s6 =	simm.s32 @!p0 $0x1B8D  }
0xb1: {  	s5 =	sshll.u32 @!p0 s5, $0x11;
	s7 =	sadd.s32 @!p0 $0x11B8D, s7;
	_ =	swait.eq @!p0 [sflag:s6], $0x1  }
0xb2: {  	s5 =	sor.u32 @!p0 s5, s7;
	[sflag:s6] =	ssyncadd.s32 @!p0 $0xFFFFFFFF  }
0xb3: {  	s25 =	simm.s32 $0x1B8E;
	s24 =	sld [smem:$0x3FFE];
	[sflag:s5] =	ssyncadd.remote.s32 @!p0 $0x1  }
0xb4: {  	s26 =	simm.s32 $execute0_lowered;
	[smem:$0x3FD2] =	sst s25  }
0xb5: {  	s6 =	sshll.u32 s26, $0x1;
	_ =	strace $0x80000052;
	[dreg:$0x1] =	wrdreg $0xFFFFFFFF  }
0xb6: {  	s28 =	simm.s32 $_size_execute0_lowered;
	s4 =	sadd.s32 s4, s6;
	[dreg:$0x0] =	wrdreg $0x0  }
0xb7: {  	s6 =	sshll.u32 s28, $0x1;
	[dreg:$0x2] =	wrdreg s4  }
0xb8: {  	[dreg:$0x3] =	wrdreg s6  }
0xb9: {  	[dreg:$0x4] =	wrdreg $0xC0  }
0xba: {  	_ =	task [dreg:s22], $0x5FFFF  }
0xbb: {  	[dreg:$0x1] =	wrdreg $0xFFFFFFFF  }
0xbc: {  	[dreg:$0x0] =	wrdreg $0x60  }
0xbd: {  	[dreg:$0x2] =	wrdreg s18  }
0xbe: {  	[dreg:$0x3] =	wrdreg s24  }
0xbf: {  	[dreg:$0x4] =	wrdreg $0x9  }
0xc0: {  	_ =	task.clear_ibuf [dreg:s22], $0x5FFFF;
	_ =	strace $0x90000052  }
0xc1: {  	s29 =	simm.s32 $0x9;
	_ =	strace $0x80000054  }
0xc2: {  	_ =	swait.ge [sflag:s29], $0x1  }
0xc3: {  	[sflag:s29] =	ssyncadd.s32 $0xFFFFFFFF  }
0xc4: {  	_ =	strace $0x90000054  }
0xc5: {  	_ =	sfence  }
0xc6: {  	s30 =	sld [smem:$0x0];
	_ =	sdelay $0x2  }
0xc7: {  	s31 =	sshll.u32 s1, $0xD;
	s1 =	sshrl.u32 s1, $0x2  }
0xc8: {  	s4 =	sand.u32 $0x4000, s31;
	s1 =	sadd.s32 s1, s30  }
0xc9: {  	s0 =	sor.u32 s4, s0;
	s1 =	sshll.u32 s1, $0x11  }
0xca: {  	s0 =	sor.u32 s1, s0  }
0xcb: {  	s0 =	sadd.s32 $0x8F2B, s0  }
0xcc: {  	[sflag:s0] =	ssyncadd.remote.s32 $0x1  }
0xcd: {  	_ =	sfence.sel $0xFFFF  }
0xce: {  	[dreg:$0x0] =	wrdreg $0xFFFFFFFF;
	(pc) =	sbr.abs _section_cstart, $3  }
0xcf: {  	[dreg:$0x1] =	wrdreg $0xFFFFFFFF  }
0xd0: {  	_ =	task.clear_ibuf [dreg:s22], $0x2FFFF;
	_ =	strace $0x9FFFFFFF  }
0xd1: {  	(tm) =	ssettm $0x7FFFFFFF  }
tec
execute0_lowered:
.L_overlay_start_1:
0x0: {  	(tag) =	ssettag $0x1  }
0x1: {  	s0 =	srdreg.scid;
	s2 =	rddreg [dreg:$0x0]  }
0x2: {  	s8 =	stileid.u32;
	s4 =	rddreg [dreg:$0x1];
	s3 =	simm.s32 $0x0  }
0x3: {  	s9 =	simm.s32 $0x480;
	s10 =	simm.s32 $0xC80;
	s11 =	simm.s32 $0x1480  }
0x4: {  	s12 =	simm.s32 $0x1C80;
	s13 =	simm.s32 $0x2480;
	s14 =	simm.s32 $0x2C80  }
0x5: {  	s15 =	simm.s32 $0x3480;
	s16 =	simm.s32 $0x3C80;
	s17 =	simm.s32 $0x4480  }
0x6: {  	s18 =	simm.s32 $0x4C80;
	s19 =	simm.s32 $0x5480;
	s20 =	simm.s32 $0x5C80  }
0x7: {  	s21 =	simm.s32 $0x6480;
	s22 =	simm.s32 $0x6C80;
	s23 =	simm.s32 $0x7480  }
0x8: {  	s24 =	simm.s32 $0x7C80;
	s0 =	sand.u32 $0x1, s0;
	s1 =	sshll.u32 s8, $0x1  }
0x9: {  	s28 =	simm.s32 $0x9480;
	s29 =	simm.s32 $0x9C80;
	s1 =	sor.u32 s0, s1  }
0xa: {  	s30 =	simm.s32 $0xA480;
	s31 =	simm.s32 $0xAC80;
	s5 =	smul.u32 $0x420, s1  }
0xb: {  	[smem:$0x7FF] =	sst s3;
	s6 =	ssub.s32 $0x2, s0;
	s1 =	smul.u32 $0x42000, s1  }
0xc: {  	s8 =	smul.u32 $0x10800, s8;
	_ =	strace $0x80000053;
	s7 =	sshrl.u32 s6, $0x1  }
0xd: {  	s6 =	ssub.s32 s6, s7;
	s5 =	sshrl.u32 s5, $0x3;
	s1 =	sshrl.u32 s1, $0x3  }
0xe: {  	s26 =	smax.u32 s6, $0x1;
	s5 =	sadd.s32 s5, s4;
	s4 =	sadd.s32 $0x430000, s4  }
0xf: {  	[dreg:$0x7] =	wrdreg s26;
	s1 =	sadd.s32 s4, s1;
	s5 =	sadd.s32 $0x326E00, s5  }
0x10: {  	s0 =	smul.u32 $0x8400, s0;
	[dreg:$0x4] =	wrdreg s5;
	s25 =	sadd.s32 $0x6E00, s1  }
0x11: {  	s4 =	sadd.s32 s8, s4;
	s1 =	sadd.s32 $0x7900, s1;
	[dreg:$0x5] =	wrdreg s25  }
0x12: {  	v2 =	vlaneseq.u32;
	s26 =	simm.s32 $0x8C80;
	s0 =	sadd.s32 s0, s4;
	[dreg:$0x6] =	wrdreg s1  }
0x13: {  	vm0 =	vmmov $0xffff;
	v1 =	vshrl.u32 v2, $0x3;
	s8 =	simm.s32 $0x3;
	s4 =	simm.s32 $0x0;
	[dreg:$0x3] =	wrdreg s0  }
0x14: {  	v0 =	vand.u32 $0x7, v2;
	v2 =	vor.u32 $0x8, v2;
	v1 =	vmul.u32 $0x8, v1;
	s25 =	simm.s32 $0x8480;
	s1 =	simm.s32 $0x1;
	s0 =	simm.s32 $0x2  }
.LBB2_1:
0x15: {  	s5 =	rddreg [dreg:$0x4]  }
0x16: {  	[tilespmem:s3], [sflag:$0x3] =	stream.linear.gather [hbm4b:s5+s3], $0x420, $0x38;
	[tilespmem:$0xB480] =	vst v63  }
0x17: {  	_ =	swait.ge [sflag:s8], $0x420  }
0x18: {  	[sflag:s8] =	ssyncset.done $0x0  }
0x19: {  	[sflag:s8] =	ssyncadd.s32 $0xFFFFFBE0  }
0x1a: {  	v3 =	vld [tilespmem:$0x0];
	_ =	sdelay $0x4  }
0x1b: {  	v4 =	vshll.u32 v3, $0x1  }
0x1c: {  	v3 =	vand.u32 $0x7, v3;
	v4 =	vand.u32 $0xFFFFFFF0, v4  }
0x1d: {  	v3 =	vor.u32 v3, v4  }
0x1e: {  	v4 =	vperm.xlane v3, v0;
	_ =	sdelay $0x1  }
0x1f: {  	v3 =	vperm.xlane v3, v2;
	v4 =	vadd.s32 v1, v4;
	_ =	sdelay $0x1  }
0x20: {  	v3 =	vadd.s32 v1, v3;
	_ =	sdelay $0x2  }
0x21: {  	[tilespmem:s9], [sflag:$0x1] =	stream.indirect_vreg.gather [hbm4b:s2+s3], $0x80, v4, vm0, $0xb8;
	[tilespmem:$0xB480] =	vst v63  }
0x22: {  	_ = 	snop  }
0x23: {  	[tilespmem:s10], [sflag:$0x1] =	stream.indirect_vreg.gather [hbm4b:s2+s3], $0x80, v3, vm0, $0xb8;
	[tilespmem:$0xB480] =	vst v63  }
0x24: {  	v3 =	vld [tilespmem:$0x10];
	_ =	sdelay $0x4  }
0x25: {  	v59 =	vshll.u32 v3, $0x1  }
0x26: {  	v3 =	vand.u32 $0x7, v3;
	v4 =	vand.u32 $0xFFFFFFF0, v59  }
0x27: {  	v3 =	vor.u32 v3, v4  }
0x28: {  	v4 =	vperm.xlane v3, v0;
	_ =	sdelay $0x1  }
0x29: {  	v3 =	vperm.xlane v3, v2;
	v4 =	vadd.s32 v1, v4;
	_ =	sdelay $0x1  }
0x2a: {  	v3 =	vadd.s32 v1, v3;
	_ =	sdelay $0x2  }
0x2b: {  	[tilespmem:s11], [sflag:$0x1] =	stream.indirect_vreg.gather [hbm4b:s2+s3], $0x80, v4, vm0, $0xb8;
	[tilespmem:$0xB480] =	vst v63  }
0x2c: {  	_ = 	snop  }
0x2d: {  	[tilespmem:s12], [sflag:$0x1] =	stream.indirect_vreg.gather [hbm4b:s2+s3], $0x80, v3, vm0, $0xb8;
	[tilespmem:$0xB480] =	vst v63  }
0x2e: {  	v3 =	vld [tilespmem:$0x20];
	_ =	sdelay $0x4  }
0x2f: {  	v60 =	vshll.u32 v3, $0x1  }
0x30: {  	v3 =	vand.u32 $0x7, v3;
	v4 =	vand.u32 $0xFFFFFFF0, v60  }
0x31: {  	v3 =	vor.u32 v3, v4  }
0x32: {  	v4 =	vperm.xlane v3, v0;
	_ =	sdelay $0x1  }
0x33: {  	v3 =	vperm.xlane v3, v2;
	v4 =	vadd.s32 v1, v4;
	_ =	sdelay $0x1  }
0x34: {  	v3 =	vadd.s32 v1, v3;
	_ =	sdelay $0x2  }
0x35: {  	[tilespmem:s13], [sflag:$0x1] =	stream.indirect_vreg.gather [hbm4b:s2+s3], $0x80, v4, vm0, $0xb8;
	[tilespmem:$0xB480] =	vst v63  }
0x36: {  	_ = 	snop  }
0x37: {  	[tilespmem:s14], [sflag:$0x1] =	stream.indirect_vreg.gather [hbm4b:s2+s3], $0x80, v3, vm0, $0xb8;
	[tilespmem:$0xB480] =	vst v63  }
0x38: {  	v3 =	vld [tilespmem:$0x30];
	_ =	sdelay $0x4  }
0x39: {  	v61 =	vshll.u32 v3, $0x1  }
0x3a: {  	v3 =	vand.u32 $0x7, v3;
	v4 =	vand.u32 $0xFFFFFFF0, v61  }
0x3b: {  	v3 =	vor.u32 v3, v4  }
0x3c: {  	v4 =	vperm.xlane v3, v0;
	_ =	sdelay $0x1  }
0x3d: {  	v3 =	vperm.xlane v3, v2;
	v4 =	vadd.s32 v1, v4;
	_ =	sdelay $0x1  }
0x3e: {  	v3 =	vadd.s32 v1, v3;
	_ =	sdelay $0x2  }
0x3f: {  	[tilespmem:s15], [sflag:$0x1] =	stream.indirect_vreg.gather [hbm4b:s2+s3], $0x80, v4, vm0, $0xb8;
	[tilespmem:$0xB480] =	vst v63  }
0x40: {  	_ = 	snop  }
0x41: {  	[tilespmem:s16], [sflag:$0x1] =	stream.indirect_vreg.gather [hbm4b:s2+s3], $0x80, v3, vm0, $0xb8;
	[tilespmem:$0xB480] =	vst v63  }
0x42: {  	v3 =	vld [tilespmem:$0x40];
	_ =	sdelay $0x4  }
0x43: {  	v62 =	vshll.u32 v3, $0x1  }
0x44: {  	v3 =	vand.u32 $0x7, v3;
	v4 =	vand.u32 $0xFFFFFFF0, v62  }
0x45: {  	v3 =	vor.u32 v3, v4  }
0x46: {  	v4 =	vperm.xlane v3, v0;
	_ =	sdelay $0x1  }
0x47: {  	v3 =	vperm.xlane v3, v2;
	v4 =	vadd.s32 v1, v4;
	_ =	sdelay $0x1  }
0x48: {  	v3 =	vadd.s32 v1, v3;
	_ =	sdelay $0x2  }
0x49: {  	[tilespmem:s17], [sflag:$0x1] =	stream.indirect_vreg.gather [hbm4b:s2+s3], $0x80, v4, vm0, $0xb8;
	[tilespmem:$0xB480] =	vst v63  }
0x4a: {  	_ = 	snop  }
0x4b: {  	[tilespmem:s18], [sflag:$0x1] =	stream.indirect_vreg.gather [hbm4b:s2+s3], $0x80, v3, vm0, $0xb8;
	[tilespmem:$0xB480] =	vst v63  }
0x4c: {  	v3 =	vld.msk [tilespmem:$0x50], $0xff;
	_ =	sdelay $0x4  }
0x4d: {  	v63 =	vshll.u32 v3, $0x1  }
0x4e: {  	v3 =	vand.u32 $0x7, v3;
	v4 =	vand.u32 $0xFFFFFFF0, v63  }
0x4f: {  	v3 =	vor.u32 v3, v4  }
0x50: {  	v3 =	vperm.xlane v3, v0;
	_ =	sdelay $0x1  }
0x51: {  	v3 =	vadd.s32 v1, v3;
	_ =	sdelay $0x3  }
0x52: {  	s6 =	simm.s32 $0x0;
	s5 =	simm.s32 $0x88  }
0x53: {  	[tilespmem:s19], [sflag:$0x1] =	stream.indirect_vreg.gather [hbm4b:s2+s3], $0x80, v3, vm0, $0xb8;
	[tilespmem:$0xB480] =	vst v63  }
.LBB2_2:
0x54: {  	v3 =	vld [tilespmem:s5+$0xFFFFFFD0];
	_ =	sdelay $0x4  }
0x55: {  	v4 =	vshll.u32 v3, $0x1  }
0x56: {  	v3 =	vand.u32 $0x7, v3;
	v4 =	vand.u32 $0xFFFFFFF0, v4  }
0x57: {  	v3 =	vor.u32 v3, v4  }
0x58: {  	v4 =	vperm.xlane v3, v0;
	_ =	sdelay $0x1  }
0x59: {  	v3 =	vperm.xlane v3, v2;
	v4 =	vadd.s32 v1, v4;
	_ =	sdelay $0x1  }
0x5a: {  	v3 =	vadd.s32 v1, v3;
	_ =	sdelay $0x2  }
0x5b: {  	[tilespmem:s20], [sflag:$0x2] =	stream.indirect_vreg.gather [hbm4b:s2+s3], $0x80, v4, vm0, $0xb8;
	[tilespmem:$0xB480] =	vst v63  }
0x5c: {  	_ = 	snop  }
0x5d: {  	[tilespmem:s21], [sflag:$0x2] =	stream.indirect_vreg.gather [hbm4b:s2+s3], $0x80, v3, vm0, $0xb8;
	[tilespmem:$0xB480] =	vst v63  }
0x5e: {  	v3 =	vld [tilespmem:s5+$0xFFFFFFE0];
	_ =	sdelay $0x4  }
0x5f: {  	v53 =	vshll.u32 v3, $0x1  }
0x60: {  	v3 =	vand.u32 $0x7, v3;
	v4 =	vand.u32 $0xFFFFFFF0, v53  }
0x61: {  	v3 =	vor.u32 v3, v4  }
0x62: {  	v4 =	vperm.xlane v3, v0;
	_ =	sdelay $0x1  }
0x63: {  	v3 =	vperm.xlane v3, v2;
	v4 =	vadd.s32 v1, v4;
	_ =	sdelay $0x1  }
0x64: {  	v3 =	vadd.s32 v1, v3;
	_ =	sdelay $0x2  }
0x65: {  	[tilespmem:s22], [sflag:$0x2] =	stream.indirect_vreg.gather [hbm4b:s2+s3], $0x80, v4, vm0, $0xb8;
	[tilespmem:$0xB480] =	vst v63  }
0x66: {  	_ = 	snop  }
0x67: {  	[tilespmem:s23], [sflag:$0x2] =	stream.indirect_vreg.gather [hbm4b:s2+s3], $0x80, v3, vm0, $0xb8;
	[tilespmem:$0xB480] =	vst v63  }
0x68: {  	v3 =	vld [tilespmem:s5+$0xFFFFFFF0];
	_ =	sdelay $0x4  }
0x69: {  	v54 =	vshll.u32 v3, $0x1  }
0x6a: {  	v3 =	vand.u32 $0x7, v3;
	v4 =	vand.u32 $0xFFFFFFF0, v54  }
0x6b: {  	v3 =	vor.u32 v3, v4  }
0x6c: {  	v4 =	vperm.xlane v3, v0;
	_ =	sdelay $0x1  }
0x6d: {  	v3 =	vperm.xlane v3, v2;
	v4 =	vadd.s32 v1, v4;
	_ =	sdelay $0x1  }
0x6e: {  	v3 =	vadd.s32 v1, v3;
	_ =	sdelay $0x2  }
0x6f: {  	[tilespmem:s24], [sflag:$0x2] =	stream.indirect_vreg.gather [hbm4b:s2+s3], $0x80, v4, vm0, $0xb8;
	[tilespmem:$0xB480] =	vst v63  }
0x70: {  	_ = 	snop  }
0x71: {  	[tilespmem:s25], [sflag:$0x2] =	stream.indirect_vreg.gather [hbm4b:s2+s3], $0x80, v3, vm0, $0xb8;
	[tilespmem:$0xB480] =	vst v63  }
0x72: {  	v3 =	vld [tilespmem:s5+$0x0];
	_ =	sdelay $0x4  }
0x73: {  	v55 =	vshll.u32 v3, $0x1  }
0x74: {  	v3 =	vand.u32 $0x7, v3;
	v4 =	vand.u32 $0xFFFFFFF0, v55  }
0x75: {  	v3 =	vor.u32 v3, v4  }
0x76: {  	v4 =	vperm.xlane v3, v0;
	_ =	sdelay $0x1  }
0x77: {  	v3 =	vperm.xlane v3, v2;
	v4 =	vadd.s32 v1, v4;
	_ =	sdelay $0x1  }
0x78: {  	v3 =	vadd.s32 v1, v3;
	_ =	sdelay $0x2  }
0x79: {  	[tilespmem:s26], [sflag:$0x2] =	stream.indirect_vreg.gather [hbm4b:s2+s3], $0x80, v4, vm0, $0xb8;
	[tilespmem:$0xB480] =	vst v63  }
0x7a: {  	_ = 	snop  }
0x7b: {  	[tilespmem:s28], [sflag:$0x2] =	stream.indirect_vreg.gather [hbm4b:s2+s3], $0x80, v3, vm0, $0xb8;
	[tilespmem:$0xB480] =	vst v63  }
0x7c: {  	v3 =	vld [tilespmem:s5+$0x10];
	_ =	sdelay $0x4  }
0x7d: {  	v56 =	vshll.u32 v3, $0x1  }
0x7e: {  	v3 =	vand.u32 $0x7, v3;
	v4 =	vand.u32 $0xFFFFFFF0, v56  }
0x7f: {  	v3 =	vor.u32 v3, v4  }
0x80: {  	v4 =	vperm.xlane v3, v0;
	_ =	sdelay $0x1  }
0x81: {  	v3 =	vperm.xlane v3, v2;
	v4 =	vadd.s32 v1, v4;
	_ =	sdelay $0x1  }
0x82: {  	v3 =	vadd.s32 v1, v3;
	_ =	sdelay $0x2  }
0x83: {  	[tilespmem:s29], [sflag:$0x2] =	stream.indirect_vreg.gather [hbm4b:s2+s3], $0x80, v4, vm0, $0xb8;
	[tilespmem:$0xB480] =	vst v63  }
0x84: {  	_ = 	snop  }
0x85: {  	[tilespmem:s30], [sflag:$0x2] =	stream.indirect_vreg.gather [hbm4b:s2+s3], $0x80, v3, vm0, $0xb8;
	[tilespmem:$0xB480] =	vst v63  }
0x86: {  	v3 =	vld.msk [tilespmem:s5+$0x20], $0xff;
	_ =	sdelay $0x4  }
0x87: {  	v57 =	vshll.u32 v3, $0x1  }
0x88: {  	v3 =	vand.u32 $0x7, v3;
	v4 =	vand.u32 $0xFFFFFFF0, v57  }
0x89: {  	v3 =	vor.u32 v3, v4  }
0x8a: {  	v3 =	vperm.xlane v3, v0;
	_ =	sdelay $0x1  }
0x8b: {  	v3 =	vadd.s32 v1, v3;
	_ =	sdelay $0x4  }
0x8c: {  	[tilespmem:s31], [sflag:$0x2] =	stream.indirect_vreg.gather [hbm4b:s2+s3], $0x80, v3, vm0, $0xb8;
	[tilespmem:$0xB480] =	vst v63  }
0x8d: {  	_ =	swait.ge [sflag:s1], $0x5800  }
0x8e: {  	s7 =	rddreg [dreg:$0x3];
	[sflag:s1] =	ssyncset.done $0x0  }
0x8f: {  	[sflag:s1] =	ssyncadd.s32 $0xFFFFA800;
	s7 =	sadd.s32 s6, s7  }
0x90: {  	[hbm4b:s7+s3] =	stream.linear.scatter [tilespmem:s9], [sflag:$0x3], $0x5800, $0x38;
	[tilespmem:$0xB480] =	vst v63  }
0x91: {  	_ =	swait.ge [sflag:s8], $0x5800  }
0x92: {  	[sflag:s8] =	ssyncset.done $0x0  }
0x93: {  	[sflag:s8] =	ssyncadd.s32 $0xFFFFA800  }
0x94: {  	v3 =	vld [tilespmem:s5+$0x28];
	_ =	sdelay $0x4  }
0x95: {  	v58 =	vshll.u32 v3, $0x1  }
0x96: {  	v3 =	vand.u32 $0x7, v3;
	v4 =	vand.u32 $0xFFFFFFF0, v58  }
0x97: {  	v3 =	vor.u32 v3, v4  }
0x98: {  	v4 =	vperm.xlane v3, v0;
	_ =	sdelay $0x1  }
0x99: {  	v3 =	vperm.xlane v3, v2;
	v4 =	vadd.s32 v1, v4;
	_ =	sdelay $0x1  }
0x9a: {  	v3 =	vadd.s32 v1, v3;
	_ =	sdelay $0x2  }
0x9b: {  	[tilespmem:s9], [sflag:$0x1] =	stream.indirect_vreg.gather [hbm4b:s2+s3], $0x80, v4, vm0, $0xb8;
	[tilespmem:$0xB480] =	vst v63  }
0x9c: {  	_ = 	snop  }
0x9d: {  	[tilespmem:s10], [sflag:$0x1] =	stream.indirect_vreg.gather [hbm4b:s2+s3], $0x80, v3, vm0, $0xb8;
	[tilespmem:$0xB480] =	vst v63  }
0x9e: {  	v3 =	vld [tilespmem:s5+$0x38];
	_ =	sdelay $0x4  }
0x9f: {  	v59 =	vshll.u32 v3, $0x1  }
0xa0: {  	v3 =	vand.u32 $0x7, v3;
	v4 =	vand.u32 $0xFFFFFFF0, v59  }
0xa1: {  	v3 =	vor.u32 v3, v4  }
0xa2: {  	v4 =	vperm.xlane v3, v0;
	_ =	sdelay $0x1  }
0xa3: {  	v3 =	vperm.xlane v3, v2;
	v4 =	vadd.s32 v1, v4;
	_ =	sdelay $0x1  }
0xa4: {  	v3 =	vadd.s32 v1, v3;
	_ =	sdelay $0x2  }
0xa5: {  	[tilespmem:s11], [sflag:$0x1] =	stream.indirect_vreg.gather [hbm4b:s2+s3], $0x80, v4, vm0, $0xb8;
	[tilespmem:$0xB480] =	vst v63  }
0xa6: {  	_ = 	snop  }
0xa7: {  	[tilespmem:s12], [sflag:$0x1] =	stream.indirect_vreg.gather [hbm4b:s2+s3], $0x80, v3, vm0, $0xb8;
	[tilespmem:$0xB480] =	vst v63  }
0xa8: {  	v3 =	vld [tilespmem:s5+$0x48];
	_ =	sdelay $0x4  }
0xa9: {  	v60 =	vshll.u32 v3, $0x1  }
0xaa: {  	v3 =	vand.u32 $0x7, v3;
	v4 =	vand.u32 $0xFFFFFFF0, v60  }
0xab: {  	v3 =	vor.u32 v3, v4  }
0xac: {  	v4 =	vperm.xlane v3, v0;
	_ =	sdelay $0x1  }
0xad: {  	v3 =	vperm.xlane v3, v2;
	v4 =	vadd.s32 v1, v4;
	_ =	sdelay $0x1  }
0xae: {  	v3 =	vadd.s32 v1, v3;
	_ =	sdelay $0x2  }
0xaf: {  	[tilespmem:s13], [sflag:$0x1] =	stream.indirect_vreg.gather [hbm4b:s2+s3], $0x80, v4, vm0, $0xb8;
	[tilespmem:$0xB480] =	vst v63  }
0xb0: {  	_ = 	snop  }
0xb1: {  	[tilespmem:s14], [sflag:$0x1] =	stream.indirect_vreg.gather [hbm4b:s2+s3], $0x80, v3, vm0, $0xb8;
	[tilespmem:$0xB480] =	vst v63  }
0xb2: {  	v3 =	vld [tilespmem:s5+$0x58];
	_ =	sdelay $0x4  }
0xb3: {  	v61 =	vshll.u32 v3, $0x1  }
0xb4: {  	v3 =	vand.u32 $0x7, v3;
	v4 =	vand.u32 $0xFFFFFFF0, v61  }
0xb5: {  	v3 =	vor.u32 v3, v4  }
0xb6: {  	v4 =	vperm.xlane v3, v0;
	_ =	sdelay $0x1  }
0xb7: {  	v3 =	vperm.xlane v3, v2;
	v4 =	vadd.s32 v1, v4;
	_ =	sdelay $0x1  }
0xb8: {  	v3 =	vadd.s32 v1, v3;
	_ =	sdelay $0x2  }
0xb9: {  	[tilespmem:s15], [sflag:$0x1] =	stream.indirect_vreg.gather [hbm4b:s2+s3], $0x80, v4, vm0, $0xb8;
	[tilespmem:$0xB480] =	vst v63  }
0xba: {  	_ = 	snop  }
0xbb: {  	[tilespmem:s16], [sflag:$0x1] =	stream.indirect_vreg.gather [hbm4b:s2+s3], $0x80, v3, vm0, $0xb8;
	[tilespmem:$0xB480] =	vst v63  }
0xbc: {  	v3 =	vld [tilespmem:s5+$0x68];
	_ =	sdelay $0x4  }
0xbd: {  	v62 =	vshll.u32 v3, $0x1  }
0xbe: {  	v3 =	vand.u32 $0x7, v3;
	v4 =	vand.u32 $0xFFFFFFF0, v62  }
0xbf: {  	v3 =	vor.u32 v3, v4  }
0xc0: {  	v4 =	vperm.xlane v3, v0;
	_ =	sdelay $0x1  }
0xc1: {  	v3 =	vperm.xlane v3, v2;
	v4 =	vadd.s32 v1, v4;
	_ =	sdelay $0x1  }
0xc2: {  	v3 =	vadd.s32 v1, v3;
	_ =	sdelay $0x2  }
0xc3: {  	[tilespmem:s17], [sflag:$0x1] =	stream.indirect_vreg.gather [hbm4b:s2+s3], $0x80, v4, vm0, $0xb8;
	[tilespmem:$0xB480] =	vst v63  }
0xc4: {  	_ = 	snop  }
0xc5: {  	[tilespmem:s18], [sflag:$0x1] =	stream.indirect_vreg.gather [hbm4b:s2+s3], $0x80, v3, vm0, $0xb8;
	[tilespmem:$0xB480] =	vst v63  }
0xc6: {  	v3 =	vld.msk [tilespmem:s5+$0x78], $0xff;
	_ =	sdelay $0x4  }
0xc7: {  	v63 =	vshll.u32 v3, $0x1  }
0xc8: {  	v3 =	vand.u32 $0x7, v3;
	v4 =	vand.u32 $0xFFFFFFF0, v63  }
0xc9: {  	v3 =	vor.u32 v3, v4  }
0xca: {  	v3 =	vperm.xlane v3, v0;
	_ =	sdelay $0x1  }
0xcb: {  	v3 =	vadd.s32 v1, v3;
	_ =	sdelay $0x4  }
0xcc: {  	[tilespmem:s19], [sflag:$0x1] =	stream.indirect_vreg.gather [hbm4b:s2+s3], $0x80, v3, vm0, $0xb8;
	[tilespmem:$0xB480] =	vst v63  }
0xcd: {  	_ =	swait.ge [sflag:s0], $0x5800  }
0xce: {  	p0 =	sne.s32 s6, $0x5800;
	[sflag:s0] =	ssyncset.done $0x0  }
.Ltmp0:
0xcf: {  	s7 =	sadd.s32 $0xB00, s7;
	[sflag:s0] =	ssyncadd.s32 $0xFFFFA800;
	(pc) =	sbr.rel @p0 .LBB2_2-.Ltmp0, $4  }
0xd0: {  	[hbm4b:s7+s3] =	stream.linear.scatter [tilespmem:s20], [sflag:$0x3], $0x5800, $0x38;
	[tilespmem:$0xB480] =	vst v63  }
0xd1: {  	_ =	swait.ge [sflag:s8], $0x5800  }
0xd2: {  	[sflag:s8] =	ssyncset.done $0x0  }
0xd3: {  	s6 =	sadd.s32 $0x1600, s6;
	s5 =	sadd.s32 $0xB0, s5;
	[sflag:s8] =	ssyncadd.s32 $0xFFFFA800  }
0xd4: {  	v3 =	vld [tilespmem:$0x3C8];
	_ =	sdelay $0x4  }
0xd5: {  	v4 =	vshll.u32 v3, $0x1  }
0xd6: {  	v3 =	vand.u32 $0x7, v3;
	v4 =	vand.u32 $0xFFFFFFF0, v4  }
0xd7: {  	v3 =	vor.u32 v3, v4  }
0xd8: {  	v4 =	vperm.xlane v3, v0;
	_ =	sdelay $0x1  }
0xd9: {  	v3 =	vperm.xlane v3, v2;
	v4 =	vadd.s32 v1, v4;
	_ =	sdelay $0x1  }
0xda: {  	v3 =	vadd.s32 v1, v3;
	_ =	sdelay $0x2  }
0xdb: {  	[tilespmem:s20], [sflag:$0x2] =	stream.indirect_vreg.gather [hbm4b:s2+s3], $0x80, v4, vm0, $0xb8;
	[tilespmem:$0xB480] =	vst v63  }
0xdc: {  	_ = 	snop  }
0xdd: {  	[tilespmem:s21], [sflag:$0x2] =	stream.indirect_vreg.gather [hbm4b:s2+s3], $0x80, v3, vm0, $0xb8;
	[tilespmem:$0xB480] =	vst v63  }
0xde: {  	v3 =	vld [tilespmem:$0x3D8];
	_ =	sdelay $0x4  }
0xdf: {  	v59 =	vshll.u32 v3, $0x1  }
0xe0: {  	v3 =	vand.u32 $0x7, v3;
	v4 =	vand.u32 $0xFFFFFFF0, v59  }
0xe1: {  	v3 =	vor.u32 v3, v4  }
0xe2: {  	v4 =	vperm.xlane v3, v0;
	_ =	sdelay $0x1  }
0xe3: {  	v3 =	vperm.xlane v3, v2;
	v4 =	vadd.s32 v1, v4;
	_ =	sdelay $0x1  }
0xe4: {  	v3 =	vadd.s32 v1, v3;
	_ =	sdelay $0x2  }
0xe5: {  	[tilespmem:s22], [sflag:$0x2] =	stream.indirect_vreg.gather [hbm4b:s2+s3], $0x80, v4, vm0, $0xb8;
	[tilespmem:$0xB480] =	vst v63  }
0xe6: {  	_ = 	snop  }
0xe7: {  	[tilespmem:s23], [sflag:$0x2] =	stream.indirect_vreg.gather [hbm4b:s2+s3], $0x80, v3, vm0, $0xb8;
	[tilespmem:$0xB480] =	vst v63  }
0xe8: {  	v3 =	vld [tilespmem:$0x3E8];
	_ =	sdelay $0x4  }
0xe9: {  	v60 =	vshll.u32 v3, $0x1  }
0xea: {  	v3 =	vand.u32 $0x7, v3;
	v4 =	vand.u32 $0xFFFFFFF0, v60  }
0xeb: {  	v3 =	vor.u32 v3, v4  }
0xec: {  	v4 =	vperm.xlane v3, v0;
	_ =	sdelay $0x1  }
0xed: {  	v3 =	vperm.xlane v3, v2;
	v4 =	vadd.s32 v1, v4;
	_ =	sdelay $0x1  }
0xee: {  	v3 =	vadd.s32 v1, v3;
	_ =	sdelay $0x2  }
0xef: {  	[tilespmem:s24], [sflag:$0x2] =	stream.indirect_vreg.gather [hbm4b:s2+s3], $0x80, v4, vm0, $0xb8;
	[tilespmem:$0xB480] =	vst v63  }
0xf0: {  	_ = 	snop  }
0xf1: {  	[tilespmem:s25], [sflag:$0x2] =	stream.indirect_vreg.gather [hbm4b:s2+s3], $0x80, v3, vm0, $0xb8;
	[tilespmem:$0xB480] =	vst v63  }
0xf2: {  	v3 =	vld [tilespmem:$0x3F8];
	_ =	sdelay $0x4  }
0xf3: {  	v61 =	vshll.u32 v3, $0x1  }
0xf4: {  	v3 =	vand.u32 $0x7, v3;
	v4 =	vand.u32 $0xFFFFFFF0, v61  }
0xf5: {  	v3 =	vor.u32 v3, v4  }
0xf6: {  	v4 =	vperm.xlane v3, v0;
	_ =	sdelay $0x1  }
0xf7: {  	v3 =	vperm.xlane v3, v2;
	v4 =	vadd.s32 v1, v4;
	_ =	sdelay $0x1  }
0xf8: {  	v3 =	vadd.s32 v1, v3;
	_ =	sdelay $0x2  }
0xf9: {  	[tilespmem:s26], [sflag:$0x2] =	stream.indirect_vreg.gather [hbm4b:s2+s3], $0x80, v4, vm0, $0xb8;
	[tilespmem:$0xB480] =	vst v63  }
0xfa: {  	_ = 	snop  }
0xfb: {  	[tilespmem:s28], [sflag:$0x2] =	stream.indirect_vreg.gather [hbm4b:s2+s3], $0x80, v3, vm0, $0xb8;
	[tilespmem:$0xB480] =	vst v63  }
0xfc: {  	v3 =	vld [tilespmem:$0x408];
	_ =	sdelay $0x4  }
0xfd: {  	v62 =	vshll.u32 v3, $0x1  }
0xfe: {  	v3 =	vand.u32 $0x7, v3;
	v4 =	vand.u32 $0xFFFFFFF0, v62  }
0xff: {  	v3 =	vor.u32 v3, v4  }
0x100: {  	v4 =	vperm.xlane v3, v0;
	_ =	sdelay $0x1  }
0x101: {  	v3 =	vperm.xlane v3, v2;
	v4 =	vadd.s32 v1, v4;
	_ =	sdelay $0x1  }
0x102: {  	v3 =	vadd.s32 v1, v3;
	_ =	sdelay $0x2  }
0x103: {  	[tilespmem:s29], [sflag:$0x2] =	stream.indirect_vreg.gather [hbm4b:s2+s3], $0x80, v4, vm0, $0xb8;
	[tilespmem:$0xB480] =	vst v63  }
0x104: {  	_ = 	snop  }
0x105: {  	[tilespmem:s30], [sflag:$0x2] =	stream.indirect_vreg.gather [hbm4b:s2+s3], $0x80, v3, vm0, $0xb8;
	[tilespmem:$0xB480] =	vst v63  }
0x106: {  	v3 =	vld.msk [tilespmem:$0x418], $0xff;
	_ =	sdelay $0x4  }
0x107: {  	v63 =	vshll.u32 v3, $0x1  }
0x108: {  	v3 =	vand.u32 $0x7, v3;
	v4 =	vand.u32 $0xFFFFFFF0, v63  }
0x109: {  	v3 =	vor.u32 v3, v4  }
0x10a: {  	v3 =	vperm.xlane v3, v0;
	_ =	sdelay $0x1  }
0x10b: {  	v3 =	vadd.s32 v1, v3;
	_ =	sdelay $0x4  }
0x10c: {  	[tilespmem:s31], [sflag:$0x2] =	stream.indirect_vreg.gather [hbm4b:s2+s3], $0x80, v3, vm0, $0xb8;
	[tilespmem:$0xB480] =	vst v63  }
0x10d: {  	_ =	swait.ge [sflag:s1], $0x5800  }
0x10e: {  	[sflag:s1] =	ssyncset.done $0x0  }
0x10f: {  	s5 =	rddreg [dreg:$0x5];
	[sflag:s1] =	ssyncadd.s32 $0xFFFFA800  }
0x110: {  	[hbm4b:s5+s3] =	stream.linear.scatter [tilespmem:s9], [sflag:$0x3], $0x5800, $0x38;
	[tilespmem:$0xB480] =	vst v63  }
0x111: {  	_ =	swait.ge [sflag:s8], $0x5800  }
0x112: {  	[sflag:s8] =	ssyncset.done $0x0  }
0x113: {  	[sflag:s8] =	ssyncadd.s32 $0xFFFFA800  }
0x114: {  	_ =	swait.ge [sflag:s0], $0x5800  }
0x115: {  	[sflag:s0] =	ssyncset.done $0x0  }
0x116: {  	s6 =	rddreg [dreg:$0x6];
	[sflag:s0] =	ssyncadd.s32 $0xFFFFA800  }
0x117: {  	[hbm4b:s6+s3] =	stream.linear.scatter [tilespmem:s20], [sflag:$0x3], $0x5800, $0x38;
	[tilespmem:$0xB480] =	vst v63  }
0x118: {  	_ =	swait.ge [sflag:s8], $0x5800  }
0x119: {  	s4 =	sadd.s32 $0x1, s4;
	s7 =	rddreg [dreg:$0x7]  }
0x11a: {  	p0 =	sne.s32 s4, s7  }
.Ltmp1:
0x11b: {  	_ = 	snop;
	(pc) =	sbr.rel @p0 .LBB2_1-.Ltmp1, $3  }
0x11c: {  	_ =	sdelay $0x1  }
0x11d: {  	[sflag:s8] =	ssyncset.done $0x0  }
0x11e: {  	[sflag:s8] =	ssyncadd.s32 $0xFFFFA800  }
0x11f: {  	_ =	sfence.sel $0x180000  }
0x120: {  	[bflag:$0x0] =	sbarrier.arrive $0xFFFF  }
0x121: {  	_ =	strace $0x90000053  }
0x122: {  	s0 =	stileid.u32;
	[bflag:$0x2] =	sbarrier.arrive $0xFFFF  }
0x123: {  	p0 =	sne.s32 s0, $0x0;
	s0 =	rddreg [dreg:$0x2]  }
0x124: {  	s0 =	sadd.s32 @!p0 $0x100000, s0  }
0x125: {  	[sflag:s0] =	ssyncadd.tile.s32 @!p0 $0x1;
	_ =	shalt  }
.Lfunc_end2:
_tile_overlayer_lowered:
.L_overlay_start_2:
0x126: {  	(tag) =	ssettag $0x2  }
0x127: {  	s0 =	rddreg [dreg:$0x0];
	s2 =	stileid.u32  }
0x128: {  	s1 =	rddreg [dreg:$0x1];
	p0 =	sne.s32 s2, $0x0  }
0x129: {  	s3 =	rddreg [dreg:$0x2];
	[bflag:$0x3] =	sbarrier.arrive $0xFFFF;
	s2 =	simm.s32 @!p0 $0x1C03  }
0x12a: {  	[timem:s3], [sflag:s2] =	dma.local @!p0 [hbm:s0], s1  }
0x12b: {  	s0 =	simm.s32 @!p0 $0x3  }
0x12c: {  	_ =	swait.ge @!p0 [sflag:s0], s1  }
0x12d: {  	s1 =	ssub.s32 @!p0 $0x0, s1;
	[sflag:s0] =	ssyncset.done @!p0 $0x0  }
0x12e: {  	[sflag:s0] =	ssyncadd.s32 @!p0 s1  }
0x12f: {  	[bflag:$0x3] =	sbarrier.arrive $0xFFFF  }
0x130: {  	_ =	shalt  }

// kernel: kernel.21.cloned.1.call-start
scs
__scs_entry_jumppad:
0x0: {  	(pc) =	sbr.rel $0x88, $3  }
0x1: {  	(tag) =	ssettag $0x0;
	lr =	simm.s32 $0x1  }
0x2: {  	[smem:$0x3F94] =	sst lr;
	_ =	strace $0xD0000000  }
0x3: {  	_ = 	snop  }
0x4: {  	_ = 	snop  }
0x5: {  	_ = 	snop  }
0x6: {  	_ = 	snop  }
0x7: {  	_ = 	snop  }
__scs_overlays_trampoline_lowered:
0x8: {  	[smem:$0x3FA3] =	sst s0  }
0x9: {  	[smem:$0x3FA4] =	sst s1  }
0xa: {  	[smem:$0x3FA5] =	sst s2  }
0xb: {  	[smem:$0x3FA6] =	sst s3  }
0xc: {  	[smem:$0x3FA7] =	sst s4  }
0xd: {  	[smem:$0x3FA8] =	sst s5  }
0xe: {  	[smem:$0x3FA9] =	sst s6  }
0xf: {  	[smem:$0x3FAA] =	sst s7  }
0x10: {  	[smem:$0x3FAB] =	sst s8  }
0x11: {  	[smem:$0x3FAC] =	sst s9;
	s0 =	simm.s32 @!p0 $0x0  }
0x12: {  	s1 =	sld [smem:$0x3F92];
	s0 =	simm.s32 @p0 $0x1  }
0x13: {  	[smem:$0x3FAD] =	sst s0;
	s0 =	simm.s32 @!p1 $0x0  }
0x14: {  	s2 =	sld [smem:$0x3F91];
	s0 =	simm.s32 @p1 $0x1  }
0x15: {  	[smem:$0x3FAE] =	sst s0;
	s0 =	simm.s32 @!p2 $0x0  }
0x16: {  	s3 =	sld [smem:$0x3FDB];
	s0 =	simm.s32 @p2 $0x1  }
0x17: {  	s4 =	simm.s32 $0x1BF5;
	[smem:$0x3FB0] =	sst s0  }
0x18: {  	s0 =	sld [smem:$0x3F93];
	_ =	swait.ge [sflag:s4], $0x0  }
0x19: {  	s7 =	sld [smem:$0x3F94]  }
0x1a: {  	s8 =	sadd.s32 $0xFFFFE003, lr  }
0x1b: {  	s9 =	sadd.s32 $0xFFFFFEF7, lr;
	s5 =	simm.s32 $0xFFFFFFFF;
	p2 =	slt.u32 s8, $0xFFFFF086  }
0x1c: {  	p1 =	slt.u32 s9, $0xF7A;
	s5 =	simm.s32 @!p2 $0x0  }
0x1d: {  	s5 =	simm.s32 @p1 $0x1;
	p0 =	seq.s32 s7, s2  }
0x1e: {  	s7 =	smul.u32 @!p0 $0xF7A, s2;
	p2 =	seq.s32 @!p0 s5, $0x0  }
0x1f: {  	s9 =	smul.u32 $0xF7A, s1;
	s8 =	simm.s32 @!p0 $0x1BF5;
	p2 =	por !p2, p0  }
0x20: {  	[sflag:s8] =	ssyncset.s32 @!p0 $0xFFFFF086;
	s6 =	sadd.s32 @!p0 s3, s7;
	s7 =	simm.s32 @!p0 $0x108  }
0x21: {  	s3 =	sadd.s32 s3, s9;
	s6 =	sadd.s32 @!p0 $0x88, s6;
	s7 =	simm.s32 @p2 $0x1082  }
0x22: {  	[simem:s7], [sflag:s8] =	dma.local @!p0 [hbm:s6], $0xF7A  }
0x23: {  	s9 =	sor.u32 $0xD0000000, s2;
	s6 =	simm.s32 $0x108;
	_ =	swait.ge @!p0 [sflag:s8], $0x0  }
0x24: {  	s3 =	sadd.s32 $0x88, s3;
	s6 =	simm.s32 @!p1 $0x1082;
	[sflag:s4] =	ssyncset.s32 $0xFFFFF086  }
0x25: {  	[simem:s6], [sflag:s4] =	dma.local [hbm:s3], $0xF7A  }
0x26: {  	[smem:$0x3F94] =	sst s1;
	(tag) =	ssettag s2;
	_ =	strace s9  }
0x27: {  	s1 =	sld [smem:$0x3FA4]  }
0x28: {  	s2 =	sld [smem:$0x3FA5]  }
0x29: {  	s4 =	sld [smem:$0x3FA7]  }
0x2a: {  	p0 =	seq.s32 s5, $0x0;
	s5 =	sld [smem:$0x3FA8]  }
0x2b: {  	s6 =	sld [smem:$0x3FA9]  }
0x2c: {  	s7 =	sld [smem:$0x3FAA]  }
0x2d: {  	s3 =	simm.s32 $0x108;
	s8 =	sld [smem:$0x3FAB]  }
0x2e: {  	s3 =	simm.s32 @!p0 $0x1082;
	s9 =	sld [smem:$0x3FAC]  }
0x2f: {  	lr =	sadd.s32 s0, s3;
	s0 =	sld [smem:$0x3FA3]  }
0x30: {  	s3 =	sld [smem:$0x3FA6]  }
0x31: {  	[smem:$0x3FAF] =	sst s10  }
0x32: {  	s10 =	sld [smem:$0x3FAD];
	_ =	sdelay $0x3  }
0x33: {  	p0 =	seq.s32 s10, $0x1;
	s10 =	sld [smem:$0x3FAF];
	_ =	sdelay $0x3  }
0x34: {  	[smem:$0x3FAF] =	sst s10  }
0x35: {  	s10 =	sld [smem:$0x3FAE];
	_ =	sdelay $0x3  }
0x36: {  	p1 =	seq.s32 s10, $0x1;
	s10 =	sld [smem:$0x3FAF];
	_ =	sdelay $0x3  }
0x37: {  	[smem:$0x3FAF] =	sst s10  }
0x38: {  	s10 =	sld [smem:$0x3FB0]  }
0x39: {  	_ = 	snop;
	(pc) =	sbr.ind lr, $3  }
0x3a: {  	_ = 	snop  }
0x3b: {  	_ = 	snop  }
0x3c: {  	p2 =	seq.s32 s10, $0x1;
	s10 =	sld [smem:$0x3FAF]  }
0x3d: {  	_ =	shalt  }
0x3e: {  	_ =	shalt  }
0x3f: {  	_ =	shalt  }
0x40: {  	_ =	shalt  }
0x41: {  	_ =	shalt  }
0x42: {  	_ =	shalt  }
0x43: {  	_ =	shalt  }
0x44: {  	_ =	shalt  }
0x45: {  	_ =	shalt  }
0x46: {  	_ =	shalt  }
0x47: {  	_ =	shalt  }
0x48: {  	_ =	shalt  }
0x49: {  	_ =	shalt  }
0x4a: {  	_ =	shalt  }
0x4b: {  	_ =	shalt  }
0x4c: {  	_ =	shalt  }
0x4d: {  	_ =	shalt  }
0x4e: {  	_ =	shalt  }
0x4f: {  	_ =	shalt  }
0x50: {  	_ =	shalt  }
0x51: {  	_ =	shalt  }
0x52: {  	_ =	shalt  }
0x53: {  	_ =	shalt  }
0x54: {  	_ =	shalt  }
0x55: {  	_ =	shalt  }
0x56: {  	_ =	shalt  }
0x57: {  	_ =	shalt  }
0x58: {  	_ =	shalt  }
0x59: {  	_ =	shalt  }
0x5a: {  	_ =	shalt  }
0x5b: {  	_ =	shalt  }
0x5c: {  	_ =	shalt  }
0x5d: {  	_ =	shalt  }
0x5e: {  	_ =	shalt  }
0x5f: {  	_ =	shalt  }
0x60: {  	_ =	shalt  }
0x61: {  	_ =	shalt  }
0x62: {  	_ =	shalt  }
0x63: {  	_ =	shalt  }
0x64: {  	_ =	shalt  }
0x65: {  	_ =	shalt  }
0x66: {  	_ =	shalt  }
0x67: {  	_ =	shalt  }
0x68: {  	_ =	shalt  }
0x69: {  	_ =	shalt  }
0x6a: {  	_ =	shalt  }
0x6b: {  	_ =	shalt  }
0x6c: {  	_ =	shalt  }
0x6d: {  	_ =	shalt  }
0x6e: {  	_ =	shalt  }
0x6f: {  	_ =	shalt  }
0x70: {  	_ =	shalt  }
0x71: {  	_ =	shalt  }
0x72: {  	_ =	shalt  }
0x73: {  	_ =	shalt  }
0x74: {  	_ =	shalt  }
0x75: {  	_ =	shalt  }
0x76: {  	_ =	shalt  }
0x77: {  	_ =	shalt  }
0x78: {  	_ =	shalt  }
0x79: {  	_ =	shalt  }
0x7a: {  	_ =	shalt  }
0x7b: {  	_ =	shalt  }
0x7c: {  	_ =	shalt  }
0x7d: {  	_ =	shalt  }
0x7e: {  	_ =	shalt  }
0x7f: {  	_ =	shalt  }
0x80: {  	_ =	shalt  }
0x81: {  	_ =	shalt  }
0x82: {  	_ =	shalt  }
0x83: {  	_ =	shalt  }
0x84: {  	_ =	shalt  }
0x85: {  	_ =	shalt  }
0x86: {  	_ =	shalt  }
0x87: {  	_ =	shalt  }
.Lfunc_end0:
.L_simem_size_0:
called_computation.1_lowered:
.L_overlay_start_0:
0x88: {  	s2 =	sld [smem:$0x3FD9]  }
0x89: {  	s3 =	sld [smem:$0x3FFE];
	_ =	sdelay $0x1  }
0x8a: {  	s1 =	srdreg.scid  }
0x8b: {  	s0 =	sand.u32 $0x1, s1  }
0x8c: {  	s17 =	sshll.u32 s0, $0xA;
	s2 =	sadd.s32 s3, s2  }
0x8d: {  	s2 =	sadd.s32 s2, s17  }
0x8e: {  	[smem:$0x3FBB] =	sst s2  }
0x8f: {  	_ = 	snop  }
0x90: {  	s18 =	sld [smem:$0x3FC5];
	(tm) =	ssettm $0x1  }
0x91: {  	s19 =	sld [smem:$0x3FFB];
	_ =	sdelay $0x3  }
0x92: {  	_ =	strace s19  }
0x93: {  	s2 =	sld [smem:$0x3FFC];
	_ =	sdelay $0x3  }
0x94: {  	_ =	strace s2  }
0x95: {  	s2 =	sld [smem:$0x3FFD];
	_ =	sdelay $0x3  }
0x96: {  	_ =	strace s2  }
0x97: {  	_ =	strace $0x8FFFFFFF  }
0x98: {  	s20 =	sld [smem:$0x3FDB];
	_ =	sdelay $0x1  }
0x99: {  	s4 =	simm.s32 $_scs_section_size  }
0x9a: {  	s5 =	simm.s32 $_size__tile_overlayer_lowered;
	s6 =	simm.s32 $_tile_overlayer_lowered  }
0x9b: {  	s7 =	simm.s32 $0x1BFF;
	s21 =	sshll.u32 s6, $0x1;
	s4 =	sadd.s32 s4, s20  }
0x9c: {  	s22 =	simm.s32 $0x0;
	s5 =	sshll.u32 s5, $0x1;
	s6 =	sadd.s32 s21, s4  }
0x9d: {  	[timem:s22], [sflag:s7] =	dma.local [hbm:s6], s5  }
0x9e: {  	_ =	swait.ge [sflag:s7], s5  }
0x9f: {  	s5 =	ssub.s32 $0x0, s5;
	[sflag:s7] =	ssyncset.done $0x0  }
0xa0: {  	[sflag:s7] =	ssyncadd.s32 s5;
	_ =	sdelay $0x1  }
0xa1: {  	s23 =	simm.s32 $0x1B8B  }
0xa2: {  	_ =	swait.ge [sflag:s23], $0x1  }
0xa3: {  	[sflag:s23] =	ssyncset.done $0x0  }
0xa4: {  	[sflag:s23] =	ssyncadd.s32 $0xFFFFFFFF  }
0xa5: {  	s5 =	sld [smem:$0x0]  }
0xa6: {  	s6 =	sand.u32 $0xFFFFFFFE, s1  }
0xa7: {  	p0 =	sne.s32 s1, s6  }
0xa8: {  	s6 =	sshll.u32 @p0 s6, $0xE  }
0xa9: {  	s6 =	sadd.s32 @p0 $0x11B8D, s6;
	s7 =	sshll.u32 @p0 s5, $0x11  }
0xaa: {  	s6 =	sor.u32 @p0 s7, s6  }
0xab: {  	[sflag:s6] =	ssyncadd.remote.s32 @p0 $0x1;
	_ =	sdelay $0x1  }
0xac: {  	s6 =	simm.s32 @p0 $0x1B8D  }
0xad: {  	_ =	swait.eq @p0 [sflag:s6], $0x1  }
0xae: {  	[sflag:s6] =	ssyncadd.s32 @p0 $0xFFFFFFFF  }
0xaf: {  	s7 =	sshll.u32 @!p0 s1, $0xE  }
0xb0: {  	s7 =	sor.u32 @!p0 $0x4000, s7;
	s6 =	simm.s32 @!p0 $0x1B8D  }
0xb1: {  	s5 =	sshll.u32 @!p0 s5, $0x11;
	s7 =	sadd.s32 @!p0 $0x11B8D, s7;
	_ =	swait.eq @!p0 [sflag:s6], $0x1  }
0xb2: {  	s5 =	sor.u32 @!p0 s5, s7;
	[sflag:s6] =	ssyncadd.s32 @!p0 $0xFFFFFFFF  }
0xb3: {  	s25 =	simm.s32 $0x1B8E;
	s24 =	sld [smem:$0x3FFE];
	[sflag:s5] =	ssyncadd.remote.s32 @!p0 $0x1  }
0xb4: {  	s26 =	simm.s32 $execute0_lowered;
	[smem:$0x3FD2] =	sst s25  }
0xb5: {  	s6 =	sshll.u32 s26, $0x1;
	_ =	strace $0x8000004F;
	[dreg:$0x1] =	wrdreg $0xFFFFFFFF  }
0xb6: {  	s28 =	simm.s32 $_size_execute0_lowered;
	s4 =	sadd.s32 s4, s6;
	[dreg:$0x0] =	wrdreg $0x0  }
0xb7: {  	s6 =	sshll.u32 s28, $0x1;
	[dreg:$0x2] =	wrdreg s4  }
0xb8: {  	[dreg:$0x3] =	wrdreg s6  }
0xb9: {  	[dreg:$0x4] =	wrdreg $0xC0  }
0xba: {  	_ =	task [dreg:s22], $0x5FFFF  }
0xbb: {  	[dreg:$0x1] =	wrdreg $0xFFFFFFFF  }
0xbc: {  	[dreg:$0x0] =	wrdreg $0x60  }
0xbd: {  	[dreg:$0x2] =	wrdreg s18  }
0xbe: {  	[dreg:$0x3] =	wrdreg s24  }
0xbf: {  	[dreg:$0x4] =	wrdreg $0xA  }
0xc0: {  	_ =	task.clear_ibuf [dreg:s22], $0x5FFFF;
	_ =	strace $0x9000004F  }
0xc1: {  	s29 =	simm.s32 $0xA;
	_ =	strace $0x80000051  }
0xc2: {  	_ =	swait.ge [sflag:s29], $0x1  }
0xc3: {  	[sflag:s29] =	ssyncadd.s32 $0xFFFFFFFF  }
0xc4: {  	_ =	strace $0x90000051  }
0xc5: {  	_ =	sfence  }
0xc6: {  	s30 =	sld [smem:$0x0];
	_ =	sdelay $0x2  }
0xc7: {  	s31 =	sshll.u32 s1, $0xD;
	s1 =	sshrl.u32 s1, $0x2  }
0xc8: {  	s4 =	sand.u32 $0x4000, s31;
	s1 =	sadd.s32 s1, s30  }
0xc9: {  	s0 =	sor.u32 s4, s0;
	s1 =	sshll.u32 s1, $0x11  }
0xca: {  	s0 =	sor.u32 s1, s0  }
0xcb: {  	s0 =	sadd.s32 $0x8F2B, s0  }
0xcc: {  	[sflag:s0] =	ssyncadd.remote.s32 $0x1  }
0xcd: {  	_ =	sfence.sel $0xFFFF  }
0xce: {  	[dreg:$0x0] =	wrdreg $0xFFFFFFFF;
	(pc) =	sbr.abs _section_cstart, $3  }
0xcf: {  	[dreg:$0x1] =	wrdreg $0xFFFFFFFF  }
0xd0: {  	_ =	task.clear_ibuf [dreg:s22], $0x2FFFF;
	_ =	strace $0x9FFFFFFF  }
0xd1: {  	(tm) =	ssettm $0x7FFFFFFF  }
tec
execute0_lowered:
.L_overlay_start_1:
0x0: {  	(tag) =	ssettag $0x1  }
0x1: {  	s0 =	srdreg.scid;
	s2 =	rddreg [dreg:$0x0]  }
0x2: {  	s8 =	stileid.u32;
	s4 =	rddreg [dreg:$0x1];
	s3 =	simm.s32 $0x0  }
0x3: {  	s9 =	simm.s32 $0x480;
	s10 =	simm.s32 $0xC80;
	s11 =	simm.s32 $0x1480  }
0x4: {  	s12 =	simm.s32 $0x1C80;
	s13 =	simm.s32 $0x2480;
	s14 =	simm.s32 $0x2C80  }
0x5: {  	s15 =	simm.s32 $0x3480;
	s16 =	simm.s32 $0x3C80;
	s17 =	simm.s32 $0x4480  }
0x6: {  	s18 =	simm.s32 $0x4C80;
	s19 =	simm.s32 $0x5480;
	s20 =	simm.s32 $0x5C80  }
0x7: {  	s21 =	simm.s32 $0x6480;
	s22 =	simm.s32 $0x6C80;
	s23 =	simm.s32 $0x7480  }
0x8: {  	s24 =	simm.s32 $0x7C80;
	s0 =	sand.u32 $0x1, s0;
	s1 =	sshll.u32 s8, $0x1  }
0x9: {  	s28 =	simm.s32 $0x9480;
	s29 =	simm.s32 $0x9C80;
	s1 =	sor.u32 s0, s1  }
0xa: {  	s30 =	simm.s32 $0xA480;
	s31 =	simm.s32 $0xAC80;
	s5 =	smul.u32 $0x420, s1  }
0xb: {  	[smem:$0x7FF] =	sst s3;
	s6 =	ssub.s32 $0x2, s0;
	s1 =	smul.u32 $0x42000, s1  }
0xc: {  	s8 =	smul.u32 $0x10800, s8;
	_ =	strace $0x80000050;
	s7 =	sshrl.u32 s6, $0x1  }
0xd: {  	s6 =	ssub.s32 s6, s7;
	s5 =	sshrl.u32 s5, $0x3;
	s1 =	sshrl.u32 s1, $0x3  }
0xe: {  	s26 =	smax.u32 s6, $0x1;
	s5 =	sadd.s32 s5, s4;
	s4 =	sadd.s32 $0x328000, s4  }
0xf: {  	[dreg:$0x7] =	wrdreg s26;
	s1 =	sadd.s32 s4, s1;
	s5 =	sadd.s32 $0x6600, s5  }
0x10: {  	s0 =	smul.u32 $0x8400, s0;
	[dreg:$0x4] =	wrdreg s5;
	s25 =	sadd.s32 $0x6E00, s1  }
0x11: {  	s4 =	sadd.s32 s8, s4;
	s1 =	sadd.s32 $0x7900, s1;
	[dreg:$0x5] =	wrdreg s25  }
0x12: {  	v2 =	vlaneseq.u32;
	s26 =	simm.s32 $0x8C80;
	s0 =	sadd.s32 s0, s4;
	[dreg:$0x6] =	wrdreg s1  }
0x13: {  	vm0 =	vmmov $0xffff;
	v1 =	vshrl.u32 v2, $0x3;
	s8 =	simm.s32 $0x3;
	s4 =	simm.s32 $0x0;
	[dreg:$0x3] =	wrdreg s0  }
0x14: {  	v0 =	vand.u32 $0x7, v2;
	v2 =	vor.u32 $0x8, v2;
	v1 =	vmul.u32 $0x8, v1;
	s25 =	simm.s32 $0x8480;
	s1 =	simm.s32 $0x1;
	s0 =	simm.s32 $0x2  }
.LBB2_1:
0x15: {  	s5 =	rddreg [dreg:$0x4]  }
0x16: {  	[tilespmem:s3], [sflag:$0x3] =	stream.linear.gather [hbm4b:s5+s3], $0x420, $0x38;
	[tilespmem:$0xB480] =	vst v63  }
0x17: {  	_ =	swait.ge [sflag:s8], $0x420  }
0x18: {  	[sflag:s8] =	ssyncset.done $0x0  }
0x19: {  	[sflag:s8] =	ssyncadd.s32 $0xFFFFFBE0  }
0x1a: {  	v3 =	vld [tilespmem:$0x0];
	_ =	sdelay $0x4  }
0x1b: {  	v4 =	vshll.u32 v3, $0x1  }
0x1c: {  	v3 =	vand.u32 $0x7, v3;
	v4 =	vand.u32 $0xFFFFFFF0, v4  }
0x1d: {  	v3 =	vor.u32 v3, v4  }
0x1e: {  	v4 =	vperm.xlane v3, v0;
	_ =	sdelay $0x1  }
0x1f: {  	v3 =	vperm.xlane v3, v2;
	v4 =	vadd.s32 v1, v4;
	_ =	sdelay $0x1  }
0x20: {  	v3 =	vadd.s32 v1, v3;
	_ =	sdelay $0x2  }
0x21: {  	[tilespmem:s9], [sflag:$0x1] =	stream.indirect_vreg.gather [hbm4b:s2+s3], $0x80, v4, vm0, $0xb8;
	[tilespmem:$0xB480] =	vst v63  }
0x22: {  	_ = 	snop  }
0x23: {  	[tilespmem:s10], [sflag:$0x1] =	stream.indirect_vreg.gather [hbm4b:s2+s3], $0x80, v3, vm0, $0xb8;
	[tilespmem:$0xB480] =	vst v63  }
0x24: {  	v3 =	vld [tilespmem:$0x10];
	_ =	sdelay $0x4  }
0x25: {  	v59 =	vshll.u32 v3, $0x1  }
0x26: {  	v3 =	vand.u32 $0x7, v3;
	v4 =	vand.u32 $0xFFFFFFF0, v59  }
0x27: {  	v3 =	vor.u32 v3, v4  }
0x28: {  	v4 =	vperm.xlane v3, v0;
	_ =	sdelay $0x1  }
0x29: {  	v3 =	vperm.xlane v3, v2;
	v4 =	vadd.s32 v1, v4;
	_ =	sdelay $0x1  }
0x2a: {  	v3 =	vadd.s32 v1, v3;
	_ =	sdelay $0x2  }
0x2b: {  	[tilespmem:s11], [sflag:$0x1] =	stream.indirect_vreg.gather [hbm4b:s2+s3], $0x80, v4, vm0, $0xb8;
	[tilespmem:$0xB480] =	vst v63  }
0x2c: {  	_ = 	snop  }
0x2d: {  	[tilespmem:s12], [sflag:$0x1] =	stream.indirect_vreg.gather [hbm4b:s2+s3], $0x80, v3, vm0, $0xb8;
	[tilespmem:$0xB480] =	vst v63  }
0x2e: {  	v3 =	vld [tilespmem:$0x20];
	_ =	sdelay $0x4  }
0x2f: {  	v60 =	vshll.u32 v3, $0x1  }
0x30: {  	v3 =	vand.u32 $0x7, v3;
	v4 =	vand.u32 $0xFFFFFFF0, v60  }
0x31: {  	v3 =	vor.u32 v3, v4  }
0x32: {  	v4 =	vperm.xlane v3, v0;
	_ =	sdelay $0x1  }
0x33: {  	v3 =	vperm.xlane v3, v2;
	v4 =	vadd.s32 v1, v4;
	_ =	sdelay $0x1  }
0x34: {  	v3 =	vadd.s32 v1, v3;
	_ =	sdelay $0x2  }
0x35: {  	[tilespmem:s13], [sflag:$0x1] =	stream.indirect_vreg.gather [hbm4b:s2+s3], $0x80, v4, vm0, $0xb8;
	[tilespmem:$0xB480] =	vst v63  }
0x36: {  	_ = 	snop  }
0x37: {  	[tilespmem:s14], [sflag:$0x1] =	stream.indirect_vreg.gather [hbm4b:s2+s3], $0x80, v3, vm0, $0xb8;
	[tilespmem:$0xB480] =	vst v63  }
0x38: {  	v3 =	vld [tilespmem:$0x30];
	_ =	sdelay $0x4  }
0x39: {  	v61 =	vshll.u32 v3, $0x1  }
0x3a: {  	v3 =	vand.u32 $0x7, v3;
	v4 =	vand.u32 $0xFFFFFFF0, v61  }
0x3b: {  	v3 =	vor.u32 v3, v4  }
0x3c: {  	v4 =	vperm.xlane v3, v0;
	_ =	sdelay $0x1  }
0x3d: {  	v3 =	vperm.xlane v3, v2;
	v4 =	vadd.s32 v1, v4;
	_ =	sdelay $0x1  }
0x3e: {  	v3 =	vadd.s32 v1, v3;
	_ =	sdelay $0x2  }
0x3f: {  	[tilespmem:s15], [sflag:$0x1] =	stream.indirect_vreg.gather [hbm4b:s2+s3], $0x80, v4, vm0, $0xb8;
	[tilespmem:$0xB480] =	vst v63  }
0x40: {  	_ = 	snop  }
0x41: {  	[tilespmem:s16], [sflag:$0x1] =	stream.indirect_vreg.gather [hbm4b:s2+s3], $0x80, v3, vm0, $0xb8;
	[tilespmem:$0xB480] =	vst v63  }
0x42: {  	v3 =	vld [tilespmem:$0x40];
	_ =	sdelay $0x4  }
0x43: {  	v62 =	vshll.u32 v3, $0x1  }
0x44: {  	v3 =	vand.u32 $0x7, v3;
	v4 =	vand.u32 $0xFFFFFFF0, v62  }
0x45: {  	v3 =	vor.u32 v3, v4  }
0x46: {  	v4 =	vperm.xlane v3, v0;
	_ =	sdelay $0x1  }
0x47: {  	v3 =	vperm.xlane v3, v2;
	v4 =	vadd.s32 v1, v4;
	_ =	sdelay $0x1  }
0x48: {  	v3 =	vadd.s32 v1, v3;
	_ =	sdelay $0x2  }
0x49: {  	[tilespmem:s17], [sflag:$0x1] =	stream.indirect_vreg.gather [hbm4b:s2+s3], $0x80, v4, vm0, $0xb8;
	[tilespmem:$0xB480] =	vst v63  }
0x4a: {  	_ = 	snop  }
0x4b: {  	[tilespmem:s18], [sflag:$0x1] =	stream.indirect_vreg.gather [hbm4b:s2+s3], $0x80, v3, vm0, $0xb8;
	[tilespmem:$0xB480] =	vst v63  }
0x4c: {  	v3 =	vld.msk [tilespmem:$0x50], $0xff;
	_ =	sdelay $0x4  }
0x4d: {  	v63 =	vshll.u32 v3, $0x1  }
0x4e: {  	v3 =	vand.u32 $0x7, v3;
	v4 =	vand.u32 $0xFFFFFFF0, v63  }
0x4f: {  	v3 =	vor.u32 v3, v4  }
0x50: {  	v3 =	vperm.xlane v3, v0;
	_ =	sdelay $0x1  }
0x51: {  	v3 =	vadd.s32 v1, v3;
	_ =	sdelay $0x3  }
0x52: {  	s6 =	simm.s32 $0x0;
	s5 =	simm.s32 $0x88  }
0x53: {  	[tilespmem:s19], [sflag:$0x1] =	stream.indirect_vreg.gather [hbm4b:s2+s3], $0x80, v3, vm0, $0xb8;
	[tilespmem:$0xB480] =	vst v63  }
.LBB2_2:
0x54: {  	v3 =	vld [tilespmem:s5+$0xFFFFFFD0];
	_ =	sdelay $0x4  }
0x55: {  	v4 =	vshll.u32 v3, $0x1  }
0x56: {  	v3 =	vand.u32 $0x7, v3;
	v4 =	vand.u32 $0xFFFFFFF0, v4  }
0x57: {  	v3 =	vor.u32 v3, v4  }
0x58: {  	v4 =	vperm.xlane v3, v0;
	_ =	sdelay $0x1  }
0x59: {  	v3 =	vperm.xlane v3, v2;
	v4 =	vadd.s32 v1, v4;
	_ =	sdelay $0x1  }
0x5a: {  	v3 =	vadd.s32 v1, v3;
	_ =	sdelay $0x2  }
0x5b: {  	[tilespmem:s20], [sflag:$0x2] =	stream.indirect_vreg.gather [hbm4b:s2+s3], $0x80, v4, vm0, $0xb8;
	[tilespmem:$0xB480] =	vst v63  }
0x5c: {  	_ = 	snop  }
0x5d: {  	[tilespmem:s21], [sflag:$0x2] =	stream.indirect_vreg.gather [hbm4b:s2+s3], $0x80, v3, vm0, $0xb8;
	[tilespmem:$0xB480] =	vst v63  }
0x5e: {  	v3 =	vld [tilespmem:s5+$0xFFFFFFE0];
	_ =	sdelay $0x4  }
0x5f: {  	v53 =	vshll.u32 v3, $0x1  }
0x60: {  	v3 =	vand.u32 $0x7, v3;
	v4 =	vand.u32 $0xFFFFFFF0, v53  }
0x61: {  	v3 =	vor.u32 v3, v4  }
0x62: {  	v4 =	vperm.xlane v3, v0;
	_ =	sdelay $0x1  }
0x63: {  	v3 =	vperm.xlane v3, v2;
	v4 =	vadd.s32 v1, v4;
	_ =	sdelay $0x1  }
0x64: {  	v3 =	vadd.s32 v1, v3;
	_ =	sdelay $0x2  }
0x65: {  	[tilespmem:s22], [sflag:$0x2] =	stream.indirect_vreg.gather [hbm4b:s2+s3], $0x80, v4, vm0, $0xb8;
	[tilespmem:$0xB480] =	vst v63  }
0x66: {  	_ = 	snop  }
0x67: {  	[tilespmem:s23], [sflag:$0x2] =	stream.indirect_vreg.gather [hbm4b:s2+s3], $0x80, v3, vm0, $0xb8;
	[tilespmem:$0xB480] =	vst v63  }
0x68: {  	v3 =	vld [tilespmem:s5+$0xFFFFFFF0];
	_ =	sdelay $0x4  }
0x69: {  	v54 =	vshll.u32 v3, $0x1  }
0x6a: {  	v3 =	vand.u32 $0x7, v3;
	v4 =	vand.u32 $0xFFFFFFF0, v54  }
0x6b: {  	v3 =	vor.u32 v3, v4  }
0x6c: {  	v4 =	vperm.xlane v3, v0;
	_ =	sdelay $0x1  }
0x6d: {  	v3 =	vperm.xlane v3, v2;
	v4 =	vadd.s32 v1, v4;
	_ =	sdelay $0x1  }
0x6e: {  	v3 =	vadd.s32 v1, v3;
	_ =	sdelay $0x2  }
0x6f: {  	[tilespmem:s24], [sflag:$0x2] =	stream.indirect_vreg.gather [hbm4b:s2+s3], $0x80, v4, vm0, $0xb8;
	[tilespmem:$0xB480] =	vst v63  }
0x70: {  	_ = 	snop  }
0x71: {  	[tilespmem:s25], [sflag:$0x2] =	stream.indirect_vreg.gather [hbm4b:s2+s3], $0x80, v3, vm0, $0xb8;
	[tilespmem:$0xB480] =	vst v63  }
0x72: {  	v3 =	vld [tilespmem:s5+$0x0];
	_ =	sdelay $0x4  }
0x73: {  	v55 =	vshll.u32 v3, $0x1  }
0x74: {  	v3 =	vand.u32 $0x7, v3;
	v4 =	vand.u32 $0xFFFFFFF0, v55  }
0x75: {  	v3 =	vor.u32 v3, v4  }
0x76: {  	v4 =	vperm.xlane v3, v0;
	_ =	sdelay $0x1  }
0x77: {  	v3 =	vperm.xlane v3, v2;
	v4 =	vadd.s32 v1, v4;
	_ =	sdelay $0x1  }
0x78: {  	v3 =	vadd.s32 v1, v3;
	_ =	sdelay $0x2  }
0x79: {  	[tilespmem:s26], [sflag:$0x2] =	stream.indirect_vreg.gather [hbm4b:s2+s3], $0x80, v4, vm0, $0xb8;
	[tilespmem:$0xB480] =	vst v63  }
0x7a: {  	_ = 	snop  }
0x7b: {  	[tilespmem:s28], [sflag:$0x2] =	stream.indirect_vreg.gather [hbm4b:s2+s3], $0x80, v3, vm0, $0xb8;
	[tilespmem:$0xB480] =	vst v63  }
0x7c: {  	v3 =	vld [tilespmem:s5+$0x10];
	_ =	sdelay $0x4  }
0x7d: {  	v56 =	vshll.u32 v3, $0x1  }
0x7e: {  	v3 =	vand.u32 $0x7, v3;
	v4 =	vand.u32 $0xFFFFFFF0, v56  }
0x7f: {  	v3 =	vor.u32 v3, v4  }
0x80: {  	v4 =	vperm.xlane v3, v0;
	_ =	sdelay $0x1  }
0x81: {  	v3 =	vperm.xlane v3, v2;
	v4 =	vadd.s32 v1, v4;
	_ =	sdelay $0x1  }
0x82: {  	v3 =	vadd.s32 v1, v3;
	_ =	sdelay $0x2  }
0x83: {  	[tilespmem:s29], [sflag:$0x2] =	stream.indirect_vreg.gather [hbm4b:s2+s3], $0x80, v4, vm0, $0xb8;
	[tilespmem:$0xB480] =	vst v63  }
0x84: {  	_ = 	snop  }
0x85: {  	[tilespmem:s30], [sflag:$0x2] =	stream.indirect_vreg.gather [hbm4b:s2+s3], $0x80, v3, vm0, $0xb8;
	[tilespmem:$0xB480] =	vst v63  }
0x86: {  	v3 =	vld.msk [tilespmem:s5+$0x20], $0xff;
	_ =	sdelay $0x4  }
0x87: {  	v57 =	vshll.u32 v3, $0x1  }
0x88: {  	v3 =	vand.u32 $0x7, v3;
	v4 =	vand.u32 $0xFFFFFFF0, v57  }
0x89: {  	v3 =	vor.u32 v3, v4  }
0x8a: {  	v3 =	vperm.xlane v3, v0;
	_ =	sdelay $0x1  }
0x8b: {  	v3 =	vadd.s32 v1, v3;
	_ =	sdelay $0x4  }
0x8c: {  	[tilespmem:s31], [sflag:$0x2] =	stream.indirect_vreg.gather [hbm4b:s2+s3], $0x80, v3, vm0, $0xb8;
	[tilespmem:$0xB480] =	vst v63  }
0x8d: {  	_ =	swait.ge [sflag:s1], $0x5800  }
0x8e: {  	s7 =	rddreg [dreg:$0x3];
	[sflag:s1] =	ssyncset.done $0x0  }
0x8f: {  	[sflag:s1] =	ssyncadd.s32 $0xFFFFA800;
	s7 =	sadd.s32 s6, s7  }
0x90: {  	[hbm4b:s7+s3] =	stream.linear.scatter [tilespmem:s9], [sflag:$0x3], $0x5800, $0x38;
	[tilespmem:$0xB480] =	vst v63  }
0x91: {  	_ =	swait.ge [sflag:s8], $0x5800  }
0x92: {  	[sflag:s8] =	ssyncset.done $0x0  }
0x93: {  	[sflag:s8] =	ssyncadd.s32 $0xFFFFA800  }
0x94: {  	v3 =	vld [tilespmem:s5+$0x28];
	_ =	sdelay $0x4  }
0x95: {  	v58 =	vshll.u32 v3, $0x1  }
0x96: {  	v3 =	vand.u32 $0x7, v3;
	v4 =	vand.u32 $0xFFFFFFF0, v58  }
0x97: {  	v3 =	vor.u32 v3, v4  }
0x98: {  	v4 =	vperm.xlane v3, v0;
	_ =	sdelay $0x1  }
0x99: {  	v3 =	vperm.xlane v3, v2;
	v4 =	vadd.s32 v1, v4;
	_ =	sdelay $0x1  }
0x9a: {  	v3 =	vadd.s32 v1, v3;
	_ =	sdelay $0x2  }
0x9b: {  	[tilespmem:s9], [sflag:$0x1] =	stream.indirect_vreg.gather [hbm4b:s2+s3], $0x80, v4, vm0, $0xb8;
	[tilespmem:$0xB480] =	vst v63  }
0x9c: {  	_ = 	snop  }
0x9d: {  	[tilespmem:s10], [sflag:$0x1] =	stream.indirect_vreg.gather [hbm4b:s2+s3], $0x80, v3, vm0, $0xb8;
	[tilespmem:$0xB480] =	vst v63  }
0x9e: {  	v3 =	vld [tilespmem:s5+$0x38];
	_ =	sdelay $0x4  }
0x9f: {  	v59 =	vshll.u32 v3, $0x1  }
0xa0: {  	v3 =	vand.u32 $0x7, v3;
	v4 =	vand.u32 $0xFFFFFFF0, v59  }
0xa1: {  	v3 =	vor.u32 v3, v4  }
0xa2: {  	v4 =	vperm.xlane v3, v0;
	_ =	sdelay $0x1  }
0xa3: {  	v3 =	vperm.xlane v3, v2;
	v4 =	vadd.s32 v1, v4;
	_ =	sdelay $0x1  }
0xa4: {  	v3 =	vadd.s32 v1, v3;
	_ =	sdelay $0x2  }
0xa5: {  	[tilespmem:s11], [sflag:$0x1] =	stream.indirect_vreg.gather [hbm4b:s2+s3], $0x80, v4, vm0, $0xb8;
	[tilespmem:$0xB480] =	vst v63  }
0xa6: {  	_ = 	snop  }
0xa7: {  	[tilespmem:s12], [sflag:$0x1] =	stream.indirect_vreg.gather [hbm4b:s2+s3], $0x80, v3, vm0, $0xb8;
	[tilespmem:$0xB480] =	vst v63  }
0xa8: {  	v3 =	vld [tilespmem:s5+$0x48];
	_ =	sdelay $0x4  }
0xa9: {  	v60 =	vshll.u32 v3, $0x1  }
0xaa: {  	v3 =	vand.u32 $0x7, v3;
	v4 =	vand.u32 $0xFFFFFFF0, v60  }
0xab: {  	v3 =	vor.u32 v3, v4  }
0xac: {  	v4 =	vperm.xlane v3, v0;
	_ =	sdelay $0x1  }
0xad: {  	v3 =	vperm.xlane v3, v2;
	v4 =	vadd.s32 v1, v4;
	_ =	sdelay $0x1  }
0xae: {  	v3 =	vadd.s32 v1, v3;
	_ =	sdelay $0x2  }
0xaf: {  	[tilespmem:s13], [sflag:$0x1] =	stream.indirect_vreg.gather [hbm4b:s2+s3], $0x80, v4, vm0, $0xb8;
	[tilespmem:$0xB480] =	vst v63  }
0xb0: {  	_ = 	snop  }
0xb1: {  	[tilespmem:s14], [sflag:$0x1] =	stream.indirect_vreg.gather [hbm4b:s2+s3], $0x80, v3, vm0, $0xb8;
	[tilespmem:$0xB480] =	vst v63  }
0xb2: {  	v3 =	vld [tilespmem:s5+$0x58];
	_ =	sdelay $0x4  }
0xb3: {  	v61 =	vshll.u32 v3, $0x1  }
0xb4: {  	v3 =	vand.u32 $0x7, v3;
	v4 =	vand.u32 $0xFFFFFFF0, v61  }
0xb5: {  	v3 =	vor.u32 v3, v4  }
0xb6: {  	v4 =	vperm.xlane v3, v0;
	_ =	sdelay $0x1  }
0xb7: {  	v3 =	vperm.xlane v3, v2;
	v4 =	vadd.s32 v1, v4;
	_ =	sdelay $0x1  }
0xb8: {  	v3 =	vadd.s32 v1, v3;
	_ =	sdelay $0x2  }
0xb9: {  	[tilespmem:s15], [sflag:$0x1] =	stream.indirect_vreg.gather [hbm4b:s2+s3], $0x80, v4, vm0, $0xb8;
	[tilespmem:$0xB480] =	vst v63  }
0xba: {  	_ = 	snop  }
0xbb: {  	[tilespmem:s16], [sflag:$0x1] =	stream.indirect_vreg.gather [hbm4b:s2+s3], $0x80, v3, vm0, $0xb8;
	[tilespmem:$0xB480] =	vst v63  }
0xbc: {  	v3 =	vld [tilespmem:s5+$0x68];
	_ =	sdelay $0x4  }
0xbd: {  	v62 =	vshll.u32 v3, $0x1  }
0xbe: {  	v3 =	vand.u32 $0x7, v3;
	v4 =	vand.u32 $0xFFFFFFF0, v62  }
0xbf: {  	v3 =	vor.u32 v3, v4  }
0xc0: {  	v4 =	vperm.xlane v3, v0;
	_ =	sdelay $0x1  }
0xc1: {  	v3 =	vperm.xlane v3, v2;
	v4 =	vadd.s32 v1, v4;
	_ =	sdelay $0x1  }
0xc2: {  	v3 =	vadd.s32 v1, v3;
	_ =	sdelay $0x2  }
0xc3: {  	[tilespmem:s17], [sflag:$0x1] =	stream.indirect_vreg.gather [hbm4b:s2+s3], $0x80, v4, vm0, $0xb8;
	[tilespmem:$0xB480] =	vst v63  }
0xc4: {  	_ = 	snop  }
0xc5: {  	[tilespmem:s18], [sflag:$0x1] =	stream.indirect_vreg.gather [hbm4b:s2+s3], $0x80, v3, vm0, $0xb8;
	[tilespmem:$0xB480] =	vst v63  }
0xc6: {  	v3 =	vld.msk [tilespmem:s5+$0x78], $0xff;
	_ =	sdelay $0x4  }
0xc7: {  	v63 =	vshll.u32 v3, $0x1  }
0xc8: {  	v3 =	vand.u32 $0x7, v3;
	v4 =	vand.u32 $0xFFFFFFF0, v63  }
0xc9: {  	v3 =	vor.u32 v3, v4  }
0xca: {  	v3 =	vperm.xlane v3, v0;
	_ =	sdelay $0x1  }
0xcb: {  	v3 =	vadd.s32 v1, v3;
	_ =	sdelay $0x4  }
0xcc: {  	[tilespmem:s19], [sflag:$0x1] =	stream.indirect_vreg.gather [hbm4b:s2+s3], $0x80, v3, vm0, $0xb8;
	[tilespmem:$0xB480] =	vst v63  }
0xcd: {  	_ =	swait.ge [sflag:s0], $0x5800  }
0xce: {  	p0 =	sne.s32 s6, $0x5800;
	[sflag:s0] =	ssyncset.done $0x0  }
.Ltmp0:
0xcf: {  	s7 =	sadd.s32 $0xB00, s7;
	[sflag:s0] =	ssyncadd.s32 $0xFFFFA800;
	(pc) =	sbr.rel @p0 .LBB2_2-.Ltmp0, $4  }
0xd0: {  	[hbm4b:s7+s3] =	stream.linear.scatter [tilespmem:s20], [sflag:$0x3], $0x5800, $0x38;
	[tilespmem:$0xB480] =	vst v63  }
0xd1: {  	_ =	swait.ge [sflag:s8], $0x5800  }
0xd2: {  	[sflag:s8] =	ssyncset.done $0x0  }
0xd3: {  	s6 =	sadd.s32 $0x1600, s6;
	s5 =	sadd.s32 $0xB0, s5;
	[sflag:s8] =	ssyncadd.s32 $0xFFFFA800  }
0xd4: {  	v3 =	vld [tilespmem:$0x3C8];
	_ =	sdelay $0x4  }
0xd5: {  	v4 =	vshll.u32 v3, $0x1  }
0xd6: {  	v3 =	vand.u32 $0x7, v3;
	v4 =	vand.u32 $0xFFFFFFF0, v4  }
0xd7: {  	v3 =	vor.u32 v3, v4  }
0xd8: {  	v4 =	vperm.xlane v3, v0;
	_ =	sdelay $0x1  }
0xd9: {  	v3 =	vperm.xlane v3, v2;
	v4 =	vadd.s32 v1, v4;
	_ =	sdelay $0x1  }
0xda: {  	v3 =	vadd.s32 v1, v3;
	_ =	sdelay $0x2  }
0xdb: {  	[tilespmem:s20], [sflag:$0x2] =	stream.indirect_vreg.gather [hbm4b:s2+s3], $0x80, v4, vm0, $0xb8;
	[tilespmem:$0xB480] =	vst v63  }
0xdc: {  	_ = 	snop  }
0xdd: {  	[tilespmem:s21], [sflag:$0x2] =	stream.indirect_vreg.gather [hbm4b:s2+s3], $0x80, v3, vm0, $0xb8;
	[tilespmem:$0xB480] =	vst v63  }
0xde: {  	v3 =	vld [tilespmem:$0x3D8];
	_ =	sdelay $0x4  }
0xdf: {  	v59 =	vshll.u32 v3, $0x1  }
0xe0: {  	v3 =	vand.u32 $0x7, v3;
	v4 =	vand.u32 $0xFFFFFFF0, v59  }
0xe1: {  	v3 =	vor.u32 v3, v4  }
0xe2: {  	v4 =	vperm.xlane v3, v0;
	_ =	sdelay $0x1  }
0xe3: {  	v3 =	vperm.xlane v3, v2;
	v4 =	vadd.s32 v1, v4;
	_ =	sdelay $0x1  }
0xe4: {  	v3 =	vadd.s32 v1, v3;
	_ =	sdelay $0x2  }
0xe5: {  	[tilespmem:s22], [sflag:$0x2] =	stream.indirect_vreg.gather [hbm4b:s2+s3], $0x80, v4, vm0, $0xb8;
	[tilespmem:$0xB480] =	vst v63  }
0xe6: {  	_ = 	snop  }
0xe7: {  	[tilespmem:s23], [sflag:$0x2] =	stream.indirect_vreg.gather [hbm4b:s2+s3], $0x80, v3, vm0, $0xb8;
	[tilespmem:$0xB480] =	vst v63  }
0xe8: {  	v3 =	vld [tilespmem:$0x3E8];
	_ =	sdelay $0x4  }
0xe9: {  	v60 =	vshll.u32 v3, $0x1  }
0xea: {  	v3 =	vand.u32 $0x7, v3;
	v4 =	vand.u32 $0xFFFFFFF0, v60  }
0xeb: {  	v3 =	vor.u32 v3, v4  }
0xec: {  	v4 =	vperm.xlane v3, v0;
	_ =	sdelay $0x1  }
0xed: {  	v3 =	vperm.xlane v3, v2;
	v4 =	vadd.s32 v1, v4;
	_ =	sdelay $0x1  }
0xee: {  	v3 =	vadd.s32 v1, v3;
	_ =	sdelay $0x2  }
0xef: {  	[tilespmem:s24], [sflag:$0x2] =	stream.indirect_vreg.gather [hbm4b:s2+s3], $0x80, v4, vm0, $0xb8;
	[tilespmem:$0xB480] =	vst v63  }
0xf0: {  	_ = 	snop  }
0xf1: {  	[tilespmem:s25], [sflag:$0x2] =	stream.indirect_vreg.gather [hbm4b:s2+s3], $0x80, v3, vm0, $0xb8;
	[tilespmem:$0xB480] =	vst v63  }
0xf2: {  	v3 =	vld [tilespmem:$0x3F8];
	_ =	sdelay $0x4  }
0xf3: {  	v61 =	vshll.u32 v3, $0x1  }
0xf4: {  	v3 =	vand.u32 $0x7, v3;
	v4 =	vand.u32 $0xFFFFFFF0, v61  }
0xf5: {  	v3 =	vor.u32 v3, v4  }
0xf6: {  	v4 =	vperm.xlane v3, v0;
	_ =	sdelay $0x1  }
0xf7: {  	v3 =	vperm.xlane v3, v2;
	v4 =	vadd.s32 v1, v4;
	_ =	sdelay $0x1  }
0xf8: {  	v3 =	vadd.s32 v1, v3;
	_ =	sdelay $0x2  }
0xf9: {  	[tilespmem:s26], [sflag:$0x2] =	stream.indirect_vreg.gather [hbm4b:s2+s3], $0x80, v4, vm0, $0xb8;
	[tilespmem:$0xB480] =	vst v63  }
0xfa: {  	_ = 	snop  }
0xfb: {  	[tilespmem:s28], [sflag:$0x2] =	stream.indirect_vreg.gather [hbm4b:s2+s3], $0x80, v3, vm0, $0xb8;
	[tilespmem:$0xB480] =	vst v63  }
0xfc: {  	v3 =	vld [tilespmem:$0x408];
	_ =	sdelay $0x4  }
0xfd: {  	v62 =	vshll.u32 v3, $0x1  }
0xfe: {  	v3 =	vand.u32 $0x7, v3;
	v4 =	vand.u32 $0xFFFFFFF0, v62  }
0xff: {  	v3 =	vor.u32 v3, v4  }
0x100: {  	v4 =	vperm.xlane v3, v0;
	_ =	sdelay $0x1  }
0x101: {  	v3 =	vperm.xlane v3, v2;
	v4 =	vadd.s32 v1, v4;
	_ =	sdelay $0x1  }
0x102: {  	v3 =	vadd.s32 v1, v3;
	_ =	sdelay $0x2  }
0x103: {  	[tilespmem:s29], [sflag:$0x2] =	stream.indirect_vreg.gather [hbm4b:s2+s3], $0x80, v4, vm0, $0xb8;
	[tilespmem:$0xB480] =	vst v63  }
0x104: {  	_ = 	snop  }
0x105: {  	[tilespmem:s30], [sflag:$0x2] =	stream.indirect_vreg.gather [hbm4b:s2+s3], $0x80, v3, vm0, $0xb8;
	[tilespmem:$0xB480] =	vst v63  }
0x106: {  	v3 =	vld.msk [tilespmem:$0x418], $0xff;
	_ =	sdelay $0x4  }
0x107: {  	v63 =	vshll.u32 v3, $0x1  }
0x108: {  	v3 =	vand.u32 $0x7, v3;
	v4 =	vand.u32 $0xFFFFFFF0, v63  }
0x109: {  	v3 =	vor.u32 v3, v4  }
0x10a: {  	v3 =	vperm.xlane v3, v0;
	_ =	sdelay $0x1  }
0x10b: {  	v3 =	vadd.s32 v1, v3;
	_ =	sdelay $0x4  }
0x10c: {  	[tilespmem:s31], [sflag:$0x2] =	stream.indirect_vreg.gather [hbm4b:s2+s3], $0x80, v3, vm0, $0xb8;
	[tilespmem:$0xB480] =	vst v63  }
0x10d: {  	_ =	swait.ge [sflag:s1], $0x5800  }
0x10e: {  	[sflag:s1] =	ssyncset.done $0x0  }
0x10f: {  	s5 =	rddreg [dreg:$0x5];
	[sflag:s1] =	ssyncadd.s32 $0xFFFFA800  }
0x110: {  	[hbm4b:s5+s3] =	stream.linear.scatter [tilespmem:s9], [sflag:$0x3], $0x5800, $0x38;
	[tilespmem:$0xB480] =	vst v63  }
0x111: {  	_ =	swait.ge [sflag:s8], $0x5800  }
0x112: {  	[sflag:s8] =	ssyncset.done $0x0  }
0x113: {  	[sflag:s8] =	ssyncadd.s32 $0xFFFFA800  }
0x114: {  	_ =	swait.ge [sflag:s0], $0x5800  }
0x115: {  	[sflag:s0] =	ssyncset.done $0x0  }
0x116: {  	s6 =	rddreg [dreg:$0x6];
	[sflag:s0] =	ssyncadd.s32 $0xFFFFA800  }
0x117: {  	[hbm4b:s6+s3] =	stream.linear.scatter [tilespmem:s20], [sflag:$0x3], $0x5800, $0x38;
	[tilespmem:$0xB480] =	vst v63  }
0x118: {  	_ =	swait.ge [sflag:s8], $0x5800  }
0x119: {  	s4 =	sadd.s32 $0x1, s4;
	s7 =	rddreg [dreg:$0x7]  }
0x11a: {  	p0 =	sne.s32 s4, s7  }
.Ltmp1:
0x11b: {  	_ = 	snop;
	(pc) =	sbr.rel @p0 .LBB2_1-.Ltmp1, $3  }
0x11c: {  	_ =	sdelay $0x1  }
0x11d: {  	[sflag:s8] =	ssyncset.done $0x0  }
0x11e: {  	[sflag:s8] =	ssyncadd.s32 $0xFFFFA800  }
0x11f: {  	_ =	sfence.sel $0x180000  }
0x120: {  	[bflag:$0x0] =	sbarrier.arrive $0xFFFF  }
0x121: {  	_ =	strace $0x90000050  }
0x122: {  	s0 =	stileid.u32;
	[bflag:$0x2] =	sbarrier.arrive $0xFFFF  }
0x123: {  	p0 =	sne.s32 s0, $0x0;
	s0 =	rddreg [dreg:$0x2]  }
0x124: {  	s0 =	sadd.s32 @!p0 $0x100000, s0  }
0x125: {  	[sflag:s0] =	ssyncadd.tile.s32 @!p0 $0x1;
	_ =	shalt  }
.Lfunc_end2:
_tile_overlayer_lowered:
.L_overlay_start_2:
0x126: {  	(tag) =	ssettag $0x2  }
0x127: {  	s0 =	rddreg [dreg:$0x0];
	s2 =	stileid.u32  }
0x128: {  	s1 =	rddreg [dreg:$0x1];
	p0 =	sne.s32 s2, $0x0  }
0x129: {  	s3 =	rddreg [dreg:$0x2];
	[bflag:$0x3] =	sbarrier.arrive $0xFFFF;
	s2 =	simm.s32 @!p0 $0x1C03  }
0x12a: {  	[timem:s3], [sflag:s2] =	dma.local @!p0 [hbm:s0], s1  }
0x12b: {  	s0 =	simm.s32 @!p0 $0x3  }
0x12c: {  	_ =	swait.ge @!p0 [sflag:s0], s1  }
0x12d: {  	s1 =	ssub.s32 @!p0 $0x0, s1;
	[sflag:s0] =	ssyncset.done @!p0 $0x0  }
0x12e: {  	[sflag:s0] =	ssyncadd.s32 @!p0 s1  }
0x12f: {  	[bflag:$0x3] =	sbarrier.arrive $0xFFFF  }
0x130: {  	_ =	shalt  }

// kernel: kernel.24.cloned.1.call-start
scs
__scs_entry_jumppad:
0x0: {  	(pc) =	sbr.rel $0x88, $3  }
0x1: {  	(tag) =	ssettag $0x0;
	lr =	simm.s32 $0x1  }
0x2: {  	[smem:$0x3F94] =	sst lr;
	_ =	strace $0xD0000000  }
0x3: {  	_ = 	snop  }
0x4: {  	_ = 	snop  }
0x5: {  	_ = 	snop  }
0x6: {  	_ = 	snop  }
0x7: {  	_ = 	snop  }
__scs_overlays_trampoline_lowered:
0x8: {  	[smem:$0x3FA3] =	sst s0  }
0x9: {  	[smem:$0x3FA4] =	sst s1  }
0xa: {  	[smem:$0x3FA5] =	sst s2  }
0xb: {  	[smem:$0x3FA6] =	sst s3  }
0xc: {  	[smem:$0x3FA7] =	sst s4  }
0xd: {  	[smem:$0x3FA8] =	sst s5  }
0xe: {  	[smem:$0x3FA9] =	sst s6  }
0xf: {  	[smem:$0x3FAA] =	sst s7  }
0x10: {  	[smem:$0x3FAB] =	sst s8  }
0x11: {  	[smem:$0x3FAC] =	sst s9;
	s0 =	simm.s32 @!p0 $0x0  }
0x12: {  	s1 =	sld [smem:$0x3F92];
	s0 =	simm.s32 @p0 $0x1  }
0x13: {  	[smem:$0x3FAD] =	sst s0;
	s0 =	simm.s32 @!p1 $0x0  }
0x14: {  	s2 =	sld [smem:$0x3F91];
	s0 =	simm.s32 @p1 $0x1  }
0x15: {  	[smem:$0x3FAE] =	sst s0;
	s0 =	simm.s32 @!p2 $0x0  }
0x16: {  	s3 =	sld [smem:$0x3FDB];
	s0 =	simm.s32 @p2 $0x1  }
0x17: {  	s4 =	simm.s32 $0x1BF5;
	[smem:$0x3FB0] =	sst s0  }
0x18: {  	s0 =	sld [smem:$0x3F93];
	_ =	swait.ge [sflag:s4], $0x0  }
0x19: {  	s7 =	sld [smem:$0x3F94]  }
0x1a: {  	s8 =	sadd.s32 $0xFFFFE003, lr  }
0x1b: {  	s9 =	sadd.s32 $0xFFFFFEF7, lr;
	s5 =	simm.s32 $0xFFFFFFFF;
	p2 =	slt.u32 s8, $0xFFFFF086  }
0x1c: {  	p1 =	slt.u32 s9, $0xF7A;
	s5 =	simm.s32 @!p2 $0x0  }
0x1d: {  	s5 =	simm.s32 @p1 $0x1;
	p0 =	seq.s32 s7, s2  }
0x1e: {  	s7 =	smul.u32 @!p0 $0xF7A, s2;
	p2 =	seq.s32 @!p0 s5, $0x0  }
0x1f: {  	s9 =	smul.u32 $0xF7A, s1;
	s8 =	simm.s32 @!p0 $0x1BF5;
	p2 =	por !p2, p0  }
0x20: {  	[sflag:s8] =	ssyncset.s32 @!p0 $0xFFFFF086;
	s6 =	sadd.s32 @!p0 s3, s7;
	s7 =	simm.s32 @!p0 $0x108  }
0x21: {  	s3 =	sadd.s32 s3, s9;
	s6 =	sadd.s32 @!p0 $0x88, s6;
	s7 =	simm.s32 @p2 $0x1082  }
0x22: {  	[simem:s7], [sflag:s8] =	dma.local @!p0 [hbm:s6], $0xF7A  }
0x23: {  	s9 =	sor.u32 $0xD0000000, s2;
	s6 =	simm.s32 $0x108;
	_ =	swait.ge @!p0 [sflag:s8], $0x0  }
0x24: {  	s3 =	sadd.s32 $0x88, s3;
	s6 =	simm.s32 @!p1 $0x1082;
	[sflag:s4] =	ssyncset.s32 $0xFFFFF086  }
0x25: {  	[simem:s6], [sflag:s4] =	dma.local [hbm:s3], $0xF7A  }
0x26: {  	[smem:$0x3F94] =	sst s1;
	(tag) =	ssettag s2;
	_ =	strace s9  }
0x27: {  	s1 =	sld [smem:$0x3FA4]  }
0x28: {  	s2 =	sld [smem:$0x3FA5]  }
0x29: {  	s4 =	sld [smem:$0x3FA7]  }
0x2a: {  	p0 =	seq.s32 s5, $0x0;
	s5 =	sld [smem:$0x3FA8]  }
0x2b: {  	s6 =	sld [smem:$0x3FA9]  }
0x2c: {  	s7 =	sld [smem:$0x3FAA]  }
0x2d: {  	s3 =	simm.s32 $0x108;
	s8 =	sld [smem:$0x3FAB]  }
0x2e: {  	s3 =	simm.s32 @!p0 $0x1082;
	s9 =	sld [smem:$0x3FAC]  }
0x2f: {  	lr =	sadd.s32 s0, s3;
	s0 =	sld [smem:$0x3FA3]  }
0x30: {  	s3 =	sld [smem:$0x3FA6]  }
0x31: {  	[smem:$0x3FAF] =	sst s10  }
0x32: {  	s10 =	sld [smem:$0x3FAD];
	_ =	sdelay $0x3  }
0x33: {  	p0 =	seq.s32 s10, $0x1;
	s10 =	sld [smem:$0x3FAF];
	_ =	sdelay $0x3  }
0x34: {  	[smem:$0x3FAF] =	sst s10  }
0x35: {  	s10 =	sld [smem:$0x3FAE];
	_ =	sdelay $0x3  }
0x36: {  	p1 =	seq.s32 s10, $0x1;
	s10 =	sld [smem:$0x3FAF];
	_ =	sdelay $0x3  }
0x37: {  	[smem:$0x3FAF] =	sst s10  }
0x38: {  	s10 =	sld [smem:$0x3FB0]  }
0x39: {  	_ = 	snop;
	(pc) =	sbr.ind lr, $3  }
0x3a: {  	_ = 	snop  }
0x3b: {  	_ = 	snop  }
0x3c: {  	p2 =	seq.s32 s10, $0x1;
	s10 =	sld [smem:$0x3FAF]  }
0x3d: {  	_ =	shalt  }
0x3e: {  	_ =	shalt  }
0x3f: {  	_ =	shalt  }
0x40: {  	_ =	shalt  }
0x41: {  	_ =	shalt  }
0x42: {  	_ =	shalt  }
0x43: {  	_ =	shalt  }
0x44: {  	_ =	shalt  }
0x45: {  	_ =	shalt  }
0x46: {  	_ =	shalt  }
0x47: {  	_ =	shalt  }
0x48: {  	_ =	shalt  }
0x49: {  	_ =	shalt  }
0x4a: {  	_ =	shalt  }
0x4b: {  	_ =	shalt  }
0x4c: {  	_ =	shalt  }
0x4d: {  	_ =	shalt  }
0x4e: {  	_ =	shalt  }
0x4f: {  	_ =	shalt  }
0x50: {  	_ =	shalt  }
0x51: {  	_ =	shalt  }
0x52: {  	_ =	shalt  }
0x53: {  	_ =	shalt  }
0x54: {  	_ =	shalt  }
0x55: {  	_ =	shalt  }
0x56: {  	_ =	shalt  }
0x57: {  	_ =	shalt  }
0x58: {  	_ =	shalt  }
0x59: {  	_ =	shalt  }
0x5a: {  	_ =	shalt  }
0x5b: {  	_ =	shalt  }
0x5c: {  	_ =	shalt  }
0x5d: {  	_ =	shalt  }
0x5e: {  	_ =	shalt  }
0x5f: {  	_ =	shalt  }
0x60: {  	_ =	shalt  }
0x61: {  	_ =	shalt  }
0x62: {  	_ =	shalt  }
0x63: {  	_ =	shalt  }
0x64: {  	_ =	shalt  }
0x65: {  	_ =	shalt  }
0x66: {  	_ =	shalt  }
0x67: {  	_ =	shalt  }
0x68: {  	_ =	shalt  }
0x69: {  	_ =	shalt  }
0x6a: {  	_ =	shalt  }
0x6b: {  	_ =	shalt  }
0x6c: {  	_ =	shalt  }
0x6d: {  	_ =	shalt  }
0x6e: {  	_ =	shalt  }
0x6f: {  	_ =	shalt  }
0x70: {  	_ =	shalt  }
0x71: {  	_ =	shalt  }
0x72: {  	_ =	shalt  }
0x73: {  	_ =	shalt  }
0x74: {  	_ =	shalt  }
0x75: {  	_ =	shalt  }
0x76: {  	_ =	shalt  }
0x77: {  	_ =	shalt  }
0x78: {  	_ =	shalt  }
0x79: {  	_ =	shalt  }
0x7a: {  	_ =	shalt  }
0x7b: {  	_ =	shalt  }
0x7c: {  	_ =	shalt  }
0x7d: {  	_ =	shalt  }
0x7e: {  	_ =	shalt  }
0x7f: {  	_ =	shalt  }
0x80: {  	_ =	shalt  }
0x81: {  	_ =	shalt  }
0x82: {  	_ =	shalt  }
0x83: {  	_ =	shalt  }
0x84: {  	_ =	shalt  }
0x85: {  	_ =	shalt  }
0x86: {  	_ =	shalt  }
0x87: {  	_ =	shalt  }
.Lfunc_end0:
.L_simem_size_0:
called_computation.2_lowered:
.L_overlay_start_0:
0x88: {  	s2 =	sld [smem:$0x3FD9]  }
0x89: {  	s3 =	sld [smem:$0x3FFE];
	_ =	sdelay $0x1  }
0x8a: {  	s1 =	srdreg.scid  }
0x8b: {  	s0 =	sand.u32 $0x1, s1  }
0x8c: {  	s17 =	sshll.u32 s0, $0xA;
	s2 =	sadd.s32 s3, s2  }
0x8d: {  	s2 =	sadd.s32 s2, s17  }
0x8e: {  	[smem:$0x3FBB] =	sst s2  }
0x8f: {  	_ = 	snop  }
0x90: {  	s18 =	sld [smem:$0x3FC5];
	(tm) =	ssettm $0x1  }
0x91: {  	s19 =	sld [smem:$0x3FFB];
	_ =	sdelay $0x3  }
0x92: {  	_ =	strace s19  }
0x93: {  	s2 =	sld [smem:$0x3FFC];
	_ =	sdelay $0x3  }
0x94: {  	_ =	strace s2  }
0x95: {  	s2 =	sld [smem:$0x3FFD];
	_ =	sdelay $0x3  }
0x96: {  	_ =	strace s2  }
0x97: {  	_ =	strace $0x8FFFFFFF  }
0x98: {  	s20 =	sld [smem:$0x3FDB];
	_ =	sdelay $0x1  }
0x99: {  	s4 =	simm.s32 $_scs_section_size  }
0x9a: {  	s5 =	simm.s32 $_size__tile_overlayer_lowered;
	s6 =	simm.s32 $_tile_overlayer_lowered  }
0x9b: {  	s7 =	simm.s32 $0x1BFF;
	s21 =	sshll.u32 s6, $0x1;
	s4 =	sadd.s32 s4, s20  }
0x9c: {  	s22 =	simm.s32 $0x0;
	s5 =	sshll.u32 s5, $0x1;
	s6 =	sadd.s32 s21, s4  }
0x9d: {  	[timem:s22], [sflag:s7] =	dma.local [hbm:s6], s5  }
0x9e: {  	_ =	swait.ge [sflag:s7], s5  }
0x9f: {  	s5 =	ssub.s32 $0x0, s5;
	[sflag:s7] =	ssyncset.done $0x0  }
0xa0: {  	[sflag:s7] =	ssyncadd.s32 s5;
	_ =	sdelay $0x1  }
0xa1: {  	s23 =	simm.s32 $0x1B8B  }
0xa2: {  	_ =	swait.ge [sflag:s23], $0x1  }
0xa3: {  	[sflag:s23] =	ssyncset.done $0x0  }
0xa4: {  	[sflag:s23] =	ssyncadd.s32 $0xFFFFFFFF  }
0xa5: {  	s5 =	sld [smem:$0x0]  }
0xa6: {  	s6 =	sand.u32 $0xFFFFFFFE, s1  }
0xa7: {  	p0 =	sne.s32 s1, s6  }
0xa8: {  	s6 =	sshll.u32 @p0 s6, $0xE  }
0xa9: {  	s6 =	sadd.s32 @p0 $0x11B8D, s6;
	s7 =	sshll.u32 @p0 s5, $0x11  }
0xaa: {  	s6 =	sor.u32 @p0 s7, s6  }
0xab: {  	[sflag:s6] =	ssyncadd.remote.s32 @p0 $0x1;
	_ =	sdelay $0x1  }
0xac: {  	s6 =	simm.s32 @p0 $0x1B8D  }
0xad: {  	_ =	swait.eq @p0 [sflag:s6], $0x1  }
0xae: {  	[sflag:s6] =	ssyncadd.s32 @p0 $0xFFFFFFFF  }
0xaf: {  	s7 =	sshll.u32 @!p0 s1, $0xE  }
0xb0: {  	s7 =	sor.u32 @!p0 $0x4000, s7;
	s6 =	simm.s32 @!p0 $0x1B8D  }
0xb1: {  	s5 =	sshll.u32 @!p0 s5, $0x11;
	s7 =	sadd.s32 @!p0 $0x11B8D, s7;
	_ =	swait.eq @!p0 [sflag:s6], $0x1  }
0xb2: {  	s5 =	sor.u32 @!p0 s5, s7;
	[sflag:s6] =	ssyncadd.s32 @!p0 $0xFFFFFFFF  }
0xb3: {  	s25 =	simm.s32 $0x1B8E;
	s24 =	sld [smem:$0x3FFE];
	[sflag:s5] =	ssyncadd.remote.s32 @!p0 $0x1  }
0xb4: {  	s26 =	simm.s32 $execute0_lowered;
	[smem:$0x3FD2] =	sst s25  }
0xb5: {  	s6 =	sshll.u32 s26, $0x1;
	_ =	strace $0x8000004C;
	[dreg:$0x1] =	wrdreg $0xFFFFFFFF  }
0xb6: {  	s28 =	simm.s32 $_size_execute0_lowered;
	s4 =	sadd.s32 s4, s6;
	[dreg:$0x0] =	wrdreg $0x0  }
0xb7: {  	s6 =	sshll.u32 s28, $0x1;
	[dreg:$0x2] =	wrdreg s4  }
0xb8: {  	[dreg:$0x3] =	wrdreg s6  }
0xb9: {  	[dreg:$0x4] =	wrdreg $0xC0  }
0xba: {  	_ =	task [dreg:s22], $0x5FFFF  }
0xbb: {  	[dreg:$0x1] =	wrdreg $0xFFFFFFFF  }
0xbc: {  	[dreg:$0x0] =	wrdreg $0x60  }
0xbd: {  	[dreg:$0x2] =	wrdreg s18  }
0xbe: {  	[dreg:$0x3] =	wrdreg s24  }
0xbf: {  	[dreg:$0x4] =	wrdreg $0xB  }
0xc0: {  	_ =	task.clear_ibuf [dreg:s22], $0x5FFFF;
	_ =	strace $0x9000004C  }
0xc1: {  	s29 =	simm.s32 $0xB;
	_ =	strace $0x8000004E  }
0xc2: {  	_ =	swait.ge [sflag:s29], $0x1  }
0xc3: {  	[sflag:s29] =	ssyncadd.s32 $0xFFFFFFFF  }
0xc4: {  	_ =	strace $0x9000004E  }
0xc5: {  	_ =	sfence  }
0xc6: {  	s30 =	sld [smem:$0x0];
	_ =	sdelay $0x2  }
0xc7: {  	s31 =	sshll.u32 s1, $0xD;
	s1 =	sshrl.u32 s1, $0x2  }
0xc8: {  	s4 =	sand.u32 $0x4000, s31;
	s1 =	sadd.s32 s1, s30  }
0xc9: {  	s0 =	sor.u32 s4, s0;
	s1 =	sshll.u32 s1, $0x11  }
0xca: {  	s0 =	sor.u32 s1, s0  }
0xcb: {  	s0 =	sadd.s32 $0x8F2B, s0  }
0xcc: {  	[sflag:s0] =	ssyncadd.remote.s32 $0x1  }
0xcd: {  	_ =	sfence.sel $0xFFFF  }
0xce: {  	[dreg:$0x0] =	wrdreg $0xFFFFFFFF;
	(pc) =	sbr.abs _section_cstart, $3  }
0xcf: {  	[dreg:$0x1] =	wrdreg $0xFFFFFFFF  }
0xd0: {  	_ =	task.clear_ibuf [dreg:s22], $0x2FFFF;
	_ =	strace $0x9FFFFFFF  }
0xd1: {  	(tm) =	ssettm $0x7FFFFFFF  }
tec
execute0_lowered:
.L_overlay_start_1:
0x0: {  	(tag) =	ssettag $0x1  }
0x1: {  	s0 =	srdreg.scid;
	s2 =	rddreg [dreg:$0x0]  }
0x2: {  	s8 =	stileid.u32;
	s4 =	rddreg [dreg:$0x1];
	s3 =	simm.s32 $0x0  }
0x3: {  	s9 =	simm.s32 $0x480;
	s10 =	simm.s32 $0xC80;
	s11 =	simm.s32 $0x1480  }
0x4: {  	s12 =	simm.s32 $0x1C80;
	s13 =	simm.s32 $0x2480;
	s14 =	simm.s32 $0x2C80  }
0x5: {  	s15 =	simm.s32 $0x3480;
	s16 =	simm.s32 $0x3C80;
	s17 =	simm.s32 $0x4480  }
0x6: {  	s18 =	simm.s32 $0x4C80;
	s19 =	simm.s32 $0x5480;
	s20 =	simm.s32 $0x5C80  }
0x7: {  	s21 =	simm.s32 $0x6480;
	s22 =	simm.s32 $0x6C80;
	s23 =	simm.s32 $0x7480  }
0x8: {  	s24 =	simm.s32 $0x7C80;
	s0 =	sand.u32 $0x1, s0;
	s1 =	sshll.u32 s8, $0x1  }
0x9: {  	s28 =	simm.s32 $0x9480;
	s29 =	simm.s32 $0x9C80;
	s1 =	sor.u32 s0, s1  }
0xa: {  	s30 =	simm.s32 $0xA480;
	s31 =	simm.s32 $0xAC80;
	s5 =	smul.u32 $0x420, s1  }
0xb: {  	[smem:$0x7FF] =	sst s3;
	s6 =	ssub.s32 $0x2, s0;
	s1 =	smul.u32 $0x42000, s1  }
0xc: {  	s8 =	smul.u32 $0x10800, s8;
	_ =	strace $0x8000004D;
	s7 =	sshrl.u32 s6, $0x1  }
0xd: {  	s6 =	ssub.s32 s6, s7;
	s5 =	sshrl.u32 s5, $0x3;
	s1 =	sshrl.u32 s1, $0x3  }
0xe: {  	s26 =	smax.u32 s6, $0x1;
	s5 =	sadd.s32 s5, s4;
	s4 =	sadd.s32 $0x21EE00, s4  }
0xf: {  	[dreg:$0x7] =	wrdreg s26;
	s1 =	sadd.s32 s4, s1;
	s5 =	sadd.s32 $0x115C00, s5  }
0x10: {  	s0 =	smul.u32 $0x8400, s0;
	[dreg:$0x4] =	wrdreg s5;
	s25 =	sadd.s32 $0x6E00, s1  }
0x11: {  	s4 =	sadd.s32 s8, s4;
	s1 =	sadd.s32 $0x7900, s1;
	[dreg:$0x5] =	wrdreg s25  }
0x12: {  	v2 =	vlaneseq.u32;
	s26 =	simm.s32 $0x8C80;
	s0 =	sadd.s32 s0, s4;
	[dreg:$0x6] =	wrdreg s1  }
0x13: {  	vm0 =	vmmov $0xffff;
	v1 =	vshrl.u32 v2, $0x3;
	s8 =	simm.s32 $0x3;
	s4 =	simm.s32 $0x0;
	[dreg:$0x3] =	wrdreg s0  }
0x14: {  	v0 =	vand.u32 $0x7, v2;
	v2 =	vor.u32 $0x8, v2;
	v1 =	vmul.u32 $0x8, v1;
	s25 =	simm.s32 $0x8480;
	s1 =	simm.s32 $0x1;
	s0 =	simm.s32 $0x2  }
.LBB2_1:
0x15: {  	s5 =	rddreg [dreg:$0x4]  }
0x16: {  	[tilespmem:s3], [sflag:$0x3] =	stream.linear.gather [hbm4b:s5+s3], $0x420, $0x38;
	[tilespmem:$0xB480] =	vst v63  }
0x17: {  	_ =	swait.ge [sflag:s8], $0x420  }
0x18: {  	[sflag:s8] =	ssyncset.done $0x0  }
0x19: {  	[sflag:s8] =	ssyncadd.s32 $0xFFFFFBE0  }
0x1a: {  	v3 =	vld [tilespmem:$0x0];
	_ =	sdelay $0x4  }
0x1b: {  	v4 =	vshll.u32 v3, $0x1  }
0x1c: {  	v3 =	vand.u32 $0x7, v3;
	v4 =	vand.u32 $0xFFFFFFF0, v4  }
0x1d: {  	v3 =	vor.u32 v3, v4  }
0x1e: {  	v4 =	vperm.xlane v3, v0;
	_ =	sdelay $0x1  }
0x1f: {  	v3 =	vperm.xlane v3, v2;
	v4 =	vadd.s32 v1, v4;
	_ =	sdelay $0x1  }
0x20: {  	v3 =	vadd.s32 v1, v3;
	_ =	sdelay $0x2  }
0x21: {  	[tilespmem:s9], [sflag:$0x1] =	stream.indirect_vreg.gather [hbm4b:s2+s3], $0x80, v4, vm0, $0xb8;
	[tilespmem:$0xB480] =	vst v63  }
0x22: {  	_ = 	snop  }
0x23: {  	[tilespmem:s10], [sflag:$0x1] =	stream.indirect_vreg.gather [hbm4b:s2+s3], $0x80, v3, vm0, $0xb8;
	[tilespmem:$0xB480] =	vst v63  }
0x24: {  	v3 =	vld [tilespmem:$0x10];
	_ =	sdelay $0x4  }
0x25: {  	v59 =	vshll.u32 v3, $0x1  }
0x26: {  	v3 =	vand.u32 $0x7, v3;
	v4 =	vand.u32 $0xFFFFFFF0, v59  }
0x27: {  	v3 =	vor.u32 v3, v4  }
0x28: {  	v4 =	vperm.xlane v3, v0;
	_ =	sdelay $0x1  }
0x29: {  	v3 =	vperm.xlane v3, v2;
	v4 =	vadd.s32 v1, v4;
	_ =	sdelay $0x1  }
0x2a: {  	v3 =	vadd.s32 v1, v3;
	_ =	sdelay $0x2  }
0x2b: {  	[tilespmem:s11], [sflag:$0x1] =	stream.indirect_vreg.gather [hbm4b:s2+s3], $0x80, v4, vm0, $0xb8;
	[tilespmem:$0xB480] =	vst v63  }
0x2c: {  	_ = 	snop  }
0x2d: {  	[tilespmem:s12], [sflag:$0x1] =	stream.indirect_vreg.gather [hbm4b:s2+s3], $0x80, v3, vm0, $0xb8;
	[tilespmem:$0xB480] =	vst v63  }
0x2e: {  	v3 =	vld [tilespmem:$0x20];
	_ =	sdelay $0x4  }
0x2f: {  	v60 =	vshll.u32 v3, $0x1  }
0x30: {  	v3 =	vand.u32 $0x7, v3;
	v4 =	vand.u32 $0xFFFFFFF0, v60  }
0x31: {  	v3 =	vor.u32 v3, v4  }
0x32: {  	v4 =	vperm.xlane v3, v0;
	_ =	sdelay $0x1  }
0x33: {  	v3 =	vperm.xlane v3, v2;
	v4 =	vadd.s32 v1, v4;
	_ =	sdelay $0x1  }
0x34: {  	v3 =	vadd.s32 v1, v3;
	_ =	sdelay $0x2  }
0x35: {  	[tilespmem:s13], [sflag:$0x1] =	stream.indirect_vreg.gather [hbm4b:s2+s3], $0x80, v4, vm0, $0xb8;
	[tilespmem:$0xB480] =	vst v63  }
0x36: {  	_ = 	snop  }
0x37: {  	[tilespmem:s14], [sflag:$0x1] =	stream.indirect_vreg.gather [hbm4b:s2+s3], $0x80, v3, vm0, $0xb8;
	[tilespmem:$0xB480] =	vst v63  }
0x38: {  	v3 =	vld [tilespmem:$0x30];
	_ =	sdelay $0x4  }
0x39: {  	v61 =	vshll.u32 v3, $0x1  }
0x3a: {  	v3 =	vand.u32 $0x7, v3;
	v4 =	vand.u32 $0xFFFFFFF0, v61  }
0x3b: {  	v3 =	vor.u32 v3, v4  }
0x3c: {  	v4 =	vperm.xlane v3, v0;
	_ =	sdelay $0x1  }
0x3d: {  	v3 =	vperm.xlane v3, v2;
	v4 =	vadd.s32 v1, v4;
	_ =	sdelay $0x1  }
0x3e: {  	v3 =	vadd.s32 v1, v3;
	_ =	sdelay $0x2  }
0x3f: {  	[tilespmem:s15], [sflag:$0x1] =	stream.indirect_vreg.gather [hbm4b:s2+s3], $0x80, v4, vm0, $0xb8;
	[tilespmem:$0xB480] =	vst v63  }
0x40: {  	_ = 	snop  }
0x41: {  	[tilespmem:s16], [sflag:$0x1] =	stream.indirect_vreg.gather [hbm4b:s2+s3], $0x80, v3, vm0, $0xb8;
	[tilespmem:$0xB480] =	vst v63  }
0x42: {  	v3 =	vld [tilespmem:$0x40];
	_ =	sdelay $0x4  }
0x43: {  	v62 =	vshll.u32 v3, $0x1  }
0x44: {  	v3 =	vand.u32 $0x7, v3;
	v4 =	vand.u32 $0xFFFFFFF0, v62  }
0x45: {  	v3 =	vor.u32 v3, v4  }
0x46: {  	v4 =	vperm.xlane v3, v0;
	_ =	sdelay $0x1  }
0x47: {  	v3 =	vperm.xlane v3, v2;
	v4 =	vadd.s32 v1, v4;
	_ =	sdelay $0x1  }
0x48: {  	v3 =	vadd.s32 v1, v3;
	_ =	sdelay $0x2  }
0x49: {  	[tilespmem:s17], [sflag:$0x1] =	stream.indirect_vreg.gather [hbm4b:s2+s3], $0x80, v4, vm0, $0xb8;
	[tilespmem:$0xB480] =	vst v63  }
0x4a: {  	_ = 	snop  }
0x4b: {  	[tilespmem:s18], [sflag:$0x1] =	stream.indirect_vreg.gather [hbm4b:s2+s3], $0x80, v3, vm0, $0xb8;
	[tilespmem:$0xB480] =	vst v63  }
0x4c: {  	v3 =	vld.msk [tilespmem:$0x50], $0xff;
	_ =	sdelay $0x4  }
0x4d: {  	v63 =	vshll.u32 v3, $0x1  }
0x4e: {  	v3 =	vand.u32 $0x7, v3;
	v4 =	vand.u32 $0xFFFFFFF0, v63  }
0x4f: {  	v3 =	vor.u32 v3, v4  }
0x50: {  	v3 =	vperm.xlane v3, v0;
	_ =	sdelay $0x1  }
0x51: {  	v3 =	vadd.s32 v1, v3;
	_ =	sdelay $0x3  }
0x52: {  	s6 =	simm.s32 $0x0;
	s5 =	simm.s32 $0x88  }
0x53: {  	[tilespmem:s19], [sflag:$0x1] =	stream.indirect_vreg.gather [hbm4b:s2+s3], $0x80, v3, vm0, $0xb8;
	[tilespmem:$0xB480] =	vst v63  }
.LBB2_2:
0x54: {  	v3 =	vld [tilespmem:s5+$0xFFFFFFD0];
	_ =	sdelay $0x4  }
0x55: {  	v4 =	vshll.u32 v3, $0x1  }
0x56: {  	v3 =	vand.u32 $0x7, v3;
	v4 =	vand.u32 $0xFFFFFFF0, v4  }
0x57: {  	v3 =	vor.u32 v3, v4  }
0x58: {  	v4 =	vperm.xlane v3, v0;
	_ =	sdelay $0x1  }
0x59: {  	v3 =	vperm.xlane v3, v2;
	v4 =	vadd.s32 v1, v4;
	_ =	sdelay $0x1  }
0x5a: {  	v3 =	vadd.s32 v1, v3;
	_ =	sdelay $0x2  }
0x5b: {  	[tilespmem:s20], [sflag:$0x2] =	stream.indirect_vreg.gather [hbm4b:s2+s3], $0x80, v4, vm0, $0xb8;
	[tilespmem:$0xB480] =	vst v63  }
0x5c: {  	_ = 	snop  }
0x5d: {  	[tilespmem:s21], [sflag:$0x2] =	stream.indirect_vreg.gather [hbm4b:s2+s3], $0x80, v3, vm0, $0xb8;
	[tilespmem:$0xB480] =	vst v63  }
0x5e: {  	v3 =	vld [tilespmem:s5+$0xFFFFFFE0];
	_ =	sdelay $0x4  }
0x5f: {  	v53 =	vshll.u32 v3, $0x1  }
0x60: {  	v3 =	vand.u32 $0x7, v3;
	v4 =	vand.u32 $0xFFFFFFF0, v53  }
0x61: {  	v3 =	vor.u32 v3, v4  }
0x62: {  	v4 =	vperm.xlane v3, v0;
	_ =	sdelay $0x1  }
0x63: {  	v3 =	vperm.xlane v3, v2;
	v4 =	vadd.s32 v1, v4;
	_ =	sdelay $0x1  }
0x64: {  	v3 =	vadd.s32 v1, v3;
	_ =	sdelay $0x2  }
0x65: {  	[tilespmem:s22], [sflag:$0x2] =	stream.indirect_vreg.gather [hbm4b:s2+s3], $0x80, v4, vm0, $0xb8;
	[tilespmem:$0xB480] =	vst v63  }
0x66: {  	_ = 	snop  }
0x67: {  	[tilespmem:s23], [sflag:$0x2] =	stream.indirect_vreg.gather [hbm4b:s2+s3], $0x80, v3, vm0, $0xb8;
	[tilespmem:$0xB480] =	vst v63  }
0x68: {  	v3 =	vld [tilespmem:s5+$0xFFFFFFF0];
	_ =	sdelay $0x4  }
0x69: {  	v54 =	vshll.u32 v3, $0x1  }
0x6a: {  	v3 =	vand.u32 $0x7, v3;
	v4 =	vand.u32 $0xFFFFFFF0, v54  }
0x6b: {  	v3 =	vor.u32 v3, v4  }
0x6c: {  	v4 =	vperm.xlane v3, v0;
	_ =	sdelay $0x1  }
0x6d: {  	v3 =	vperm.xlane v3, v2;
	v4 =	vadd.s32 v1, v4;
	_ =	sdelay $0x1  }
0x6e: {  	v3 =	vadd.s32 v1, v3;
	_ =	sdelay $0x2  }
0x6f: {  	[tilespmem:s24], [sflag:$0x2] =	stream.indirect_vreg.gather [hbm4b:s2+s3], $0x80, v4, vm0, $0xb8;
	[tilespmem:$0xB480] =	vst v63  }
0x70: {  	_ = 	snop  }
0x71: {  	[tilespmem:s25], [sflag:$0x2] =	stream.indirect_vreg.gather [hbm4b:s2+s3], $0x80, v3, vm0, $0xb8;
	[tilespmem:$0xB480] =	vst v63  }
0x72: {  	v3 =	vld [tilespmem:s5+$0x0];
	_ =	sdelay $0x4  }
0x73: {  	v55 =	vshll.u32 v3, $0x1  }
0x74: {  	v3 =	vand.u32 $0x7, v3;
	v4 =	vand.u32 $0xFFFFFFF0, v55  }
0x75: {  	v3 =	vor.u32 v3, v4  }
0x76: {  	v4 =	vperm.xlane v3, v0;
	_ =	sdelay $0x1  }
0x77: {  	v3 =	vperm.xlane v3, v2;
	v4 =	vadd.s32 v1, v4;
	_ =	sdelay $0x1  }
0x78: {  	v3 =	vadd.s32 v1, v3;
	_ =	sdelay $0x2  }
0x79: {  	[tilespmem:s26], [sflag:$0x2] =	stream.indirect_vreg.gather [hbm4b:s2+s3], $0x80, v4, vm0, $0xb8;
	[tilespmem:$0xB480] =	vst v63  }
0x7a: {  	_ = 	snop  }
0x7b: {  	[tilespmem:s28], [sflag:$0x2] =	stream.indirect_vreg.gather [hbm4b:s2+s3], $0x80, v3, vm0, $0xb8;
	[tilespmem:$0xB480] =	vst v63  }
0x7c: {  	v3 =	vld [tilespmem:s5+$0x10];
	_ =	sdelay $0x4  }
0x7d: {  	v56 =	vshll.u32 v3, $0x1  }
0x7e: {  	v3 =	vand.u32 $0x7, v3;
	v4 =	vand.u32 $0xFFFFFFF0, v56  }
0x7f: {  	v3 =	vor.u32 v3, v4  }
0x80: {  	v4 =	vperm.xlane v3, v0;
	_ =	sdelay $0x1  }
0x81: {  	v3 =	vperm.xlane v3, v2;
	v4 =	vadd.s32 v1, v4;
	_ =	sdelay $0x1  }
0x82: {  	v3 =	vadd.s32 v1, v3;
	_ =	sdelay $0x2  }
0x83: {  	[tilespmem:s29], [sflag:$0x2] =	stream.indirect_vreg.gather [hbm4b:s2+s3], $0x80, v4, vm0, $0xb8;
	[tilespmem:$0xB480] =	vst v63  }
0x84: {  	_ = 	snop  }
0x85: {  	[tilespmem:s30], [sflag:$0x2] =	stream.indirect_vreg.gather [hbm4b:s2+s3], $0x80, v3, vm0, $0xb8;
	[tilespmem:$0xB480] =	vst v63  }
0x86: {  	v3 =	vld.msk [tilespmem:s5+$0x20], $0xff;
	_ =	sdelay $0x4  }
0x87: {  	v57 =	vshll.u32 v3, $0x1  }
0x88: {  	v3 =	vand.u32 $0x7, v3;
	v4 =	vand.u32 $0xFFFFFFF0, v57  }
0x89: {  	v3 =	vor.u32 v3, v4  }
0x8a: {  	v3 =	vperm.xlane v3, v0;
	_ =	sdelay $0x1  }
0x8b: {  	v3 =	vadd.s32 v1, v3;
	_ =	sdelay $0x4  }
0x8c: {  	[tilespmem:s31], [sflag:$0x2] =	stream.indirect_vreg.gather [hbm4b:s2+s3], $0x80, v3, vm0, $0xb8;
	[tilespmem:$0xB480] =	vst v63  }
0x8d: {  	_ =	swait.ge [sflag:s1], $0x5800  }
0x8e: {  	s7 =	rddreg [dreg:$0x3];
	[sflag:s1] =	ssyncset.done $0x0  }
0x8f: {  	[sflag:s1] =	ssyncadd.s32 $0xFFFFA800;
	s7 =	sadd.s32 s6, s7  }
0x90: {  	[hbm4b:s7+s3] =	stream.linear.scatter [tilespmem:s9], [sflag:$0x3], $0x5800, $0x38;
	[tilespmem:$0xB480] =	vst v63  }
0x91: {  	_ =	swait.ge [sflag:s8], $0x5800  }
0x92: {  	[sflag:s8] =	ssyncset.done $0x0  }
0x93: {  	[sflag:s8] =	ssyncadd.s32 $0xFFFFA800  }
0x94: {  	v3 =	vld [tilespmem:s5+$0x28];
	_ =	sdelay $0x4  }
0x95: {  	v58 =	vshll.u32 v3, $0x1  }
0x96: {  	v3 =	vand.u32 $0x7, v3;
	v4 =	vand.u32 $0xFFFFFFF0, v58  }
0x97: {  	v3 =	vor.u32 v3, v4  }
0x98: {  	v4 =	vperm.xlane v3, v0;
	_ =	sdelay $0x1  }
0x99: {  	v3 =	vperm.xlane v3, v2;
	v4 =	vadd.s32 v1, v4;
	_ =	sdelay $0x1  }
0x9a: {  	v3 =	vadd.s32 v1, v3;
	_ =	sdelay $0x2  }
0x9b: {  	[tilespmem:s9], [sflag:$0x1] =	stream.indirect_vreg.gather [hbm4b:s2+s3], $0x80, v4, vm0, $0xb8;
	[tilespmem:$0xB480] =	vst v63  }
0x9c: {  	_ = 	snop  }
0x9d: {  	[tilespmem:s10], [sflag:$0x1] =	stream.indirect_vreg.gather [hbm4b:s2+s3], $0x80, v3, vm0, $0xb8;
	[tilespmem:$0xB480] =	vst v63  }
0x9e: {  	v3 =	vld [tilespmem:s5+$0x38];
	_ =	sdelay $0x4  }
0x9f: {  	v59 =	vshll.u32 v3, $0x1  }
0xa0: {  	v3 =	vand.u32 $0x7, v3;
	v4 =	vand.u32 $0xFFFFFFF0, v59  }
0xa1: {  	v3 =	vor.u32 v3, v4  }
0xa2: {  	v4 =	vperm.xlane v3, v0;
	_ =	sdelay $0x1  }
0xa3: {  	v3 =	vperm.xlane v3, v2;
	v4 =	vadd.s32 v1, v4;
	_ =	sdelay $0x1  }
0xa4: {  	v3 =	vadd.s32 v1, v3;
	_ =	sdelay $0x2  }
0xa5: {  	[tilespmem:s11], [sflag:$0x1] =	stream.indirect_vreg.gather [hbm4b:s2+s3], $0x80, v4, vm0, $0xb8;
	[tilespmem:$0xB480] =	vst v63  }
0xa6: {  	_ = 	snop  }
0xa7: {  	[tilespmem:s12], [sflag:$0x1] =	stream.indirect_vreg.gather [hbm4b:s2+s3], $0x80, v3, vm0, $0xb8;
	[tilespmem:$0xB480] =	vst v63  }
0xa8: {  	v3 =	vld [tilespmem:s5+$0x48];
	_ =	sdelay $0x4  }
0xa9: {  	v60 =	vshll.u32 v3, $0x1  }
0xaa: {  	v3 =	vand.u32 $0x7, v3;
	v4 =	vand.u32 $0xFFFFFFF0, v60  }
0xab: {  	v3 =	vor.u32 v3, v4  }
0xac: {  	v4 =	vperm.xlane v3, v0;
	_ =	sdelay $0x1  }
0xad: {  	v3 =	vperm.xlane v3, v2;
	v4 =	vadd.s32 v1, v4;
	_ =	sdelay $0x1  }
0xae: {  	v3 =	vadd.s32 v1, v3;
	_ =	sdelay $0x2  }
0xaf: {  	[tilespmem:s13], [sflag:$0x1] =	stream.indirect_vreg.gather [hbm4b:s2+s3], $0x80, v4, vm0, $0xb8;
	[tilespmem:$0xB480] =	vst v63  }
0xb0: {  	_ = 	snop  }
0xb1: {  	[tilespmem:s14], [sflag:$0x1] =	stream.indirect_vreg.gather [hbm4b:s2+s3], $0x80, v3, vm0, $0xb8;
	[tilespmem:$0xB480] =	vst v63  }
0xb2: {  	v3 =	vld [tilespmem:s5+$0x58];
	_ =	sdelay $0x4  }
0xb3: {  	v61 =	vshll.u32 v3, $0x1  }
0xb4: {  	v3 =	vand.u32 $0x7, v3;
	v4 =	vand.u32 $0xFFFFFFF0, v61  }
0xb5: {  	v3 =	vor.u32 v3, v4  }
0xb6: {  	v4 =	vperm.xlane v3, v0;
	_ =	sdelay $0x1  }
0xb7: {  	v3 =	vperm.xlane v3, v2;
	v4 =	vadd.s32 v1, v4;
	_ =	sdelay $0x1  }
0xb8: {  	v3 =	vadd.s32 v1, v3;
	_ =	sdelay $0x2  }
0xb9: {  	[tilespmem:s15], [sflag:$0x1] =	stream.indirect_vreg.gather [hbm4b:s2+s3], $0x80, v4, vm0, $0xb8;
	[tilespmem:$0xB480] =	vst v63  }
0xba: {  	_ = 	snop  }
0xbb: {  	[tilespmem:s16], [sflag:$0x1] =	stream.indirect_vreg.gather [hbm4b:s2+s3], $0x80, v3, vm0, $0xb8;
	[tilespmem:$0xB480] =	vst v63  }
0xbc: {  	v3 =	vld [tilespmem:s5+$0x68];
	_ =	sdelay $0x4  }
0xbd: {  	v62 =	vshll.u32 v3, $0x1  }
0xbe: {  	v3 =	vand.u32 $0x7, v3;
	v4 =	vand.u32 $0xFFFFFFF0, v62  }
0xbf: {  	v3 =	vor.u32 v3, v4  }
0xc0: {  	v4 =	vperm.xlane v3, v0;
	_ =	sdelay $0x1  }
0xc1: {  	v3 =	vperm.xlane v3, v2;
	v4 =	vadd.s32 v1, v4;
	_ =	sdelay $0x1  }
0xc2: {  	v3 =	vadd.s32 v1, v3;
	_ =	sdelay $0x2  }
0xc3: {  	[tilespmem:s17], [sflag:$0x1] =	stream.indirect_vreg.gather [hbm4b:s2+s3], $0x80, v4, vm0, $0xb8;
	[tilespmem:$0xB480] =	vst v63  }
0xc4: {  	_ = 	snop  }
0xc5: {  	[tilespmem:s18], [sflag:$0x1] =	stream.indirect_vreg.gather [hbm4b:s2+s3], $0x80, v3, vm0, $0xb8;
	[tilespmem:$0xB480] =	vst v63  }
0xc6: {  	v3 =	vld.msk [tilespmem:s5+$0x78], $0xff;
	_ =	sdelay $0x4  }
0xc7: {  	v63 =	vshll.u32 v3, $0x1  }
0xc8: {  	v3 =	vand.u32 $0x7, v3;
	v4 =	vand.u32 $0xFFFFFFF0, v63  }
0xc9: {  	v3 =	vor.u32 v3, v4  }
0xca: {  	v3 =	vperm.xlane v3, v0;
	_ =	sdelay $0x1  }
0xcb: {  	v3 =	vadd.s32 v1, v3;
	_ =	sdelay $0x4  }
0xcc: {  	[tilespmem:s19], [sflag:$0x1] =	stream.indirect_vreg.gather [hbm4b:s2+s3], $0x80, v3, vm0, $0xb8;
	[tilespmem:$0xB480] =	vst v63  }
0xcd: {  	_ =	swait.ge [sflag:s0], $0x5800  }
0xce: {  	p0 =	sne.s32 s6, $0x5800;
	[sflag:s0] =	ssyncset.done $0x0  }
.Ltmp0:
0xcf: {  	s7 =	sadd.s32 $0xB00, s7;
	[sflag:s0] =	ssyncadd.s32 $0xFFFFA800;
	(pc) =	sbr.rel @p0 .LBB2_2-.Ltmp0, $4  }
0xd0: {  	[hbm4b:s7+s3] =	stream.linear.scatter [tilespmem:s20], [sflag:$0x3], $0x5800, $0x38;
	[tilespmem:$0xB480] =	vst v63  }
0xd1: {  	_ =	swait.ge [sflag:s8], $0x5800  }
0xd2: {  	[sflag:s8] =	ssyncset.done $0x0  }
0xd3: {  	s6 =	sadd.s32 $0x1600, s6;
	s5 =	sadd.s32 $0xB0, s5;
	[sflag:s8] =	ssyncadd.s32 $0xFFFFA800  }
0xd4: {  	v3 =	vld [tilespmem:$0x3C8];
	_ =	sdelay $0x4  }
0xd5: {  	v4 =	vshll.u32 v3, $0x1  }
0xd6: {  	v3 =	vand.u32 $0x7, v3;
	v4 =	vand.u32 $0xFFFFFFF0, v4  }
0xd7: {  	v3 =	vor.u32 v3, v4  }
0xd8: {  	v4 =	vperm.xlane v3, v0;
	_ =	sdelay $0x1  }
0xd9: {  	v3 =	vperm.xlane v3, v2;
	v4 =	vadd.s32 v1, v4;
	_ =	sdelay $0x1  }
0xda: {  	v3 =	vadd.s32 v1, v3;
	_ =	sdelay $0x2  }
0xdb: {  	[tilespmem:s20], [sflag:$0x2] =	stream.indirect_vreg.gather [hbm4b:s2+s3], $0x80, v4, vm0, $0xb8;
	[tilespmem:$0xB480] =	vst v63  }
0xdc: {  	_ = 	snop  }
0xdd: {  	[tilespmem:s21], [sflag:$0x2] =	stream.indirect_vreg.gather [hbm4b:s2+s3], $0x80, v3, vm0, $0xb8;
	[tilespmem:$0xB480] =	vst v63  }
0xde: {  	v3 =	vld [tilespmem:$0x3D8];
	_ =	sdelay $0x4  }
0xdf: {  	v59 =	vshll.u32 v3, $0x1  }
0xe0: {  	v3 =	vand.u32 $0x7, v3;
	v4 =	vand.u32 $0xFFFFFFF0, v59  }
0xe1: {  	v3 =	vor.u32 v3, v4  }
0xe2: {  	v4 =	vperm.xlane v3, v0;
	_ =	sdelay $0x1  }
0xe3: {  	v3 =	vperm.xlane v3, v2;
	v4 =	vadd.s32 v1, v4;
	_ =	sdelay $0x1  }
0xe4: {  	v3 =	vadd.s32 v1, v3;
	_ =	sdelay $0x2  }
0xe5: {  	[tilespmem:s22], [sflag:$0x2] =	stream.indirect_vreg.gather [hbm4b:s2+s3], $0x80, v4, vm0, $0xb8;
	[tilespmem:$0xB480] =	vst v63  }
0xe6: {  	_ = 	snop  }
0xe7: {  	[tilespmem:s23], [sflag:$0x2] =	stream.indirect_vreg.gather [hbm4b:s2+s3], $0x80, v3, vm0, $0xb8;
	[tilespmem:$0xB480] =	vst v63  }
0xe8: {  	v3 =	vld [tilespmem:$0x3E8];
	_ =	sdelay $0x4  }
0xe9: {  	v60 =	vshll.u32 v3, $0x1  }
0xea: {  	v3 =	vand.u32 $0x7, v3;
	v4 =	vand.u32 $0xFFFFFFF0, v60  }
0xeb: {  	v3 =	vor.u32 v3, v4  }
0xec: {  	v4 =	vperm.xlane v3, v0;
	_ =	sdelay $0x1  }
0xed: {  	v3 =	vperm.xlane v3, v2;
	v4 =	vadd.s32 v1, v4;
	_ =	sdelay $0x1  }
0xee: {  	v3 =	vadd.s32 v1, v3;
	_ =	sdelay $0x2  }
0xef: {  	[tilespmem:s24], [sflag:$0x2] =	stream.indirect_vreg.gather [hbm4b:s2+s3], $0x80, v4, vm0, $0xb8;
	[tilespmem:$0xB480] =	vst v63  }
0xf0: {  	_ = 	snop  }
0xf1: {  	[tilespmem:s25], [sflag:$0x2] =	stream.indirect_vreg.gather [hbm4b:s2+s3], $0x80, v3, vm0, $0xb8;
	[tilespmem:$0xB480] =	vst v63  }
0xf2: {  	v3 =	vld [tilespmem:$0x3F8];
	_ =	sdelay $0x4  }
0xf3: {  	v61 =	vshll.u32 v3, $0x1  }
0xf4: {  	v3 =	vand.u32 $0x7, v3;
	v4 =	vand.u32 $0xFFFFFFF0, v61  }
0xf5: {  	v3 =	vor.u32 v3, v4  }
0xf6: {  	v4 =	vperm.xlane v3, v0;
	_ =	sdelay $0x1  }
0xf7: {  	v3 =	vperm.xlane v3, v2;
	v4 =	vadd.s32 v1, v4;
	_ =	sdelay $0x1  }
0xf8: {  	v3 =	vadd.s32 v1, v3;
	_ =	sdelay $0x2  }
0xf9: {  	[tilespmem:s26], [sflag:$0x2] =	stream.indirect_vreg.gather [hbm4b:s2+s3], $0x80, v4, vm0, $0xb8;
	[tilespmem:$0xB480] =	vst v63  }
0xfa: {  	_ = 	snop  }
0xfb: {  	[tilespmem:s28], [sflag:$0x2] =	stream.indirect_vreg.gather [hbm4b:s2+s3], $0x80, v3, vm0, $0xb8;
	[tilespmem:$0xB480] =	vst v63  }
0xfc: {  	v3 =	vld [tilespmem:$0x408];
	_ =	sdelay $0x4  }
0xfd: {  	v62 =	vshll.u32 v3, $0x1  }
0xfe: {  	v3 =	vand.u32 $0x7, v3;
	v4 =	vand.u32 $0xFFFFFFF0, v62  }
0xff: {  	v3 =	vor.u32 v3, v4  }
0x100: {  	v4 =	vperm.xlane v3, v0;
	_ =	sdelay $0x1  }
0x101: {  	v3 =	vperm.xlane v3, v2;
	v4 =	vadd.s32 v1, v4;
	_ =	sdelay $0x1  }
0x102: {  	v3 =	vadd.s32 v1, v3;
	_ =	sdelay $0x2  }
0x103: {  	[tilespmem:s29], [sflag:$0x2] =	stream.indirect_vreg.gather [hbm4b:s2+s3], $0x80, v4, vm0, $0xb8;
	[tilespmem:$0xB480] =	vst v63  }
0x104: {  	_ = 	snop  }
0x105: {  	[tilespmem:s30], [sflag:$0x2] =	stream.indirect_vreg.gather [hbm4b:s2+s3], $0x80, v3, vm0, $0xb8;
	[tilespmem:$0xB480] =	vst v63  }
0x106: {  	v3 =	vld.msk [tilespmem:$0x418], $0xff;
	_ =	sdelay $0x4  }
0x107: {  	v63 =	vshll.u32 v3, $0x1  }
0x108: {  	v3 =	vand.u32 $0x7, v3;
	v4 =	vand.u32 $0xFFFFFFF0, v63  }
0x109: {  	v3 =	vor.u32 v3, v4  }
0x10a: {  	v3 =	vperm.xlane v3, v0;
	_ =	sdelay $0x1  }
0x10b: {  	v3 =	vadd.s32 v1, v3;
	_ =	sdelay $0x4  }
0x10c: {  	[tilespmem:s31], [sflag:$0x2] =	stream.indirect_vreg.gather [hbm4b:s2+s3], $0x80, v3, vm0, $0xb8;
	[tilespmem:$0xB480] =	vst v63  }
0x10d: {  	_ =	swait.ge [sflag:s1], $0x5800  }
0x10e: {  	[sflag:s1] =	ssyncset.done $0x0  }
0x10f: {  	s5 =	rddreg [dreg:$0x5];
	[sflag:s1] =	ssyncadd.s32 $0xFFFFA800  }
0x110: {  	[hbm4b:s5+s3] =	stream.linear.scatter [tilespmem:s9], [sflag:$0x3], $0x5800, $0x38;
	[tilespmem:$0xB480] =	vst v63  }
0x111: {  	_ =	swait.ge [sflag:s8], $0x5800  }
0x112: {  	[sflag:s8] =	ssyncset.done $0x0  }
0x113: {  	[sflag:s8] =	ssyncadd.s32 $0xFFFFA800  }
0x114: {  	_ =	swait.ge [sflag:s0], $0x5800  }
0x115: {  	[sflag:s0] =	ssyncset.done $0x0  }
0x116: {  	s6 =	rddreg [dreg:$0x6];
	[sflag:s0] =	ssyncadd.s32 $0xFFFFA800  }
0x117: {  	[hbm4b:s6+s3] =	stream.linear.scatter [tilespmem:s20], [sflag:$0x3], $0x5800, $0x38;
	[tilespmem:$0xB480] =	vst v63  }
0x118: {  	_ =	swait.ge [sflag:s8], $0x5800  }
0x119: {  	s4 =	sadd.s32 $0x1, s4;
	s7 =	rddreg [dreg:$0x7]  }
0x11a: {  	p0 =	sne.s32 s4, s7  }
.Ltmp1:
0x11b: {  	_ = 	snop;
	(pc) =	sbr.rel @p0 .LBB2_1-.Ltmp1, $3  }
0x11c: {  	_ =	sdelay $0x1  }
0x11d: {  	[sflag:s8] =	ssyncset.done $0x0  }
0x11e: {  	[sflag:s8] =	ssyncadd.s32 $0xFFFFA800  }
0x11f: {  	_ =	sfence.sel $0x180000  }
0x120: {  	[bflag:$0x0] =	sbarrier.arrive $0xFFFF  }
0x121: {  	_ =	strace $0x9000004D  }
0x122: {  	s0 =	stileid.u32;
	[bflag:$0x2] =	sbarrier.arrive $0xFFFF  }
0x123: {  	p0 =	sne.s32 s0, $0x0;
	s0 =	rddreg [dreg:$0x2]  }
0x124: {  	s0 =	sadd.s32 @!p0 $0x100000, s0  }
0x125: {  	[sflag:s0] =	ssyncadd.tile.s32 @!p0 $0x1;
	_ =	shalt  }
.Lfunc_end2:
_tile_overlayer_lowered:
.L_overlay_start_2:
0x126: {  	(tag) =	ssettag $0x2  }
0x127: {  	s0 =	rddreg [dreg:$0x0];
	s2 =	stileid.u32  }
0x128: {  	s1 =	rddreg [dreg:$0x1];
	p0 =	sne.s32 s2, $0x0  }
0x129: {  	s3 =	rddreg [dreg:$0x2];
	[bflag:$0x3] =	sbarrier.arrive $0xFFFF;
	s2 =	simm.s32 @!p0 $0x1C03  }
0x12a: {  	[timem:s3], [sflag:s2] =	dma.local @!p0 [hbm:s0], s1  }
0x12b: {  	s0 =	simm.s32 @!p0 $0x3  }
0x12c: {  	_ =	swait.ge @!p0 [sflag:s0], s1  }
0x12d: {  	s1 =	ssub.s32 @!p0 $0x0, s1;
	[sflag:s0] =	ssyncset.done @!p0 $0x0  }
0x12e: {  	[sflag:s0] =	ssyncadd.s32 @!p0 s1  }
0x12f: {  	[bflag:$0x3] =	sbarrier.arrive $0xFFFF  }
0x130: {  	_ =	shalt  }

// kernel: kernel.27.cloned.1.call-start
scs
__scs_entry_jumppad:
0x0: {  	(pc) =	sbr.rel $0x88, $3  }
0x1: {  	(tag) =	ssettag $0x0;
	lr =	simm.s32 $0x1  }
0x2: {  	[smem:$0x3F94] =	sst lr;
	_ =	strace $0xD0000000  }
0x3: {  	_ = 	snop  }
0x4: {  	_ = 	snop  }
0x5: {  	_ = 	snop  }
0x6: {  	_ = 	snop  }
0x7: {  	_ = 	snop  }
__scs_overlays_trampoline_lowered:
0x8: {  	[smem:$0x3FA3] =	sst s0  }
0x9: {  	[smem:$0x3FA4] =	sst s1  }
0xa: {  	[smem:$0x3FA5] =	sst s2  }
0xb: {  	[smem:$0x3FA6] =	sst s3  }
0xc: {  	[smem:$0x3FA7] =	sst s4  }
0xd: {  	[smem:$0x3FA8] =	sst s5  }
0xe: {  	[smem:$0x3FA9] =	sst s6  }
0xf: {  	[smem:$0x3FAA] =	sst s7  }
0x10: {  	[smem:$0x3FAB] =	sst s8  }
0x11: {  	[smem:$0x3FAC] =	sst s9;
	s0 =	simm.s32 @!p0 $0x0  }
0x12: {  	s1 =	sld [smem:$0x3F92];
	s0 =	simm.s32 @p0 $0x1  }
0x13: {  	[smem:$0x3FAD] =	sst s0;
	s0 =	simm.s32 @!p1 $0x0  }
0x14: {  	s2 =	sld [smem:$0x3F91];
	s0 =	simm.s32 @p1 $0x1  }
0x15: {  	[smem:$0x3FAE] =	sst s0;
	s0 =	simm.s32 @!p2 $0x0  }
0x16: {  	s3 =	sld [smem:$0x3FDB];
	s0 =	simm.s32 @p2 $0x1  }
0x17: {  	s4 =	simm.s32 $0x1BF5;
	[smem:$0x3FB0] =	sst s0  }
0x18: {  	s0 =	sld [smem:$0x3F93];
	_ =	swait.ge [sflag:s4], $0x0  }
0x19: {  	s7 =	sld [smem:$0x3F94]  }
0x1a: {  	s8 =	sadd.s32 $0xFFFFE003, lr  }
0x1b: {  	s9 =	sadd.s32 $0xFFFFFEF7, lr;
	s5 =	simm.s32 $0xFFFFFFFF;
	p2 =	slt.u32 s8, $0xFFFFF086  }
0x1c: {  	p1 =	slt.u32 s9, $0xF7A;
	s5 =	simm.s32 @!p2 $0x0  }
0x1d: {  	s5 =	simm.s32 @p1 $0x1;
	p0 =	seq.s32 s7, s2  }
0x1e: {  	s7 =	smul.u32 @!p0 $0xF7A, s2;
	p2 =	seq.s32 @!p0 s5, $0x0  }
0x1f: {  	s9 =	smul.u32 $0xF7A, s1;
	s8 =	simm.s32 @!p0 $0x1BF5;
	p2 =	por !p2, p0  }
0x20: {  	[sflag:s8] =	ssyncset.s32 @!p0 $0xFFFFF086;
	s6 =	sadd.s32 @!p0 s3, s7;
	s7 =	simm.s32 @!p0 $0x108  }
0x21: {  	s3 =	sadd.s32 s3, s9;
	s6 =	sadd.s32 @!p0 $0x88, s6;
	s7 =	simm.s32 @p2 $0x1082  }
0x22: {  	[simem:s7], [sflag:s8] =	dma.local @!p0 [hbm:s6], $0xF7A  }
0x23: {  	s9 =	sor.u32 $0xD0000000, s2;
	s6 =	simm.s32 $0x108;
	_ =	swait.ge @!p0 [sflag:s8], $0x0  }
0x24: {  	s3 =	sadd.s32 $0x88, s3;
	s6 =	simm.s32 @!p1 $0x1082;
	[sflag:s4] =	ssyncset.s32 $0xFFFFF086  }
0x25: {  	[simem:s6], [sflag:s4] =	dma.local [hbm:s3], $0xF7A  }
0x26: {  	[smem:$0x3F94] =	sst s1;
	(tag) =	ssettag s2;
	_ =	strace s9  }
0x27: {  	s1 =	sld [smem:$0x3FA4]  }
0x28: {  	s2 =	sld [smem:$0x3FA5]  }
0x29: {  	s4 =	sld [smem:$0x3FA7]  }
0x2a: {  	p0 =	seq.s32 s5, $0x0;
	s5 =	sld [smem:$0x3FA8]  }
0x2b: {  	s6 =	sld [smem:$0x3FA9]  }
0x2c: {  	s7 =	sld [smem:$0x3FAA]  }
0x2d: {  	s3 =	simm.s32 $0x108;
	s8 =	sld [smem:$0x3FAB]  }
0x2e: {  	s3 =	simm.s32 @!p0 $0x1082;
	s9 =	sld [smem:$0x3FAC]  }
0x2f: {  	lr =	sadd.s32 s0, s3;
	s0 =	sld [smem:$0x3FA3]  }
0x30: {  	s3 =	sld [smem:$0x3FA6]  }
0x31: {  	[smem:$0x3FAF] =	sst s10  }
0x32: {  	s10 =	sld [smem:$0x3FAD];
	_ =	sdelay $0x3  }
0x33: {  	p0 =	seq.s32 s10, $0x1;
	s10 =	sld [smem:$0x3FAF];
	_ =	sdelay $0x3  }
0x34: {  	[smem:$0x3FAF] =	sst s10  }
0x35: {  	s10 =	sld [smem:$0x3FAE];
	_ =	sdelay $0x3  }
0x36: {  	p1 =	seq.s32 s10, $0x1;
	s10 =	sld [smem:$0x3FAF];
	_ =	sdelay $0x3  }
0x37: {  	[smem:$0x3FAF] =	sst s10  }
0x38: {  	s10 =	sld [smem:$0x3FB0]  }
0x39: {  	_ = 	snop;
	(pc) =	sbr.ind lr, $3  }
0x3a: {  	_ = 	snop  }
0x3b: {  	_ = 	snop  }
0x3c: {  	p2 =	seq.s32 s10, $0x1;
	s10 =	sld [smem:$0x3FAF]  }
0x3d: {  	_ =	shalt  }
0x3e: {  	_ =	shalt  }
0x3f: {  	_ =	shalt  }
0x40: {  	_ =	shalt  }
0x41: {  	_ =	shalt  }
0x42: {  	_ =	shalt  }
0x43: {  	_ =	shalt  }
0x44: {  	_ =	shalt  }
0x45: {  	_ =	shalt  }
0x46: {  	_ =	shalt  }
0x47: {  	_ =	shalt  }
0x48: {  	_ =	shalt  }
0x49: {  	_ =	shalt  }
0x4a: {  	_ =	shalt  }
0x4b: {  	_ =	shalt  }
0x4c: {  	_ =	shalt  }
0x4d: {  	_ =	shalt  }
0x4e: {  	_ =	shalt  }
0x4f: {  	_ =	shalt  }
0x50: {  	_ =	shalt  }
0x51: {  	_ =	shalt  }
0x52: {  	_ =	shalt  }
0x53: {  	_ =	shalt  }
0x54: {  	_ =	shalt  }
0x55: {  	_ =	shalt  }
0x56: {  	_ =	shalt  }
0x57: {  	_ =	shalt  }
0x58: {  	_ =	shalt  }
0x59: {  	_ =	shalt  }
0x5a: {  	_ =	shalt  }
0x5b: {  	_ =	shalt  }
0x5c: {  	_ =	shalt  }
0x5d: {  	_ =	shalt  }
0x5e: {  	_ =	shalt  }
0x5f: {  	_ =	shalt  }
0x60: {  	_ =	shalt  }
0x61: {  	_ =	shalt  }
0x62: {  	_ =	shalt  }
0x63: {  	_ =	shalt  }
0x64: {  	_ =	shalt  }
0x65: {  	_ =	shalt  }
0x66: {  	_ =	shalt  }
0x67: {  	_ =	shalt  }
0x68: {  	_ =	shalt  }
0x69: {  	_ =	shalt  }
0x6a: {  	_ =	shalt  }
0x6b: {  	_ =	shalt  }
0x6c: {  	_ =	shalt  }
0x6d: {  	_ =	shalt  }
0x6e: {  	_ =	shalt  }
0x6f: {  	_ =	shalt  }
0x70: {  	_ =	shalt  }
0x71: {  	_ =	shalt  }
0x72: {  	_ =	shalt  }
0x73: {  	_ =	shalt  }
0x74: {  	_ =	shalt  }
0x75: {  	_ =	shalt  }
0x76: {  	_ =	shalt  }
0x77: {  	_ =	shalt  }
0x78: {  	_ =	shalt  }
0x79: {  	_ =	shalt  }
0x7a: {  	_ =	shalt  }
0x7b: {  	_ =	shalt  }
0x7c: {  	_ =	shalt  }
0x7d: {  	_ =	shalt  }
0x7e: {  	_ =	shalt  }
0x7f: {  	_ =	shalt  }
0x80: {  	_ =	shalt  }
0x81: {  	_ =	shalt  }
0x82: {  	_ =	shalt  }
0x83: {  	_ =	shalt  }
0x84: {  	_ =	shalt  }
0x85: {  	_ =	shalt  }
0x86: {  	_ =	shalt  }
0x87: {  	_ =	shalt  }
.Lfunc_end0:
.L_simem_size_0:
called_computation.3_lowered:
.L_overlay_start_0:
0x88: {  	s2 =	sld [smem:$0x3FD9]  }
0x89: {  	s3 =	sld [smem:$0x3FFE];
	_ =	sdelay $0x1  }
0x8a: {  	s1 =	srdreg.scid  }
0x8b: {  	s0 =	sand.u32 $0x1, s1  }
0x8c: {  	s17 =	sshll.u32 s0, $0xA;
	s2 =	sadd.s32 s3, s2  }
0x8d: {  	s2 =	sadd.s32 s2, s17  }
0x8e: {  	[smem:$0x3FBB] =	sst s2  }
0x8f: {  	_ = 	snop  }
0x90: {  	s18 =	sld [smem:$0x3FC5];
	(tm) =	ssettm $0x1  }
0x91: {  	s19 =	sld [smem:$0x3FFB];
	_ =	sdelay $0x3  }
0x92: {  	_ =	strace s19  }
0x93: {  	s2 =	sld [smem:$0x3FFC];
	_ =	sdelay $0x3  }
0x94: {  	_ =	strace s2  }
0x95: {  	s2 =	sld [smem:$0x3FFD];
	_ =	sdelay $0x3  }
0x96: {  	_ =	strace s2  }
0x97: {  	_ =	strace $0x8FFFFFFF  }
0x98: {  	s20 =	sld [smem:$0x3FDB];
	_ =	sdelay $0x1  }
0x99: {  	s4 =	simm.s32 $_scs_section_size  }
0x9a: {  	s5 =	simm.s32 $_size__tile_overlayer_lowered;
	s6 =	simm.s32 $_tile_overlayer_lowered  }
0x9b: {  	s7 =	simm.s32 $0x1BFF;
	s21 =	sshll.u32 s6, $0x1;
	s4 =	sadd.s32 s4, s20  }
0x9c: {  	s22 =	simm.s32 $0x0;
	s5 =	sshll.u32 s5, $0x1;
	s6 =	sadd.s32 s21, s4  }
0x9d: {  	[timem:s22], [sflag:s7] =	dma.local [hbm:s6], s5  }
0x9e: {  	_ =	swait.ge [sflag:s7], s5  }
0x9f: {  	s5 =	ssub.s32 $0x0, s5;
	[sflag:s7] =	ssyncset.done $0x0  }
0xa0: {  	[sflag:s7] =	ssyncadd.s32 s5;
	_ =	sdelay $0x1  }
0xa1: {  	s23 =	simm.s32 $0x1B8B  }
0xa2: {  	_ =	swait.ge [sflag:s23], $0x1  }
0xa3: {  	[sflag:s23] =	ssyncset.done $0x0  }
0xa4: {  	[sflag:s23] =	ssyncadd.s32 $0xFFFFFFFF  }
0xa5: {  	s5 =	sld [smem:$0x0]  }
0xa6: {  	s6 =	sand.u32 $0xFFFFFFFE, s1  }
0xa7: {  	p0 =	sne.s32 s1, s6  }
0xa8: {  	s6 =	sshll.u32 @p0 s6, $0xE  }
0xa9: {  	s6 =	sadd.s32 @p0 $0x11B8D, s6;
	s7 =	sshll.u32 @p0 s5, $0x11  }
0xaa: {  	s6 =	sor.u32 @p0 s7, s6  }
0xab: {  	[sflag:s6] =	ssyncadd.remote.s32 @p0 $0x1;
	_ =	sdelay $0x1  }
0xac: {  	s6 =	simm.s32 @p0 $0x1B8D  }
0xad: {  	_ =	swait.eq @p0 [sflag:s6], $0x1  }
0xae: {  	[sflag:s6] =	ssyncadd.s32 @p0 $0xFFFFFFFF  }
0xaf: {  	s7 =	sshll.u32 @!p0 s1, $0xE  }
0xb0: {  	s7 =	sor.u32 @!p0 $0x4000, s7;
	s6 =	simm.s32 @!p0 $0x1B8D  }
0xb1: {  	s5 =	sshll.u32 @!p0 s5, $0x11;
	s7 =	sadd.s32 @!p0 $0x11B8D, s7;
	_ =	swait.eq @!p0 [sflag:s6], $0x1  }
0xb2: {  	s5 =	sor.u32 @!p0 s5, s7;
	[sflag:s6] =	ssyncadd.s32 @!p0 $0xFFFFFFFF  }
0xb3: {  	s25 =	simm.s32 $0x1B8E;
	s24 =	sld [smem:$0x3FFE];
	[sflag:s5] =	ssyncadd.remote.s32 @!p0 $0x1  }
0xb4: {  	s26 =	simm.s32 $execute0_lowered;
	[smem:$0x3FD2] =	sst s25  }
0xb5: {  	s6 =	sshll.u32 s26, $0x1;
	_ =	strace $0x80000049;
	[dreg:$0x1] =	wrdreg $0xFFFFFFFF  }
0xb6: {  	s28 =	simm.s32 $_size_execute0_lowered;
	s4 =	sadd.s32 s4, s6;
	[dreg:$0x0] =	wrdreg $0x0  }
0xb7: {  	s6 =	sshll.u32 s28, $0x1;
	[dreg:$0x2] =	wrdreg s4  }
0xb8: {  	[dreg:$0x3] =	wrdreg s6  }
0xb9: {  	[dreg:$0x4] =	wrdreg $0xC0  }
0xba: {  	_ =	task [dreg:s22], $0x5FFFF  }
0xbb: {  	[dreg:$0x1] =	wrdreg $0xFFFFFFFF  }
0xbc: {  	[dreg:$0x0] =	wrdreg $0x60  }
0xbd: {  	[dreg:$0x2] =	wrdreg s18  }
0xbe: {  	[dreg:$0x3] =	wrdreg s24  }
0xbf: {  	[dreg:$0x4] =	wrdreg $0xC  }
0xc0: {  	_ =	task.clear_ibuf [dreg:s22], $0x5FFFF;
	_ =	strace $0x90000049  }
0xc1: {  	s29 =	simm.s32 $0xC;
	_ =	strace $0x8000004B  }
0xc2: {  	_ =	swait.ge [sflag:s29], $0x1  }
0xc3: {  	[sflag:s29] =	ssyncadd.s32 $0xFFFFFFFF  }
0xc4: {  	_ =	strace $0x9000004B  }
0xc5: {  	_ =	sfence  }
0xc6: {  	s30 =	sld [smem:$0x0];
	_ =	sdelay $0x2  }
0xc7: {  	s31 =	sshll.u32 s1, $0xD;
	s1 =	sshrl.u32 s1, $0x2  }
0xc8: {  	s4 =	sand.u32 $0x4000, s31;
	s1 =	sadd.s32 s1, s30  }
0xc9: {  	s0 =	sor.u32 s4, s0;
	s1 =	sshll.u32 s1, $0x11  }
0xca: {  	s0 =	sor.u32 s1, s0  }
0xcb: {  	s0 =	sadd.s32 $0x8F2B, s0  }
0xcc: {  	[sflag:s0] =	ssyncadd.remote.s32 $0x1  }
0xcd: {  	_ =	sfence.sel $0xFFFF  }
0xce: {  	[dreg:$0x0] =	wrdreg $0xFFFFFFFF;
	(pc) =	sbr.abs _section_cstart, $3  }
0xcf: {  	[dreg:$0x1] =	wrdreg $0xFFFFFFFF  }
0xd0: {  	_ =	task.clear_ibuf [dreg:s22], $0x2FFFF;
	_ =	strace $0x9FFFFFFF  }
0xd1: {  	(tm) =	ssettm $0x7FFFFFFF  }
tec
execute0_lowered:
.L_overlay_start_1:
0x0: {  	(tag) =	ssettag $0x1  }
0x1: {  	s0 =	srdreg.scid;
	s2 =	rddreg [dreg:$0x0]  }
0x2: {  	s8 =	stileid.u32;
	s4 =	rddreg [dreg:$0x1];
	s3 =	simm.s32 $0x0  }
0x3: {  	s9 =	simm.s32 $0x480;
	s10 =	simm.s32 $0xC80;
	s11 =	simm.s32 $0x1480  }
0x4: {  	s12 =	simm.s32 $0x1C80;
	s13 =	simm.s32 $0x2480;
	s14 =	simm.s32 $0x2C80  }
0x5: {  	s15 =	simm.s32 $0x3480;
	s16 =	simm.s32 $0x3C80;
	s17 =	simm.s32 $0x4480  }
0x6: {  	s18 =	simm.s32 $0x4C80;
	s19 =	simm.s32 $0x5480;
	s20 =	simm.s32 $0x5C80  }
0x7: {  	s21 =	simm.s32 $0x6480;
	s22 =	simm.s32 $0x6C80;
	s23 =	simm.s32 $0x7480  }
0x8: {  	s24 =	simm.s32 $0x7C80;
	s0 =	sand.u32 $0x1, s0;
	s1 =	sshll.u32 s8, $0x1  }
0x9: {  	s28 =	simm.s32 $0x9480;
	s29 =	simm.s32 $0x9C80;
	s1 =	sor.u32 s0, s1  }
0xa: {  	s30 =	simm.s32 $0xA480;
	s31 =	simm.s32 $0xAC80;
	s5 =	smul.u32 $0x420, s1  }
0xb: {  	[smem:$0x7FF] =	sst s3;
	s6 =	ssub.s32 $0x2, s0;
	s1 =	smul.u32 $0x42000, s1  }
0xc: {  	s8 =	smul.u32 $0x10800, s8;
	_ =	strace $0x8000004A;
	s7 =	sshrl.u32 s6, $0x1  }
0xd: {  	s6 =	ssub.s32 s6, s7;
	s5 =	sshrl.u32 s5, $0x3;
	s1 =	sshrl.u32 s1, $0x3  }
0xe: {  	s26 =	smax.u32 s6, $0x1;
	s5 =	sadd.s32 s5, s4;
	s4 =	sadd.s32 $0x116E00, s4  }
0xf: {  	[dreg:$0x7] =	wrdreg s26;
	s1 =	sadd.s32 s4, s1;
	s5 =	sadd.s32 $0x114A00, s5  }
0x10: {  	s0 =	smul.u32 $0x8400, s0;
	[dreg:$0x4] =	wrdreg s5;
	s25 =	sadd.s32 $0x6E00, s1  }
0x11: {  	s4 =	sadd.s32 s8, s4;
	s1 =	sadd.s32 $0x7900, s1;
	[dreg:$0x5] =	wrdreg s25  }
0x12: {  	v2 =	vlaneseq.u32;
	s26 =	simm.s32 $0x8C80;
	s0 =	sadd.s32 s0, s4;
	[dreg:$0x6] =	wrdreg s1  }
0x13: {  	vm0 =	vmmov $0xffff;
	v1 =	vshrl.u32 v2, $0x3;
	s8 =	simm.s32 $0x3;
	s4 =	simm.s32 $0x0;
	[dreg:$0x3] =	wrdreg s0  }
0x14: {  	v0 =	vand.u32 $0x7, v2;
	v2 =	vor.u32 $0x8, v2;
	v1 =	vmul.u32 $0x8, v1;
	s25 =	simm.s32 $0x8480;
	s1 =	simm.s32 $0x1;
	s0 =	simm.s32 $0x2  }
.LBB2_1:
0x15: {  	s5 =	rddreg [dreg:$0x4]  }
0x16: {  	[tilespmem:s3], [sflag:$0x3] =	stream.linear.gather [hbm4b:s5+s3], $0x420, $0x38;
	[tilespmem:$0xB480] =	vst v63  }
0x17: {  	_ =	swait.ge [sflag:s8], $0x420  }
0x18: {  	[sflag:s8] =	ssyncset.done $0x0  }
0x19: {  	[sflag:s8] =	ssyncadd.s32 $0xFFFFFBE0  }
0x1a: {  	v3 =	vld [tilespmem:$0x0];
	_ =	sdelay $0x4  }
0x1b: {  	v4 =	vshll.u32 v3, $0x1  }
0x1c: {  	v3 =	vand.u32 $0x7, v3;
	v4 =	vand.u32 $0xFFFFFFF0, v4  }
0x1d: {  	v3 =	vor.u32 v3, v4  }
0x1e: {  	v4 =	vperm.xlane v3, v0;
	_ =	sdelay $0x1  }
0x1f: {  	v3 =	vperm.xlane v3, v2;
	v4 =	vadd.s32 v1, v4;
	_ =	sdelay $0x1  }
0x20: {  	v3 =	vadd.s32 v1, v3;
	_ =	sdelay $0x2  }
0x21: {  	[tilespmem:s9], [sflag:$0x1] =	stream.indirect_vreg.gather [hbm4b:s2+s3], $0x80, v4, vm0, $0xb8;
	[tilespmem:$0xB480] =	vst v63  }
0x22: {  	_ = 	snop  }
0x23: {  	[tilespmem:s10], [sflag:$0x1] =	stream.indirect_vreg.gather [hbm4b:s2+s3], $0x80, v3, vm0, $0xb8;
	[tilespmem:$0xB480] =	vst v63  }
0x24: {  	v3 =	vld [tilespmem:$0x10];
	_ =	sdelay $0x4  }
0x25: {  	v59 =	vshll.u32 v3, $0x1  }
0x26: {  	v3 =	vand.u32 $0x7, v3;
	v4 =	vand.u32 $0xFFFFFFF0, v59  }
0x27: {  	v3 =	vor.u32 v3, v4  }
0x28: {  	v4 =	vperm.xlane v3, v0;
	_ =	sdelay $0x1  }
0x29: {  	v3 =	vperm.xlane v3, v2;
	v4 =	vadd.s32 v1, v4;
	_ =	sdelay $0x1  }
0x2a: {  	v3 =	vadd.s32 v1, v3;
	_ =	sdelay $0x2  }
0x2b: {  	[tilespmem:s11], [sflag:$0x1] =	stream.indirect_vreg.gather [hbm4b:s2+s3], $0x80, v4, vm0, $0xb8;
	[tilespmem:$0xB480] =	vst v63  }
0x2c: {  	_ = 	snop  }
0x2d: {  	[tilespmem:s12], [sflag:$0x1] =	stream.indirect_vreg.gather [hbm4b:s2+s3], $0x80, v3, vm0, $0xb8;
	[tilespmem:$0xB480] =	vst v63  }
0x2e: {  	v3 =	vld [tilespmem:$0x20];
	_ =	sdelay $0x4  }
0x2f: {  	v60 =	vshll.u32 v3, $0x1  }
0x30: {  	v3 =	vand.u32 $0x7, v3;
	v4 =	vand.u32 $0xFFFFFFF0, v60  }
0x31: {  	v3 =	vor.u32 v3, v4  }
0x32: {  	v4 =	vperm.xlane v3, v0;
	_ =	sdelay $0x1  }
0x33: {  	v3 =	vperm.xlane v3, v2;
	v4 =	vadd.s32 v1, v4;
	_ =	sdelay $0x1  }
0x34: {  	v3 =	vadd.s32 v1, v3;
	_ =	sdelay $0x2  }
0x35: {  	[tilespmem:s13], [sflag:$0x1] =	stream.indirect_vreg.gather [hbm4b:s2+s3], $0x80, v4, vm0, $0xb8;
	[tilespmem:$0xB480] =	vst v63  }
0x36: {  	_ = 	snop  }
0x37: {  	[tilespmem:s14], [sflag:$0x1] =	stream.indirect_vreg.gather [hbm4b:s2+s3], $0x80, v3, vm0, $0xb8;
	[tilespmem:$0xB480] =	vst v63  }
0x38: {  	v3 =	vld [tilespmem:$0x30];
	_ =	sdelay $0x4  }
0x39: {  	v61 =	vshll.u32 v3, $0x1  }
0x3a: {  	v3 =	vand.u32 $0x7, v3;
	v4 =	vand.u32 $0xFFFFFFF0, v61  }
0x3b: {  	v3 =	vor.u32 v3, v4  }
0x3c: {  	v4 =	vperm.xlane v3, v0;
	_ =	sdelay $0x1  }
0x3d: {  	v3 =	vperm.xlane v3, v2;
	v4 =	vadd.s32 v1, v4;
	_ =	sdelay $0x1  }
0x3e: {  	v3 =	vadd.s32 v1, v3;
	_ =	sdelay $0x2  }
0x3f: {  	[tilespmem:s15], [sflag:$0x1] =	stream.indirect_vreg.gather [hbm4b:s2+s3], $0x80, v4, vm0, $0xb8;
	[tilespmem:$0xB480] =	vst v63  }
0x40: {  	_ = 	snop  }
0x41: {  	[tilespmem:s16], [sflag:$0x1] =	stream.indirect_vreg.gather [hbm4b:s2+s3], $0x80, v3, vm0, $0xb8;
	[tilespmem:$0xB480] =	vst v63  }
0x42: {  	v3 =	vld [tilespmem:$0x40];
	_ =	sdelay $0x4  }
0x43: {  	v62 =	vshll.u32 v3, $0x1  }
0x44: {  	v3 =	vand.u32 $0x7, v3;
	v4 =	vand.u32 $0xFFFFFFF0, v62  }
0x45: {  	v3 =	vor.u32 v3, v4  }
0x46: {  	v4 =	vperm.xlane v3, v0;
	_ =	sdelay $0x1  }
0x47: {  	v3 =	vperm.xlane v3, v2;
	v4 =	vadd.s32 v1, v4;
	_ =	sdelay $0x1  }
0x48: {  	v3 =	vadd.s32 v1, v3;
	_ =	sdelay $0x2  }
0x49: {  	[tilespmem:s17], [sflag:$0x1] =	stream.indirect_vreg.gather [hbm4b:s2+s3], $0x80, v4, vm0, $0xb8;
	[tilespmem:$0xB480] =	vst v63  }
0x4a: {  	_ = 	snop  }
0x4b: {  	[tilespmem:s18], [sflag:$0x1] =	stream.indirect_vreg.gather [hbm4b:s2+s3], $0x80, v3, vm0, $0xb8;
	[tilespmem:$0xB480] =	vst v63  }
0x4c: {  	v3 =	vld.msk [tilespmem:$0x50], $0xff;
	_ =	sdelay $0x4  }
0x4d: {  	v63 =	vshll.u32 v3, $0x1  }
0x4e: {  	v3 =	vand.u32 $0x7, v3;
	v4 =	vand.u32 $0xFFFFFFF0, v63  }
0x4f: {  	v3 =	vor.u32 v3, v4  }
0x50: {  	v3 =	vperm.xlane v3, v0;
	_ =	sdelay $0x1  }
0x51: {  	v3 =	vadd.s32 v1, v3;
	_ =	sdelay $0x3  }
0x52: {  	s6 =	simm.s32 $0x0;
	s5 =	simm.s32 $0x88  }
0x53: {  	[tilespmem:s19], [sflag:$0x1] =	stream.indirect_vreg.gather [hbm4b:s2+s3], $0x80, v3, vm0, $0xb8;
	[tilespmem:$0xB480] =	vst v63  }
.LBB2_2:
0x54: {  	v3 =	vld [tilespmem:s5+$0xFFFFFFD0];
	_ =	sdelay $0x4  }
0x55: {  	v4 =	vshll.u32 v3, $0x1  }
0x56: {  	v3 =	vand.u32 $0x7, v3;
	v4 =	vand.u32 $0xFFFFFFF0, v4  }
0x57: {  	v3 =	vor.u32 v3, v4  }
0x58: {  	v4 =	vperm.xlane v3, v0;
	_ =	sdelay $0x1  }
0x59: {  	v3 =	vperm.xlane v3, v2;
	v4 =	vadd.s32 v1, v4;
	_ =	sdelay $0x1  }
0x5a: {  	v3 =	vadd.s32 v1, v3;
	_ =	sdelay $0x2  }
0x5b: {  	[tilespmem:s20], [sflag:$0x2] =	stream.indirect_vreg.gather [hbm4b:s2+s3], $0x80, v4, vm0, $0xb8;
	[tilespmem:$0xB480] =	vst v63  }
0x5c: {  	_ = 	snop  }
0x5d: {  	[tilespmem:s21], [sflag:$0x2] =	stream.indirect_vreg.gather [hbm4b:s2+s3], $0x80, v3, vm0, $0xb8;
	[tilespmem:$0xB480] =	vst v63  }
0x5e: {  	v3 =	vld [tilespmem:s5+$0xFFFFFFE0];
	_ =	sdelay $0x4  }
0x5f: {  	v53 =	vshll.u32 v3, $0x1  }
0x60: {  	v3 =	vand.u32 $0x7, v3;
	v4 =	vand.u32 $0xFFFFFFF0, v53  }
0x61: {  	v3 =	vor.u32 v3, v4  }
0x62: {  	v4 =	vperm.xlane v3, v0;
	_ =	sdelay $0x1  }
0x63: {  	v3 =	vperm.xlane v3, v2;
	v4 =	vadd.s32 v1, v4;
	_ =	sdelay $0x1  }
0x64: {  	v3 =	vadd.s32 v1, v3;
	_ =	sdelay $0x2  }
0x65: {  	[tilespmem:s22], [sflag:$0x2] =	stream.indirect_vreg.gather [hbm4b:s2+s3], $0x80, v4, vm0, $0xb8;
	[tilespmem:$0xB480] =	vst v63  }
0x66: {  	_ = 	snop  }
0x67: {  	[tilespmem:s23], [sflag:$0x2] =	stream.indirect_vreg.gather [hbm4b:s2+s3], $0x80, v3, vm0, $0xb8;
	[tilespmem:$0xB480] =	vst v63  }
0x68: {  	v3 =	vld [tilespmem:s5+$0xFFFFFFF0];
	_ =	sdelay $0x4  }
0x69: {  	v54 =	vshll.u32 v3, $0x1  }
0x6a: {  	v3 =	vand.u32 $0x7, v3;
	v4 =	vand.u32 $0xFFFFFFF0, v54  }
0x6b: {  	v3 =	vor.u32 v3, v4  }
0x6c: {  	v4 =	vperm.xlane v3, v0;
	_ =	sdelay $0x1  }
0x6d: {  	v3 =	vperm.xlane v3, v2;
	v4 =	vadd.s32 v1, v4;
	_ =	sdelay $0x1  }
0x6e: {  	v3 =	vadd.s32 v1, v3;
	_ =	sdelay $0x2  }
0x6f: {  	[tilespmem:s24], [sflag:$0x2] =	stream.indirect_vreg.gather [hbm4b:s2+s3], $0x80, v4, vm0, $0xb8;
	[tilespmem:$0xB480] =	vst v63  }
0x70: {  	_ = 	snop  }
0x71: {  	[tilespmem:s25], [sflag:$0x2] =	stream.indirect_vreg.gather [hbm4b:s2+s3], $0x80, v3, vm0, $0xb8;
	[tilespmem:$0xB480] =	vst v63  }
0x72: {  	v3 =	vld [tilespmem:s5+$0x0];
	_ =	sdelay $0x4  }
0x73: {  	v55 =	vshll.u32 v3, $0x1  }
0x74: {  	v3 =	vand.u32 $0x7, v3;
	v4 =	vand.u32 $0xFFFFFFF0, v55  }
0x75: {  	v3 =	vor.u32 v3, v4  }
0x76: {  	v4 =	vperm.xlane v3, v0;
	_ =	sdelay $0x1  }
0x77: {  	v3 =	vperm.xlane v3, v2;
	v4 =	vadd.s32 v1, v4;
	_ =	sdelay $0x1  }
0x78: {  	v3 =	vadd.s32 v1, v3;
	_ =	sdelay $0x2  }
0x79: {  	[tilespmem:s26], [sflag:$0x2] =	stream.indirect_vreg.gather [hbm4b:s2+s3], $0x80, v4, vm0, $0xb8;
	[tilespmem:$0xB480] =	vst v63  }
0x7a: {  	_ = 	snop  }
0x7b: {  	[tilespmem:s28], [sflag:$0x2] =	stream.indirect_vreg.gather [hbm4b:s2+s3], $0x80, v3, vm0, $0xb8;
	[tilespmem:$0xB480] =	vst v63  }
0x7c: {  	v3 =	vld [tilespmem:s5+$0x10];
	_ =	sdelay $0x4  }
0x7d: {  	v56 =	vshll.u32 v3, $0x1  }
0x7e: {  	v3 =	vand.u32 $0x7, v3;
	v4 =	vand.u32 $0xFFFFFFF0, v56  }
0x7f: {  	v3 =	vor.u32 v3, v4  }
0x80: {  	v4 =	vperm.xlane v3, v0;
	_ =	sdelay $0x1  }
0x81: {  	v3 =	vperm.xlane v3, v2;
	v4 =	vadd.s32 v1, v4;
	_ =	sdelay $0x1  }
0x82: {  	v3 =	vadd.s32 v1, v3;
	_ =	sdelay $0x2  }
0x83: {  	[tilespmem:s29], [sflag:$0x2] =	stream.indirect_vreg.gather [hbm4b:s2+s3], $0x80, v4, vm0, $0xb8;
	[tilespmem:$0xB480] =	vst v63  }
0x84: {  	_ = 	snop  }
0x85: {  	[tilespmem:s30], [sflag:$0x2] =	stream.indirect_vreg.gather [hbm4b:s2+s3], $0x80, v3, vm0, $0xb8;
	[tilespmem:$0xB480] =	vst v63  }
0x86: {  	v3 =	vld.msk [tilespmem:s5+$0x20], $0xff;
	_ =	sdelay $0x4  }
0x87: {  	v57 =	vshll.u32 v3, $0x1  }
0x88: {  	v3 =	vand.u32 $0x7, v3;
	v4 =	vand.u32 $0xFFFFFFF0, v57  }
0x89: {  	v3 =	vor.u32 v3, v4  }
0x8a: {  	v3 =	vperm.xlane v3, v0;
	_ =	sdelay $0x1  }
0x8b: {  	v3 =	vadd.s32 v1, v3;
	_ =	sdelay $0x4  }
0x8c: {  	[tilespmem:s31], [sflag:$0x2] =	stream.indirect_vreg.gather [hbm4b:s2+s3], $0x80, v3, vm0, $0xb8;
	[tilespmem:$0xB480] =	vst v63  }
0x8d: {  	_ =	swait.ge [sflag:s1], $0x5800  }
0x8e: {  	s7 =	rddreg [dreg:$0x3];
	[sflag:s1] =	ssyncset.done $0x0  }
0x8f: {  	[sflag:s1] =	ssyncadd.s32 $0xFFFFA800;
	s7 =	sadd.s32 s6, s7  }
0x90: {  	[hbm4b:s7+s3] =	stream.linear.scatter [tilespmem:s9], [sflag:$0x3], $0x5800, $0x38;
	[tilespmem:$0xB480] =	vst v63  }
0x91: {  	_ =	swait.ge [sflag:s8], $0x5800  }
0x92: {  	[sflag:s8] =	ssyncset.done $0x0  }
0x93: {  	[sflag:s8] =	ssyncadd.s32 $0xFFFFA800  }
0x94: {  	v3 =	vld [tilespmem:s5+$0x28];
	_ =	sdelay $0x4  }
0x95: {  	v58 =	vshll.u32 v3, $0x1  }
0x96: {  	v3 =	vand.u32 $0x7, v3;
	v4 =	vand.u32 $0xFFFFFFF0, v58  }
0x97: {  	v3 =	vor.u32 v3, v4  }
0x98: {  	v4 =	vperm.xlane v3, v0;
	_ =	sdelay $0x1  }
0x99: {  	v3 =	vperm.xlane v3, v2;
	v4 =	vadd.s32 v1, v4;
	_ =	sdelay $0x1  }
0x9a: {  	v3 =	vadd.s32 v1, v3;
	_ =	sdelay $0x2  }
0x9b: {  	[tilespmem:s9], [sflag:$0x1] =	stream.indirect_vreg.gather [hbm4b:s2+s3], $0x80, v4, vm0, $0xb8;
	[tilespmem:$0xB480] =	vst v63  }
0x9c: {  	_ = 	snop  }
0x9d: {  	[tilespmem:s10], [sflag:$0x1] =	stream.indirect_vreg.gather [hbm4b:s2+s3], $0x80, v3, vm0, $0xb8;
	[tilespmem:$0xB480] =	vst v63  }
0x9e: {  	v3 =	vld [tilespmem:s5+$0x38];
	_ =	sdelay $0x4  }
0x9f: {  	v59 =	vshll.u32 v3, $0x1  }
0xa0: {  	v3 =	vand.u32 $0x7, v3;
	v4 =	vand.u32 $0xFFFFFFF0, v59  }
0xa1: {  	v3 =	vor.u32 v3, v4  }
0xa2: {  	v4 =	vperm.xlane v3, v0;
	_ =	sdelay $0x1  }
0xa3: {  	v3 =	vperm.xlane v3, v2;
	v4 =	vadd.s32 v1, v4;
	_ =	sdelay $0x1  }
0xa4: {  	v3 =	vadd.s32 v1, v3;
	_ =	sdelay $0x2  }
0xa5: {  	[tilespmem:s11], [sflag:$0x1] =	stream.indirect_vreg.gather [hbm4b:s2+s3], $0x80, v4, vm0, $0xb8;
	[tilespmem:$0xB480] =	vst v63  }
0xa6: {  	_ = 	snop  }
0xa7: {  	[tilespmem:s12], [sflag:$0x1] =	stream.indirect_vreg.gather [hbm4b:s2+s3], $0x80, v3, vm0, $0xb8;
	[tilespmem:$0xB480] =	vst v63  }
0xa8: {  	v3 =	vld [tilespmem:s5+$0x48];
	_ =	sdelay $0x4  }
0xa9: {  	v60 =	vshll.u32 v3, $0x1  }
0xaa: {  	v3 =	vand.u32 $0x7, v3;
	v4 =	vand.u32 $0xFFFFFFF0, v60  }
0xab: {  	v3 =	vor.u32 v3, v4  }
0xac: {  	v4 =	vperm.xlane v3, v0;
	_ =	sdelay $0x1  }
0xad: {  	v3 =	vperm.xlane v3, v2;
	v4 =	vadd.s32 v1, v4;
	_ =	sdelay $0x1  }
0xae: {  	v3 =	vadd.s32 v1, v3;
	_ =	sdelay $0x2  }
0xaf: {  	[tilespmem:s13], [sflag:$0x1] =	stream.indirect_vreg.gather [hbm4b:s2+s3], $0x80, v4, vm0, $0xb8;
	[tilespmem:$0xB480] =	vst v63  }
0xb0: {  	_ = 	snop  }
0xb1: {  	[tilespmem:s14], [sflag:$0x1] =	stream.indirect_vreg.gather [hbm4b:s2+s3], $0x80, v3, vm0, $0xb8;
	[tilespmem:$0xB480] =	vst v63  }
0xb2: {  	v3 =	vld [tilespmem:s5+$0x58];
	_ =	sdelay $0x4  }
0xb3: {  	v61 =	vshll.u32 v3, $0x1  }
0xb4: {  	v3 =	vand.u32 $0x7, v3;
	v4 =	vand.u32 $0xFFFFFFF0, v61  }
0xb5: {  	v3 =	vor.u32 v3, v4  }
0xb6: {  	v4 =	vperm.xlane v3, v0;
	_ =	sdelay $0x1  }
0xb7: {  	v3 =	vperm.xlane v3, v2;
	v4 =	vadd.s32 v1, v4;
	_ =	sdelay $0x1  }
0xb8: {  	v3 =	vadd.s32 v1, v3;
	_ =	sdelay $0x2  }
0xb9: {  	[tilespmem:s15], [sflag:$0x1] =	stream.indirect_vreg.gather [hbm4b:s2+s3], $0x80, v4, vm0, $0xb8;
	[tilespmem:$0xB480] =	vst v63  }
0xba: {  	_ = 	snop  }
0xbb: {  	[tilespmem:s16], [sflag:$0x1] =	stream.indirect_vreg.gather [hbm4b:s2+s3], $0x80, v3, vm0, $0xb8;
	[tilespmem:$0xB480] =	vst v63  }
0xbc: {  	v3 =	vld [tilespmem:s5+$0x68];
	_ =	sdelay $0x4  }
0xbd: {  	v62 =	vshll.u32 v3, $0x1  }
0xbe: {  	v3 =	vand.u32 $0x7, v3;
	v4 =	vand.u32 $0xFFFFFFF0, v62  }
0xbf: {  	v3 =	vor.u32 v3, v4  }
0xc0: {  	v4 =	vperm.xlane v3, v0;
	_ =	sdelay $0x1  }
0xc1: {  	v3 =	vperm.xlane v3, v2;
	v4 =	vadd.s32 v1, v4;
	_ =	sdelay $0x1  }
0xc2: {  	v3 =	vadd.s32 v1, v3;
	_ =	sdelay $0x2  }
0xc3: {  	[tilespmem:s17], [sflag:$0x1] =	stream.indirect_vreg.gather [hbm4b:s2+s3], $0x80, v4, vm0, $0xb8;
	[tilespmem:$0xB480] =	vst v63  }
0xc4: {  	_ = 	snop  }
0xc5: {  	[tilespmem:s18], [sflag:$0x1] =	stream.indirect_vreg.gather [hbm4b:s2+s3], $0x80, v3, vm0, $0xb8;
	[tilespmem:$0xB480] =	vst v63  }
0xc6: {  	v3 =	vld.msk [tilespmem:s5+$0x78], $0xff;
	_ =	sdelay $0x4  }
0xc7: {  	v63 =	vshll.u32 v3, $0x1  }
0xc8: {  	v3 =	vand.u32 $0x7, v3;
	v4 =	vand.u32 $0xFFFFFFF0, v63  }
0xc9: {  	v3 =	vor.u32 v3, v4  }
0xca: {  	v3 =	vperm.xlane v3, v0;
	_ =	sdelay $0x1  }
0xcb: {  	v3 =	vadd.s32 v1, v3;
	_ =	sdelay $0x4  }
0xcc: {  	[tilespmem:s19], [sflag:$0x1] =	stream.indirect_vreg.gather [hbm4b:s2+s3], $0x80, v3, vm0, $0xb8;
	[tilespmem:$0xB480] =	vst v63  }
0xcd: {  	_ =	swait.ge [sflag:s0], $0x5800  }
0xce: {  	p0 =	sne.s32 s6, $0x5800;
	[sflag:s0] =	ssyncset.done $0x0  }
.Ltmp0:
0xcf: {  	s7 =	sadd.s32 $0xB00, s7;
	[sflag:s0] =	ssyncadd.s32 $0xFFFFA800;
	(pc) =	sbr.rel @p0 .LBB2_2-.Ltmp0, $4  }
0xd0: {  	[hbm4b:s7+s3] =	stream.linear.scatter [tilespmem:s20], [sflag:$0x3], $0x5800, $0x38;
	[tilespmem:$0xB480] =	vst v63  }
0xd1: {  	_ =	swait.ge [sflag:s8], $0x5800  }
0xd2: {  	[sflag:s8] =	ssyncset.done $0x0  }
0xd3: {  	s6 =	sadd.s32 $0x1600, s6;
	s5 =	sadd.s32 $0xB0, s5;
	[sflag:s8] =	ssyncadd.s32 $0xFFFFA800  }
0xd4: {  	v3 =	vld [tilespmem:$0x3C8];
	_ =	sdelay $0x4  }
0xd5: {  	v4 =	vshll.u32 v3, $0x1  }
0xd6: {  	v3 =	vand.u32 $0x7, v3;
	v4 =	vand.u32 $0xFFFFFFF0, v4  }
0xd7: {  	v3 =	vor.u32 v3, v4  }
0xd8: {  	v4 =	vperm.xlane v3, v0;
	_ =	sdelay $0x1  }
0xd9: {  	v3 =	vperm.xlane v3, v2;
	v4 =	vadd.s32 v1, v4;
	_ =	sdelay $0x1  }
0xda: {  	v3 =	vadd.s32 v1, v3;
	_ =	sdelay $0x2  }
0xdb: {  	[tilespmem:s20], [sflag:$0x2] =	stream.indirect_vreg.gather [hbm4b:s2+s3], $0x80, v4, vm0, $0xb8;
	[tilespmem:$0xB480] =	vst v63  }
0xdc: {  	_ = 	snop  }
0xdd: {  	[tilespmem:s21], [sflag:$0x2] =	stream.indirect_vreg.gather [hbm4b:s2+s3], $0x80, v3, vm0, $0xb8;
	[tilespmem:$0xB480] =	vst v63  }
0xde: {  	v3 =	vld [tilespmem:$0x3D8];
	_ =	sdelay $0x4  }
0xdf: {  	v59 =	vshll.u32 v3, $0x1  }
0xe0: {  	v3 =	vand.u32 $0x7, v3;
	v4 =	vand.u32 $0xFFFFFFF0, v59  }
0xe1: {  	v3 =	vor.u32 v3, v4  }
0xe2: {  	v4 =	vperm.xlane v3, v0;
	_ =	sdelay $0x1  }
0xe3: {  	v3 =	vperm.xlane v3, v2;
	v4 =	vadd.s32 v1, v4;
	_ =	sdelay $0x1  }
0xe4: {  	v3 =	vadd.s32 v1, v3;
	_ =	sdelay $0x2  }
0xe5: {  	[tilespmem:s22], [sflag:$0x2] =	stream.indirect_vreg.gather [hbm4b:s2+s3], $0x80, v4, vm0, $0xb8;
	[tilespmem:$0xB480] =	vst v63  }
0xe6: {  	_ = 	snop  }
0xe7: {  	[tilespmem:s23], [sflag:$0x2] =	stream.indirect_vreg.gather [hbm4b:s2+s3], $0x80, v3, vm0, $0xb8;
	[tilespmem:$0xB480] =	vst v63  }
0xe8: {  	v3 =	vld [tilespmem:$0x3E8];
	_ =	sdelay $0x4  }
0xe9: {  	v60 =	vshll.u32 v3, $0x1  }
0xea: {  	v3 =	vand.u32 $0x7, v3;
	v4 =	vand.u32 $0xFFFFFFF0, v60  }
0xeb: {  	v3 =	vor.u32 v3, v4  }
0xec: {  	v4 =	vperm.xlane v3, v0;
	_ =	sdelay $0x1  }
0xed: {  	v3 =	vperm.xlane v3, v2;
	v4 =	vadd.s32 v1, v4;
	_ =	sdelay $0x1  }
0xee: {  	v3 =	vadd.s32 v1, v3;
	_ =	sdelay $0x2  }
0xef: {  	[tilespmem:s24], [sflag:$0x2] =	stream.indirect_vreg.gather [hbm4b:s2+s3], $0x80, v4, vm0, $0xb8;
	[tilespmem:$0xB480] =	vst v63  }
0xf0: {  	_ = 	snop  }
0xf1: {  	[tilespmem:s25], [sflag:$0x2] =	stream.indirect_vreg.gather [hbm4b:s2+s3], $0x80, v3, vm0, $0xb8;
	[tilespmem:$0xB480] =	vst v63  }
0xf2: {  	v3 =	vld [tilespmem:$0x3F8];
	_ =	sdelay $0x4  }
0xf3: {  	v61 =	vshll.u32 v3, $0x1  }
0xf4: {  	v3 =	vand.u32 $0x7, v3;
	v4 =	vand.u32 $0xFFFFFFF0, v61  }
0xf5: {  	v3 =	vor.u32 v3, v4  }
0xf6: {  	v4 =	vperm.xlane v3, v0;
	_ =	sdelay $0x1  }
0xf7: {  	v3 =	vperm.xlane v3, v2;
	v4 =	vadd.s32 v1, v4;
	_ =	sdelay $0x1  }
0xf8: {  	v3 =	vadd.s32 v1, v3;
	_ =	sdelay $0x2  }
0xf9: {  	[tilespmem:s26], [sflag:$0x2] =	stream.indirect_vreg.gather [hbm4b:s2+s3], $0x80, v4, vm0, $0xb8;
	[tilespmem:$0xB480] =	vst v63  }
0xfa: {  	_ = 	snop  }
0xfb: {  	[tilespmem:s28], [sflag:$0x2] =	stream.indirect_vreg.gather [hbm4b:s2+s3], $0x80, v3, vm0, $0xb8;
	[tilespmem:$0xB480] =	vst v63  }
0xfc: {  	v3 =	vld [tilespmem:$0x408];
	_ =	sdelay $0x4  }
0xfd: {  	v62 =	vshll.u32 v3, $0x1  }
0xfe: {  	v3 =	vand.u32 $0x7, v3;
	v4 =	vand.u32 $0xFFFFFFF0, v62  }
0xff: {  	v3 =	vor.u32 v3, v4  }
0x100: {  	v4 =	vperm.xlane v3, v0;
	_ =	sdelay $0x1  }
0x101: {  	v3 =	vperm.xlane v3, v2;
	v4 =	vadd.s32 v1, v4;
	_ =	sdelay $0x1  }
0x102: {  	v3 =	vadd.s32 v1, v3;
	_ =	sdelay $0x2  }
0x103: {  	[tilespmem:s29], [sflag:$0x2] =	stream.indirect_vreg.gather [hbm4b:s2+s3], $0x80, v4, vm0, $0xb8;
	[tilespmem:$0xB480] =	vst v63  }
0x104: {  	_ = 	snop  }
0x105: {  	[tilespmem:s30], [sflag:$0x2] =	stream.indirect_vreg.gather [hbm4b:s2+s3], $0x80, v3, vm0, $0xb8;
	[tilespmem:$0xB480] =	vst v63  }
0x106: {  	v3 =	vld.msk [tilespmem:$0x418], $0xff;
	_ =	sdelay $0x4  }
0x107: {  	v63 =	vshll.u32 v3, $0x1  }
0x108: {  	v3 =	vand.u32 $0x7, v3;
	v4 =	vand.u32 $0xFFFFFFF0, v63  }
0x109: {  	v3 =	vor.u32 v3, v4  }
0x10a: {  	v3 =	vperm.xlane v3, v0;
	_ =	sdelay $0x1  }
0x10b: {  	v3 =	vadd.s32 v1, v3;
	_ =	sdelay $0x4  }
0x10c: {  	[tilespmem:s31], [sflag:$0x2] =	stream.indirect_vreg.gather [hbm4b:s2+s3], $0x80, v3, vm0, $0xb8;
	[tilespmem:$0xB480] =	vst v63  }
0x10d: {  	_ =	swait.ge [sflag:s1], $0x5800  }
0x10e: {  	[sflag:s1] =	ssyncset.done $0x0  }
0x10f: {  	s5 =	rddreg [dreg:$0x5];
	[sflag:s1] =	ssyncadd.s32 $0xFFFFA800  }
0x110: {  	[hbm4b:s5+s3] =	stream.linear.scatter [tilespmem:s9], [sflag:$0x3], $0x5800, $0x38;
	[tilespmem:$0xB480] =	vst v63  }
0x111: {  	_ =	swait.ge [sflag:s8], $0x5800  }
0x112: {  	[sflag:s8] =	ssyncset.done $0x0  }
0x113: {  	[sflag:s8] =	ssyncadd.s32 $0xFFFFA800  }
0x114: {  	_ =	swait.ge [sflag:s0], $0x5800  }
0x115: {  	[sflag:s0] =	ssyncset.done $0x0  }
0x116: {  	s6 =	rddreg [dreg:$0x6];
	[sflag:s0] =	ssyncadd.s32 $0xFFFFA800  }
0x117: {  	[hbm4b:s6+s3] =	stream.linear.scatter [tilespmem:s20], [sflag:$0x3], $0x5800, $0x38;
	[tilespmem:$0xB480] =	vst v63  }
0x118: {  	_ =	swait.ge [sflag:s8], $0x5800  }
0x119: {  	s4 =	sadd.s32 $0x1, s4;
	s7 =	rddreg [dreg:$0x7]  }
0x11a: {  	p0 =	sne.s32 s4, s7  }
.Ltmp1:
0x11b: {  	_ = 	snop;
	(pc) =	sbr.rel @p0 .LBB2_1-.Ltmp1, $3  }
0x11c: {  	_ =	sdelay $0x1  }
0x11d: {  	[sflag:s8] =	ssyncset.done $0x0  }
0x11e: {  	[sflag:s8] =	ssyncadd.s32 $0xFFFFA800  }
0x11f: {  	_ =	sfence.sel $0x180000  }
0x120: {  	[bflag:$0x0] =	sbarrier.arrive $0xFFFF  }
0x121: {  	_ =	strace $0x9000004A  }
0x122: {  	s0 =	stileid.u32;
	[bflag:$0x2] =	sbarrier.arrive $0xFFFF  }
0x123: {  	p0 =	sne.s32 s0, $0x0;
	s0 =	rddreg [dreg:$0x2]  }
0x124: {  	s0 =	sadd.s32 @!p0 $0x100000, s0  }
0x125: {  	[sflag:s0] =	ssyncadd.tile.s32 @!p0 $0x1;
	_ =	shalt  }
.Lfunc_end2:
_tile_overlayer_lowered:
.L_overlay_start_2:
0x126: {  	(tag) =	ssettag $0x2  }
0x127: {  	s0 =	rddreg [dreg:$0x0];
	s2 =	stileid.u32  }
0x128: {  	s1 =	rddreg [dreg:$0x1];
	p0 =	sne.s32 s2, $0x0  }
0x129: {  	s3 =	rddreg [dreg:$0x2];
	[bflag:$0x3] =	sbarrier.arrive $0xFFFF;
	s2 =	simm.s32 @!p0 $0x1C03  }
0x12a: {  	[timem:s3], [sflag:s2] =	dma.local @!p0 [hbm:s0], s1  }
0x12b: {  	s0 =	simm.s32 @!p0 $0x3  }
0x12c: {  	_ =	swait.ge @!p0 [sflag:s0], s1  }
0x12d: {  	s1 =	ssub.s32 @!p0 $0x0, s1;
	[sflag:s0] =	ssyncset.done @!p0 $0x0  }
0x12e: {  	[sflag:s0] =	ssyncadd.s32 @!p0 s1  }
0x12f: {  	[bflag:$0x3] =	sbarrier.arrive $0xFFFF  }
0x130: {  	_ =	shalt  }

// kernel: kernel.30.cloned.1.call-start
scs
__scs_entry_jumppad:
0x0: {  	(pc) =	sbr.rel $0x88, $3  }
0x1: {  	(tag) =	ssettag $0x0;
	lr =	simm.s32 $0x1  }
0x2: {  	[smem:$0x3F94] =	sst lr;
	_ =	strace $0xD0000000  }
0x3: {  	_ = 	snop  }
0x4: {  	_ = 	snop  }
0x5: {  	_ = 	snop  }
0x6: {  	_ = 	snop  }
0x7: {  	_ = 	snop  }
__scs_overlays_trampoline_lowered:
0x8: {  	[smem:$0x3FA3] =	sst s0  }
0x9: {  	[smem:$0x3FA4] =	sst s1  }
0xa: {  	[smem:$0x3FA5] =	sst s2  }
0xb: {  	[smem:$0x3FA6] =	sst s3  }
0xc: {  	[smem:$0x3FA7] =	sst s4  }
0xd: {  	[smem:$0x3FA8] =	sst s5  }
0xe: {  	[smem:$0x3FA9] =	sst s6  }
0xf: {  	[smem:$0x3FAA] =	sst s7  }
0x10: {  	[smem:$0x3FAB] =	sst s8  }
0x11: {  	[smem:$0x3FAC] =	sst s9;
	s0 =	simm.s32 @!p0 $0x0  }
0x12: {  	s1 =	sld [smem:$0x3F92];
	s0 =	simm.s32 @p0 $0x1  }
0x13: {  	[smem:$0x3FAD] =	sst s0;
	s0 =	simm.s32 @!p1 $0x0  }
0x14: {  	s2 =	sld [smem:$0x3F91];
	s0 =	simm.s32 @p1 $0x1  }
0x15: {  	[smem:$0x3FAE] =	sst s0;
	s0 =	simm.s32 @!p2 $0x0  }
0x16: {  	s3 =	sld [smem:$0x3FDB];
	s0 =	simm.s32 @p2 $0x1  }
0x17: {  	s4 =	simm.s32 $0x1BF5;
	[smem:$0x3FB0] =	sst s0  }
0x18: {  	s0 =	sld [smem:$0x3F93];
	_ =	swait.ge [sflag:s4], $0x0  }
0x19: {  	s7 =	sld [smem:$0x3F94]  }
0x1a: {  	s8 =	sadd.s32 $0xFFFFE003, lr  }
0x1b: {  	s9 =	sadd.s32 $0xFFFFFEF7, lr;
	s5 =	simm.s32 $0xFFFFFFFF;
	p2 =	slt.u32 s8, $0xFFFFF086  }
0x1c: {  	p1 =	slt.u32 s9, $0xF7A;
	s5 =	simm.s32 @!p2 $0x0  }
0x1d: {  	s5 =	simm.s32 @p1 $0x1;
	p0 =	seq.s32 s7, s2  }
0x1e: {  	s7 =	smul.u32 @!p0 $0xF7A, s2;
	p2 =	seq.s32 @!p0 s5, $0x0  }
0x1f: {  	s9 =	smul.u32 $0xF7A, s1;
	s8 =	simm.s32 @!p0 $0x1BF5;
	p2 =	por !p2, p0  }
0x20: {  	[sflag:s8] =	ssyncset.s32 @!p0 $0xFFFFF086;
	s6 =	sadd.s32 @!p0 s3, s7;
	s7 =	simm.s32 @!p0 $0x108  }
0x21: {  	s3 =	sadd.s32 s3, s9;
	s6 =	sadd.s32 @!p0 $0x88, s6;
	s7 =	simm.s32 @p2 $0x1082  }
0x22: {  	[simem:s7], [sflag:s8] =	dma.local @!p0 [hbm:s6], $0xF7A  }
0x23: {  	s9 =	sor.u32 $0xD0000000, s2;
	s6 =	simm.s32 $0x108;
	_ =	swait.ge @!p0 [sflag:s8], $0x0  }
0x24: {  	s3 =	sadd.s32 $0x88, s3;
	s6 =	simm.s32 @!p1 $0x1082;
	[sflag:s4] =	ssyncset.s32 $0xFFFFF086  }
0x25: {  	[simem:s6], [sflag:s4] =	dma.local [hbm:s3], $0xF7A  }
0x26: {  	[smem:$0x3F94] =	sst s1;
	(tag) =	ssettag s2;
	_ =	strace s9  }
0x27: {  	s1 =	sld [smem:$0x3FA4]  }
0x28: {  	s2 =	sld [smem:$0x3FA5]  }
0x29: {  	s4 =	sld [smem:$0x3FA7]  }
0x2a: {  	p0 =	seq.s32 s5, $0x0;
	s5 =	sld [smem:$0x3FA8]  }
0x2b: {  	s6 =	sld [smem:$0x3FA9]  }
0x2c: {  	s7 =	sld [smem:$0x3FAA]  }
0x2d: {  	s3 =	simm.s32 $0x108;
	s8 =	sld [smem:$0x3FAB]  }
0x2e: {  	s3 =	simm.s32 @!p0 $0x1082;
	s9 =	sld [smem:$0x3FAC]  }
0x2f: {  	lr =	sadd.s32 s0, s3;
	s0 =	sld [smem:$0x3FA3]  }
0x30: {  	s3 =	sld [smem:$0x3FA6]  }
0x31: {  	[smem:$0x3FAF] =	sst s10  }
0x32: {  	s10 =	sld [smem:$0x3FAD];
	_ =	sdelay $0x3  }
0x33: {  	p0 =	seq.s32 s10, $0x1;
	s10 =	sld [smem:$0x3FAF];
	_ =	sdelay $0x3  }
0x34: {  	[smem:$0x3FAF] =	sst s10  }
0x35: {  	s10 =	sld [smem:$0x3FAE];
	_ =	sdelay $0x3  }
0x36: {  	p1 =	seq.s32 s10, $0x1;
	s10 =	sld [smem:$0x3FAF];
	_ =	sdelay $0x3  }
0x37: {  	[smem:$0x3FAF] =	sst s10  }
0x38: {  	s10 =	sld [smem:$0x3FB0]  }
0x39: {  	_ = 	snop;
	(pc) =	sbr.ind lr, $3  }
0x3a: {  	_ = 	snop  }
0x3b: {  	_ = 	snop  }
0x3c: {  	p2 =	seq.s32 s10, $0x1;
	s10 =	sld [smem:$0x3FAF]  }
0x3d: {  	_ =	shalt  }
0x3e: {  	_ =	shalt  }
0x3f: {  	_ =	shalt  }
0x40: {  	_ =	shalt  }
0x41: {  	_ =	shalt  }
0x42: {  	_ =	shalt  }
0x43: {  	_ =	shalt  }
0x44: {  	_ =	shalt  }
0x45: {  	_ =	shalt  }
0x46: {  	_ =	shalt  }
0x47: {  	_ =	shalt  }
0x48: {  	_ =	shalt  }
0x49: {  	_ =	shalt  }
0x4a: {  	_ =	shalt  }
0x4b: {  	_ =	shalt  }
0x4c: {  	_ =	shalt  }
0x4d: {  	_ =	shalt  }
0x4e: {  	_ =	shalt  }
0x4f: {  	_ =	shalt  }
0x50: {  	_ =	shalt  }
0x51: {  	_ =	shalt  }
0x52: {  	_ =	shalt  }
0x53: {  	_ =	shalt  }
0x54: {  	_ =	shalt  }
0x55: {  	_ =	shalt  }
0x56: {  	_ =	shalt  }
0x57: {  	_ =	shalt  }
0x58: {  	_ =	shalt  }
0x59: {  	_ =	shalt  }
0x5a: {  	_ =	shalt  }
0x5b: {  	_ =	shalt  }
0x5c: {  	_ =	shalt  }
0x5d: {  	_ =	shalt  }
0x5e: {  	_ =	shalt  }
0x5f: {  	_ =	shalt  }
0x60: {  	_ =	shalt  }
0x61: {  	_ =	shalt  }
0x62: {  	_ =	shalt  }
0x63: {  	_ =	shalt  }
0x64: {  	_ =	shalt  }
0x65: {  	_ =	shalt  }
0x66: {  	_ =	shalt  }
0x67: {  	_ =	shalt  }
0x68: {  	_ =	shalt  }
0x69: {  	_ =	shalt  }
0x6a: {  	_ =	shalt  }
0x6b: {  	_ =	shalt  }
0x6c: {  	_ =	shalt  }
0x6d: {  	_ =	shalt  }
0x6e: {  	_ =	shalt  }
0x6f: {  	_ =	shalt  }
0x70: {  	_ =	shalt  }
0x71: {  	_ =	shalt  }
0x72: {  	_ =	shalt  }
0x73: {  	_ =	shalt  }
0x74: {  	_ =	shalt  }
0x75: {  	_ =	shalt  }
0x76: {  	_ =	shalt  }
0x77: {  	_ =	shalt  }
0x78: {  	_ =	shalt  }
0x79: {  	_ =	shalt  }
0x7a: {  	_ =	shalt  }
0x7b: {  	_ =	shalt  }
0x7c: {  	_ =	shalt  }
0x7d: {  	_ =	shalt  }
0x7e: {  	_ =	shalt  }
0x7f: {  	_ =	shalt  }
0x80: {  	_ =	shalt  }
0x81: {  	_ =	shalt  }
0x82: {  	_ =	shalt  }
0x83: {  	_ =	shalt  }
0x84: {  	_ =	shalt  }
0x85: {  	_ =	shalt  }
0x86: {  	_ =	shalt  }
0x87: {  	_ =	shalt  }
.Lfunc_end0:
.L_simem_size_0:
called_computation.4_lowered:
.L_overlay_start_0:
0x88: {  	s2 =	sld [smem:$0x3FD9]  }
0x89: {  	s3 =	sld [smem:$0x3FFE];
	_ =	sdelay $0x1  }
0x8a: {  	s1 =	srdreg.scid  }
0x8b: {  	s0 =	sand.u32 $0x1, s1  }
0x8c: {  	s17 =	sshll.u32 s0, $0xA;
	s2 =	sadd.s32 s3, s2  }
0x8d: {  	s2 =	sadd.s32 s2, s17  }
0x8e: {  	[smem:$0x3FBB] =	sst s2  }
0x8f: {  	_ = 	snop  }
0x90: {  	s2 =	sld [smem:$0x3FC5];
	(tm) =	ssettm $0x1  }
0x91: {  	s18 =	sld [smem:$0x3FFB];
	_ =	sdelay $0x3  }
0x92: {  	_ =	strace s18  }
0x93: {  	s3 =	sld [smem:$0x3FFC];
	_ =	sdelay $0x3  }
0x94: {  	_ =	strace s3  }
0x95: {  	s3 =	sld [smem:$0x3FFD];
	_ =	sdelay $0x3  }
0x96: {  	_ =	strace s3  }
0x97: {  	_ =	strace $0x8FFFFFFF  }
0x98: {  	s19 =	sld [smem:$0x3FDB];
	_ =	sdelay $0x1  }
0x99: {  	s4 =	simm.s32 $_scs_section_size  }
0x9a: {  	s5 =	simm.s32 $_size__tile_overlayer_lowered;
	s6 =	simm.s32 $_tile_overlayer_lowered  }
0x9b: {  	s22 =	simm.s32 $0x1BFF;
	s21 =	sshll.u32 s6, $0x1;
	s3 =	sadd.s32 s4, s19  }
0x9c: {  	s7 =	simm.s32 $0x0;
	s20 =	sshll.u32 s5, $0x1;
	s5 =	sadd.s32 s21, s3  }
0x9d: {  	[timem:s7], [sflag:s22] =	dma.local [hbm:s5], s20  }
0x9e: {  	_ =	swait.ge [sflag:s22], s20  }
0x9f: {  	s4 =	ssub.s32 $0x0, s20;
	[sflag:s22] =	ssyncset.done $0x0  }
0xa0: {  	[sflag:s22] =	ssyncadd.s32 s4;
	_ =	sdelay $0x1  }
0xa1: {  	s23 =	simm.s32 $0x1B8B  }
0xa2: {  	_ =	swait.ge [sflag:s23], $0x1  }
0xa3: {  	[sflag:s23] =	ssyncset.done $0x0  }
0xa4: {  	s25 =	simm.s32 $0x1B8E;
	s24 =	sld [smem:$0x3FFE];
	[sflag:s23] =	ssyncadd.s32 $0xFFFFFFFF  }
0xa5: {  	s26 =	simm.s32 $execute0_lowered;
	[smem:$0x3FD2] =	sst s25  }
0xa6: {  	s5 =	sshll.u32 s26, $0x1;
	_ =	strace $0x80000046;
	[dreg:$0x1] =	wrdreg $0xFFFFFFFF  }
0xa7: {  	s28 =	simm.s32 $_size_execute0_lowered;
	s3 =	sadd.s32 s3, s5;
	[dreg:$0x0] =	wrdreg $0x0  }
0xa8: {  	s5 =	sshll.u32 s28, $0x1;
	[dreg:$0x2] =	wrdreg s3  }
0xa9: {  	[dreg:$0x3] =	wrdreg s5  }
0xaa: {  	[dreg:$0x4] =	wrdreg $0xC0  }
0xab: {  	_ =	task [dreg:s7], $0x5FFFF  }
0xac: {  	[dreg:$0x1] =	wrdreg $0xFFFFFFFF  }
0xad: {  	[dreg:$0x0] =	wrdreg $0x60  }
0xae: {  	[dreg:$0x2] =	wrdreg s2  }
0xaf: {  	[dreg:$0x3] =	wrdreg s24  }
0xb0: {  	[dreg:$0x4] =	wrdreg $0xD  }
0xb1: {  	_ =	task.clear_ibuf [dreg:s7], $0x5FFFF;
	_ =	strace $0x90000046  }
0xb2: {  	s29 =	simm.s32 $0xD;
	_ =	strace $0x80000048  }
0xb3: {  	_ =	swait.ge [sflag:s29], $0x1  }
0xb4: {  	[sflag:s29] =	ssyncadd.s32 $0xFFFFFFFF  }
0xb5: {  	_ =	strace $0x90000048  }
0xb6: {  	_ =	sfence  }
0xb7: {  	s30 =	sld [smem:$0x0];
	_ =	sdelay $0x2  }
0xb8: {  	s31 =	sshll.u32 s1, $0xD;
	s1 =	sshrl.u32 s1, $0x2  }
0xb9: {  	s3 =	sand.u32 $0x4000, s31;
	s1 =	sadd.s32 s1, s30  }
0xba: {  	s0 =	sor.u32 s3, s0;
	s1 =	sshll.u32 s1, $0x11  }
0xbb: {  	s0 =	sor.u32 s1, s0  }
0xbc: {  	s0 =	sadd.s32 $0x8F2B, s0  }
0xbd: {  	[sflag:s0] =	ssyncadd.remote.s32 $0x1  }
0xbe: {  	_ =	sfence.sel $0xFFFF  }
0xbf: {  	[dreg:$0x0] =	wrdreg $0xFFFFFFFF;
	(pc) =	sbr.abs _section_cstart, $3  }
0xc0: {  	[dreg:$0x1] =	wrdreg $0xFFFFFFFF  }
0xc1: {  	_ =	task.clear_ibuf [dreg:s7], $0x2FFFF;
	_ =	strace $0x9FFFFFFF  }
0xc2: {  	(tm) =	ssettm $0x7FFFFFFF  }
0xc3: {  	_ =	shalt  }
tec
execute0_lowered:
.L_overlay_start_1:
0x0: {  	(tag) =	ssettag $0x1  }
0x1: {  	s0 =	srdreg.scid;
	s2 =	rddreg [dreg:$0x0]  }
0x2: {  	s8 =	stileid.u32;
	s4 =	rddreg [dreg:$0x1];
	s3 =	simm.s32 $0x0  }
0x3: {  	s9 =	simm.s32 $0x480;
	s10 =	simm.s32 $0xC80;
	s11 =	simm.s32 $0x1480  }
0x4: {  	s12 =	simm.s32 $0x1C80;
	s13 =	simm.s32 $0x2480;
	s14 =	simm.s32 $0x2C80  }
0x5: {  	s15 =	simm.s32 $0x3480;
	s16 =	simm.s32 $0x3C80;
	s17 =	simm.s32 $0x4480  }
0x6: {  	s18 =	simm.s32 $0x4C80;
	s19 =	simm.s32 $0x5480;
	s20 =	simm.s32 $0x5C80  }
0x7: {  	s21 =	simm.s32 $0x6480;
	s22 =	simm.s32 $0x6C80;
	s23 =	simm.s32 $0x7480  }
0x8: {  	s24 =	simm.s32 $0x7C80;
	s0 =	sand.u32 $0x1, s0;
	s1 =	sshll.u32 s8, $0x1  }
0x9: {  	s28 =	simm.s32 $0x9480;
	s29 =	simm.s32 $0x9C80;
	s1 =	sor.u32 s0, s1  }
0xa: {  	s30 =	simm.s32 $0xA480;
	s31 =	simm.s32 $0xAC80;
	s5 =	smul.u32 $0x420, s1  }
0xb: {  	[smem:$0x7FF] =	sst s3;
	s6 =	ssub.s32 $0x2, s0;
	s1 =	smul.u32 $0x42000, s1  }
0xc: {  	s8 =	smul.u32 $0x10800, s8;
	_ =	strace $0x80000047;
	s7 =	sshrl.u32 s6, $0x1  }
0xd: {  	s6 =	ssub.s32 s6, s7;
	s5 =	sshrl.u32 s5, $0x3;
	s1 =	sshrl.u32 s1, $0x3  }
0xe: {  	s26 =	smax.u32 s6, $0x1;
	s5 =	sadd.s32 s5, s4;
	s4 =	sadd.s32 $0xCA00, s4  }
0xf: {  	[dreg:$0x7] =	wrdreg s26;
	s1 =	sadd.s32 s4, s1;
	s5 =	sadd.s32 $0xA600, s5  }
0x10: {  	s0 =	smul.u32 $0x8400, s0;
	[dreg:$0x4] =	wrdreg s5;
	s25 =	sadd.s32 $0x6E00, s1  }
0x11: {  	s4 =	sadd.s32 s8, s4;
	s1 =	sadd.s32 $0x7900, s1;
	[dreg:$0x5] =	wrdreg s25  }
0x12: {  	v2 =	vlaneseq.u32;
	s26 =	simm.s32 $0x8C80;
	s0 =	sadd.s32 s0, s4;
	[dreg:$0x6] =	wrdreg s1  }
0x13: {  	vm0 =	vmmov $0xffff;
	v1 =	vshrl.u32 v2, $0x3;
	s8 =	simm.s32 $0x3;
	s4 =	simm.s32 $0x0;
	[dreg:$0x3] =	wrdreg s0  }
0x14: {  	v0 =	vand.u32 $0x7, v2;
	v2 =	vor.u32 $0x8, v2;
	v1 =	vmul.u32 $0x8, v1;
	s25 =	simm.s32 $0x8480;
	s1 =	simm.s32 $0x1;
	s0 =	simm.s32 $0x2  }
.LBB2_1:
0x15: {  	s5 =	rddreg [dreg:$0x4]  }
0x16: {  	[tilespmem:s3], [sflag:$0x3] =	stream.linear.gather [hbm4b:s5+s3], $0x420, $0x38;
	[tilespmem:$0xB480] =	vst v63  }
0x17: {  	_ =	swait.ge [sflag:s8], $0x420  }
0x18: {  	[sflag:s8] =	ssyncset.done $0x0  }
0x19: {  	[sflag:s8] =	ssyncadd.s32 $0xFFFFFBE0  }
0x1a: {  	v3 =	vld [tilespmem:$0x0];
	_ =	sdelay $0x4  }
0x1b: {  	v4 =	vshll.u32 v3, $0x1  }
0x1c: {  	v3 =	vand.u32 $0x7, v3;
	v4 =	vand.u32 $0xFFFFFFF0, v4  }
0x1d: {  	v3 =	vor.u32 v3, v4  }
0x1e: {  	v4 =	vperm.xlane v3, v0;
	_ =	sdelay $0x1  }
0x1f: {  	v3 =	vperm.xlane v3, v2;
	v4 =	vadd.s32 v1, v4;
	_ =	sdelay $0x1  }
0x20: {  	v3 =	vadd.s32 v1, v3;
	_ =	sdelay $0x2  }
0x21: {  	[tilespmem:s9], [sflag:$0x1] =	stream.indirect_vreg.gather [hbm4b:s2+s3], $0x80, v4, vm0, $0xb8;
	[tilespmem:$0xB480] =	vst v63  }
0x22: {  	_ = 	snop  }
0x23: {  	[tilespmem:s10], [sflag:$0x1] =	stream.indirect_vreg.gather [hbm4b:s2+s3], $0x80, v3, vm0, $0xb8;
	[tilespmem:$0xB480] =	vst v63  }
0x24: {  	v3 =	vld [tilespmem:$0x10];
	_ =	sdelay $0x4  }
0x25: {  	v59 =	vshll.u32 v3, $0x1  }
0x26: {  	v3 =	vand.u32 $0x7, v3;
	v4 =	vand.u32 $0xFFFFFFF0, v59  }
0x27: {  	v3 =	vor.u32 v3, v4  }
0x28: {  	v4 =	vperm.xlane v3, v0;
	_ =	sdelay $0x1  }
0x29: {  	v3 =	vperm.xlane v3, v2;
	v4 =	vadd.s32 v1, v4;
	_ =	sdelay $0x1  }
0x2a: {  	v3 =	vadd.s32 v1, v3;
	_ =	sdelay $0x2  }
0x2b: {  	[tilespmem:s11], [sflag:$0x1] =	stream.indirect_vreg.gather [hbm4b:s2+s3], $0x80, v4, vm0, $0xb8;
	[tilespmem:$0xB480] =	vst v63  }
0x2c: {  	_ = 	snop  }
0x2d: {  	[tilespmem:s12], [sflag:$0x1] =	stream.indirect_vreg.gather [hbm4b:s2+s3], $0x80, v3, vm0, $0xb8;
	[tilespmem:$0xB480] =	vst v63  }
0x2e: {  	v3 =	vld [tilespmem:$0x20];
	_ =	sdelay $0x4  }
0x2f: {  	v60 =	vshll.u32 v3, $0x1  }
0x30: {  	v3 =	vand.u32 $0x7, v3;
	v4 =	vand.u32 $0xFFFFFFF0, v60  }
0x31: {  	v3 =	vor.u32 v3, v4  }
0x32: {  	v4 =	vperm.xlane v3, v0;
	_ =	sdelay $0x1  }
0x33: {  	v3 =	vperm.xlane v3, v2;
	v4 =	vadd.s32 v1, v4;
	_ =	sdelay $0x1  }
0x34: {  	v3 =	vadd.s32 v1, v3;
	_ =	sdelay $0x2  }
0x35: {  	[tilespmem:s13], [sflag:$0x1] =	stream.indirect_vreg.gather [hbm4b:s2+s3], $0x80, v4, vm0, $0xb8;
	[tilespmem:$0xB480] =	vst v63  }
0x36: {  	_ = 	snop  }
0x37: {  	[tilespmem:s14], [sflag:$0x1] =	stream.indirect_vreg.gather [hbm4b:s2+s3], $0x80, v3, vm0, $0xb8;
	[tilespmem:$0xB480] =	vst v63  }
0x38: {  	v3 =	vld [tilespmem:$0x30];
	_ =	sdelay $0x4  }
0x39: {  	v61 =	vshll.u32 v3, $0x1  }
0x3a: {  	v3 =	vand.u32 $0x7, v3;
	v4 =	vand.u32 $0xFFFFFFF0, v61  }
0x3b: {  	v3 =	vor.u32 v3, v4  }
0x3c: {  	v4 =	vperm.xlane v3, v0;
	_ =	sdelay $0x1  }
0x3d: {  	v3 =	vperm.xlane v3, v2;
	v4 =	vadd.s32 v1, v4;
	_ =	sdelay $0x1  }
0x3e: {  	v3 =	vadd.s32 v1, v3;
	_ =	sdelay $0x2  }
0x3f: {  	[tilespmem:s15], [sflag:$0x1] =	stream.indirect_vreg.gather [hbm4b:s2+s3], $0x80, v4, vm0, $0xb8;
	[tilespmem:$0xB480] =	vst v63  }
0x40: {  	_ = 	snop  }
0x41: {  	[tilespmem:s16], [sflag:$0x1] =	stream.indirect_vreg.gather [hbm4b:s2+s3], $0x80, v3, vm0, $0xb8;
	[tilespmem:$0xB480] =	vst v63  }
0x42: {  	v3 =	vld [tilespmem:$0x40];
	_ =	sdelay $0x4  }
0x43: {  	v62 =	vshll.u32 v3, $0x1  }
0x44: {  	v3 =	vand.u32 $0x7, v3;
	v4 =	vand.u32 $0xFFFFFFF0, v62  }
0x45: {  	v3 =	vor.u32 v3, v4  }
0x46: {  	v4 =	vperm.xlane v3, v0;
	_ =	sdelay $0x1  }
0x47: {  	v3 =	vperm.xlane v3, v2;
	v4 =	vadd.s32 v1, v4;
	_ =	sdelay $0x1  }
0x48: {  	v3 =	vadd.s32 v1, v3;
	_ =	sdelay $0x2  }
0x49: {  	[tilespmem:s17], [sflag:$0x1] =	stream.indirect_vreg.gather [hbm4b:s2+s3], $0x80, v4, vm0, $0xb8;
	[tilespmem:$0xB480] =	vst v63  }
0x4a: {  	_ = 	snop  }
0x4b: {  	[tilespmem:s18], [sflag:$0x1] =	stream.indirect_vreg.gather [hbm4b:s2+s3], $0x80, v3, vm0, $0xb8;
	[tilespmem:$0xB480] =	vst v63  }
0x4c: {  	v3 =	vld.msk [tilespmem:$0x50], $0xff;
	_ =	sdelay $0x4  }
0x4d: {  	v63 =	vshll.u32 v3, $0x1  }
0x4e: {  	v3 =	vand.u32 $0x7, v3;
	v4 =	vand.u32 $0xFFFFFFF0, v63  }
0x4f: {  	v3 =	vor.u32 v3, v4  }
0x50: {  	v3 =	vperm.xlane v3, v0;
	_ =	sdelay $0x1  }
0x51: {  	v3 =	vadd.s32 v1, v3;
	_ =	sdelay $0x3  }
0x52: {  	s6 =	simm.s32 $0x0;
	s5 =	simm.s32 $0x88  }
0x53: {  	[tilespmem:s19], [sflag:$0x1] =	stream.indirect_vreg.gather [hbm4b:s2+s3], $0x80, v3, vm0, $0xb8;
	[tilespmem:$0xB480] =	vst v63  }
.LBB2_2:
0x54: {  	v3 =	vld [tilespmem:s5+$0xFFFFFFD0];
	_ =	sdelay $0x4  }
0x55: {  	v4 =	vshll.u32 v3, $0x1  }
0x56: {  	v3 =	vand.u32 $0x7, v3;
	v4 =	vand.u32 $0xFFFFFFF0, v4  }
0x57: {  	v3 =	vor.u32 v3, v4  }
0x58: {  	v4 =	vperm.xlane v3, v0;
	_ =	sdelay $0x1  }
0x59: {  	v3 =	vperm.xlane v3, v2;
	v4 =	vadd.s32 v1, v4;
	_ =	sdelay $0x1  }
0x5a: {  	v3 =	vadd.s32 v1, v3;
	_ =	sdelay $0x2  }
0x5b: {  	[tilespmem:s20], [sflag:$0x2] =	stream.indirect_vreg.gather [hbm4b:s2+s3], $0x80, v4, vm0, $0xb8;
	[tilespmem:$0xB480] =	vst v63  }
0x5c: {  	_ = 	snop  }
0x5d: {  	[tilespmem:s21], [sflag:$0x2] =	stream.indirect_vreg.gather [hbm4b:s2+s3], $0x80, v3, vm0, $0xb8;
	[tilespmem:$0xB480] =	vst v63  }
0x5e: {  	v3 =	vld [tilespmem:s5+$0xFFFFFFE0];
	_ =	sdelay $0x4  }
0x5f: {  	v53 =	vshll.u32 v3, $0x1  }
0x60: {  	v3 =	vand.u32 $0x7, v3;
	v4 =	vand.u32 $0xFFFFFFF0, v53  }
0x61: {  	v3 =	vor.u32 v3, v4  }
0x62: {  	v4 =	vperm.xlane v3, v0;
	_ =	sdelay $0x1  }
0x63: {  	v3 =	vperm.xlane v3, v2;
	v4 =	vadd.s32 v1, v4;
	_ =	sdelay $0x1  }
0x64: {  	v3 =	vadd.s32 v1, v3;
	_ =	sdelay $0x2  }
0x65: {  	[tilespmem:s22], [sflag:$0x2] =	stream.indirect_vreg.gather [hbm4b:s2+s3], $0x80, v4, vm0, $0xb8;
	[tilespmem:$0xB480] =	vst v63  }
0x66: {  	_ = 	snop  }
0x67: {  	[tilespmem:s23], [sflag:$0x2] =	stream.indirect_vreg.gather [hbm4b:s2+s3], $0x80, v3, vm0, $0xb8;
	[tilespmem:$0xB480] =	vst v63  }
0x68: {  	v3 =	vld [tilespmem:s5+$0xFFFFFFF0];
	_ =	sdelay $0x4  }
0x69: {  	v54 =	vshll.u32 v3, $0x1  }
0x6a: {  	v3 =	vand.u32 $0x7, v3;
	v4 =	vand.u32 $0xFFFFFFF0, v54  }
0x6b: {  	v3 =	vor.u32 v3, v4  }
0x6c: {  	v4 =	vperm.xlane v3, v0;
	_ =	sdelay $0x1  }
0x6d: {  	v3 =	vperm.xlane v3, v2;
	v4 =	vadd.s32 v1, v4;
	_ =	sdelay $0x1  }
0x6e: {  	v3 =	vadd.s32 v1, v3;
	_ =	sdelay $0x2  }
0x6f: {  	[tilespmem:s24], [sflag:$0x2] =	stream.indirect_vreg.gather [hbm4b:s2+s3], $0x80, v4, vm0, $0xb8;
	[tilespmem:$0xB480] =	vst v63  }
0x70: {  	_ = 	snop  }
0x71: {  	[tilespmem:s25], [sflag:$0x2] =	stream.indirect_vreg.gather [hbm4b:s2+s3], $0x80, v3, vm0, $0xb8;
	[tilespmem:$0xB480] =	vst v63  }
0x72: {  	v3 =	vld [tilespmem:s5+$0x0];
	_ =	sdelay $0x4  }
0x73: {  	v55 =	vshll.u32 v3, $0x1  }
0x74: {  	v3 =	vand.u32 $0x7, v3;
	v4 =	vand.u32 $0xFFFFFFF0, v55  }
0x75: {  	v3 =	vor.u32 v3, v4  }
0x76: {  	v4 =	vperm.xlane v3, v0;
	_ =	sdelay $0x1  }
0x77: {  	v3 =	vperm.xlane v3, v2;
	v4 =	vadd.s32 v1, v4;
	_ =	sdelay $0x1  }
0x78: {  	v3 =	vadd.s32 v1, v3;
	_ =	sdelay $0x2  }
0x79: {  	[tilespmem:s26], [sflag:$0x2] =	stream.indirect_vreg.gather [hbm4b:s2+s3], $0x80, v4, vm0, $0xb8;
	[tilespmem:$0xB480] =	vst v63  }
0x7a: {  	_ = 	snop  }
0x7b: {  	[tilespmem:s28], [sflag:$0x2] =	stream.indirect_vreg.gather [hbm4b:s2+s3], $0x80, v3, vm0, $0xb8;
	[tilespmem:$0xB480] =	vst v63  }
0x7c: {  	v3 =	vld [tilespmem:s5+$0x10];
	_ =	sdelay $0x4  }
0x7d: {  	v56 =	vshll.u32 v3, $0x1  }
0x7e: {  	v3 =	vand.u32 $0x7, v3;
	v4 =	vand.u32 $0xFFFFFFF0, v56  }
0x7f: {  	v3 =	vor.u32 v3, v4  }
0x80: {  	v4 =	vperm.xlane v3, v0;
	_ =	sdelay $0x1  }
0x81: {  	v3 =	vperm.xlane v3, v2;
	v4 =	vadd.s32 v1, v4;
	_ =	sdelay $0x1  }
0x82: {  	v3 =	vadd.s32 v1, v3;
	_ =	sdelay $0x2  }
0x83: {  	[tilespmem:s29], [sflag:$0x2] =	stream.indirect_vreg.gather [hbm4b:s2+s3], $0x80, v4, vm0, $0xb8;
	[tilespmem:$0xB480] =	vst v63  }
0x84: {  	_ = 	snop  }
0x85: {  	[tilespmem:s30], [sflag:$0x2] =	stream.indirect_vreg.gather [hbm4b:s2+s3], $0x80, v3, vm0, $0xb8;
	[tilespmem:$0xB480] =	vst v63  }
0x86: {  	v3 =	vld.msk [tilespmem:s5+$0x20], $0xff;
	_ =	sdelay $0x4  }
0x87: {  	v57 =	vshll.u32 v3, $0x1  }
0x88: {  	v3 =	vand.u32 $0x7, v3;
	v4 =	vand.u32 $0xFFFFFFF0, v57  }
0x89: {  	v3 =	vor.u32 v3, v4  }
0x8a: {  	v3 =	vperm.xlane v3, v0;
	_ =	sdelay $0x1  }
0x8b: {  	v3 =	vadd.s32 v1, v3;
	_ =	sdelay $0x4  }
0x8c: {  	[tilespmem:s31], [sflag:$0x2] =	stream.indirect_vreg.gather [hbm4b:s2+s3], $0x80, v3, vm0, $0xb8;
	[tilespmem:$0xB480] =	vst v63  }
0x8d: {  	_ =	swait.ge [sflag:s1], $0x5800  }
0x8e: {  	s7 =	rddreg [dreg:$0x3];
	[sflag:s1] =	ssyncset.done $0x0  }
0x8f: {  	[sflag:s1] =	ssyncadd.s32 $0xFFFFA800;
	s7 =	sadd.s32 s6, s7  }
0x90: {  	[hbm4b:s7+s3] =	stream.linear.scatter [tilespmem:s9], [sflag:$0x3], $0x5800, $0x38;
	[tilespmem:$0xB480] =	vst v63  }
0x91: {  	_ =	swait.ge [sflag:s8], $0x5800  }
0x92: {  	[sflag:s8] =	ssyncset.done $0x0  }
0x93: {  	[sflag:s8] =	ssyncadd.s32 $0xFFFFA800  }
0x94: {  	v3 =	vld [tilespmem:s5+$0x28];
	_ =	sdelay $0x4  }
0x95: {  	v58 =	vshll.u32 v3, $0x1  }
0x96: {  	v3 =	vand.u32 $0x7, v3;
	v4 =	vand.u32 $0xFFFFFFF0, v58  }
0x97: {  	v3 =	vor.u32 v3, v4  }
0x98: {  	v4 =	vperm.xlane v3, v0;
	_ =	sdelay $0x1  }
0x99: {  	v3 =	vperm.xlane v3, v2;
	v4 =	vadd.s32 v1, v4;
	_ =	sdelay $0x1  }
0x9a: {  	v3 =	vadd.s32 v1, v3;
	_ =	sdelay $0x2  }
0x9b: {  	[tilespmem:s9], [sflag:$0x1] =	stream.indirect_vreg.gather [hbm4b:s2+s3], $0x80, v4, vm0, $0xb8;
	[tilespmem:$0xB480] =	vst v63  }
0x9c: {  	_ = 	snop  }
0x9d: {  	[tilespmem:s10], [sflag:$0x1] =	stream.indirect_vreg.gather [hbm4b:s2+s3], $0x80, v3, vm0, $0xb8;
	[tilespmem:$0xB480] =	vst v63  }
0x9e: {  	v3 =	vld [tilespmem:s5+$0x38];
	_ =	sdelay $0x4  }
0x9f: {  	v59 =	vshll.u32 v3, $0x1  }
0xa0: {  	v3 =	vand.u32 $0x7, v3;
	v4 =	vand.u32 $0xFFFFFFF0, v59  }
0xa1: {  	v3 =	vor.u32 v3, v4  }
0xa2: {  	v4 =	vperm.xlane v3, v0;
	_ =	sdelay $0x1  }
0xa3: {  	v3 =	vperm.xlane v3, v2;
	v4 =	vadd.s32 v1, v4;
	_ =	sdelay $0x1  }
0xa4: {  	v3 =	vadd.s32 v1, v3;
	_ =	sdelay $0x2  }
0xa5: {  	[tilespmem:s11], [sflag:$0x1] =	stream.indirect_vreg.gather [hbm4b:s2+s3], $0x80, v4, vm0, $0xb8;
	[tilespmem:$0xB480] =	vst v63  }
0xa6: {  	_ = 	snop  }
0xa7: {  	[tilespmem:s12], [sflag:$0x1] =	stream.indirect_vreg.gather [hbm4b:s2+s3], $0x80, v3, vm0, $0xb8;
	[tilespmem:$0xB480] =	vst v63  }
0xa8: {  	v3 =	vld [tilespmem:s5+$0x48];
	_ =	sdelay $0x4  }
0xa9: {  	v60 =	vshll.u32 v3, $0x1  }
0xaa: {  	v3 =	vand.u32 $0x7, v3;
	v4 =	vand.u32 $0xFFFFFFF0, v60  }
0xab: {  	v3 =	vor.u32 v3, v4  }
0xac: {  	v4 =	vperm.xlane v3, v0;
	_ =	sdelay $0x1  }
0xad: {  	v3 =	vperm.xlane v3, v2;
	v4 =	vadd.s32 v1, v4;
	_ =	sdelay $0x1  }
0xae: {  	v3 =	vadd.s32 v1, v3;
	_ =	sdelay $0x2  }
0xaf: {  	[tilespmem:s13], [sflag:$0x1] =	stream.indirect_vreg.gather [hbm4b:s2+s3], $0x80, v4, vm0, $0xb8;
	[tilespmem:$0xB480] =	vst v63  }
0xb0: {  	_ = 	snop  }
0xb1: {  	[tilespmem:s14], [sflag:$0x1] =	stream.indirect_vreg.gather [hbm4b:s2+s3], $0x80, v3, vm0, $0xb8;
	[tilespmem:$0xB480] =	vst v63  }
0xb2: {  	v3 =	vld [tilespmem:s5+$0x58];
	_ =	sdelay $0x4  }
0xb3: {  	v61 =	vshll.u32 v3, $0x1  }
0xb4: {  	v3 =	vand.u32 $0x7, v3;
	v4 =	vand.u32 $0xFFFFFFF0, v61  }
0xb5: {  	v3 =	vor.u32 v3, v4  }
0xb6: {  	v4 =	vperm.xlane v3, v0;
	_ =	sdelay $0x1  }
0xb7: {  	v3 =	vperm.xlane v3, v2;
	v4 =	vadd.s32 v1, v4;
	_ =	sdelay $0x1  }
0xb8: {  	v3 =	vadd.s32 v1, v3;
	_ =	sdelay $0x2  }
0xb9: {  	[tilespmem:s15], [sflag:$0x1] =	stream.indirect_vreg.gather [hbm4b:s2+s3], $0x80, v4, vm0, $0xb8;
	[tilespmem:$0xB480] =	vst v63  }
0xba: {  	_ = 	snop  }
0xbb: {  	[tilespmem:s16], [sflag:$0x1] =	stream.indirect_vreg.gather [hbm4b:s2+s3], $0x80, v3, vm0, $0xb8;
	[tilespmem:$0xB480] =	vst v63  }
0xbc: {  	v3 =	vld [tilespmem:s5+$0x68];
	_ =	sdelay $0x4  }
0xbd: {  	v62 =	vshll.u32 v3, $0x1  }
0xbe: {  	v3 =	vand.u32 $0x7, v3;
	v4 =	vand.u32 $0xFFFFFFF0, v62  }
0xbf: {  	v3 =	vor.u32 v3, v4  }
0xc0: {  	v4 =	vperm.xlane v3, v0;
	_ =	sdelay $0x1  }
0xc1: {  	v3 =	vperm.xlane v3, v2;
	v4 =	vadd.s32 v1, v4;
	_ =	sdelay $0x1  }
0xc2: {  	v3 =	vadd.s32 v1, v3;
	_ =	sdelay $0x2  }
0xc3: {  	[tilespmem:s17], [sflag:$0x1] =	stream.indirect_vreg.gather [hbm4b:s2+s3], $0x80, v4, vm0, $0xb8;
	[tilespmem:$0xB480] =	vst v63  }
0xc4: {  	_ = 	snop  }
0xc5: {  	[tilespmem:s18], [sflag:$0x1] =	stream.indirect_vreg.gather [hbm4b:s2+s3], $0x80, v3, vm0, $0xb8;
	[tilespmem:$0xB480] =	vst v63  }
0xc6: {  	v3 =	vld.msk [tilespmem:s5+$0x78], $0xff;
	_ =	sdelay $0x4  }
0xc7: {  	v63 =	vshll.u32 v3, $0x1  }
0xc8: {  	v3 =	vand.u32 $0x7, v3;
	v4 =	vand.u32 $0xFFFFFFF0, v63  }
0xc9: {  	v3 =	vor.u32 v3, v4  }
0xca: {  	v3 =	vperm.xlane v3, v0;
	_ =	sdelay $0x1  }
0xcb: {  	v3 =	vadd.s32 v1, v3;
	_ =	sdelay $0x4  }
0xcc: {  	[tilespmem:s19], [sflag:$0x1] =	stream.indirect_vreg.gather [hbm4b:s2+s3], $0x80, v3, vm0, $0xb8;
	[tilespmem:$0xB480] =	vst v63  }
0xcd: {  	_ =	swait.ge [sflag:s0], $0x5800  }
0xce: {  	p0 =	sne.s32 s6, $0x5800;
	[sflag:s0] =	ssyncset.done $0x0  }
.Ltmp0:
0xcf: {  	s7 =	sadd.s32 $0xB00, s7;
	[sflag:s0] =	ssyncadd.s32 $0xFFFFA800;
	(pc) =	sbr.rel @p0 .LBB2_2-.Ltmp0, $4  }
0xd0: {  	[hbm4b:s7+s3] =	stream.linear.scatter [tilespmem:s20], [sflag:$0x3], $0x5800, $0x38;
	[tilespmem:$0xB480] =	vst v63  }
0xd1: {  	_ =	swait.ge [sflag:s8], $0x5800  }
0xd2: {  	[sflag:s8] =	ssyncset.done $0x0  }
0xd3: {  	s6 =	sadd.s32 $0x1600, s6;
	s5 =	sadd.s32 $0xB0, s5;
	[sflag:s8] =	ssyncadd.s32 $0xFFFFA800  }
0xd4: {  	v3 =	vld [tilespmem:$0x3C8];
	_ =	sdelay $0x4  }
0xd5: {  	v4 =	vshll.u32 v3, $0x1  }
0xd6: {  	v3 =	vand.u32 $0x7, v3;
	v4 =	vand.u32 $0xFFFFFFF0, v4  }
0xd7: {  	v3 =	vor.u32 v3, v4  }
0xd8: {  	v4 =	vperm.xlane v3, v0;
	_ =	sdelay $0x1  }
0xd9: {  	v3 =	vperm.xlane v3, v2;
	v4 =	vadd.s32 v1, v4;
	_ =	sdelay $0x1  }
0xda: {  	v3 =	vadd.s32 v1, v3;
	_ =	sdelay $0x2  }
0xdb: {  	[tilespmem:s20], [sflag:$0x2] =	stream.indirect_vreg.gather [hbm4b:s2+s3], $0x80, v4, vm0, $0xb8;
	[tilespmem:$0xB480] =	vst v63  }
0xdc: {  	_ = 	snop  }
0xdd: {  	[tilespmem:s21], [sflag:$0x2] =	stream.indirect_vreg.gather [hbm4b:s2+s3], $0x80, v3, vm0, $0xb8;
	[tilespmem:$0xB480] =	vst v63  }
0xde: {  	v3 =	vld [tilespmem:$0x3D8];
	_ =	sdelay $0x4  }
0xdf: {  	v59 =	vshll.u32 v3, $0x1  }
0xe0: {  	v3 =	vand.u32 $0x7, v3;
	v4 =	vand.u32 $0xFFFFFFF0, v59  }
0xe1: {  	v3 =	vor.u32 v3, v4  }
0xe2: {  	v4 =	vperm.xlane v3, v0;
	_ =	sdelay $0x1  }
0xe3: {  	v3 =	vperm.xlane v3, v2;
	v4 =	vadd.s32 v1, v4;
	_ =	sdelay $0x1  }
0xe4: {  	v3 =	vadd.s32 v1, v3;
	_ =	sdelay $0x2  }
0xe5: {  	[tilespmem:s22], [sflag:$0x2] =	stream.indirect_vreg.gather [hbm4b:s2+s3], $0x80, v4, vm0, $0xb8;
	[tilespmem:$0xB480] =	vst v63  }
0xe6: {  	_ = 	snop  }
0xe7: {  	[tilespmem:s23], [sflag:$0x2] =	stream.indirect_vreg.gather [hbm4b:s2+s3], $0x80, v3, vm0, $0xb8;
	[tilespmem:$0xB480] =	vst v63  }
0xe8: {  	v3 =	vld [tilespmem:$0x3E8];
	_ =	sdelay $0x4  }
0xe9: {  	v60 =	vshll.u32 v3, $0x1  }
0xea: {  	v3 =	vand.u32 $0x7, v3;
	v4 =	vand.u32 $0xFFFFFFF0, v60  }
0xeb: {  	v3 =	vor.u32 v3, v4  }
0xec: {  	v4 =	vperm.xlane v3, v0;
	_ =	sdelay $0x1  }
0xed: {  	v3 =	vperm.xlane v3, v2;
	v4 =	vadd.s32 v1, v4;
	_ =	sdelay $0x1  }
0xee: {  	v3 =	vadd.s32 v1, v3;
	_ =	sdelay $0x2  }
0xef: {  	[tilespmem:s24], [sflag:$0x2] =	stream.indirect_vreg.gather [hbm4b:s2+s3], $0x80, v4, vm0, $0xb8;
	[tilespmem:$0xB480] =	vst v63  }
0xf0: {  	_ = 	snop  }
0xf1: {  	[tilespmem:s25], [sflag:$0x2] =	stream.indirect_vreg.gather [hbm4b:s2+s3], $0x80, v3, vm0, $0xb8;
	[tilespmem:$0xB480] =	vst v63  }
0xf2: {  	v3 =	vld [tilespmem:$0x3F8];
	_ =	sdelay $0x4  }
0xf3: {  	v61 =	vshll.u32 v3, $0x1  }
0xf4: {  	v3 =	vand.u32 $0x7, v3;
	v4 =	vand.u32 $0xFFFFFFF0, v61  }
0xf5: {  	v3 =	vor.u32 v3, v4  }
0xf6: {  	v4 =	vperm.xlane v3, v0;
	_ =	sdelay $0x1  }
0xf7: {  	v3 =	vperm.xlane v3, v2;
	v4 =	vadd.s32 v1, v4;
	_ =	sdelay $0x1  }
0xf8: {  	v3 =	vadd.s32 v1, v3;
	_ =	sdelay $0x2  }
0xf9: {  	[tilespmem:s26], [sflag:$0x2] =	stream.indirect_vreg.gather [hbm4b:s2+s3], $0x80, v4, vm0, $0xb8;
	[tilespmem:$0xB480] =	vst v63  }
0xfa: {  	_ = 	snop  }
0xfb: {  	[tilespmem:s28], [sflag:$0x2] =	stream.indirect_vreg.gather [hbm4b:s2+s3], $0x80, v3, vm0, $0xb8;
	[tilespmem:$0xB480] =	vst v63  }
0xfc: {  	v3 =	vld [tilespmem:$0x408];
	_ =	sdelay $0x4  }
0xfd: {  	v62 =	vshll.u32 v3, $0x1  }
0xfe: {  	v3 =	vand.u32 $0x7, v3;
	v4 =	vand.u32 $0xFFFFFFF0, v62  }
0xff: {  	v3 =	vor.u32 v3, v4  }
0x100: {  	v4 =	vperm.xlane v3, v0;
	_ =	sdelay $0x1  }
0x101: {  	v3 =	vperm.xlane v3, v2;
	v4 =	vadd.s32 v1, v4;
	_ =	sdelay $0x1  }
0x102: {  	v3 =	vadd.s32 v1, v3;
	_ =	sdelay $0x2  }
0x103: {  	[tilespmem:s29], [sflag:$0x2] =	stream.indirect_vreg.gather [hbm4b:s2+s3], $0x80, v4, vm0, $0xb8;
	[tilespmem:$0xB480] =	vst v63  }
0x104: {  	_ = 	snop  }
0x105: {  	[tilespmem:s30], [sflag:$0x2] =	stream.indirect_vreg.gather [hbm4b:s2+s3], $0x80, v3, vm0, $0xb8;
	[tilespmem:$0xB480] =	vst v63  }
0x106: {  	v3 =	vld.msk [tilespmem:$0x418], $0xff;
	_ =	sdelay $0x4  }
0x107: {  	v63 =	vshll.u32 v3, $0x1  }
0x108: {  	v3 =	vand.u32 $0x7, v3;
	v4 =	vand.u32 $0xFFFFFFF0, v63  }
0x109: {  	v3 =	vor.u32 v3, v4  }
0x10a: {  	v3 =	vperm.xlane v3, v0;
	_ =	sdelay $0x1  }
0x10b: {  	v3 =	vadd.s32 v1, v3;
	_ =	sdelay $0x4  }
0x10c: {  	[tilespmem:s31], [sflag:$0x2] =	stream.indirect_vreg.gather [hbm4b:s2+s3], $0x80, v3, vm0, $0xb8;
	[tilespmem:$0xB480] =	vst v63  }
0x10d: {  	_ =	swait.ge [sflag:s1], $0x5800  }
0x10e: {  	[sflag:s1] =	ssyncset.done $0x0  }
0x10f: {  	s5 =	rddreg [dreg:$0x5];
	[sflag:s1] =	ssyncadd.s32 $0xFFFFA800  }
0x110: {  	[hbm4b:s5+s3] =	stream.linear.scatter [tilespmem:s9], [sflag:$0x3], $0x5800, $0x38;
	[tilespmem:$0xB480] =	vst v63  }
0x111: {  	_ =	swait.ge [sflag:s8], $0x5800  }
0x112: {  	[sflag:s8] =	ssyncset.done $0x0  }
0x113: {  	[sflag:s8] =	ssyncadd.s32 $0xFFFFA800  }
0x114: {  	_ =	swait.ge [sflag:s0], $0x5800  }
0x115: {  	[sflag:s0] =	ssyncset.done $0x0  }
0x116: {  	s6 =	rddreg [dreg:$0x6];
	[sflag:s0] =	ssyncadd.s32 $0xFFFFA800  }
0x117: {  	[hbm4b:s6+s3] =	stream.linear.scatter [tilespmem:s20], [sflag:$0x3], $0x5800, $0x38;
	[tilespmem:$0xB480] =	vst v63  }
0x118: {  	_ =	swait.ge [sflag:s8], $0x5800  }
0x119: {  	s4 =	sadd.s32 $0x1, s4;
	s7 =	rddreg [dreg:$0x7]  }
0x11a: {  	p0 =	sne.s32 s4, s7  }
.Ltmp1:
0x11b: {  	_ = 	snop;
	(pc) =	sbr.rel @p0 .LBB2_1-.Ltmp1, $3  }
0x11c: {  	_ =	sdelay $0x1  }
0x11d: {  	[sflag:s8] =	ssyncset.done $0x0  }
0x11e: {  	[sflag:s8] =	ssyncadd.s32 $0xFFFFA800  }
0x11f: {  	_ =	sfence.sel $0x180000  }
0x120: {  	[bflag:$0x0] =	sbarrier.arrive $0xFFFF  }
0x121: {  	_ =	strace $0x90000047  }
0x122: {  	s0 =	stileid.u32;
	[bflag:$0x2] =	sbarrier.arrive $0xFFFF  }
0x123: {  	p0 =	sne.s32 s0, $0x0;
	s0 =	rddreg [dreg:$0x2]  }
0x124: {  	s0 =	sadd.s32 @!p0 $0x100000, s0  }
0x125: {  	[sflag:s0] =	ssyncadd.tile.s32 @!p0 $0x1;
	_ =	shalt  }
.Lfunc_end2:
_tile_overlayer_lowered:
.L_overlay_start_2:
0x126: {  	(tag) =	ssettag $0x2  }
0x127: {  	s0 =	rddreg [dreg:$0x0];
	s2 =	stileid.u32  }
0x128: {  	s1 =	rddreg [dreg:$0x1];
	p0 =	sne.s32 s2, $0x0  }
0x129: {  	s3 =	rddreg [dreg:$0x2];
	[bflag:$0x3] =	sbarrier.arrive $0xFFFF;
	s2 =	simm.s32 @!p0 $0x1C03  }
0x12a: {  	[timem:s3], [sflag:s2] =	dma.local @!p0 [hbm:s0], s1  }
0x12b: {  	s0 =	simm.s32 @!p0 $0x3  }
0x12c: {  	_ =	swait.ge @!p0 [sflag:s0], s1  }
0x12d: {  	s1 =	ssub.s32 @!p0 $0x0, s1;
	[sflag:s0] =	ssyncset.done @!p0 $0x0  }
0x12e: {  	[sflag:s0] =	ssyncadd.s32 @!p0 s1  }
0x12f: {  	[bflag:$0x3] =	sbarrier.arrive $0xFFFF  }
0x130: {  	_ =	shalt  }

// kernel: kernel.33.cloned.1.call-start
scs
__scs_entry_jumppad:
0x0: {  	(pc) =	sbr.rel $0x88, $3  }
0x1: {  	(tag) =	ssettag $0x0;
	lr =	simm.s32 $0x1  }
0x2: {  	[smem:$0x3F94] =	sst lr;
	_ =	strace $0xD0000000  }
0x3: {  	_ = 	snop  }
0x4: {  	_ = 	snop  }
0x5: {  	_ = 	snop  }
0x6: {  	_ = 	snop  }
0x7: {  	_ = 	snop  }
__scs_overlays_trampoline_lowered:
0x8: {  	[smem:$0x3FA3] =	sst s0  }
0x9: {  	[smem:$0x3FA4] =	sst s1  }
0xa: {  	[smem:$0x3FA5] =	sst s2  }
0xb: {  	[smem:$0x3FA6] =	sst s3  }
0xc: {  	[smem:$0x3FA7] =	sst s4  }
0xd: {  	[smem:$0x3FA8] =	sst s5  }
0xe: {  	[smem:$0x3FA9] =	sst s6  }
0xf: {  	[smem:$0x3FAA] =	sst s7  }
0x10: {  	[smem:$0x3FAB] =	sst s8  }
0x11: {  	[smem:$0x3FAC] =	sst s9;
	s0 =	simm.s32 @!p0 $0x0  }
0x12: {  	s1 =	sld [smem:$0x3F92];
	s0 =	simm.s32 @p0 $0x1  }
0x13: {  	[smem:$0x3FAD] =	sst s0;
	s0 =	simm.s32 @!p1 $0x0  }
0x14: {  	s2 =	sld [smem:$0x3F91];
	s0 =	simm.s32 @p1 $0x1  }
0x15: {  	[smem:$0x3FAE] =	sst s0;
	s0 =	simm.s32 @!p2 $0x0  }
0x16: {  	s3 =	sld [smem:$0x3FDB];
	s0 =	simm.s32 @p2 $0x1  }
0x17: {  	s4 =	simm.s32 $0x1BF5;
	[smem:$0x3FB0] =	sst s0  }
0x18: {  	s0 =	sld [smem:$0x3F93];
	_ =	swait.ge [sflag:s4], $0x0  }
0x19: {  	s7 =	sld [smem:$0x3F94]  }
0x1a: {  	s8 =	sadd.s32 $0xFFFFE003, lr  }
0x1b: {  	s9 =	sadd.s32 $0xFFFFFEF7, lr;
	s5 =	simm.s32 $0xFFFFFFFF;
	p2 =	slt.u32 s8, $0xFFFFF086  }
0x1c: {  	p1 =	slt.u32 s9, $0xF7A;
	s5 =	simm.s32 @!p2 $0x0  }
0x1d: {  	s5 =	simm.s32 @p1 $0x1;
	p0 =	seq.s32 s7, s2  }
0x1e: {  	s7 =	smul.u32 @!p0 $0xF7A, s2;
	p2 =	seq.s32 @!p0 s5, $0x0  }
0x1f: {  	s9 =	smul.u32 $0xF7A, s1;
	s8 =	simm.s32 @!p0 $0x1BF5;
	p2 =	por !p2, p0  }
0x20: {  	[sflag:s8] =	ssyncset.s32 @!p0 $0xFFFFF086;
	s6 =	sadd.s32 @!p0 s3, s7;
	s7 =	simm.s32 @!p0 $0x108  }
0x21: {  	s3 =	sadd.s32 s3, s9;
	s6 =	sadd.s32 @!p0 $0x88, s6;
	s7 =	simm.s32 @p2 $0x1082  }
0x22: {  	[simem:s7], [sflag:s8] =	dma.local @!p0 [hbm:s6], $0xF7A  }
0x23: {  	s9 =	sor.u32 $0xD0000000, s2;
	s6 =	simm.s32 $0x108;
	_ =	swait.ge @!p0 [sflag:s8], $0x0  }
0x24: {  	s3 =	sadd.s32 $0x88, s3;
	s6 =	simm.s32 @!p1 $0x1082;
	[sflag:s4] =	ssyncset.s32 $0xFFFFF086  }
0x25: {  	[simem:s6], [sflag:s4] =	dma.local [hbm:s3], $0xF7A  }
0x26: {  	[smem:$0x3F94] =	sst s1;
	(tag) =	ssettag s2;
	_ =	strace s9  }
0x27: {  	s1 =	sld [smem:$0x3FA4]  }
0x28: {  	s2 =	sld [smem:$0x3FA5]  }
0x29: {  	s4 =	sld [smem:$0x3FA7]  }
0x2a: {  	p0 =	seq.s32 s5, $0x0;
	s5 =	sld [smem:$0x3FA8]  }
0x2b: {  	s6 =	sld [smem:$0x3FA9]  }
0x2c: {  	s7 =	sld [smem:$0x3FAA]  }
0x2d: {  	s3 =	simm.s32 $0x108;
	s8 =	sld [smem:$0x3FAB]  }
0x2e: {  	s3 =	simm.s32 @!p0 $0x1082;
	s9 =	sld [smem:$0x3FAC]  }
0x2f: {  	lr =	sadd.s32 s0, s3;
	s0 =	sld [smem:$0x3FA3]  }
0x30: {  	s3 =	sld [smem:$0x3FA6]  }
0x31: {  	[smem:$0x3FAF] =	sst s10  }
0x32: {  	s10 =	sld [smem:$0x3FAD];
	_ =	sdelay $0x3  }
0x33: {  	p0 =	seq.s32 s10, $0x1;
	s10 =	sld [smem:$0x3FAF];
	_ =	sdelay $0x3  }
0x34: {  	[smem:$0x3FAF] =	sst s10  }
0x35: {  	s10 =	sld [smem:$0x3FAE];
	_ =	sdelay $0x3  }
0x36: {  	p1 =	seq.s32 s10, $0x1;
	s10 =	sld [smem:$0x3FAF];
	_ =	sdelay $0x3  }
0x37: {  	[smem:$0x3FAF] =	sst s10  }
0x38: {  	s10 =	sld [smem:$0x3FB0]  }
0x39: {  	_ = 	snop;
	(pc) =	sbr.ind lr, $3  }
0x3a: {  	_ = 	snop  }
0x3b: {  	_ = 	snop  }
0x3c: {  	p2 =	seq.s32 s10, $0x1;
	s10 =	sld [smem:$0x3FAF]  }
0x3d: {  	_ =	shalt  }
0x3e: {  	_ =	shalt  }
0x3f: {  	_ =	shalt  }
0x40: {  	_ =	shalt  }
0x41: {  	_ =	shalt  }
0x42: {  	_ =	shalt  }
0x43: {  	_ =	shalt  }
0x44: {  	_ =	shalt  }
0x45: {  	_ =	shalt  }
0x46: {  	_ =	shalt  }
0x47: {  	_ =	shalt  }
0x48: {  	_ =	shalt  }
0x49: {  	_ =	shalt  }
0x4a: {  	_ =	shalt  }
0x4b: {  	_ =	shalt  }
0x4c: {  	_ =	shalt  }
0x4d: {  	_ =	shalt  }
0x4e: {  	_ =	shalt  }
0x4f: {  	_ =	shalt  }
0x50: {  	_ =	shalt  }
0x51: {  	_ =	shalt  }
0x52: {  	_ =	shalt  }
0x53: {  	_ =	shalt  }
0x54: {  	_ =	shalt  }
0x55: {  	_ =	shalt  }
0x56: {  	_ =	shalt  }
0x57: {  	_ =	shalt  }
0x58: {  	_ =	shalt  }
0x59: {  	_ =	shalt  }
0x5a: {  	_ =	shalt  }
0x5b: {  	_ =	shalt  }
0x5c: {  	_ =	shalt  }
0x5d: {  	_ =	shalt  }
0x5e: {  	_ =	shalt  }
0x5f: {  	_ =	shalt  }
0x60: {  	_ =	shalt  }
0x61: {  	_ =	shalt  }
0x62: {  	_ =	shalt  }
0x63: {  	_ =	shalt  }
0x64: {  	_ =	shalt  }
0x65: {  	_ =	shalt  }
0x66: {  	_ =	shalt  }
0x67: {  	_ =	shalt  }
0x68: {  	_ =	shalt  }
0x69: {  	_ =	shalt  }
0x6a: {  	_ =	shalt  }
0x6b: {  	_ =	shalt  }
0x6c: {  	_ =	shalt  }
0x6d: {  	_ =	shalt  }
0x6e: {  	_ =	shalt  }
0x6f: {  	_ =	shalt  }
0x70: {  	_ =	shalt  }
0x71: {  	_ =	shalt  }
0x72: {  	_ =	shalt  }
0x73: {  	_ =	shalt  }
0x74: {  	_ =	shalt  }
0x75: {  	_ =	shalt  }
0x76: {  	_ =	shalt  }
0x77: {  	_ =	shalt  }
0x78: {  	_ =	shalt  }
0x79: {  	_ =	shalt  }
0x7a: {  	_ =	shalt  }
0x7b: {  	_ =	shalt  }
0x7c: {  	_ =	shalt  }
0x7d: {  	_ =	shalt  }
0x7e: {  	_ =	shalt  }
0x7f: {  	_ =	shalt  }
0x80: {  	_ =	shalt  }
0x81: {  	_ =	shalt  }
0x82: {  	_ =	shalt  }
0x83: {  	_ =	shalt  }
0x84: {  	_ =	shalt  }
0x85: {  	_ =	shalt  }
0x86: {  	_ =	shalt  }
0x87: {  	_ =	shalt  }
.Lfunc_end0:
.L_simem_size_0:
called_computation.5_lowered:
.L_overlay_start_0:
0x88: {  	s2 =	sld [smem:$0x3FD9]  }
0x89: {  	s3 =	sld [smem:$0x3FFE];
	_ =	sdelay $0x1  }
0x8a: {  	s1 =	srdreg.scid  }
0x8b: {  	s0 =	sand.u32 $0x1, s1  }
0x8c: {  	s17 =	sshll.u32 s0, $0xA;
	s2 =	sadd.s32 s3, s2  }
0x8d: {  	s2 =	sadd.s32 s2, s17  }
0x8e: {  	[smem:$0x3FBB] =	sst s2  }
0x8f: {  	_ = 	snop  }
0x90: {  	s18 =	sld [smem:$0x3FC5];
	(tm) =	ssettm $0x1  }
0x91: {  	s19 =	sld [smem:$0x3FFB];
	_ =	sdelay $0x3  }
0x92: {  	_ =	strace s19  }
0x93: {  	s2 =	sld [smem:$0x3FFC];
	_ =	sdelay $0x3  }
0x94: {  	_ =	strace s2  }
0x95: {  	s2 =	sld [smem:$0x3FFD];
	_ =	sdelay $0x3  }
0x96: {  	_ =	strace s2  }
0x97: {  	_ =	strace $0x8FFFFFFF  }
0x98: {  	s20 =	sld [smem:$0x3FDB];
	_ =	sdelay $0x1  }
0x99: {  	s4 =	simm.s32 $_scs_section_size  }
0x9a: {  	s5 =	simm.s32 $_size__tile_overlayer_lowered;
	s6 =	simm.s32 $_tile_overlayer_lowered  }
0x9b: {  	s7 =	simm.s32 $0x1BFF;
	s21 =	sshll.u32 s6, $0x1;
	s4 =	sadd.s32 s4, s20  }
0x9c: {  	s22 =	simm.s32 $0x0;
	s5 =	sshll.u32 s5, $0x1;
	s6 =	sadd.s32 s21, s4  }
0x9d: {  	[timem:s22], [sflag:s7] =	dma.local [hbm:s6], s5  }
0x9e: {  	_ =	swait.ge [sflag:s7], s5  }
0x9f: {  	s5 =	ssub.s32 $0x0, s5;
	[sflag:s7] =	ssyncset.done $0x0  }
0xa0: {  	[sflag:s7] =	ssyncadd.s32 s5;
	_ =	sdelay $0x1  }
0xa1: {  	s23 =	simm.s32 $0x1B8B  }
0xa2: {  	_ =	swait.ge [sflag:s23], $0x1  }
0xa3: {  	[sflag:s23] =	ssyncset.done $0x0  }
0xa4: {  	[sflag:s23] =	ssyncadd.s32 $0xFFFFFFFF  }
0xa5: {  	s5 =	sld [smem:$0x0]  }
0xa6: {  	s6 =	sand.u32 $0xFFFFFFFE, s1  }
0xa7: {  	p0 =	sne.s32 s1, s6  }
0xa8: {  	s6 =	sshll.u32 @p0 s6, $0xE  }
0xa9: {  	s6 =	sadd.s32 @p0 $0x11B8D, s6;
	s7 =	sshll.u32 @p0 s5, $0x11  }
0xaa: {  	s6 =	sor.u32 @p0 s7, s6  }
0xab: {  	[sflag:s6] =	ssyncadd.remote.s32 @p0 $0x1;
	_ =	sdelay $0x1  }
0xac: {  	s6 =	simm.s32 @p0 $0x1B8D  }
0xad: {  	_ =	swait.eq @p0 [sflag:s6], $0x1  }
0xae: {  	[sflag:s6] =	ssyncadd.s32 @p0 $0xFFFFFFFF  }
0xaf: {  	s7 =	sshll.u32 @!p0 s1, $0xE  }
0xb0: {  	s7 =	sor.u32 @!p0 $0x4000, s7;
	s6 =	simm.s32 @!p0 $0x1B8D  }
0xb1: {  	s5 =	sshll.u32 @!p0 s5, $0x11;
	s7 =	sadd.s32 @!p0 $0x11B8D, s7;
	_ =	swait.eq @!p0 [sflag:s6], $0x1  }
0xb2: {  	s5 =	sor.u32 @!p0 s5, s7;
	[sflag:s6] =	ssyncadd.s32 @!p0 $0xFFFFFFFF  }
0xb3: {  	s25 =	simm.s32 $0x1B8E;
	s24 =	sld [smem:$0x3FFE];
	[sflag:s5] =	ssyncadd.remote.s32 @!p0 $0x1  }
0xb4: {  	s26 =	simm.s32 $execute0_lowered;
	[smem:$0x3FD2] =	sst s25  }
0xb5: {  	s6 =	sshll.u32 s26, $0x1;
	_ =	strace $0x80000055;
	[dreg:$0x1] =	wrdreg $0xFFFFFFFF  }
0xb6: {  	s28 =	simm.s32 $_size_execute0_lowered;
	s4 =	sadd.s32 s4, s6;
	[dreg:$0x0] =	wrdreg $0x0  }
0xb7: {  	s6 =	sshll.u32 s28, $0x1;
	[dreg:$0x2] =	wrdreg s4  }
0xb8: {  	[dreg:$0x3] =	wrdreg s6  }
0xb9: {  	[dreg:$0x4] =	wrdreg $0xC0  }
0xba: {  	_ =	task [dreg:s22], $0x5FFFF  }
0xbb: {  	[dreg:$0x1] =	wrdreg $0xFFFFFFFF  }
0xbc: {  	[dreg:$0x0] =	wrdreg $0x60  }
0xbd: {  	[dreg:$0x2] =	wrdreg s18  }
0xbe: {  	[dreg:$0x3] =	wrdreg s24  }
0xbf: {  	[dreg:$0x4] =	wrdreg $0xE  }
0xc0: {  	_ =	task.clear_ibuf [dreg:s22], $0x5FFFF;
	_ =	strace $0x90000055  }
0xc1: {  	s29 =	simm.s32 $0xE;
	_ =	strace $0x80000057  }
0xc2: {  	_ =	swait.ge [sflag:s29], $0x1  }
0xc3: {  	[sflag:s29] =	ssyncadd.s32 $0xFFFFFFFF  }
0xc4: {  	_ =	strace $0x90000057  }
0xc5: {  	_ =	sfence  }
0xc6: {  	s30 =	sld [smem:$0x0];
	_ =	sdelay $0x2  }
0xc7: {  	s31 =	sshll.u32 s1, $0xD;
	s1 =	sshrl.u32 s1, $0x2  }
0xc8: {  	s4 =	sand.u32 $0x4000, s31;
	s1 =	sadd.s32 s1, s30  }
0xc9: {  	s0 =	sor.u32 s4, s0;
	s1 =	sshll.u32 s1, $0x11  }
0xca: {  	s0 =	sor.u32 s1, s0  }
0xcb: {  	s0 =	sadd.s32 $0x8F2B, s0  }
0xcc: {  	[sflag:s0] =	ssyncadd.remote.s32 $0x1  }
0xcd: {  	_ =	sfence.sel $0xFFFF  }
0xce: {  	[dreg:$0x0] =	wrdreg $0xFFFFFFFF;
	(pc) =	sbr.abs _section_cstart, $3  }
0xcf: {  	[dreg:$0x1] =	wrdreg $0xFFFFFFFF  }
0xd0: {  	_ =	task.clear_ibuf [dreg:s22], $0x2FFFF;
	_ =	strace $0x9FFFFFFF  }
0xd1: {  	(tm) =	ssettm $0x7FFFFFFF  }
tec
execute0_lowered:
.L_overlay_start_1:
0x0: {  	(tag) =	ssettag $0x1  }
0x1: {  	s0 =	srdreg.scid;
	s2 =	rddreg [dreg:$0x0]  }
0x2: {  	s8 =	stileid.u32;
	s4 =	rddreg [dreg:$0x1];
	s3 =	simm.s32 $0x0  }
0x3: {  	s9 =	simm.s32 $0x480;
	s10 =	simm.s32 $0xC80;
	s11 =	simm.s32 $0x1480  }
0x4: {  	s12 =	simm.s32 $0x1C80;
	s13 =	simm.s32 $0x2480;
	s14 =	simm.s32 $0x2C80  }
0x5: {  	s15 =	simm.s32 $0x3480;
	s16 =	simm.s32 $0x3C80;
	s17 =	simm.s32 $0x4480  }
0x6: {  	s18 =	simm.s32 $0x4C80;
	s19 =	simm.s32 $0x5480;
	s20 =	simm.s32 $0x5C80  }
0x7: {  	s21 =	simm.s32 $0x6480;
	s22 =	simm.s32 $0x6C80;
	s23 =	simm.s32 $0x7480  }
0x8: {  	s24 =	simm.s32 $0x7C80;
	s0 =	sand.u32 $0x1, s0;
	s1 =	sshll.u32 s8, $0x1  }
0x9: {  	s28 =	simm.s32 $0x9480;
	s29 =	simm.s32 $0x9C80;
	s1 =	sor.u32 s0, s1  }
0xa: {  	s30 =	simm.s32 $0xA480;
	s31 =	simm.s32 $0xAC80;
	s5 =	smul.u32 $0x420, s1  }
0xb: {  	[smem:$0x7FF] =	sst s3;
	s6 =	ssub.s32 $0x2, s0;
	s1 =	smul.u32 $0x42000, s1  }
0xc: {  	s8 =	smul.u32 $0x10800, s8;
	_ =	strace $0x80000056;
	s7 =	sshrl.u32 s6, $0x1  }
0xd: {  	s6 =	ssub.s32 s6, s7;
	s5 =	sshrl.u32 s5, $0x3;
	s1 =	sshrl.u32 s1, $0x3  }
0xe: {  	s26 =	smax.u32 s6, $0x1;
	s5 =	sadd.s32 s5, s4;
	s4 =	sadd.s32 $0x538000, s4  }
0xf: {  	[dreg:$0x7] =	wrdreg s26;
	s1 =	sadd.s32 s4, s1;
	s5 =	sadd.s32 $0xB800, s5  }
0x10: {  	s0 =	smul.u32 $0x8400, s0;
	[dreg:$0x4] =	wrdreg s5;
	s25 =	sadd.s32 $0x6E00, s1  }
0x11: {  	s4 =	sadd.s32 s8, s4;
	s1 =	sadd.s32 $0x7900, s1;
	[dreg:$0x5] =	wrdreg s25  }
0x12: {  	v2 =	vlaneseq.u32;
	s26 =	simm.s32 $0x8C80;
	s0 =	sadd.s32 s0, s4;
	[dreg:$0x6] =	wrdreg s1  }
0x13: {  	vm0 =	vmmov $0xffff;
	v1 =	vshrl.u32 v2, $0x3;
	s8 =	simm.s32 $0x3;
	s4 =	simm.s32 $0x0;
	[dreg:$0x3] =	wrdreg s0  }
0x14: {  	v0 =	vand.u32 $0x7, v2;
	v2 =	vor.u32 $0x8, v2;
	v1 =	vmul.u32 $0x8, v1;
	s25 =	simm.s32 $0x8480;
	s1 =	simm.s32 $0x1;
	s0 =	simm.s32 $0x2  }
.LBB2_1:
0x15: {  	s5 =	rddreg [dreg:$0x4]  }
0x16: {  	[tilespmem:s3], [sflag:$0x3] =	stream.linear.gather [hbm4b:s5+s3], $0x420, $0x38;
	[tilespmem:$0xB480] =	vst v63  }
0x17: {  	_ =	swait.ge [sflag:s8], $0x420  }
0x18: {  	[sflag:s8] =	ssyncset.done $0x0  }
0x19: {  	[sflag:s8] =	ssyncadd.s32 $0xFFFFFBE0  }
0x1a: {  	v3 =	vld [tilespmem:$0x0];
	_ =	sdelay $0x4  }
0x1b: {  	v4 =	vshll.u32 v3, $0x1  }
0x1c: {  	v3 =	vand.u32 $0x7, v3;
	v4 =	vand.u32 $0xFFFFFFF0, v4  }
0x1d: {  	v3 =	vor.u32 v3, v4  }
0x1e: {  	v4 =	vperm.xlane v3, v0;
	_ =	sdelay $0x1  }
0x1f: {  	v3 =	vperm.xlane v3, v2;
	v4 =	vadd.s32 v1, v4;
	_ =	sdelay $0x1  }
0x20: {  	v3 =	vadd.s32 v1, v3;
	_ =	sdelay $0x2  }
0x21: {  	[tilespmem:s9], [sflag:$0x1] =	stream.indirect_vreg.gather [hbm4b:s2+s3], $0x80, v4, vm0, $0xb8;
	[tilespmem:$0xB480] =	vst v63  }
0x22: {  	_ = 	snop  }
0x23: {  	[tilespmem:s10], [sflag:$0x1] =	stream.indirect_vreg.gather [hbm4b:s2+s3], $0x80, v3, vm0, $0xb8;
	[tilespmem:$0xB480] =	vst v63  }
0x24: {  	v3 =	vld [tilespmem:$0x10];
	_ =	sdelay $0x4  }
0x25: {  	v59 =	vshll.u32 v3, $0x1  }
0x26: {  	v3 =	vand.u32 $0x7, v3;
	v4 =	vand.u32 $0xFFFFFFF0, v59  }
0x27: {  	v3 =	vor.u32 v3, v4  }
0x28: {  	v4 =	vperm.xlane v3, v0;
	_ =	sdelay $0x1  }
0x29: {  	v3 =	vperm.xlane v3, v2;
	v4 =	vadd.s32 v1, v4;
	_ =	sdelay $0x1  }
0x2a: {  	v3 =	vadd.s32 v1, v3;
	_ =	sdelay $0x2  }
0x2b: {  	[tilespmem:s11], [sflag:$0x1] =	stream.indirect_vreg.gather [hbm4b:s2+s3], $0x80, v4, vm0, $0xb8;
	[tilespmem:$0xB480] =	vst v63  }
0x2c: {  	_ = 	snop  }
0x2d: {  	[tilespmem:s12], [sflag:$0x1] =	stream.indirect_vreg.gather [hbm4b:s2+s3], $0x80, v3, vm0, $0xb8;
	[tilespmem:$0xB480] =	vst v63  }
0x2e: {  	v3 =	vld [tilespmem:$0x20];
	_ =	sdelay $0x4  }
0x2f: {  	v60 =	vshll.u32 v3, $0x1  }
0x30: {  	v3 =	vand.u32 $0x7, v3;
	v4 =	vand.u32 $0xFFFFFFF0, v60  }
0x31: {  	v3 =	vor.u32 v3, v4  }
0x32: {  	v4 =	vperm.xlane v3, v0;
	_ =	sdelay $0x1  }
0x33: {  	v3 =	vperm.xlane v3, v2;
	v4 =	vadd.s32 v1, v4;
	_ =	sdelay $0x1  }
0x34: {  	v3 =	vadd.s32 v1, v3;
	_ =	sdelay $0x2  }
0x35: {  	[tilespmem:s13], [sflag:$0x1] =	stream.indirect_vreg.gather [hbm4b:s2+s3], $0x80, v4, vm0, $0xb8;
	[tilespmem:$0xB480] =	vst v63  }
0x36: {  	_ = 	snop  }
0x37: {  	[tilespmem:s14], [sflag:$0x1] =	stream.indirect_vreg.gather [hbm4b:s2+s3], $0x80, v3, vm0, $0xb8;
	[tilespmem:$0xB480] =	vst v63  }
0x38: {  	v3 =	vld [tilespmem:$0x30];
	_ =	sdelay $0x4  }
0x39: {  	v61 =	vshll.u32 v3, $0x1  }
0x3a: {  	v3 =	vand.u32 $0x7, v3;
	v4 =	vand.u32 $0xFFFFFFF0, v61  }
0x3b: {  	v3 =	vor.u32 v3, v4  }
0x3c: {  	v4 =	vperm.xlane v3, v0;
	_ =	sdelay $0x1  }
0x3d: {  	v3 =	vperm.xlane v3, v2;
	v4 =	vadd.s32 v1, v4;
	_ =	sdelay $0x1  }
0x3e: {  	v3 =	vadd.s32 v1, v3;
	_ =	sdelay $0x2  }
0x3f: {  	[tilespmem:s15], [sflag:$0x1] =	stream.indirect_vreg.gather [hbm4b:s2+s3], $0x80, v4, vm0, $0xb8;
	[tilespmem:$0xB480] =	vst v63  }
0x40: {  	_ = 	snop  }
0x41: {  	[tilespmem:s16], [sflag:$0x1] =	stream.indirect_vreg.gather [hbm4b:s2+s3], $0x80, v3, vm0, $0xb8;
	[tilespmem:$0xB480] =	vst v63  }
0x42: {  	v3 =	vld [tilespmem:$0x40];
	_ =	sdelay $0x4  }
0x43: {  	v62 =	vshll.u32 v3, $0x1  }
0x44: {  	v3 =	vand.u32 $0x7, v3;
	v4 =	vand.u32 $0xFFFFFFF0, v62  }
0x45: {  	v3 =	vor.u32 v3, v4  }
0x46: {  	v4 =	vperm.xlane v3, v0;
	_ =	sdelay $0x1  }
0x47: {  	v3 =	vperm.xlane v3, v2;
	v4 =	vadd.s32 v1, v4;
	_ =	sdelay $0x1  }
0x48: {  	v3 =	vadd.s32 v1, v3;
	_ =	sdelay $0x2  }
0x49: {  	[tilespmem:s17], [sflag:$0x1] =	stream.indirect_vreg.gather [hbm4b:s2+s3], $0x80, v4, vm0, $0xb8;
	[tilespmem:$0xB480] =	vst v63  }
0x4a: {  	_ = 	snop  }
0x4b: {  	[tilespmem:s18], [sflag:$0x1] =	stream.indirect_vreg.gather [hbm4b:s2+s3], $0x80, v3, vm0, $0xb8;
	[tilespmem:$0xB480] =	vst v63  }
0x4c: {  	v3 =	vld.msk [tilespmem:$0x50], $0xff;
	_ =	sdelay $0x4  }
0x4d: {  	v63 =	vshll.u32 v3, $0x1  }
0x4e: {  	v3 =	vand.u32 $0x7, v3;
	v4 =	vand.u32 $0xFFFFFFF0, v63  }
0x4f: {  	v3 =	vor.u32 v3, v4  }
0x50: {  	v3 =	vperm.xlane v3, v0;
	_ =	sdelay $0x1  }
0x51: {  	v3 =	vadd.s32 v1, v3;
	_ =	sdelay $0x3  }
0x52: {  	s6 =	simm.s32 $0x0;
	s5 =	simm.s32 $0x88  }
0x53: {  	[tilespmem:s19], [sflag:$0x1] =	stream.indirect_vreg.gather [hbm4b:s2+s3], $0x80, v3, vm0, $0xb8;
	[tilespmem:$0xB480] =	vst v63  }
.LBB2_2:
0x54: {  	v3 =	vld [tilespmem:s5+$0xFFFFFFD0];
	_ =	sdelay $0x4  }
0x55: {  	v4 =	vshll.u32 v3, $0x1  }
0x56: {  	v3 =	vand.u32 $0x7, v3;
	v4 =	vand.u32 $0xFFFFFFF0, v4  }
0x57: {  	v3 =	vor.u32 v3, v4  }
0x58: {  	v4 =	vperm.xlane v3, v0;
	_ =	sdelay $0x1  }
0x59: {  	v3 =	vperm.xlane v3, v2;
	v4 =	vadd.s32 v1, v4;
	_ =	sdelay $0x1  }
0x5a: {  	v3 =	vadd.s32 v1, v3;
	_ =	sdelay $0x2  }
0x5b: {  	[tilespmem:s20], [sflag:$0x2] =	stream.indirect_vreg.gather [hbm4b:s2+s3], $0x80, v4, vm0, $0xb8;
	[tilespmem:$0xB480] =	vst v63  }
0x5c: {  	_ = 	snop  }
0x5d: {  	[tilespmem:s21], [sflag:$0x2] =	stream.indirect_vreg.gather [hbm4b:s2+s3], $0x80, v3, vm0, $0xb8;
	[tilespmem:$0xB480] =	vst v63  }
0x5e: {  	v3 =	vld [tilespmem:s5+$0xFFFFFFE0];
	_ =	sdelay $0x4  }
0x5f: {  	v53 =	vshll.u32 v3, $0x1  }
0x60: {  	v3 =	vand.u32 $0x7, v3;
	v4 =	vand.u32 $0xFFFFFFF0, v53  }
0x61: {  	v3 =	vor.u32 v3, v4  }
0x62: {  	v4 =	vperm.xlane v3, v0;
	_ =	sdelay $0x1  }
0x63: {  	v3 =	vperm.xlane v3, v2;
	v4 =	vadd.s32 v1, v4;
	_ =	sdelay $0x1  }
0x64: {  	v3 =	vadd.s32 v1, v3;
	_ =	sdelay $0x2  }
0x65: {  	[tilespmem:s22], [sflag:$0x2] =	stream.indirect_vreg.gather [hbm4b:s2+s3], $0x80, v4, vm0, $0xb8;
	[tilespmem:$0xB480] =	vst v63  }
0x66: {  	_ = 	snop  }
0x67: {  	[tilespmem:s23], [sflag:$0x2] =	stream.indirect_vreg.gather [hbm4b:s2+s3], $0x80, v3, vm0, $0xb8;
	[tilespmem:$0xB480] =	vst v63  }
0x68: {  	v3 =	vld [tilespmem:s5+$0xFFFFFFF0];
	_ =	sdelay $0x4  }
0x69: {  	v54 =	vshll.u32 v3, $0x1  }
0x6a: {  	v3 =	vand.u32 $0x7, v3;
	v4 =	vand.u32 $0xFFFFFFF0, v54  }
0x6b: {  	v3 =	vor.u32 v3, v4  }
0x6c: {  	v4 =	vperm.xlane v3, v0;
	_ =	sdelay $0x1  }
0x6d: {  	v3 =	vperm.xlane v3, v2;
	v4 =	vadd.s32 v1, v4;
	_ =	sdelay $0x1  }
0x6e: {  	v3 =	vadd.s32 v1, v3;
	_ =	sdelay $0x2  }
0x6f: {  	[tilespmem:s24], [sflag:$0x2] =	stream.indirect_vreg.gather [hbm4b:s2+s3], $0x80, v4, vm0, $0xb8;
	[tilespmem:$0xB480] =	vst v63  }
0x70: {  	_ = 	snop  }
0x71: {  	[tilespmem:s25], [sflag:$0x2] =	stream.indirect_vreg.gather [hbm4b:s2+s3], $0x80, v3, vm0, $0xb8;
	[tilespmem:$0xB480] =	vst v63  }
0x72: {  	v3 =	vld [tilespmem:s5+$0x0];
	_ =	sdelay $0x4  }
0x73: {  	v55 =	vshll.u32 v3, $0x1  }
0x74: {  	v3 =	vand.u32 $0x7, v3;
	v4 =	vand.u32 $0xFFFFFFF0, v55  }
0x75: {  	v3 =	vor.u32 v3, v4  }
0x76: {  	v4 =	vperm.xlane v3, v0;
	_ =	sdelay $0x1  }
0x77: {  	v3 =	vperm.xlane v3, v2;
	v4 =	vadd.s32 v1, v4;
	_ =	sdelay $0x1  }
0x78: {  	v3 =	vadd.s32 v1, v3;
	_ =	sdelay $0x2  }
0x79: {  	[tilespmem:s26], [sflag:$0x2] =	stream.indirect_vreg.gather [hbm4b:s2+s3], $0x80, v4, vm0, $0xb8;
	[tilespmem:$0xB480] =	vst v63  }
0x7a: {  	_ = 	snop  }
0x7b: {  	[tilespmem:s28], [sflag:$0x2] =	stream.indirect_vreg.gather [hbm4b:s2+s3], $0x80, v3, vm0, $0xb8;
	[tilespmem:$0xB480] =	vst v63  }
0x7c: {  	v3 =	vld [tilespmem:s5+$0x10];
	_ =	sdelay $0x4  }
0x7d: {  	v56 =	vshll.u32 v3, $0x1  }
0x7e: {  	v3 =	vand.u32 $0x7, v3;
	v4 =	vand.u32 $0xFFFFFFF0, v56  }
0x7f: {  	v3 =	vor.u32 v3, v4  }
0x80: {  	v4 =	vperm.xlane v3, v0;
	_ =	sdelay $0x1  }
0x81: {  	v3 =	vperm.xlane v3, v2;
	v4 =	vadd.s32 v1, v4;
	_ =	sdelay $0x1  }
0x82: {  	v3 =	vadd.s32 v1, v3;
	_ =	sdelay $0x2  }
0x83: {  	[tilespmem:s29], [sflag:$0x2] =	stream.indirect_vreg.gather [hbm4b:s2+s3], $0x80, v4, vm0, $0xb8;
	[tilespmem:$0xB480] =	vst v63  }
0x84: {  	_ = 	snop  }
0x85: {  	[tilespmem:s30], [sflag:$0x2] =	stream.indirect_vreg.gather [hbm4b:s2+s3], $0x80, v3, vm0, $0xb8;
	[tilespmem:$0xB480] =	vst v63  }
0x86: {  	v3 =	vld.msk [tilespmem:s5+$0x20], $0xff;
	_ =	sdelay $0x4  }
0x87: {  	v57 =	vshll.u32 v3, $0x1  }
0x88: {  	v3 =	vand.u32 $0x7, v3;
	v4 =	vand.u32 $0xFFFFFFF0, v57  }
0x89: {  	v3 =	vor.u32 v3, v4  }
0x8a: {  	v3 =	vperm.xlane v3, v0;
	_ =	sdelay $0x1  }
0x8b: {  	v3 =	vadd.s32 v1, v3;
	_ =	sdelay $0x4  }
0x8c: {  	[tilespmem:s31], [sflag:$0x2] =	stream.indirect_vreg.gather [hbm4b:s2+s3], $0x80, v3, vm0, $0xb8;
	[tilespmem:$0xB480] =	vst v63  }
0x8d: {  	_ =	swait.ge [sflag:s1], $0x5800  }
0x8e: {  	s7 =	rddreg [dreg:$0x3];
	[sflag:s1] =	ssyncset.done $0x0  }
0x8f: {  	[sflag:s1] =	ssyncadd.s32 $0xFFFFA800;
	s7 =	sadd.s32 s6, s7  }
0x90: {  	[hbm4b:s7+s3] =	stream.linear.scatter [tilespmem:s9], [sflag:$0x3], $0x5800, $0x38;
	[tilespmem:$0xB480] =	vst v63  }
0x91: {  	_ =	swait.ge [sflag:s8], $0x5800  }
0x92: {  	[sflag:s8] =	ssyncset.done $0x0  }
0x93: {  	[sflag:s8] =	ssyncadd.s32 $0xFFFFA800  }
0x94: {  	v3 =	vld [tilespmem:s5+$0x28];
	_ =	sdelay $0x4  }
0x95: {  	v58 =	vshll.u32 v3, $0x1  }
0x96: {  	v3 =	vand.u32 $0x7, v3;
	v4 =	vand.u32 $0xFFFFFFF0, v58  }
0x97: {  	v3 =	vor.u32 v3, v4  }
0x98: {  	v4 =	vperm.xlane v3, v0;
	_ =	sdelay $0x1  }
0x99: {  	v3 =	vperm.xlane v3, v2;
	v4 =	vadd.s32 v1, v4;
	_ =	sdelay $0x1  }
0x9a: {  	v3 =	vadd.s32 v1, v3;
	_ =	sdelay $0x2  }
0x9b: {  	[tilespmem:s9], [sflag:$0x1] =	stream.indirect_vreg.gather [hbm4b:s2+s3], $0x80, v4, vm0, $0xb8;
	[tilespmem:$0xB480] =	vst v63  }
0x9c: {  	_ = 	snop  }
0x9d: {  	[tilespmem:s10], [sflag:$0x1] =	stream.indirect_vreg.gather [hbm4b:s2+s3], $0x80, v3, vm0, $0xb8;
	[tilespmem:$0xB480] =	vst v63  }
0x9e: {  	v3 =	vld [tilespmem:s5+$0x38];
	_ =	sdelay $0x4  }
0x9f: {  	v59 =	vshll.u32 v3, $0x1  }
0xa0: {  	v3 =	vand.u32 $0x7, v3;
	v4 =	vand.u32 $0xFFFFFFF0, v59  }
0xa1: {  	v3 =	vor.u32 v3, v4  }
0xa2: {  	v4 =	vperm.xlane v3, v0;
	_ =	sdelay $0x1  }
0xa3: {  	v3 =	vperm.xlane v3, v2;
	v4 =	vadd.s32 v1, v4;
	_ =	sdelay $0x1  }
0xa4: {  	v3 =	vadd.s32 v1, v3;
	_ =	sdelay $0x2  }
0xa5: {  	[tilespmem:s11], [sflag:$0x1] =	stream.indirect_vreg.gather [hbm4b:s2+s3], $0x80, v4, vm0, $0xb8;
	[tilespmem:$0xB480] =	vst v63  }
0xa6: {  	_ = 	snop  }
0xa7: {  	[tilespmem:s12], [sflag:$0x1] =	stream.indirect_vreg.gather [hbm4b:s2+s3], $0x80, v3, vm0, $0xb8;
	[tilespmem:$0xB480] =	vst v63  }
0xa8: {  	v3 =	vld [tilespmem:s5+$0x48];
	_ =	sdelay $0x4  }
0xa9: {  	v60 =	vshll.u32 v3, $0x1  }
0xaa: {  	v3 =	vand.u32 $0x7, v3;
	v4 =	vand.u32 $0xFFFFFFF0, v60  }
0xab: {  	v3 =	vor.u32 v3, v4  }
0xac: {  	v4 =	vperm.xlane v3, v0;
	_ =	sdelay $0x1  }
0xad: {  	v3 =	vperm.xlane v3, v2;
	v4 =	vadd.s32 v1, v4;
	_ =	sdelay $0x1  }
0xae: {  	v3 =	vadd.s32 v1, v3;
	_ =	sdelay $0x2  }
0xaf: {  	[tilespmem:s13], [sflag:$0x1] =	stream.indirect_vreg.gather [hbm4b:s2+s3], $0x80, v4, vm0, $0xb8;
	[tilespmem:$0xB480] =	vst v63  }
0xb0: {  	_ = 	snop  }
0xb1: {  	[tilespmem:s14], [sflag:$0x1] =	stream.indirect_vreg.gather [hbm4b:s2+s3], $0x80, v3, vm0, $0xb8;
	[tilespmem:$0xB480] =	vst v63  }
0xb2: {  	v3 =	vld [tilespmem:s5+$0x58];
	_ =	sdelay $0x4  }
0xb3: {  	v61 =	vshll.u32 v3, $0x1  }
0xb4: {  	v3 =	vand.u32 $0x7, v3;
	v4 =	vand.u32 $0xFFFFFFF0, v61  }
0xb5: {  	v3 =	vor.u32 v3, v4  }
0xb6: {  	v4 =	vperm.xlane v3, v0;
	_ =	sdelay $0x1  }
0xb7: {  	v3 =	vperm.xlane v3, v2;
	v4 =	vadd.s32 v1, v4;
	_ =	sdelay $0x1  }
0xb8: {  	v3 =	vadd.s32 v1, v3;
	_ =	sdelay $0x2  }
0xb9: {  	[tilespmem:s15], [sflag:$0x1] =	stream.indirect_vreg.gather [hbm4b:s2+s3], $0x80, v4, vm0, $0xb8;
	[tilespmem:$0xB480] =	vst v63  }
0xba: {  	_ = 	snop  }
0xbb: {  	[tilespmem:s16], [sflag:$0x1] =	stream.indirect_vreg.gather [hbm4b:s2+s3], $0x80, v3, vm0, $0xb8;
	[tilespmem:$0xB480] =	vst v63  }
0xbc: {  	v3 =	vld [tilespmem:s5+$0x68];
	_ =	sdelay $0x4  }
0xbd: {  	v62 =	vshll.u32 v3, $0x1  }
0xbe: {  	v3 =	vand.u32 $0x7, v3;
	v4 =	vand.u32 $0xFFFFFFF0, v62  }
0xbf: {  	v3 =	vor.u32 v3, v4  }
0xc0: {  	v4 =	vperm.xlane v3, v0;
	_ =	sdelay $0x1  }
0xc1: {  	v3 =	vperm.xlane v3, v2;
	v4 =	vadd.s32 v1, v4;
	_ =	sdelay $0x1  }
0xc2: {  	v3 =	vadd.s32 v1, v3;
	_ =	sdelay $0x2  }
0xc3: {  	[tilespmem:s17], [sflag:$0x1] =	stream.indirect_vreg.gather [hbm4b:s2+s3], $0x80, v4, vm0, $0xb8;
	[tilespmem:$0xB480] =	vst v63  }
0xc4: {  	_ = 	snop  }
0xc5: {  	[tilespmem:s18], [sflag:$0x1] =	stream.indirect_vreg.gather [hbm4b:s2+s3], $0x80, v3, vm0, $0xb8;
	[tilespmem:$0xB480] =	vst v63  }
0xc6: {  	v3 =	vld.msk [tilespmem:s5+$0x78], $0xff;
	_ =	sdelay $0x4  }
0xc7: {  	v63 =	vshll.u32 v3, $0x1  }
0xc8: {  	v3 =	vand.u32 $0x7, v3;
	v4 =	vand.u32 $0xFFFFFFF0, v63  }
0xc9: {  	v3 =	vor.u32 v3, v4  }
0xca: {  	v3 =	vperm.xlane v3, v0;
	_ =	sdelay $0x1  }
0xcb: {  	v3 =	vadd.s32 v1, v3;
	_ =	sdelay $0x4  }
0xcc: {  	[tilespmem:s19], [sflag:$0x1] =	stream.indirect_vreg.gather [hbm4b:s2+s3], $0x80, v3, vm0, $0xb8;
	[tilespmem:$0xB480] =	vst v63  }
0xcd: {  	_ =	swait.ge [sflag:s0], $0x5800  }
0xce: {  	p0 =	sne.s32 s6, $0x5800;
	[sflag:s0] =	ssyncset.done $0x0  }
.Ltmp0:
0xcf: {  	s7 =	sadd.s32 $0xB00, s7;
	[sflag:s0] =	ssyncadd.s32 $0xFFFFA800;
	(pc) =	sbr.rel @p0 .LBB2_2-.Ltmp0, $4  }
0xd0: {  	[hbm4b:s7+s3] =	stream.linear.scatter [tilespmem:s20], [sflag:$0x3], $0x5800, $0x38;
	[tilespmem:$0xB480] =	vst v63  }
0xd1: {  	_ =	swait.ge [sflag:s8], $0x5800  }
0xd2: {  	[sflag:s8] =	ssyncset.done $0x0  }
0xd3: {  	s6 =	sadd.s32 $0x1600, s6;
	s5 =	sadd.s32 $0xB0, s5;
	[sflag:s8] =	ssyncadd.s32 $0xFFFFA800  }
0xd4: {  	v3 =	vld [tilespmem:$0x3C8];
	_ =	sdelay $0x4  }
0xd5: {  	v4 =	vshll.u32 v3, $0x1  }
0xd6: {  	v3 =	vand.u32 $0x7, v3;
	v4 =	vand.u32 $0xFFFFFFF0, v4  }
0xd7: {  	v3 =	vor.u32 v3, v4  }
0xd8: {  	v4 =	vperm.xlane v3, v0;
	_ =	sdelay $0x1  }
0xd9: {  	v3 =	vperm.xlane v3, v2;
	v4 =	vadd.s32 v1, v4;
	_ =	sdelay $0x1  }
0xda: {  	v3 =	vadd.s32 v1, v3;
	_ =	sdelay $0x2  }
0xdb: {  	[tilespmem:s20], [sflag:$0x2] =	stream.indirect_vreg.gather [hbm4b:s2+s3], $0x80, v4, vm0, $0xb8;
	[tilespmem:$0xB480] =	vst v63  }
0xdc: {  	_ = 	snop  }
0xdd: {  	[tilespmem:s21], [sflag:$0x2] =	stream.indirect_vreg.gather [hbm4b:s2+s3], $0x80, v3, vm0, $0xb8;
	[tilespmem:$0xB480] =	vst v63  }
0xde: {  	v3 =	vld [tilespmem:$0x3D8];
	_ =	sdelay $0x4  }
0xdf: {  	v59 =	vshll.u32 v3, $0x1  }
0xe0: {  	v3 =	vand.u32 $0x7, v3;
	v4 =	vand.u32 $0xFFFFFFF0, v59  }
0xe1: {  	v3 =	vor.u32 v3, v4  }
0xe2: {  	v4 =	vperm.xlane v3, v0;
	_ =	sdelay $0x1  }
0xe3: {  	v3 =	vperm.xlane v3, v2;
	v4 =	vadd.s32 v1, v4;
	_ =	sdelay $0x1  }
0xe4: {  	v3 =	vadd.s32 v1, v3;
	_ =	sdelay $0x2  }
0xe5: {  	[tilespmem:s22], [sflag:$0x2] =	stream.indirect_vreg.gather [hbm4b:s2+s3], $0x80, v4, vm0, $0xb8;
	[tilespmem:$0xB480] =	vst v63  }
0xe6: {  	_ = 	snop  }
0xe7: {  	[tilespmem:s23], [sflag:$0x2] =	stream.indirect_vreg.gather [hbm4b:s2+s3], $0x80, v3, vm0, $0xb8;
	[tilespmem:$0xB480] =	vst v63  }
0xe8: {  	v3 =	vld [tilespmem:$0x3E8];
	_ =	sdelay $0x4  }
0xe9: {  	v60 =	vshll.u32 v3, $0x1  }
0xea: {  	v3 =	vand.u32 $0x7, v3;
	v4 =	vand.u32 $0xFFFFFFF0, v60  }
0xeb: {  	v3 =	vor.u32 v3, v4  }
0xec: {  	v4 =	vperm.xlane v3, v0;
	_ =	sdelay $0x1  }
0xed: {  	v3 =	vperm.xlane v3, v2;
	v4 =	vadd.s32 v1, v4;
	_ =	sdelay $0x1  }
0xee: {  	v3 =	vadd.s32 v1, v3;
	_ =	sdelay $0x2  }
0xef: {  	[tilespmem:s24], [sflag:$0x2] =	stream.indirect_vreg.gather [hbm4b:s2+s3], $0x80, v4, vm0, $0xb8;
	[tilespmem:$0xB480] =	vst v63  }
0xf0: {  	_ = 	snop  }
0xf1: {  	[tilespmem:s25], [sflag:$0x2] =	stream.indirect_vreg.gather [hbm4b:s2+s3], $0x80, v3, vm0, $0xb8;
	[tilespmem:$0xB480] =	vst v63  }
0xf2: {  	v3 =	vld [tilespmem:$0x3F8];
	_ =	sdelay $0x4  }
0xf3: {  	v61 =	vshll.u32 v3, $0x1  }
0xf4: {  	v3 =	vand.u32 $0x7, v3;
	v4 =	vand.u32 $0xFFFFFFF0, v61  }
0xf5: {  	v3 =	vor.u32 v3, v4  }
0xf6: {  	v4 =	vperm.xlane v3, v0;
	_ =	sdelay $0x1  }
0xf7: {  	v3 =	vperm.xlane v3, v2;
	v4 =	vadd.s32 v1, v4;
	_ =	sdelay $0x1  }
0xf8: {  	v3 =	vadd.s32 v1, v3;
	_ =	sdelay $0x2  }
0xf9: {  	[tilespmem:s26], [sflag:$0x2] =	stream.indirect_vreg.gather [hbm4b:s2+s3], $0x80, v4, vm0, $0xb8;
	[tilespmem:$0xB480] =	vst v63  }
0xfa: {  	_ = 	snop  }
0xfb: {  	[tilespmem:s28], [sflag:$0x2] =	stream.indirect_vreg.gather [hbm4b:s2+s3], $0x80, v3, vm0, $0xb8;
	[tilespmem:$0xB480] =	vst v63  }
0xfc: {  	v3 =	vld [tilespmem:$0x408];
	_ =	sdelay $0x4  }
0xfd: {  	v62 =	vshll.u32 v3, $0x1  }
0xfe: {  	v3 =	vand.u32 $0x7, v3;
	v4 =	vand.u32 $0xFFFFFFF0, v62  }
0xff: {  	v3 =	vor.u32 v3, v4  }
0x100: {  	v4 =	vperm.xlane v3, v0;
	_ =	sdelay $0x1  }
0x101: {  	v3 =	vperm.xlane v3, v2;
	v4 =	vadd.s32 v1, v4;
	_ =	sdelay $0x1  }
0x102: {  	v3 =	vadd.s32 v1, v3;
	_ =	sdelay $0x2  }
0x103: {  	[tilespmem:s29], [sflag:$0x2] =	stream.indirect_vreg.gather [hbm4b:s2+s3], $0x80, v4, vm0, $0xb8;
	[tilespmem:$0xB480] =	vst v63  }
0x104: {  	_ = 	snop  }
0x105: {  	[tilespmem:s30], [sflag:$0x2] =	stream.indirect_vreg.gather [hbm4b:s2+s3], $0x80, v3, vm0, $0xb8;
	[tilespmem:$0xB480] =	vst v63  }
0x106: {  	v3 =	vld.msk [tilespmem:$0x418], $0xff;
	_ =	sdelay $0x4  }
0x107: {  	v63 =	vshll.u32 v3, $0x1  }
0x108: {  	v3 =	vand.u32 $0x7, v3;
	v4 =	vand.u32 $0xFFFFFFF0, v63  }
0x109: {  	v3 =	vor.u32 v3, v4  }
0x10a: {  	v3 =	vperm.xlane v3, v0;
	_ =	sdelay $0x1  }
0x10b: {  	v3 =	vadd.s32 v1, v3;
	_ =	sdelay $0x4  }
0x10c: {  	[tilespmem:s31], [sflag:$0x2] =	stream.indirect_vreg.gather [hbm4b:s2+s3], $0x80, v3, vm0, $0xb8;
	[tilespmem:$0xB480] =	vst v63  }
0x10d: {  	_ =	swait.ge [sflag:s1], $0x5800  }
0x10e: {  	[sflag:s1] =	ssyncset.done $0x0  }
0x10f: {  	s5 =	rddreg [dreg:$0x5];
	[sflag:s1] =	ssyncadd.s32 $0xFFFFA800  }
0x110: {  	[hbm4b:s5+s3] =	stream.linear.scatter [tilespmem:s9], [sflag:$0x3], $0x5800, $0x38;
	[tilespmem:$0xB480] =	vst v63  }
0x111: {  	_ =	swait.ge [sflag:s8], $0x5800  }
0x112: {  	[sflag:s8] =	ssyncset.done $0x0  }
0x113: {  	[sflag:s8] =	ssyncadd.s32 $0xFFFFA800  }
0x114: {  	_ =	swait.ge [sflag:s0], $0x5800  }
0x115: {  	[sflag:s0] =	ssyncset.done $0x0  }
0x116: {  	s6 =	rddreg [dreg:$0x6];
	[sflag:s0] =	ssyncadd.s32 $0xFFFFA800  }
0x117: {  	[hbm4b:s6+s3] =	stream.linear.scatter [tilespmem:s20], [sflag:$0x3], $0x5800, $0x38;
	[tilespmem:$0xB480] =	vst v63  }
0x118: {  	_ =	swait.ge [sflag:s8], $0x5800  }
0x119: {  	s4 =	sadd.s32 $0x1, s4;
	s7 =	rddreg [dreg:$0x7]  }
0x11a: {  	p0 =	sne.s32 s4, s7  }
.Ltmp1:
0x11b: {  	_ = 	snop;
	(pc) =	sbr.rel @p0 .LBB2_1-.Ltmp1, $3  }
0x11c: {  	_ =	sdelay $0x1  }
0x11d: {  	[sflag:s8] =	ssyncset.done $0x0  }
0x11e: {  	[sflag:s8] =	ssyncadd.s32 $0xFFFFA800  }
0x11f: {  	_ =	sfence.sel $0x180000  }
0x120: {  	[bflag:$0x0] =	sbarrier.arrive $0xFFFF  }
0x121: {  	_ =	strace $0x90000056  }
0x122: {  	s0 =	stileid.u32;
	[bflag:$0x2] =	sbarrier.arrive $0xFFFF  }
0x123: {  	p0 =	sne.s32 s0, $0x0;
	s0 =	rddreg [dreg:$0x2]  }
0x124: {  	s0 =	sadd.s32 @!p0 $0x100000, s0  }
0x125: {  	[sflag:s0] =	ssyncadd.tile.s32 @!p0 $0x1;
	_ =	shalt  }
.Lfunc_end2:
_tile_overlayer_lowered:
.L_overlay_start_2:
0x126: {  	(tag) =	ssettag $0x2  }
0x127: {  	s0 =	rddreg [dreg:$0x0];
	s2 =	stileid.u32  }
0x128: {  	s1 =	rddreg [dreg:$0x1];
	p0 =	sne.s32 s2, $0x0  }
0x129: {  	s3 =	rddreg [dreg:$0x2];
	[bflag:$0x3] =	sbarrier.arrive $0xFFFF;
	s2 =	simm.s32 @!p0 $0x1C03  }
0x12a: {  	[timem:s3], [sflag:s2] =	dma.local @!p0 [hbm:s0], s1  }
0x12b: {  	s0 =	simm.s32 @!p0 $0x3  }
0x12c: {  	_ =	swait.ge @!p0 [sflag:s0], s1  }
0x12d: {  	s1 =	ssub.s32 @!p0 $0x0, s1;
	[sflag:s0] =	ssyncset.done @!p0 $0x0  }
0x12e: {  	[sflag:s0] =	ssyncadd.s32 @!p0 s1  }
0x12f: {  	[bflag:$0x3] =	sbarrier.arrive $0xFFFF  }
0x130: {  	_ =	shalt  }

// kernel: kernel.36.cloned.1.call-start
scs
__scs_entry_jumppad:
0x0: {  	(pc) =	sbr.rel $0x88, $3  }
0x1: {  	(tag) =	ssettag $0x0;
	lr =	simm.s32 $0x1  }
0x2: {  	[smem:$0x3F94] =	sst lr;
	_ =	strace $0xD0000000  }
0x3: {  	_ = 	snop  }
0x4: {  	_ = 	snop  }
0x5: {  	_ = 	snop  }
0x6: {  	_ = 	snop  }
0x7: {  	_ = 	snop  }
__scs_overlays_trampoline_lowered:
0x8: {  	[smem:$0x3FA3] =	sst s0  }
0x9: {  	[smem:$0x3FA4] =	sst s1  }
0xa: {  	[smem:$0x3FA5] =	sst s2  }
0xb: {  	[smem:$0x3FA6] =	sst s3  }
0xc: {  	[smem:$0x3FA7] =	sst s4  }
0xd: {  	[smem:$0x3FA8] =	sst s5  }
0xe: {  	[smem:$0x3FA9] =	sst s6  }
0xf: {  	[smem:$0x3FAA] =	sst s7  }
0x10: {  	[smem:$0x3FAB] =	sst s8  }
0x11: {  	[smem:$0x3FAC] =	sst s9;
	s0 =	simm.s32 @!p0 $0x0  }
0x12: {  	s1 =	sld [smem:$0x3F92];
	s0 =	simm.s32 @p0 $0x1  }
0x13: {  	[smem:$0x3FAD] =	sst s0;
	s0 =	simm.s32 @!p1 $0x0  }
0x14: {  	s2 =	sld [smem:$0x3F91];
	s0 =	simm.s32 @p1 $0x1  }
0x15: {  	[smem:$0x3FAE] =	sst s0;
	s0 =	simm.s32 @!p2 $0x0  }
0x16: {  	s3 =	sld [smem:$0x3FDB];
	s0 =	simm.s32 @p2 $0x1  }
0x17: {  	s4 =	simm.s32 $0x1BF5;
	[smem:$0x3FB0] =	sst s0  }
0x18: {  	s0 =	sld [smem:$0x3F93];
	_ =	swait.ge [sflag:s4], $0x0  }
0x19: {  	s7 =	sld [smem:$0x3F94]  }
0x1a: {  	s8 =	sadd.s32 $0xFFFFE003, lr  }
0x1b: {  	s9 =	sadd.s32 $0xFFFFFEF7, lr;
	s5 =	simm.s32 $0xFFFFFFFF;
	p2 =	slt.u32 s8, $0xFFFFF086  }
0x1c: {  	p1 =	slt.u32 s9, $0xF7A;
	s5 =	simm.s32 @!p2 $0x0  }
0x1d: {  	s5 =	simm.s32 @p1 $0x1;
	p0 =	seq.s32 s7, s2  }
0x1e: {  	s7 =	smul.u32 @!p0 $0xF7A, s2;
	p2 =	seq.s32 @!p0 s5, $0x0  }
0x1f: {  	s9 =	smul.u32 $0xF7A, s1;
	s8 =	simm.s32 @!p0 $0x1BF5;
	p2 =	por !p2, p0  }
0x20: {  	[sflag:s8] =	ssyncset.s32 @!p0 $0xFFFFF086;
	s6 =	sadd.s32 @!p0 s3, s7;
	s7 =	simm.s32 @!p0 $0x108  }
0x21: {  	s3 =	sadd.s32 s3, s9;
	s6 =	sadd.s32 @!p0 $0x88, s6;
	s7 =	simm.s32 @p2 $0x1082  }
0x22: {  	[simem:s7], [sflag:s8] =	dma.local @!p0 [hbm:s6], $0xF7A  }
0x23: {  	s9 =	sor.u32 $0xD0000000, s2;
	s6 =	simm.s32 $0x108;
	_ =	swait.ge @!p0 [sflag:s8], $0x0  }
0x24: {  	s3 =	sadd.s32 $0x88, s3;
	s6 =	simm.s32 @!p1 $0x1082;
	[sflag:s4] =	ssyncset.s32 $0xFFFFF086  }
0x25: {  	[simem:s6], [sflag:s4] =	dma.local [hbm:s3], $0xF7A  }
0x26: {  	[smem:$0x3F94] =	sst s1;
	(tag) =	ssettag s2;
	_ =	strace s9  }
0x27: {  	s1 =	sld [smem:$0x3FA4]  }
0x28: {  	s2 =	sld [smem:$0x3FA5]  }
0x29: {  	s4 =	sld [smem:$0x3FA7]  }
0x2a: {  	p0 =	seq.s32 s5, $0x0;
	s5 =	sld [smem:$0x3FA8]  }
0x2b: {  	s6 =	sld [smem:$0x3FA9]  }
0x2c: {  	s7 =	sld [smem:$0x3FAA]  }
0x2d: {  	s3 =	simm.s32 $0x108;
	s8 =	sld [smem:$0x3FAB]  }
0x2e: {  	s3 =	simm.s32 @!p0 $0x1082;
	s9 =	sld [smem:$0x3FAC]  }
0x2f: {  	lr =	sadd.s32 s0, s3;
	s0 =	sld [smem:$0x3FA3]  }
0x30: {  	s3 =	sld [smem:$0x3FA6]  }
0x31: {  	[smem:$0x3FAF] =	sst s10  }
0x32: {  	s10 =	sld [smem:$0x3FAD];
	_ =	sdelay $0x3  }
0x33: {  	p0 =	seq.s32 s10, $0x1;
	s10 =	sld [smem:$0x3FAF];
	_ =	sdelay $0x3  }
0x34: {  	[smem:$0x3FAF] =	sst s10  }
0x35: {  	s10 =	sld [smem:$0x3FAE];
	_ =	sdelay $0x3  }
0x36: {  	p1 =	seq.s32 s10, $0x1;
	s10 =	sld [smem:$0x3FAF];
	_ =	sdelay $0x3  }
0x37: {  	[smem:$0x3FAF] =	sst s10  }
0x38: {  	s10 =	sld [smem:$0x3FB0]  }
0x39: {  	_ = 	snop;
	(pc) =	sbr.ind lr, $3  }
0x3a: {  	_ = 	snop  }
0x3b: {  	_ = 	snop  }
0x3c: {  	p2 =	seq.s32 s10, $0x1;
	s10 =	sld [smem:$0x3FAF]  }
0x3d: {  	_ =	shalt  }
0x3e: {  	_ =	shalt  }
0x3f: {  	_ =	shalt  }
0x40: {  	_ =	shalt  }
0x41: {  	_ =	shalt  }
0x42: {  	_ =	shalt  }
0x43: {  	_ =	shalt  }
0x44: {  	_ =	shalt  }
0x45: {  	_ =	shalt  }
0x46: {  	_ =	shalt  }
0x47: {  	_ =	shalt  }
0x48: {  	_ =	shalt  }
0x49: {  	_ =	shalt  }
0x4a: {  	_ =	shalt  }
0x4b: {  	_ =	shalt  }
0x4c: {  	_ =	shalt  }
0x4d: {  	_ =	shalt  }
0x4e: {  	_ =	shalt  }
0x4f: {  	_ =	shalt  }
0x50: {  	_ =	shalt  }
0x51: {  	_ =	shalt  }
0x52: {  	_ =	shalt  }
0x53: {  	_ =	shalt  }
0x54: {  	_ =	shalt  }
0x55: {  	_ =	shalt  }
0x56: {  	_ =	shalt  }
0x57: {  	_ =	shalt  }
0x58: {  	_ =	shalt  }
0x59: {  	_ =	shalt  }
0x5a: {  	_ =	shalt  }
0x5b: {  	_ =	shalt  }
0x5c: {  	_ =	shalt  }
0x5d: {  	_ =	shalt  }
0x5e: {  	_ =	shalt  }
0x5f: {  	_ =	shalt  }
0x60: {  	_ =	shalt  }
0x61: {  	_ =	shalt  }
0x62: {  	_ =	shalt  }
0x63: {  	_ =	shalt  }
0x64: {  	_ =	shalt  }
0x65: {  	_ =	shalt  }
0x66: {  	_ =	shalt  }
0x67: {  	_ =	shalt  }
0x68: {  	_ =	shalt  }
0x69: {  	_ =	shalt  }
0x6a: {  	_ =	shalt  }
0x6b: {  	_ =	shalt  }
0x6c: {  	_ =	shalt  }
0x6d: {  	_ =	shalt  }
0x6e: {  	_ =	shalt  }
0x6f: {  	_ =	shalt  }
0x70: {  	_ =	shalt  }
0x71: {  	_ =	shalt  }
0x72: {  	_ =	shalt  }
0x73: {  	_ =	shalt  }
0x74: {  	_ =	shalt  }
0x75: {  	_ =	shalt  }
0x76: {  	_ =	shalt  }
0x77: {  	_ =	shalt  }
0x78: {  	_ =	shalt  }
0x79: {  	_ =	shalt  }
0x7a: {  	_ =	shalt  }
0x7b: {  	_ =	shalt  }
0x7c: {  	_ =	shalt  }
0x7d: {  	_ =	shalt  }
0x7e: {  	_ =	shalt  }
0x7f: {  	_ =	shalt  }
0x80: {  	_ =	shalt  }
0x81: {  	_ =	shalt  }
0x82: {  	_ =	shalt  }
0x83: {  	_ =	shalt  }
0x84: {  	_ =	shalt  }
0x85: {  	_ =	shalt  }
0x86: {  	_ =	shalt  }
0x87: {  	_ =	shalt  }
.Lfunc_end0:
.L_simem_size_0:
called_computation.6_lowered:
.L_overlay_start_0:
0x88: {  	s2 =	sld [smem:$0x3FD9]  }
0x89: {  	s3 =	sld [smem:$0x3FFE];
	_ =	sdelay $0x1  }
0x8a: {  	s1 =	srdreg.scid  }
0x8b: {  	s0 =	sand.u32 $0x1, s1  }
0x8c: {  	s17 =	sshll.u32 s0, $0xA;
	s2 =	sadd.s32 s3, s2  }
0x8d: {  	s2 =	sadd.s32 s2, s17  }
0x8e: {  	[smem:$0x3FBB] =	sst s2  }
0x8f: {  	_ = 	snop  }
0x90: {  	s18 =	sld [smem:$0x3FC5];
	(tm) =	ssettm $0x1  }
0x91: {  	s19 =	sld [smem:$0x3FFB];
	_ =	sdelay $0x3  }
0x92: {  	_ =	strace s19  }
0x93: {  	s2 =	sld [smem:$0x3FFC];
	_ =	sdelay $0x3  }
0x94: {  	_ =	strace s2  }
0x95: {  	s2 =	sld [smem:$0x3FFD];
	_ =	sdelay $0x3  }
0x96: {  	_ =	strace s2  }
0x97: {  	_ =	strace $0x8FFFFFFF  }
0x98: {  	s20 =	sld [smem:$0x3FDB];
	_ =	sdelay $0x1  }
0x99: {  	s4 =	simm.s32 $_scs_section_size  }
0x9a: {  	s5 =	simm.s32 $_size__tile_overlayer_lowered;
	s6 =	simm.s32 $_tile_overlayer_lowered  }
0x9b: {  	s7 =	simm.s32 $0x1BFF;
	s21 =	sshll.u32 s6, $0x1;
	s4 =	sadd.s32 s4, s20  }
0x9c: {  	s22 =	simm.s32 $0x0;
	s5 =	sshll.u32 s5, $0x1;
	s6 =	sadd.s32 s21, s4  }
0x9d: {  	[timem:s22], [sflag:s7] =	dma.local [hbm:s6], s5  }
0x9e: {  	_ =	swait.ge [sflag:s7], s5  }
0x9f: {  	s5 =	ssub.s32 $0x0, s5;
	[sflag:s7] =	ssyncset.done $0x0  }
0xa0: {  	[sflag:s7] =	ssyncadd.s32 s5;
	_ =	sdelay $0x1  }
0xa1: {  	s23 =	simm.s32 $0x1B8B  }
0xa2: {  	_ =	swait.ge [sflag:s23], $0x1  }
0xa3: {  	[sflag:s23] =	ssyncset.done $0x0  }
0xa4: {  	[sflag:s23] =	ssyncadd.s32 $0xFFFFFFFF  }
0xa5: {  	s5 =	sld [smem:$0x0]  }
0xa6: {  	s6 =	sand.u32 $0xFFFFFFFE, s1  }
0xa7: {  	p0 =	sne.s32 s1, s6  }
0xa8: {  	s6 =	sshll.u32 @p0 s6, $0xE  }
0xa9: {  	s6 =	sadd.s32 @p0 $0x11B8D, s6;
	s7 =	sshll.u32 @p0 s5, $0x11  }
0xaa: {  	s6 =	sor.u32 @p0 s7, s6  }
0xab: {  	[sflag:s6] =	ssyncadd.remote.s32 @p0 $0x1;
	_ =	sdelay $0x1  }
0xac: {  	s6 =	simm.s32 @p0 $0x1B8D  }
0xad: {  	_ =	swait.eq @p0 [sflag:s6], $0x1  }
0xae: {  	[sflag:s6] =	ssyncadd.s32 @p0 $0xFFFFFFFF  }
0xaf: {  	s7 =	sshll.u32 @!p0 s1, $0xE  }
0xb0: {  	s7 =	sor.u32 @!p0 $0x4000, s7;
	s6 =	simm.s32 @!p0 $0x1B8D  }
0xb1: {  	s5 =	sshll.u32 @!p0 s5, $0x11;
	s7 =	sadd.s32 @!p0 $0x11B8D, s7;
	_ =	swait.eq @!p0 [sflag:s6], $0x1  }
0xb2: {  	s5 =	sor.u32 @!p0 s5, s7;
	[sflag:s6] =	ssyncadd.s32 @!p0 $0xFFFFFFFF  }
0xb3: {  	s25 =	simm.s32 $0x1B8E;
	s24 =	sld [smem:$0x3FFE];
	[sflag:s5] =	ssyncadd.remote.s32 @!p0 $0x1  }
0xb4: {  	s26 =	simm.s32 $execute0_lowered;
	[smem:$0x3FD2] =	sst s25  }
0xb5: {  	s6 =	sshll.u32 s26, $0x1;
	_ =	strace $0x80000058;
	[dreg:$0x1] =	wrdreg $0xFFFFFFFF  }
0xb6: {  	s28 =	simm.s32 $_size_execute0_lowered;
	s4 =	sadd.s32 s4, s6;
	[dreg:$0x0] =	wrdreg $0x0  }
0xb7: {  	s6 =	sshll.u32 s28, $0x1;
	[dreg:$0x2] =	wrdreg s4  }
0xb8: {  	[dreg:$0x3] =	wrdreg s6  }
0xb9: {  	[dreg:$0x4] =	wrdreg $0xC0  }
0xba: {  	_ =	task [dreg:s22], $0x5FFFF  }
0xbb: {  	[dreg:$0x1] =	wrdreg $0xFFFFFFFF  }
0xbc: {  	[dreg:$0x0] =	wrdreg $0x60  }
0xbd: {  	[dreg:$0x2] =	wrdreg s18  }
0xbe: {  	[dreg:$0x3] =	wrdreg s24  }
0xbf: {  	[dreg:$0x4] =	wrdreg $0xF  }
0xc0: {  	_ =	task.clear_ibuf [dreg:s22], $0x5FFFF;
	_ =	strace $0x90000058  }
0xc1: {  	s29 =	simm.s32 $0xF;
	_ =	strace $0x8000005A  }
0xc2: {  	_ =	swait.ge [sflag:s29], $0x1  }
0xc3: {  	[sflag:s29] =	ssyncadd.s32 $0xFFFFFFFF  }
0xc4: {  	_ =	strace $0x9000005A  }
0xc5: {  	_ =	sfence  }
0xc6: {  	s30 =	sld [smem:$0x0];
	_ =	sdelay $0x2  }
0xc7: {  	s31 =	sshll.u32 s1, $0xD;
	s1 =	sshrl.u32 s1, $0x2  }
0xc8: {  	s4 =	sand.u32 $0x4000, s31;
	s1 =	sadd.s32 s1, s30  }
0xc9: {  	s0 =	sor.u32 s4, s0;
	s1 =	sshll.u32 s1, $0x11  }
0xca: {  	s0 =	sor.u32 s1, s0  }
0xcb: {  	s0 =	sadd.s32 $0x8F2B, s0  }
0xcc: {  	[sflag:s0] =	ssyncadd.remote.s32 $0x1  }
0xcd: {  	_ =	sfence.sel $0xFFFF  }
0xce: {  	[dreg:$0x0] =	wrdreg $0xFFFFFFFF;
	(pc) =	sbr.abs _section_cstart, $3  }
0xcf: {  	[dreg:$0x1] =	wrdreg $0xFFFFFFFF  }
0xd0: {  	_ =	task.clear_ibuf [dreg:s22], $0x2FFFF;
	_ =	strace $0x9FFFFFFF  }
0xd1: {  	(tm) =	ssettm $0x7FFFFFFF  }
tec
execute0_lowered:
.L_overlay_start_1:
0x0: {  	(tag) =	ssettag $0x1  }
0x1: {  	s0 =	srdreg.scid;
	s2 =	rddreg [dreg:$0x0]  }
0x2: {  	s8 =	stileid.u32;
	s4 =	rddreg [dreg:$0x1];
	s3 =	simm.s32 $0x0  }
0x3: {  	s9 =	simm.s32 $0x480;
	s10 =	simm.s32 $0xC80;
	s11 =	simm.s32 $0x1480  }
0x4: {  	s12 =	simm.s32 $0x1C80;
	s13 =	simm.s32 $0x2480;
	s14 =	simm.s32 $0x2C80  }
0x5: {  	s15 =	simm.s32 $0x3480;
	s16 =	simm.s32 $0x3C80;
	s17 =	simm.s32 $0x4480  }
0x6: {  	s18 =	simm.s32 $0x4C80;
	s19 =	simm.s32 $0x5480;
	s20 =	simm.s32 $0x5C80  }
0x7: {  	s21 =	simm.s32 $0x6480;
	s22 =	simm.s32 $0x6C80;
	s23 =	simm.s32 $0x7480  }
0x8: {  	s24 =	simm.s32 $0x7C80;
	s0 =	sand.u32 $0x1, s0;
	s1 =	sshll.u32 s8, $0x1  }
0x9: {  	s28 =	simm.s32 $0x9480;
	s29 =	simm.s32 $0x9C80;
	s1 =	sor.u32 s0, s1  }
0xa: {  	s30 =	simm.s32 $0xA480;
	s31 =	simm.s32 $0xAC80;
	s5 =	smul.u32 $0x420, s1  }
0xb: {  	[smem:$0x7FF] =	sst s3;
	s6 =	ssub.s32 $0x2, s0;
	s1 =	smul.u32 $0x42000, s1  }
0xc: {  	s8 =	smul.u32 $0x10800, s8;
	_ =	strace $0x80000059;
	s7 =	sshrl.u32 s6, $0x1  }
0xd: {  	s6 =	ssub.s32 s6, s7;
	s5 =	sshrl.u32 s5, $0x3;
	s1 =	sshrl.u32 s1, $0x3  }
0xe: {  	s26 =	smax.u32 s6, $0x1;
	s5 =	sadd.s32 s5, s4;
	s4 =	sadd.s32 $0x640000, s4  }
0xf: {  	[dreg:$0x7] =	wrdreg s26;
	s1 =	sadd.s32 s4, s1;
	s5 =	sadd.s32 $0x7800, s5  }
0x10: {  	s0 =	smul.u32 $0x8400, s0;
	[dreg:$0x4] =	wrdreg s5;
	s25 =	sadd.s32 $0x6E00, s1  }
0x11: {  	s4 =	sadd.s32 s8, s4;
	s1 =	sadd.s32 $0x7900, s1;
	[dreg:$0x5] =	wrdreg s25  }
0x12: {  	v2 =	vlaneseq.u32;
	s26 =	simm.s32 $0x8C80;
	s0 =	sadd.s32 s0, s4;
	[dreg:$0x6] =	wrdreg s1  }
0x13: {  	vm0 =	vmmov $0xffff;
	v1 =	vshrl.u32 v2, $0x3;
	s8 =	simm.s32 $0x3;
	s4 =	simm.s32 $0x0;
	[dreg:$0x3] =	wrdreg s0  }
0x14: {  	v0 =	vand.u32 $0x7, v2;
	v2 =	vor.u32 $0x8, v2;
	v1 =	vmul.u32 $0x8, v1;
	s25 =	simm.s32 $0x8480;
	s1 =	simm.s32 $0x1;
	s0 =	simm.s32 $0x2  }
.LBB2_1:
0x15: {  	s5 =	rddreg [dreg:$0x4]  }
0x16: {  	[tilespmem:s3], [sflag:$0x3] =	stream.linear.gather [hbm4b:s5+s3], $0x420, $0x38;
	[tilespmem:$0xB480] =	vst v63  }
0x17: {  	_ =	swait.ge [sflag:s8], $0x420  }
0x18: {  	[sflag:s8] =	ssyncset.done $0x0  }
0x19: {  	[sflag:s8] =	ssyncadd.s32 $0xFFFFFBE0  }
0x1a: {  	v3 =	vld [tilespmem:$0x0];
	_ =	sdelay $0x4  }
0x1b: {  	v4 =	vshll.u32 v3, $0x1  }
0x1c: {  	v3 =	vand.u32 $0x7, v3;
	v4 =	vand.u32 $0xFFFFFFF0, v4  }
0x1d: {  	v3 =	vor.u32 v3, v4  }
0x1e: {  	v4 =	vperm.xlane v3, v0;
	_ =	sdelay $0x1  }
0x1f: {  	v3 =	vperm.xlane v3, v2;
	v4 =	vadd.s32 v1, v4;
	_ =	sdelay $0x1  }
0x20: {  	v3 =	vadd.s32 v1, v3;
	_ =	sdelay $0x2  }
0x21: {  	[tilespmem:s9], [sflag:$0x1] =	stream.indirect_vreg.gather [hbm4b:s2+s3], $0x80, v4, vm0, $0xb8;
	[tilespmem:$0xB480] =	vst v63  }
0x22: {  	_ = 	snop  }
0x23: {  	[tilespmem:s10], [sflag:$0x1] =	stream.indirect_vreg.gather [hbm4b:s2+s3], $0x80, v3, vm0, $0xb8;
	[tilespmem:$0xB480] =	vst v63  }
0x24: {  	v3 =	vld [tilespmem:$0x10];
	_ =	sdelay $0x4  }
0x25: {  	v59 =	vshll.u32 v3, $0x1  }
0x26: {  	v3 =	vand.u32 $0x7, v3;
	v4 =	vand.u32 $0xFFFFFFF0, v59  }
0x27: {  	v3 =	vor.u32 v3, v4  }
0x28: {  	v4 =	vperm.xlane v3, v0;
	_ =	sdelay $0x1  }
0x29: {  	v3 =	vperm.xlane v3, v2;
	v4 =	vadd.s32 v1, v4;
	_ =	sdelay $0x1  }
0x2a: {  	v3 =	vadd.s32 v1, v3;
	_ =	sdelay $0x2  }
0x2b: {  	[tilespmem:s11], [sflag:$0x1] =	stream.indirect_vreg.gather [hbm4b:s2+s3], $0x80, v4, vm0, $0xb8;
	[tilespmem:$0xB480] =	vst v63  }
0x2c: {  	_ = 	snop  }
0x2d: {  	[tilespmem:s12], [sflag:$0x1] =	stream.indirect_vreg.gather [hbm4b:s2+s3], $0x80, v3, vm0, $0xb8;
	[tilespmem:$0xB480] =	vst v63  }
0x2e: {  	v3 =	vld [tilespmem:$0x20];
	_ =	sdelay $0x4  }
0x2f: {  	v60 =	vshll.u32 v3, $0x1  }
0x30: {  	v3 =	vand.u32 $0x7, v3;
	v4 =	vand.u32 $0xFFFFFFF0, v60  }
0x31: {  	v3 =	vor.u32 v3, v4  }
0x32: {  	v4 =	vperm.xlane v3, v0;
	_ =	sdelay $0x1  }
0x33: {  	v3 =	vperm.xlane v3, v2;
	v4 =	vadd.s32 v1, v4;
	_ =	sdelay $0x1  }
0x34: {  	v3 =	vadd.s32 v1, v3;
	_ =	sdelay $0x2  }
0x35: {  	[tilespmem:s13], [sflag:$0x1] =	stream.indirect_vreg.gather [hbm4b:s2+s3], $0x80, v4, vm0, $0xb8;
	[tilespmem:$0xB480] =	vst v63  }
0x36: {  	_ = 	snop  }
0x37: {  	[tilespmem:s14], [sflag:$0x1] =	stream.indirect_vreg.gather [hbm4b:s2+s3], $0x80, v3, vm0, $0xb8;
	[tilespmem:$0xB480] =	vst v63  }
0x38: {  	v3 =	vld [tilespmem:$0x30];
	_ =	sdelay $0x4  }
0x39: {  	v61 =	vshll.u32 v3, $0x1  }
0x3a: {  	v3 =	vand.u32 $0x7, v3;
	v4 =	vand.u32 $0xFFFFFFF0, v61  }
0x3b: {  	v3 =	vor.u32 v3, v4  }
0x3c: {  	v4 =	vperm.xlane v3, v0;
	_ =	sdelay $0x1  }
0x3d: {  	v3 =	vperm.xlane v3, v2;
	v4 =	vadd.s32 v1, v4;
	_ =	sdelay $0x1  }
0x3e: {  	v3 =	vadd.s32 v1, v3;
	_ =	sdelay $0x2  }
0x3f: {  	[tilespmem:s15], [sflag:$0x1] =	stream.indirect_vreg.gather [hbm4b:s2+s3], $0x80, v4, vm0, $0xb8;
	[tilespmem:$0xB480] =	vst v63  }
0x40: {  	_ = 	snop  }
0x41: {  	[tilespmem:s16], [sflag:$0x1] =	stream.indirect_vreg.gather [hbm4b:s2+s3], $0x80, v3, vm0, $0xb8;
	[tilespmem:$0xB480] =	vst v63  }
0x42: {  	v3 =	vld [tilespmem:$0x40];
	_ =	sdelay $0x4  }
0x43: {  	v62 =	vshll.u32 v3, $0x1  }
0x44: {  	v3 =	vand.u32 $0x7, v3;
	v4 =	vand.u32 $0xFFFFFFF0, v62  }
0x45: {  	v3 =	vor.u32 v3, v4  }
0x46: {  	v4 =	vperm.xlane v3, v0;
	_ =	sdelay $0x1  }
0x47: {  	v3 =	vperm.xlane v3, v2;
	v4 =	vadd.s32 v1, v4;
	_ =	sdelay $0x1  }
0x48: {  	v3 =	vadd.s32 v1, v3;
	_ =	sdelay $0x2  }
0x49: {  	[tilespmem:s17], [sflag:$0x1] =	stream.indirect_vreg.gather [hbm4b:s2+s3], $0x80, v4, vm0, $0xb8;
	[tilespmem:$0xB480] =	vst v63  }
0x4a: {  	_ = 	snop  }
0x4b: {  	[tilespmem:s18], [sflag:$0x1] =	stream.indirect_vreg.gather [hbm4b:s2+s3], $0x80, v3, vm0, $0xb8;
	[tilespmem:$0xB480] =	vst v63  }
0x4c: {  	v3 =	vld.msk [tilespmem:$0x50], $0xff;
	_ =	sdelay $0x4  }
0x4d: {  	v63 =	vshll.u32 v3, $0x1  }
0x4e: {  	v3 =	vand.u32 $0x7, v3;
	v4 =	vand.u32 $0xFFFFFFF0, v63  }
0x4f: {  	v3 =	vor.u32 v3, v4  }
0x50: {  	v3 =	vperm.xlane v3, v0;
	_ =	sdelay $0x1  }
0x51: {  	v3 =	vadd.s32 v1, v3;
	_ =	sdelay $0x3  }
0x52: {  	s6 =	simm.s32 $0x0;
	s5 =	simm.s32 $0x88  }
0x53: {  	[tilespmem:s19], [sflag:$0x1] =	stream.indirect_vreg.gather [hbm4b:s2+s3], $0x80, v3, vm0, $0xb8;
	[tilespmem:$0xB480] =	vst v63  }
.LBB2_2:
0x54: {  	v3 =	vld [tilespmem:s5+$0xFFFFFFD0];
	_ =	sdelay $0x4  }
0x55: {  	v4 =	vshll.u32 v3, $0x1  }
0x56: {  	v3 =	vand.u32 $0x7, v3;
	v4 =	vand.u32 $0xFFFFFFF0, v4  }
0x57: {  	v3 =	vor.u32 v3, v4  }
0x58: {  	v4 =	vperm.xlane v3, v0;
	_ =	sdelay $0x1  }
0x59: {  	v3 =	vperm.xlane v3, v2;
	v4 =	vadd.s32 v1, v4;
	_ =	sdelay $0x1  }
0x5a: {  	v3 =	vadd.s32 v1, v3;
	_ =	sdelay $0x2  }
0x5b: {  	[tilespmem:s20], [sflag:$0x2] =	stream.indirect_vreg.gather [hbm4b:s2+s3], $0x80, v4, vm0, $0xb8;
	[tilespmem:$0xB480] =	vst v63  }
0x5c: {  	_ = 	snop  }
0x5d: {  	[tilespmem:s21], [sflag:$0x2] =	stream.indirect_vreg.gather [hbm4b:s2+s3], $0x80, v3, vm0, $0xb8;
	[tilespmem:$0xB480] =	vst v63  }
0x5e: {  	v3 =	vld [tilespmem:s5+$0xFFFFFFE0];
	_ =	sdelay $0x4  }
0x5f: {  	v53 =	vshll.u32 v3, $0x1  }
0x60: {  	v3 =	vand.u32 $0x7, v3;
	v4 =	vand.u32 $0xFFFFFFF0, v53  }
0x61: {  	v3 =	vor.u32 v3, v4  }
0x62: {  	v4 =	vperm.xlane v3, v0;
	_ =	sdelay $0x1  }
0x63: {  	v3 =	vperm.xlane v3, v2;
	v4 =	vadd.s32 v1, v4;
	_ =	sdelay $0x1  }
0x64: {  	v3 =	vadd.s32 v1, v3;
	_ =	sdelay $0x2  }
0x65: {  	[tilespmem:s22], [sflag:$0x2] =	stream.indirect_vreg.gather [hbm4b:s2+s3], $0x80, v4, vm0, $0xb8;
	[tilespmem:$0xB480] =	vst v63  }
0x66: {  	_ = 	snop  }
0x67: {  	[tilespmem:s23], [sflag:$0x2] =	stream.indirect_vreg.gather [hbm4b:s2+s3], $0x80, v3, vm0, $0xb8;
	[tilespmem:$0xB480] =	vst v63  }
0x68: {  	v3 =	vld [tilespmem:s5+$0xFFFFFFF0];
	_ =	sdelay $0x4  }
0x69: {  	v54 =	vshll.u32 v3, $0x1  }
0x6a: {  	v3 =	vand.u32 $0x7, v3;
	v4 =	vand.u32 $0xFFFFFFF0, v54  }
0x6b: {  	v3 =	vor.u32 v3, v4  }
0x6c: {  	v4 =	vperm.xlane v3, v0;
	_ =	sdelay $0x1  }
0x6d: {  	v3 =	vperm.xlane v3, v2;
	v4 =	vadd.s32 v1, v4;
	_ =	sdelay $0x1  }
0x6e: {  	v3 =	vadd.s32 v1, v3;
	_ =	sdelay $0x2  }
0x6f: {  	[tilespmem:s24], [sflag:$0x2] =	stream.indirect_vreg.gather [hbm4b:s2+s3], $0x80, v4, vm0, $0xb8;
	[tilespmem:$0xB480] =	vst v63  }
0x70: {  	_ = 	snop  }
0x71: {  	[tilespmem:s25], [sflag:$0x2] =	stream.indirect_vreg.gather [hbm4b:s2+s3], $0x80, v3, vm0, $0xb8;
	[tilespmem:$0xB480] =	vst v63  }
0x72: {  	v3 =	vld [tilespmem:s5+$0x0];
	_ =	sdelay $0x4  }
0x73: {  	v55 =	vshll.u32 v3, $0x1  }
0x74: {  	v3 =	vand.u32 $0x7, v3;
	v4 =	vand.u32 $0xFFFFFFF0, v55  }
0x75: {  	v3 =	vor.u32 v3, v4  }
0x76: {  	v4 =	vperm.xlane v3, v0;
	_ =	sdelay $0x1  }
0x77: {  	v3 =	vperm.xlane v3, v2;
	v4 =	vadd.s32 v1, v4;
	_ =	sdelay $0x1  }
0x78: {  	v3 =	vadd.s32 v1, v3;
	_ =	sdelay $0x2  }
0x79: {  	[tilespmem:s26], [sflag:$0x2] =	stream.indirect_vreg.gather [hbm4b:s2+s3], $0x80, v4, vm0, $0xb8;
	[tilespmem:$0xB480] =	vst v63  }
0x7a: {  	_ = 	snop  }
0x7b: {  	[tilespmem:s28], [sflag:$0x2] =	stream.indirect_vreg.gather [hbm4b:s2+s3], $0x80, v3, vm0, $0xb8;
	[tilespmem:$0xB480] =	vst v63  }
0x7c: {  	v3 =	vld [tilespmem:s5+$0x10];
	_ =	sdelay $0x4  }
0x7d: {  	v56 =	vshll.u32 v3, $0x1  }
0x7e: {  	v3 =	vand.u32 $0x7, v3;
	v4 =	vand.u32 $0xFFFFFFF0, v56  }
0x7f: {  	v3 =	vor.u32 v3, v4  }
0x80: {  	v4 =	vperm.xlane v3, v0;
	_ =	sdelay $0x1  }
0x81: {  	v3 =	vperm.xlane v3, v2;
	v4 =	vadd.s32 v1, v4;
	_ =	sdelay $0x1  }
0x82: {  	v3 =	vadd.s32 v1, v3;
	_ =	sdelay $0x2  }
0x83: {  	[tilespmem:s29], [sflag:$0x2] =	stream.indirect_vreg.gather [hbm4b:s2+s3], $0x80, v4, vm0, $0xb8;
	[tilespmem:$0xB480] =	vst v63  }
0x84: {  	_ = 	snop  }
0x85: {  	[tilespmem:s30], [sflag:$0x2] =	stream.indirect_vreg.gather [hbm4b:s2+s3], $0x80, v3, vm0, $0xb8;
	[tilespmem:$0xB480] =	vst v63  }
0x86: {  	v3 =	vld.msk [tilespmem:s5+$0x20], $0xff;
	_ =	sdelay $0x4  }
0x87: {  	v57 =	vshll.u32 v3, $0x1  }
0x88: {  	v3 =	vand.u32 $0x7, v3;
	v4 =	vand.u32 $0xFFFFFFF0, v57  }
0x89: {  	v3 =	vor.u32 v3, v4  }
0x8a: {  	v3 =	vperm.xlane v3, v0;
	_ =	sdelay $0x1  }
0x8b: {  	v3 =	vadd.s32 v1, v3;
	_ =	sdelay $0x4  }
0x8c: {  	[tilespmem:s31], [sflag:$0x2] =	stream.indirect_vreg.gather [hbm4b:s2+s3], $0x80, v3, vm0, $0xb8;
	[tilespmem:$0xB480] =	vst v63  }
0x8d: {  	_ =	swait.ge [sflag:s1], $0x5800  }
0x8e: {  	s7 =	rddreg [dreg:$0x3];
	[sflag:s1] =	ssyncset.done $0x0  }
0x8f: {  	[sflag:s1] =	ssyncadd.s32 $0xFFFFA800;
	s7 =	sadd.s32 s6, s7  }
0x90: {  	[hbm4b:s7+s3] =	stream.linear.scatter [tilespmem:s9], [sflag:$0x3], $0x5800, $0x38;
	[tilespmem:$0xB480] =	vst v63  }
0x91: {  	_ =	swait.ge [sflag:s8], $0x5800  }
0x92: {  	[sflag:s8] =	ssyncset.done $0x0  }
0x93: {  	[sflag:s8] =	ssyncadd.s32 $0xFFFFA800  }
0x94: {  	v3 =	vld [tilespmem:s5+$0x28];
	_ =	sdelay $0x4  }
0x95: {  	v58 =	vshll.u32 v3, $0x1  }
0x96: {  	v3 =	vand.u32 $0x7, v3;
	v4 =	vand.u32 $0xFFFFFFF0, v58  }
0x97: {  	v3 =	vor.u32 v3, v4  }
0x98: {  	v4 =	vperm.xlane v3, v0;
	_ =	sdelay $0x1  }
0x99: {  	v3 =	vperm.xlane v3, v2;
	v4 =	vadd.s32 v1, v4;
	_ =	sdelay $0x1  }
0x9a: {  	v3 =	vadd.s32 v1, v3;
	_ =	sdelay $0x2  }
0x9b: {  	[tilespmem:s9], [sflag:$0x1] =	stream.indirect_vreg.gather [hbm4b:s2+s3], $0x80, v4, vm0, $0xb8;
	[tilespmem:$0xB480] =	vst v63  }
0x9c: {  	_ = 	snop  }
0x9d: {  	[tilespmem:s10], [sflag:$0x1] =	stream.indirect_vreg.gather [hbm4b:s2+s3], $0x80, v3, vm0, $0xb8;
	[tilespmem:$0xB480] =	vst v63  }
0x9e: {  	v3 =	vld [tilespmem:s5+$0x38];
	_ =	sdelay $0x4  }
0x9f: {  	v59 =	vshll.u32 v3, $0x1  }
0xa0: {  	v3 =	vand.u32 $0x7, v3;
	v4 =	vand.u32 $0xFFFFFFF0, v59  }
0xa1: {  	v3 =	vor.u32 v3, v4  }
0xa2: {  	v4 =	vperm.xlane v3, v0;
	_ =	sdelay $0x1  }
0xa3: {  	v3 =	vperm.xlane v3, v2;
	v4 =	vadd.s32 v1, v4;
	_ =	sdelay $0x1  }
0xa4: {  	v3 =	vadd.s32 v1, v3;
	_ =	sdelay $0x2  }
0xa5: {  	[tilespmem:s11], [sflag:$0x1] =	stream.indirect_vreg.gather [hbm4b:s2+s3], $0x80, v4, vm0, $0xb8;
	[tilespmem:$0xB480] =	vst v63  }
0xa6: {  	_ = 	snop  }
0xa7: {  	[tilespmem:s12], [sflag:$0x1] =	stream.indirect_vreg.gather [hbm4b:s2+s3], $0x80, v3, vm0, $0xb8;
	[tilespmem:$0xB480] =	vst v63  }
0xa8: {  	v3 =	vld [tilespmem:s5+$0x48];
	_ =	sdelay $0x4  }
0xa9: {  	v60 =	vshll.u32 v3, $0x1  }
0xaa: {  	v3 =	vand.u32 $0x7, v3;
	v4 =	vand.u32 $0xFFFFFFF0, v60  }
0xab: {  	v3 =	vor.u32 v3, v4  }
0xac: {  	v4 =	vperm.xlane v3, v0;
	_ =	sdelay $0x1  }
0xad: {  	v3 =	vperm.xlane v3, v2;
	v4 =	vadd.s32 v1, v4;
	_ =	sdelay $0x1  }
0xae: {  	v3 =	vadd.s32 v1, v3;
	_ =	sdelay $0x2  }
0xaf: {  	[tilespmem:s13], [sflag:$0x1] =	stream.indirect_vreg.gather [hbm4b:s2+s3], $0x80, v4, vm0, $0xb8;
	[tilespmem:$0xB480] =	vst v63  }
0xb0: {  	_ = 	snop  }
0xb1: {  	[tilespmem:s14], [sflag:$0x1] =	stream.indirect_vreg.gather [hbm4b:s2+s3], $0x80, v3, vm0, $0xb8;
	[tilespmem:$0xB480] =	vst v63  }
0xb2: {  	v3 =	vld [tilespmem:s5+$0x58];
	_ =	sdelay $0x4  }
0xb3: {  	v61 =	vshll.u32 v3, $0x1  }
0xb4: {  	v3 =	vand.u32 $0x7, v3;
	v4 =	vand.u32 $0xFFFFFFF0, v61  }
0xb5: {  	v3 =	vor.u32 v3, v4  }
0xb6: {  	v4 =	vperm.xlane v3, v0;
	_ =	sdelay $0x1  }
0xb7: {  	v3 =	vperm.xlane v3, v2;
	v4 =	vadd.s32 v1, v4;
	_ =	sdelay $0x1  }
0xb8: {  	v3 =	vadd.s32 v1, v3;
	_ =	sdelay $0x2  }
0xb9: {  	[tilespmem:s15], [sflag:$0x1] =	stream.indirect_vreg.gather [hbm4b:s2+s3], $0x80, v4, vm0, $0xb8;
	[tilespmem:$0xB480] =	vst v63  }
0xba: {  	_ = 	snop  }
0xbb: {  	[tilespmem:s16], [sflag:$0x1] =	stream.indirect_vreg.gather [hbm4b:s2+s3], $0x80, v3, vm0, $0xb8;
	[tilespmem:$0xB480] =	vst v63  }
0xbc: {  	v3 =	vld [tilespmem:s5+$0x68];
	_ =	sdelay $0x4  }
0xbd: {  	v62 =	vshll.u32 v3, $0x1  }
0xbe: {  	v3 =	vand.u32 $0x7, v3;
	v4 =	vand.u32 $0xFFFFFFF0, v62  }
0xbf: {  	v3 =	vor.u32 v3, v4  }
0xc0: {  	v4 =	vperm.xlane v3, v0;
	_ =	sdelay $0x1  }
0xc1: {  	v3 =	vperm.xlane v3, v2;
	v4 =	vadd.s32 v1, v4;
	_ =	sdelay $0x1  }
0xc2: {  	v3 =	vadd.s32 v1, v3;
	_ =	sdelay $0x2  }
0xc3: {  	[tilespmem:s17], [sflag:$0x1] =	stream.indirect_vreg.gather [hbm4b:s2+s3], $0x80, v4, vm0, $0xb8;
	[tilespmem:$0xB480] =	vst v63  }
0xc4: {  	_ = 	snop  }
0xc5: {  	[tilespmem:s18], [sflag:$0x1] =	stream.indirect_vreg.gather [hbm4b:s2+s3], $0x80, v3, vm0, $0xb8;
	[tilespmem:$0xB480] =	vst v63  }
0xc6: {  	v3 =	vld.msk [tilespmem:s5+$0x78], $0xff;
	_ =	sdelay $0x4  }
0xc7: {  	v63 =	vshll.u32 v3, $0x1  }
0xc8: {  	v3 =	vand.u32 $0x7, v3;
	v4 =	vand.u32 $0xFFFFFFF0, v63  }
0xc9: {  	v3 =	vor.u32 v3, v4  }
0xca: {  	v3 =	vperm.xlane v3, v0;
	_ =	sdelay $0x1  }
0xcb: {  	v3 =	vadd.s32 v1, v3;
	_ =	sdelay $0x4  }
0xcc: {  	[tilespmem:s19], [sflag:$0x1] =	stream.indirect_vreg.gather [hbm4b:s2+s3], $0x80, v3, vm0, $0xb8;
	[tilespmem:$0xB480] =	vst v63  }
0xcd: {  	_ =	swait.ge [sflag:s0], $0x5800  }
0xce: {  	p0 =	sne.s32 s6, $0x5800;
	[sflag:s0] =	ssyncset.done $0x0  }
.Ltmp0:
0xcf: {  	s7 =	sadd.s32 $0xB00, s7;
	[sflag:s0] =	ssyncadd.s32 $0xFFFFA800;
	(pc) =	sbr.rel @p0 .LBB2_2-.Ltmp0, $4  }
0xd0: {  	[hbm4b:s7+s3] =	stream.linear.scatter [tilespmem:s20], [sflag:$0x3], $0x5800, $0x38;
	[tilespmem:$0xB480] =	vst v63  }
0xd1: {  	_ =	swait.ge [sflag:s8], $0x5800  }
0xd2: {  	[sflag:s8] =	ssyncset.done $0x0  }
0xd3: {  	s6 =	sadd.s32 $0x1600, s6;
	s5 =	sadd.s32 $0xB0, s5;
	[sflag:s8] =	ssyncadd.s32 $0xFFFFA800  }
0xd4: {  	v3 =	vld [tilespmem:$0x3C8];
	_ =	sdelay $0x4  }
0xd5: {  	v4 =	vshll.u32 v3, $0x1  }
0xd6: {  	v3 =	vand.u32 $0x7, v3;
	v4 =	vand.u32 $0xFFFFFFF0, v4  }
0xd7: {  	v3 =	vor.u32 v3, v4  }
0xd8: {  	v4 =	vperm.xlane v3, v0;
	_ =	sdelay $0x1  }
0xd9: {  	v3 =	vperm.xlane v3, v2;
	v4 =	vadd.s32 v1, v4;
	_ =	sdelay $0x1  }
0xda: {  	v3 =	vadd.s32 v1, v3;
	_ =	sdelay $0x2  }
0xdb: {  	[tilespmem:s20], [sflag:$0x2] =	stream.indirect_vreg.gather [hbm4b:s2+s3], $0x80, v4, vm0, $0xb8;
	[tilespmem:$0xB480] =	vst v63  }
0xdc: {  	_ = 	snop  }
0xdd: {  	[tilespmem:s21], [sflag:$0x2] =	stream.indirect_vreg.gather [hbm4b:s2+s3], $0x80, v3, vm0, $0xb8;
	[tilespmem:$0xB480] =	vst v63  }
0xde: {  	v3 =	vld [tilespmem:$0x3D8];
	_ =	sdelay $0x4  }
0xdf: {  	v59 =	vshll.u32 v3, $0x1  }
0xe0: {  	v3 =	vand.u32 $0x7, v3;
	v4 =	vand.u32 $0xFFFFFFF0, v59  }
0xe1: {  	v3 =	vor.u32 v3, v4  }
0xe2: {  	v4 =	vperm.xlane v3, v0;
	_ =	sdelay $0x1  }
0xe3: {  	v3 =	vperm.xlane v3, v2;
	v4 =	vadd.s32 v1, v4;
	_ =	sdelay $0x1  }
0xe4: {  	v3 =	vadd.s32 v1, v3;
	_ =	sdelay $0x2  }
0xe5: {  	[tilespmem:s22], [sflag:$0x2] =	stream.indirect_vreg.gather [hbm4b:s2+s3], $0x80, v4, vm0, $0xb8;
	[tilespmem:$0xB480] =	vst v63  }
0xe6: {  	_ = 	snop  }
0xe7: {  	[tilespmem:s23], [sflag:$0x2] =	stream.indirect_vreg.gather [hbm4b:s2+s3], $0x80, v3, vm0, $0xb8;
	[tilespmem:$0xB480] =	vst v63  }
0xe8: {  	v3 =	vld [tilespmem:$0x3E8];
	_ =	sdelay $0x4  }
0xe9: {  	v60 =	vshll.u32 v3, $0x1  }
0xea: {  	v3 =	vand.u32 $0x7, v3;
	v4 =	vand.u32 $0xFFFFFFF0, v60  }
0xeb: {  	v3 =	vor.u32 v3, v4  }
0xec: {  	v4 =	vperm.xlane v3, v0;
	_ =	sdelay $0x1  }
0xed: {  	v3 =	vperm.xlane v3, v2;
	v4 =	vadd.s32 v1, v4;
	_ =	sdelay $0x1  }
0xee: {  	v3 =	vadd.s32 v1, v3;
	_ =	sdelay $0x2  }
0xef: {  	[tilespmem:s24], [sflag:$0x2] =	stream.indirect_vreg.gather [hbm4b:s2+s3], $0x80, v4, vm0, $0xb8;
	[tilespmem:$0xB480] =	vst v63  }
0xf0: {  	_ = 	snop  }
0xf1: {  	[tilespmem:s25], [sflag:$0x2] =	stream.indirect_vreg.gather [hbm4b:s2+s3], $0x80, v3, vm0, $0xb8;
	[tilespmem:$0xB480] =	vst v63  }
0xf2: {  	v3 =	vld [tilespmem:$0x3F8];
	_ =	sdelay $0x4  }
0xf3: {  	v61 =	vshll.u32 v3, $0x1  }
0xf4: {  	v3 =	vand.u32 $0x7, v3;
	v4 =	vand.u32 $0xFFFFFFF0, v61  }
0xf5: {  	v3 =	vor.u32 v3, v4  }
0xf6: {  	v4 =	vperm.xlane v3, v0;
	_ =	sdelay $0x1  }
0xf7: {  	v3 =	vperm.xlane v3, v2;
	v4 =	vadd.s32 v1, v4;
	_ =	sdelay $0x1  }
0xf8: {  	v3 =	vadd.s32 v1, v3;
	_ =	sdelay $0x2  }
0xf9: {  	[tilespmem:s26], [sflag:$0x2] =	stream.indirect_vreg.gather [hbm4b:s2+s3], $0x80, v4, vm0, $0xb8;
	[tilespmem:$0xB480] =	vst v63  }
0xfa: {  	_ = 	snop  }
0xfb: {  	[tilespmem:s28], [sflag:$0x2] =	stream.indirect_vreg.gather [hbm4b:s2+s3], $0x80, v3, vm0, $0xb8;
	[tilespmem:$0xB480] =	vst v63  }
0xfc: {  	v3 =	vld [tilespmem:$0x408];
	_ =	sdelay $0x4  }
0xfd: {  	v62 =	vshll.u32 v3, $0x1  }
0xfe: {  	v3 =	vand.u32 $0x7, v3;
	v4 =	vand.u32 $0xFFFFFFF0, v62  }
0xff: {  	v3 =	vor.u32 v3, v4  }
0x100: {  	v4 =	vperm.xlane v3, v0;
	_ =	sdelay $0x1  }
0x101: {  	v3 =	vperm.xlane v3, v2;
	v4 =	vadd.s32 v1, v4;
	_ =	sdelay $0x1  }
0x102: {  	v3 =	vadd.s32 v1, v3;
	_ =	sdelay $0x2  }
0x103: {  	[tilespmem:s29], [sflag:$0x2] =	stream.indirect_vreg.gather [hbm4b:s2+s3], $0x80, v4, vm0, $0xb8;
	[tilespmem:$0xB480] =	vst v63  }
0x104: {  	_ = 	snop  }
0x105: {  	[tilespmem:s30], [sflag:$0x2] =	stream.indirect_vreg.gather [hbm4b:s2+s3], $0x80, v3, vm0, $0xb8;
	[tilespmem:$0xB480] =	vst v63  }
0x106: {  	v3 =	vld.msk [tilespmem:$0x418], $0xff;
	_ =	sdelay $0x4  }
0x107: {  	v63 =	vshll.u32 v3, $0x1  }
0x108: {  	v3 =	vand.u32 $0x7, v3;
	v4 =	vand.u32 $0xFFFFFFF0, v63  }
0x109: {  	v3 =	vor.u32 v3, v4  }
0x10a: {  	v3 =	vperm.xlane v3, v0;
	_ =	sdelay $0x1  }
0x10b: {  	v3 =	vadd.s32 v1, v3;
	_ =	sdelay $0x4  }
0x10c: {  	[tilespmem:s31], [sflag:$0x2] =	stream.indirect_vreg.gather [hbm4b:s2+s3], $0x80, v3, vm0, $0xb8;
	[tilespmem:$0xB480] =	vst v63  }
0x10d: {  	_ =	swait.ge [sflag:s1], $0x5800  }
0x10e: {  	[sflag:s1] =	ssyncset.done $0x0  }
0x10f: {  	s5 =	rddreg [dreg:$0x5];
	[sflag:s1] =	ssyncadd.s32 $0xFFFFA800  }
0x110: {  	[hbm4b:s5+s3] =	stream.linear.scatter [tilespmem:s9], [sflag:$0x3], $0x5800, $0x38;
	[tilespmem:$0xB480] =	vst v63  }
0x111: {  	_ =	swait.ge [sflag:s8], $0x5800  }
0x112: {  	[sflag:s8] =	ssyncset.done $0x0  }
0x113: {  	[sflag:s8] =	ssyncadd.s32 $0xFFFFA800  }
0x114: {  	_ =	swait.ge [sflag:s0], $0x5800  }
0x115: {  	[sflag:s0] =	ssyncset.done $0x0  }
0x116: {  	s6 =	rddreg [dreg:$0x6];
	[sflag:s0] =	ssyncadd.s32 $0xFFFFA800  }
0x117: {  	[hbm4b:s6+s3] =	stream.linear.scatter [tilespmem:s20], [sflag:$0x3], $0x5800, $0x38;
	[tilespmem:$0xB480] =	vst v63  }
0x118: {  	_ =	swait.ge [sflag:s8], $0x5800  }
0x119: {  	s4 =	sadd.s32 $0x1, s4;
	s7 =	rddreg [dreg:$0x7]  }
0x11a: {  	p0 =	sne.s32 s4, s7  }
.Ltmp1:
0x11b: {  	_ = 	snop;
	(pc) =	sbr.rel @p0 .LBB2_1-.Ltmp1, $3  }
0x11c: {  	_ =	sdelay $0x1  }
0x11d: {  	[sflag:s8] =	ssyncset.done $0x0  }
0x11e: {  	[sflag:s8] =	ssyncadd.s32 $0xFFFFA800  }
0x11f: {  	_ =	sfence.sel $0x180000  }
0x120: {  	[bflag:$0x0] =	sbarrier.arrive $0xFFFF  }
0x121: {  	_ =	strace $0x90000059  }
0x122: {  	s0 =	stileid.u32;
	[bflag:$0x2] =	sbarrier.arrive $0xFFFF  }
0x123: {  	p0 =	sne.s32 s0, $0x0;
	s0 =	rddreg [dreg:$0x2]  }
0x124: {  	s0 =	sadd.s32 @!p0 $0x100000, s0  }
0x125: {  	[sflag:s0] =	ssyncadd.tile.s32 @!p0 $0x1;
	_ =	shalt  }
.Lfunc_end2:
_tile_overlayer_lowered:
.L_overlay_start_2:
0x126: {  	(tag) =	ssettag $0x2  }
0x127: {  	s0 =	rddreg [dreg:$0x0];
	s2 =	stileid.u32  }
0x128: {  	s1 =	rddreg [dreg:$0x1];
	p0 =	sne.s32 s2, $0x0  }
0x129: {  	s3 =	rddreg [dreg:$0x2];
	[bflag:$0x3] =	sbarrier.arrive $0xFFFF;
	s2 =	simm.s32 @!p0 $0x1C03  }
0x12a: {  	[timem:s3], [sflag:s2] =	dma.local @!p0 [hbm:s0], s1  }
0x12b: {  	s0 =	simm.s32 @!p0 $0x3  }
0x12c: {  	_ =	swait.ge @!p0 [sflag:s0], s1  }
0x12d: {  	s1 =	ssub.s32 @!p0 $0x0, s1;
	[sflag:s0] =	ssyncset.done @!p0 $0x0  }
0x12e: {  	[sflag:s0] =	ssyncadd.s32 @!p0 s1  }
0x12f: {  	[bflag:$0x3] =	sbarrier.arrive $0xFFFF  }
0x130: {  	_ =	shalt  }

// kernel: kernel.39.cloned.1.call-start
scs
__scs_entry_jumppad:
0x0: {  	(pc) =	sbr.rel $0x88, $3  }
0x1: {  	(tag) =	ssettag $0x0;
	lr =	simm.s32 $0x1  }
0x2: {  	[smem:$0x3F94] =	sst lr;
	_ =	strace $0xD0000000  }
0x3: {  	_ = 	snop  }
0x4: {  	_ = 	snop  }
0x5: {  	_ = 	snop  }
0x6: {  	_ = 	snop  }
0x7: {  	_ = 	snop  }
__scs_overlays_trampoline_lowered:
0x8: {  	[smem:$0x3FA3] =	sst s0  }
0x9: {  	[smem:$0x3FA4] =	sst s1  }
0xa: {  	[smem:$0x3FA5] =	sst s2  }
0xb: {  	[smem:$0x3FA6] =	sst s3  }
0xc: {  	[smem:$0x3FA7] =	sst s4  }
0xd: {  	[smem:$0x3FA8] =	sst s5  }
0xe: {  	[smem:$0x3FA9] =	sst s6  }
0xf: {  	[smem:$0x3FAA] =	sst s7  }
0x10: {  	[smem:$0x3FAB] =	sst s8  }
0x11: {  	[smem:$0x3FAC] =	sst s9;
	s0 =	simm.s32 @!p0 $0x0  }
0x12: {  	s1 =	sld [smem:$0x3F92];
	s0 =	simm.s32 @p0 $0x1  }
0x13: {  	[smem:$0x3FAD] =	sst s0;
	s0 =	simm.s32 @!p1 $0x0  }
0x14: {  	s2 =	sld [smem:$0x3F91];
	s0 =	simm.s32 @p1 $0x1  }
0x15: {  	[smem:$0x3FAE] =	sst s0;
	s0 =	simm.s32 @!p2 $0x0  }
0x16: {  	s3 =	sld [smem:$0x3FDB];
	s0 =	simm.s32 @p2 $0x1  }
0x17: {  	s4 =	simm.s32 $0x1BF5;
	[smem:$0x3FB0] =	sst s0  }
0x18: {  	s0 =	sld [smem:$0x3F93];
	_ =	swait.ge [sflag:s4], $0x0  }
0x19: {  	s7 =	sld [smem:$0x3F94]  }
0x1a: {  	s8 =	sadd.s32 $0xFFFFE003, lr  }
0x1b: {  	s9 =	sadd.s32 $0xFFFFFEF7, lr;
	s5 =	simm.s32 $0xFFFFFFFF;
	p2 =	slt.u32 s8, $0xFFFFF086  }
0x1c: {  	p1 =	slt.u32 s9, $0xF7A;
	s5 =	simm.s32 @!p2 $0x0  }
0x1d: {  	s5 =	simm.s32 @p1 $0x1;
	p0 =	seq.s32 s7, s2  }
0x1e: {  	s7 =	smul.u32 @!p0 $0xF7A, s2;
	p2 =	seq.s32 @!p0 s5, $0x0  }
0x1f: {  	s9 =	smul.u32 $0xF7A, s1;
	s8 =	simm.s32 @!p0 $0x1BF5;
	p2 =	por !p2, p0  }
0x20: {  	[sflag:s8] =	ssyncset.s32 @!p0 $0xFFFFF086;
	s6 =	sadd.s32 @!p0 s3, s7;
	s7 =	simm.s32 @!p0 $0x108  }
0x21: {  	s3 =	sadd.s32 s3, s9;
	s6 =	sadd.s32 @!p0 $0x88, s6;
	s7 =	simm.s32 @p2 $0x1082  }
0x22: {  	[simem:s7], [sflag:s8] =	dma.local @!p0 [hbm:s6], $0xF7A  }
0x23: {  	s9 =	sor.u32 $0xD0000000, s2;
	s6 =	simm.s32 $0x108;
	_ =	swait.ge @!p0 [sflag:s8], $0x0  }
0x24: {  	s3 =	sadd.s32 $0x88, s3;
	s6 =	simm.s32 @!p1 $0x1082;
	[sflag:s4] =	ssyncset.s32 $0xFFFFF086  }
0x25: {  	[simem:s6], [sflag:s4] =	dma.local [hbm:s3], $0xF7A  }
0x26: {  	[smem:$0x3F94] =	sst s1;
	(tag) =	ssettag s2;
	_ =	strace s9  }
0x27: {  	s1 =	sld [smem:$0x3FA4]  }
0x28: {  	s2 =	sld [smem:$0x3FA5]  }
0x29: {  	s4 =	sld [smem:$0x3FA7]  }
0x2a: {  	p0 =	seq.s32 s5, $0x0;
	s5 =	sld [smem:$0x3FA8]  }
0x2b: {  	s6 =	sld [smem:$0x3FA9]  }
0x2c: {  	s7 =	sld [smem:$0x3FAA]  }
0x2d: {  	s3 =	simm.s32 $0x108;
	s8 =	sld [smem:$0x3FAB]  }
0x2e: {  	s3 =	simm.s32 @!p0 $0x1082;
	s9 =	sld [smem:$0x3FAC]  }
0x2f: {  	lr =	sadd.s32 s0, s3;
	s0 =	sld [smem:$0x3FA3]  }
0x30: {  	s3 =	sld [smem:$0x3FA6]  }
0x31: {  	[smem:$0x3FAF] =	sst s10  }
0x32: {  	s10 =	sld [smem:$0x3FAD];
	_ =	sdelay $0x3  }
0x33: {  	p0 =	seq.s32 s10, $0x1;
	s10 =	sld [smem:$0x3FAF];
	_ =	sdelay $0x3  }
0x34: {  	[smem:$0x3FAF] =	sst s10  }
0x35: {  	s10 =	sld [smem:$0x3FAE];
	_ =	sdelay $0x3  }
0x36: {  	p1 =	seq.s32 s10, $0x1;
	s10 =	sld [smem:$0x3FAF];
	_ =	sdelay $0x3  }
0x37: {  	[smem:$0x3FAF] =	sst s10  }
0x38: {  	s10 =	sld [smem:$0x3FB0]  }
0x39: {  	_ = 	snop;
	(pc) =	sbr.ind lr, $3  }
0x3a: {  	_ = 	snop  }
0x3b: {  	_ = 	snop  }
0x3c: {  	p2 =	seq.s32 s10, $0x1;
	s10 =	sld [smem:$0x3FAF]  }
0x3d: {  	_ =	shalt  }
0x3e: {  	_ =	shalt  }
0x3f: {  	_ =	shalt  }
0x40: {  	_ =	shalt  }
0x41: {  	_ =	shalt  }
0x42: {  	_ =	shalt  }
0x43: {  	_ =	shalt  }
0x44: {  	_ =	shalt  }
0x45: {  	_ =	shalt  }
0x46: {  	_ =	shalt  }
0x47: {  	_ =	shalt  }
0x48: {  	_ =	shalt  }
0x49: {  	_ =	shalt  }
0x4a: {  	_ =	shalt  }
0x4b: {  	_ =	shalt  }
0x4c: {  	_ =	shalt  }
0x4d: {  	_ =	shalt  }
0x4e: {  	_ =	shalt  }
0x4f: {  	_ =	shalt  }
0x50: {  	_ =	shalt  }
0x51: {  	_ =	shalt  }
0x52: {  	_ =	shalt  }
0x53: {  	_ =	shalt  }
0x54: {  	_ =	shalt  }
0x55: {  	_ =	shalt  }
0x56: {  	_ =	shalt  }
0x57: {  	_ =	shalt  }
0x58: {  	_ =	shalt  }
0x59: {  	_ =	shalt  }
0x5a: {  	_ =	shalt  }
0x5b: {  	_ =	shalt  }
0x5c: {  	_ =	shalt  }
0x5d: {  	_ =	shalt  }
0x5e: {  	_ =	shalt  }
0x5f: {  	_ =	shalt  }
0x60: {  	_ =	shalt  }
0x61: {  	_ =	shalt  }
0x62: {  	_ =	shalt  }
0x63: {  	_ =	shalt  }
0x64: {  	_ =	shalt  }
0x65: {  	_ =	shalt  }
0x66: {  	_ =	shalt  }
0x67: {  	_ =	shalt  }
0x68: {  	_ =	shalt  }
0x69: {  	_ =	shalt  }
0x6a: {  	_ =	shalt  }
0x6b: {  	_ =	shalt  }
0x6c: {  	_ =	shalt  }
0x6d: {  	_ =	shalt  }
0x6e: {  	_ =	shalt  }
0x6f: {  	_ =	shalt  }
0x70: {  	_ =	shalt  }
0x71: {  	_ =	shalt  }
0x72: {  	_ =	shalt  }
0x73: {  	_ =	shalt  }
0x74: {  	_ =	shalt  }
0x75: {  	_ =	shalt  }
0x76: {  	_ =	shalt  }
0x77: {  	_ =	shalt  }
0x78: {  	_ =	shalt  }
0x79: {  	_ =	shalt  }
0x7a: {  	_ =	shalt  }
0x7b: {  	_ =	shalt  }
0x7c: {  	_ =	shalt  }
0x7d: {  	_ =	shalt  }
0x7e: {  	_ =	shalt  }
0x7f: {  	_ =	shalt  }
0x80: {  	_ =	shalt  }
0x81: {  	_ =	shalt  }
0x82: {  	_ =	shalt  }
0x83: {  	_ =	shalt  }
0x84: {  	_ =	shalt  }
0x85: {  	_ =	shalt  }
0x86: {  	_ =	shalt  }
0x87: {  	_ =	shalt  }
.Lfunc_end0:
.L_simem_size_0:
called_computation.7_lowered:
.L_overlay_start_0:
0x88: {  	s2 =	sld [smem:$0x3FD9]  }
0x89: {  	s3 =	sld [smem:$0x3FFE];
	_ =	sdelay $0x1  }
0x8a: {  	s1 =	srdreg.scid  }
0x8b: {  	s0 =	sand.u32 $0x1, s1  }
0x8c: {  	s17 =	sshll.u32 s0, $0xA;
	s2 =	sadd.s32 s3, s2  }
0x8d: {  	s2 =	sadd.s32 s2, s17  }
0x8e: {  	[smem:$0x3FBB] =	sst s2  }
0x8f: {  	_ = 	snop  }
0x90: {  	s18 =	sld [smem:$0x3FC5];
	(tm) =	ssettm $0x1  }
0x91: {  	s19 =	sld [smem:$0x3FFB];
	_ =	sdelay $0x3  }
0x92: {  	_ =	strace s19  }
0x93: {  	s2 =	sld [smem:$0x3FFC];
	_ =	sdelay $0x3  }
0x94: {  	_ =	strace s2  }
0x95: {  	s2 =	sld [smem:$0x3FFD];
	_ =	sdelay $0x3  }
0x96: {  	_ =	strace s2  }
0x97: {  	_ =	strace $0x8FFFFFFF  }
0x98: {  	s20 =	sld [smem:$0x3FDB];
	_ =	sdelay $0x1  }
0x99: {  	s4 =	simm.s32 $_scs_section_size  }
0x9a: {  	s5 =	simm.s32 $_size__tile_overlayer_lowered;
	s6 =	simm.s32 $_tile_overlayer_lowered  }
0x9b: {  	s7 =	simm.s32 $0x1BFF;
	s21 =	sshll.u32 s6, $0x1;
	s4 =	sadd.s32 s4, s20  }
0x9c: {  	s22 =	simm.s32 $0x0;
	s5 =	sshll.u32 s5, $0x1;
	s6 =	sadd.s32 s21, s4  }
0x9d: {  	[timem:s22], [sflag:s7] =	dma.local [hbm:s6], s5  }
0x9e: {  	_ =	swait.ge [sflag:s7], s5  }
0x9f: {  	s5 =	ssub.s32 $0x0, s5;
	[sflag:s7] =	ssyncset.done $0x0  }
0xa0: {  	[sflag:s7] =	ssyncadd.s32 s5;
	_ =	sdelay $0x1  }
0xa1: {  	s23 =	simm.s32 $0x1B8B  }
0xa2: {  	_ =	swait.ge [sflag:s23], $0x1  }
0xa3: {  	[sflag:s23] =	ssyncset.done $0x0  }
0xa4: {  	[sflag:s23] =	ssyncadd.s32 $0xFFFFFFFF  }
0xa5: {  	s5 =	sld [smem:$0x0]  }
0xa6: {  	s6 =	sand.u32 $0xFFFFFFFE, s1  }
0xa7: {  	p0 =	sne.s32 s1, s6  }
0xa8: {  	s6 =	sshll.u32 @p0 s6, $0xE  }
0xa9: {  	s6 =	sadd.s32 @p0 $0x11B8D, s6;
	s7 =	sshll.u32 @p0 s5, $0x11  }
0xaa: {  	s6 =	sor.u32 @p0 s7, s6  }
0xab: {  	[sflag:s6] =	ssyncadd.remote.s32 @p0 $0x1;
	_ =	sdelay $0x1  }
0xac: {  	s6 =	simm.s32 @p0 $0x1B8D  }
0xad: {  	_ =	swait.eq @p0 [sflag:s6], $0x1  }
0xae: {  	[sflag:s6] =	ssyncadd.s32 @p0 $0xFFFFFFFF  }
0xaf: {  	s7 =	sshll.u32 @!p0 s1, $0xE  }
0xb0: {  	s7 =	sor.u32 @!p0 $0x4000, s7;
	s6 =	simm.s32 @!p0 $0x1B8D  }
0xb1: {  	s5 =	sshll.u32 @!p0 s5, $0x11;
	s7 =	sadd.s32 @!p0 $0x11B8D, s7;
	_ =	swait.eq @!p0 [sflag:s6], $0x1  }
0xb2: {  	s5 =	sor.u32 @!p0 s5, s7;
	[sflag:s6] =	ssyncadd.s32 @!p0 $0xFFFFFFFF  }
0xb3: {  	s25 =	simm.s32 $0x1B8E;
	s24 =	sld [smem:$0x3FFE];
	[sflag:s5] =	ssyncadd.remote.s32 @!p0 $0x1  }
0xb4: {  	s26 =	simm.s32 $execute0_lowered;
	[smem:$0x3FD2] =	sst s25  }
0xb5: {  	s6 =	sshll.u32 s26, $0x1;
	_ =	strace $0x8000005B;
	[dreg:$0x1] =	wrdreg $0xFFFFFFFF  }
0xb6: {  	s28 =	simm.s32 $_size_execute0_lowered;
	s4 =	sadd.s32 s4, s6;
	[dreg:$0x0] =	wrdreg $0x0  }
0xb7: {  	s6 =	sshll.u32 s28, $0x1;
	[dreg:$0x2] =	wrdreg s4  }
0xb8: {  	[dreg:$0x3] =	wrdreg s6  }
0xb9: {  	[dreg:$0x4] =	wrdreg $0xC0  }
0xba: {  	_ =	task [dreg:s22], $0x5FFFF  }
0xbb: {  	[dreg:$0x1] =	wrdreg $0xFFFFFFFF  }
0xbc: {  	[dreg:$0x0] =	wrdreg $0x60  }
0xbd: {  	[dreg:$0x2] =	wrdreg s18  }
0xbe: {  	[dreg:$0x3] =	wrdreg s24  }
0xbf: {  	[dreg:$0x4] =	wrdreg $0x10  }
0xc0: {  	_ =	task.clear_ibuf [dreg:s22], $0x5FFFF;
	_ =	strace $0x9000005B  }
0xc1: {  	s29 =	simm.s32 $0x10;
	_ =	strace $0x8000005D  }
0xc2: {  	_ =	swait.ge [sflag:s29], $0x1  }
0xc3: {  	[sflag:s29] =	ssyncadd.s32 $0xFFFFFFFF  }
0xc4: {  	_ =	strace $0x9000005D  }
0xc5: {  	_ =	sfence  }
0xc6: {  	s30 =	sld [smem:$0x0];
	_ =	sdelay $0x2  }
0xc7: {  	s31 =	sshll.u32 s1, $0xD;
	s1 =	sshrl.u32 s1, $0x2  }
0xc8: {  	s4 =	sand.u32 $0x4000, s31;
	s1 =	sadd.s32 s1, s30  }
0xc9: {  	s0 =	sor.u32 s4, s0;
	s1 =	sshll.u32 s1, $0x11  }
0xca: {  	s0 =	sor.u32 s1, s0  }
0xcb: {  	s0 =	sadd.s32 $0x8F2B, s0  }
0xcc: {  	[sflag:s0] =	ssyncadd.remote.s32 $0x1  }
0xcd: {  	_ =	sfence.sel $0xFFFF  }
0xce: {  	[dreg:$0x0] =	wrdreg $0xFFFFFFFF;
	(pc) =	sbr.abs _section_cstart, $3  }
0xcf: {  	[dreg:$0x1] =	wrdreg $0xFFFFFFFF  }
0xd0: {  	_ =	task.clear_ibuf [dreg:s22], $0x2FFFF;
	_ =	strace $0x9FFFFFFF  }
0xd1: {  	(tm) =	ssettm $0x7FFFFFFF  }
tec
execute0_lowered:
.L_overlay_start_1:
0x0: {  	(tag) =	ssettag $0x1  }
0x1: {  	s0 =	srdreg.scid;
	s2 =	rddreg [dreg:$0x0]  }
0x2: {  	s8 =	stileid.u32;
	s4 =	rddreg [dreg:$0x1];
	s3 =	simm.s32 $0x0  }
0x3: {  	s9 =	simm.s32 $0x480;
	s10 =	simm.s32 $0xC80;
	s11 =	simm.s32 $0x1480  }
0x4: {  	s12 =	simm.s32 $0x1C80;
	s13 =	simm.s32 $0x2480;
	s14 =	simm.s32 $0x2C80  }
0x5: {  	s15 =	simm.s32 $0x3480;
	s16 =	simm.s32 $0x3C80;
	s17 =	simm.s32 $0x4480  }
0x6: {  	s18 =	simm.s32 $0x4C80;
	s19 =	simm.s32 $0x5480;
	s20 =	simm.s32 $0x5C80  }
0x7: {  	s21 =	simm.s32 $0x6480;
	s22 =	simm.s32 $0x6C80;
	s23 =	simm.s32 $0x7480  }
0x8: {  	s24 =	simm.s32 $0x7C80;
	s0 =	sand.u32 $0x1, s0;
	s1 =	sshll.u32 s8, $0x1  }
0x9: {  	s28 =	simm.s32 $0x9480;
	s29 =	simm.s32 $0x9C80;
	s1 =	sor.u32 s0, s1  }
0xa: {  	s30 =	simm.s32 $0xA480;
	s31 =	simm.s32 $0xAC80;
	s5 =	smul.u32 $0x420, s1  }
0xb: {  	[smem:$0x7FF] =	sst s3;
	s6 =	ssub.s32 $0x2, s0;
	s1 =	smul.u32 $0x42000, s1  }
0xc: {  	s8 =	smul.u32 $0x10800, s8;
	_ =	strace $0x8000005C;
	s7 =	sshrl.u32 s6, $0x1  }
0xd: {  	s6 =	ssub.s32 s6, s7;
	s5 =	sshrl.u32 s5, $0x3;
	s1 =	sshrl.u32 s1, $0x3  }
0xe: {  	s26 =	smax.u32 s6, $0x1;
	s5 =	sadd.s32 s5, s4;
	s4 =	sadd.s32 $0x748000, s4  }
0xf: {  	[dreg:$0x7] =	wrdreg s26;
	s1 =	sadd.s32 s4, s1;
	s5 =	sadd.s32 $0x8A00, s5  }
0x10: {  	s0 =	smul.u32 $0x8400, s0;
	[dreg:$0x4] =	wrdreg s5;
	s25 =	sadd.s32 $0x6E00, s1  }
0x11: {  	s4 =	sadd.s32 s8, s4;
	s1 =	sadd.s32 $0x7900, s1;
	[dreg:$0x5] =	wrdreg s25  }
0x12: {  	v2 =	vlaneseq.u32;
	s26 =	simm.s32 $0x8C80;
	s0 =	sadd.s32 s0, s4;
	[dreg:$0x6] =	wrdreg s1  }
0x13: {  	vm0 =	vmmov $0xffff;
	v1 =	vshrl.u32 v2, $0x3;
	s8 =	simm.s32 $0x3;
	s4 =	simm.s32 $0x0;
	[dreg:$0x3] =	wrdreg s0  }
0x14: {  	v0 =	vand.u32 $0x7, v2;
	v2 =	vor.u32 $0x8, v2;
	v1 =	vmul.u32 $0x8, v1;
	s25 =	simm.s32 $0x8480;
	s1 =	simm.s32 $0x1;
	s0 =	simm.s32 $0x2  }
.LBB2_1:
0x15: {  	s5 =	rddreg [dreg:$0x4]  }
0x16: {  	[tilespmem:s3], [sflag:$0x3] =	stream.linear.gather [hbm4b:s5+s3], $0x420, $0x38;
	[tilespmem:$0xB480] =	vst v63  }
0x17: {  	_ =	swait.ge [sflag:s8], $0x420  }
0x18: {  	[sflag:s8] =	ssyncset.done $0x0  }
0x19: {  	[sflag:s8] =	ssyncadd.s32 $0xFFFFFBE0  }
0x1a: {  	v3 =	vld [tilespmem:$0x0];
	_ =	sdelay $0x4  }
0x1b: {  	v4 =	vshll.u32 v3, $0x1  }
0x1c: {  	v3 =	vand.u32 $0x7, v3;
	v4 =	vand.u32 $0xFFFFFFF0, v4  }
0x1d: {  	v3 =	vor.u32 v3, v4  }
0x1e: {  	v4 =	vperm.xlane v3, v0;
	_ =	sdelay $0x1  }
0x1f: {  	v3 =	vperm.xlane v3, v2;
	v4 =	vadd.s32 v1, v4;
	_ =	sdelay $0x1  }
0x20: {  	v3 =	vadd.s32 v1, v3;
	_ =	sdelay $0x2  }
0x21: {  	[tilespmem:s9], [sflag:$0x1] =	stream.indirect_vreg.gather [hbm4b:s2+s3], $0x80, v4, vm0, $0xb8;
	[tilespmem:$0xB480] =	vst v63  }
0x22: {  	_ = 	snop  }
0x23: {  	[tilespmem:s10], [sflag:$0x1] =	stream.indirect_vreg.gather [hbm4b:s2+s3], $0x80, v3, vm0, $0xb8;
	[tilespmem:$0xB480] =	vst v63  }
0x24: {  	v3 =	vld [tilespmem:$0x10];
	_ =	sdelay $0x4  }
0x25: {  	v59 =	vshll.u32 v3, $0x1  }
0x26: {  	v3 =	vand.u32 $0x7, v3;
	v4 =	vand.u32 $0xFFFFFFF0, v59  }
0x27: {  	v3 =	vor.u32 v3, v4  }
0x28: {  	v4 =	vperm.xlane v3, v0;
	_ =	sdelay $0x1  }
0x29: {  	v3 =	vperm.xlane v3, v2;
	v4 =	vadd.s32 v1, v4;
	_ =	sdelay $0x1  }
0x2a: {  	v3 =	vadd.s32 v1, v3;
	_ =	sdelay $0x2  }
0x2b: {  	[tilespmem:s11], [sflag:$0x1] =	stream.indirect_vreg.gather [hbm4b:s2+s3], $0x80, v4, vm0, $0xb8;
	[tilespmem:$0xB480] =	vst v63  }
0x2c: {  	_ = 	snop  }
0x2d: {  	[tilespmem:s12], [sflag:$0x1] =	stream.indirect_vreg.gather [hbm4b:s2+s3], $0x80, v3, vm0, $0xb8;
	[tilespmem:$0xB480] =	vst v63  }
0x2e: {  	v3 =	vld [tilespmem:$0x20];
	_ =	sdelay $0x4  }
0x2f: {  	v60 =	vshll.u32 v3, $0x1  }
0x30: {  	v3 =	vand.u32 $0x7, v3;
	v4 =	vand.u32 $0xFFFFFFF0, v60  }
0x31: {  	v3 =	vor.u32 v3, v4  }
0x32: {  	v4 =	vperm.xlane v3, v0;
	_ =	sdelay $0x1  }
0x33: {  	v3 =	vperm.xlane v3, v2;
	v4 =	vadd.s32 v1, v4;
	_ =	sdelay $0x1  }
0x34: {  	v3 =	vadd.s32 v1, v3;
	_ =	sdelay $0x2  }
0x35: {  	[tilespmem:s13], [sflag:$0x1] =	stream.indirect_vreg.gather [hbm4b:s2+s3], $0x80, v4, vm0, $0xb8;
	[tilespmem:$0xB480] =	vst v63  }
0x36: {  	_ = 	snop  }
0x37: {  	[tilespmem:s14], [sflag:$0x1] =	stream.indirect_vreg.gather [hbm4b:s2+s3], $0x80, v3, vm0, $0xb8;
	[tilespmem:$0xB480] =	vst v63  }
0x38: {  	v3 =	vld [tilespmem:$0x30];
	_ =	sdelay $0x4  }
0x39: {  	v61 =	vshll.u32 v3, $0x1  }
0x3a: {  	v3 =	vand.u32 $0x7, v3;
	v4 =	vand.u32 $0xFFFFFFF0, v61  }
0x3b: {  	v3 =	vor.u32 v3, v4  }
0x3c: {  	v4 =	vperm.xlane v3, v0;
	_ =	sdelay $0x1  }
0x3d: {  	v3 =	vperm.xlane v3, v2;
	v4 =	vadd.s32 v1, v4;
	_ =	sdelay $0x1  }
0x3e: {  	v3 =	vadd.s32 v1, v3;
	_ =	sdelay $0x2  }
0x3f: {  	[tilespmem:s15], [sflag:$0x1] =	stream.indirect_vreg.gather [hbm4b:s2+s3], $0x80, v4, vm0, $0xb8;
	[tilespmem:$0xB480] =	vst v63  }
0x40: {  	_ = 	snop  }
0x41: {  	[tilespmem:s16], [sflag:$0x1] =	stream.indirect_vreg.gather [hbm4b:s2+s3], $0x80, v3, vm0, $0xb8;
	[tilespmem:$0xB480] =	vst v63  }
0x42: {  	v3 =	vld [tilespmem:$0x40];
	_ =	sdelay $0x4  }
0x43: {  	v62 =	vshll.u32 v3, $0x1  }
0x44: {  	v3 =	vand.u32 $0x7, v3;
	v4 =	vand.u32 $0xFFFFFFF0, v62  }
0x45: {  	v3 =	vor.u32 v3, v4  }
0x46: {  	v4 =	vperm.xlane v3, v0;
	_ =	sdelay $0x1  }
0x47: {  	v3 =	vperm.xlane v3, v2;
	v4 =	vadd.s32 v1, v4;
	_ =	sdelay $0x1  }
0x48: {  	v3 =	vadd.s32 v1, v3;
	_ =	sdelay $0x2  }
0x49: {  	[tilespmem:s17], [sflag:$0x1] =	stream.indirect_vreg.gather [hbm4b:s2+s3], $0x80, v4, vm0, $0xb8;
	[tilespmem:$0xB480] =	vst v63  }
0x4a: {  	_ = 	snop  }
0x4b: {  	[tilespmem:s18], [sflag:$0x1] =	stream.indirect_vreg.gather [hbm4b:s2+s3], $0x80, v3, vm0, $0xb8;
	[tilespmem:$0xB480] =	vst v63  }
0x4c: {  	v3 =	vld.msk [tilespmem:$0x50], $0xff;
	_ =	sdelay $0x4  }
0x4d: {  	v63 =	vshll.u32 v3, $0x1  }
0x4e: {  	v3 =	vand.u32 $0x7, v3;
	v4 =	vand.u32 $0xFFFFFFF0, v63  }
0x4f: {  	v3 =	vor.u32 v3, v4  }
0x50: {  	v3 =	vperm.xlane v3, v0;
	_ =	sdelay $0x1  }
0x51: {  	v3 =	vadd.s32 v1, v3;
	_ =	sdelay $0x3  }
0x52: {  	s6 =	simm.s32 $0x0;
	s5 =	simm.s32 $0x88  }
0x53: {  	[tilespmem:s19], [sflag:$0x1] =	stream.indirect_vreg.gather [hbm4b:s2+s3], $0x80, v3, vm0, $0xb8;
	[tilespmem:$0xB480] =	vst v63  }
.LBB2_2:
0x54: {  	v3 =	vld [tilespmem:s5+$0xFFFFFFD0];
	_ =	sdelay $0x4  }
0x55: {  	v4 =	vshll.u32 v3, $0x1  }
0x56: {  	v3 =	vand.u32 $0x7, v3;
	v4 =	vand.u32 $0xFFFFFFF0, v4  }
0x57: {  	v3 =	vor.u32 v3, v4  }
0x58: {  	v4 =	vperm.xlane v3, v0;
	_ =	sdelay $0x1  }
0x59: {  	v3 =	vperm.xlane v3, v2;
	v4 =	vadd.s32 v1, v4;
	_ =	sdelay $0x1  }
0x5a: {  	v3 =	vadd.s32 v1, v3;
	_ =	sdelay $0x2  }
0x5b: {  	[tilespmem:s20], [sflag:$0x2] =	stream.indirect_vreg.gather [hbm4b:s2+s3], $0x80, v4, vm0, $0xb8;
	[tilespmem:$0xB480] =	vst v63  }
0x5c: {  	_ = 	snop  }
0x5d: {  	[tilespmem:s21], [sflag:$0x2] =	stream.indirect_vreg.gather [hbm4b:s2+s3], $0x80, v3, vm0, $0xb8;
	[tilespmem:$0xB480] =	vst v63  }
0x5e: {  	v3 =	vld [tilespmem:s5+$0xFFFFFFE0];
	_ =	sdelay $0x4  }
0x5f: {  	v53 =	vshll.u32 v3, $0x1  }
0x60: {  	v3 =	vand.u32 $0x7, v3;
	v4 =	vand.u32 $0xFFFFFFF0, v53  }
0x61: {  	v3 =	vor.u32 v3, v4  }
0x62: {  	v4 =	vperm.xlane v3, v0;
	_ =	sdelay $0x1  }
0x63: {  	v3 =	vperm.xlane v3, v2;
	v4 =	vadd.s32 v1, v4;
	_ =	sdelay $0x1  }
0x64: {  	v3 =	vadd.s32 v1, v3;
	_ =	sdelay $0x2  }
0x65: {  	[tilespmem:s22], [sflag:$0x2] =	stream.indirect_vreg.gather [hbm4b:s2+s3], $0x80, v4, vm0, $0xb8;
	[tilespmem:$0xB480] =	vst v63  }
0x66: {  	_ = 	snop  }
0x67: {  	[tilespmem:s23], [sflag:$0x2] =	stream.indirect_vreg.gather [hbm4b:s2+s3], $0x80, v3, vm0, $0xb8;
	[tilespmem:$0xB480] =	vst v63  }
0x68: {  	v3 =	vld [tilespmem:s5+$0xFFFFFFF0];
	_ =	sdelay $0x4  }
0x69: {  	v54 =	vshll.u32 v3, $0x1  }
0x6a: {  	v3 =	vand.u32 $0x7, v3;
	v4 =	vand.u32 $0xFFFFFFF0, v54  }
0x6b: {  	v3 =	vor.u32 v3, v4  }
0x6c: {  	v4 =	vperm.xlane v3, v0;
	_ =	sdelay $0x1  }
0x6d: {  	v3 =	vperm.xlane v3, v2;
	v4 =	vadd.s32 v1, v4;
	_ =	sdelay $0x1  }
0x6e: {  	v3 =	vadd.s32 v1, v3;
	_ =	sdelay $0x2  }
0x6f: {  	[tilespmem:s24], [sflag:$0x2] =	stream.indirect_vreg.gather [hbm4b:s2+s3], $0x80, v4, vm0, $0xb8;
	[tilespmem:$0xB480] =	vst v63  }
0x70: {  	_ = 	snop  }
0x71: {  	[tilespmem:s25], [sflag:$0x2] =	stream.indirect_vreg.gather [hbm4b:s2+s3], $0x80, v3, vm0, $0xb8;
	[tilespmem:$0xB480] =	vst v63  }
0x72: {  	v3 =	vld [tilespmem:s5+$0x0];
	_ =	sdelay $0x4  }
0x73: {  	v55 =	vshll.u32 v3, $0x1  }
0x74: {  	v3 =	vand.u32 $0x7, v3;
	v4 =	vand.u32 $0xFFFFFFF0, v55  }
0x75: {  	v3 =	vor.u32 v3, v4  }
0x76: {  	v4 =	vperm.xlane v3, v0;
	_ =	sdelay $0x1  }
0x77: {  	v3 =	vperm.xlane v3, v2;
	v4 =	vadd.s32 v1, v4;
	_ =	sdelay $0x1  }
0x78: {  	v3 =	vadd.s32 v1, v3;
	_ =	sdelay $0x2  }
0x79: {  	[tilespmem:s26], [sflag:$0x2] =	stream.indirect_vreg.gather [hbm4b:s2+s3], $0x80, v4, vm0, $0xb8;
	[tilespmem:$0xB480] =	vst v63  }
0x7a: {  	_ = 	snop  }
0x7b: {  	[tilespmem:s28], [sflag:$0x2] =	stream.indirect_vreg.gather [hbm4b:s2+s3], $0x80, v3, vm0, $0xb8;
	[tilespmem:$0xB480] =	vst v63  }
0x7c: {  	v3 =	vld [tilespmem:s5+$0x10];
	_ =	sdelay $0x4  }
0x7d: {  	v56 =	vshll.u32 v3, $0x1  }
0x7e: {  	v3 =	vand.u32 $0x7, v3;
	v4 =	vand.u32 $0xFFFFFFF0, v56  }
0x7f: {  	v3 =	vor.u32 v3, v4  }
0x80: {  	v4 =	vperm.xlane v3, v0;
	_ =	sdelay $0x1  }
0x81: {  	v3 =	vperm.xlane v3, v2;
	v4 =	vadd.s32 v1, v4;
	_ =	sdelay $0x1  }
0x82: {  	v3 =	vadd.s32 v1, v3;
	_ =	sdelay $0x2  }
0x83: {  	[tilespmem:s29], [sflag:$0x2] =	stream.indirect_vreg.gather [hbm4b:s2+s3], $0x80, v4, vm0, $0xb8;
	[tilespmem:$0xB480] =	vst v63  }
0x84: {  	_ = 	snop  }
0x85: {  	[tilespmem:s30], [sflag:$0x2] =	stream.indirect_vreg.gather [hbm4b:s2+s3], $0x80, v3, vm0, $0xb8;
	[tilespmem:$0xB480] =	vst v63  }
0x86: {  	v3 =	vld.msk [tilespmem:s5+$0x20], $0xff;
	_ =	sdelay $0x4  }
0x87: {  	v57 =	vshll.u32 v3, $0x1  }
0x88: {  	v3 =	vand.u32 $0x7, v3;
	v4 =	vand.u32 $0xFFFFFFF0, v57  }
0x89: {  	v3 =	vor.u32 v3, v4  }
0x8a: {  	v3 =	vperm.xlane v3, v0;
	_ =	sdelay $0x1  }
0x8b: {  	v3 =	vadd.s32 v1, v3;
	_ =	sdelay $0x4  }
0x8c: {  	[tilespmem:s31], [sflag:$0x2] =	stream.indirect_vreg.gather [hbm4b:s2+s3], $0x80, v3, vm0, $0xb8;
	[tilespmem:$0xB480] =	vst v63  }
0x8d: {  	_ =	swait.ge [sflag:s1], $0x5800  }
0x8e: {  	s7 =	rddreg [dreg:$0x3];
	[sflag:s1] =	ssyncset.done $0x0  }
0x8f: {  	[sflag:s1] =	ssyncadd.s32 $0xFFFFA800;
	s7 =	sadd.s32 s6, s7  }
0x90: {  	[hbm4b:s7+s3] =	stream.linear.scatter [tilespmem:s9], [sflag:$0x3], $0x5800, $0x38;
	[tilespmem:$0xB480] =	vst v63  }
0x91: {  	_ =	swait.ge [sflag:s8], $0x5800  }
0x92: {  	[sflag:s8] =	ssyncset.done $0x0  }
0x93: {  	[sflag:s8] =	ssyncadd.s32 $0xFFFFA800  }
0x94: {  	v3 =	vld [tilespmem:s5+$0x28];
	_ =	sdelay $0x4  }
0x95: {  	v58 =	vshll.u32 v3, $0x1  }
0x96: {  	v3 =	vand.u32 $0x7, v3;
	v4 =	vand.u32 $0xFFFFFFF0, v58  }
0x97: {  	v3 =	vor.u32 v3, v4  }
0x98: {  	v4 =	vperm.xlane v3, v0;
	_ =	sdelay $0x1  }
0x99: {  	v3 =	vperm.xlane v3, v2;
	v4 =	vadd.s32 v1, v4;
	_ =	sdelay $0x1  }
0x9a: {  	v3 =	vadd.s32 v1, v3;
	_ =	sdelay $0x2  }
0x9b: {  	[tilespmem:s9], [sflag:$0x1] =	stream.indirect_vreg.gather [hbm4b:s2+s3], $0x80, v4, vm0, $0xb8;
	[tilespmem:$0xB480] =	vst v63  }
0x9c: {  	_ = 	snop  }
0x9d: {  	[tilespmem:s10], [sflag:$0x1] =	stream.indirect_vreg.gather [hbm4b:s2+s3], $0x80, v3, vm0, $0xb8;
	[tilespmem:$0xB480] =	vst v63  }
0x9e: {  	v3 =	vld [tilespmem:s5+$0x38];
	_ =	sdelay $0x4  }
0x9f: {  	v59 =	vshll.u32 v3, $0x1  }
0xa0: {  	v3 =	vand.u32 $0x7, v3;
	v4 =	vand.u32 $0xFFFFFFF0, v59  }
0xa1: {  	v3 =	vor.u32 v3, v4  }
0xa2: {  	v4 =	vperm.xlane v3, v0;
	_ =	sdelay $0x1  }
0xa3: {  	v3 =	vperm.xlane v3, v2;
	v4 =	vadd.s32 v1, v4;
	_ =	sdelay $0x1  }
0xa4: {  	v3 =	vadd.s32 v1, v3;
	_ =	sdelay $0x2  }
0xa5: {  	[tilespmem:s11], [sflag:$0x1] =	stream.indirect_vreg.gather [hbm4b:s2+s3], $0x80, v4, vm0, $0xb8;
	[tilespmem:$0xB480] =	vst v63  }
0xa6: {  	_ = 	snop  }
0xa7: {  	[tilespmem:s12], [sflag:$0x1] =	stream.indirect_vreg.gather [hbm4b:s2+s3], $0x80, v3, vm0, $0xb8;
	[tilespmem:$0xB480] =	vst v63  }
0xa8: {  	v3 =	vld [tilespmem:s5+$0x48];
	_ =	sdelay $0x4  }
0xa9: {  	v60 =	vshll.u32 v3, $0x1  }
0xaa: {  	v3 =	vand.u32 $0x7, v3;
	v4 =	vand.u32 $0xFFFFFFF0, v60  }
0xab: {  	v3 =	vor.u32 v3, v4  }
0xac: {  	v4 =	vperm.xlane v3, v0;
	_ =	sdelay $0x1  }
0xad: {  	v3 =	vperm.xlane v3, v2;
	v4 =	vadd.s32 v1, v4;
	_ =	sdelay $0x1  }
0xae: {  	v3 =	vadd.s32 v1, v3;
	_ =	sdelay $0x2  }
0xaf: {  	[tilespmem:s13], [sflag:$0x1] =	stream.indirect_vreg.gather [hbm4b:s2+s3], $0x80, v4, vm0, $0xb8;
	[tilespmem:$0xB480] =	vst v63  }
0xb0: {  	_ = 	snop  }
0xb1: {  	[tilespmem:s14], [sflag:$0x1] =	stream.indirect_vreg.gather [hbm4b:s2+s3], $0x80, v3, vm0, $0xb8;
	[tilespmem:$0xB480] =	vst v63  }
0xb2: {  	v3 =	vld [tilespmem:s5+$0x58];
	_ =	sdelay $0x4  }
0xb3: {  	v61 =	vshll.u32 v3, $0x1  }
0xb4: {  	v3 =	vand.u32 $0x7, v3;
	v4 =	vand.u32 $0xFFFFFFF0, v61  }
0xb5: {  	v3 =	vor.u32 v3, v4  }
0xb6: {  	v4 =	vperm.xlane v3, v0;
	_ =	sdelay $0x1  }
0xb7: {  	v3 =	vperm.xlane v3, v2;
	v4 =	vadd.s32 v1, v4;
	_ =	sdelay $0x1  }
0xb8: {  	v3 =	vadd.s32 v1, v3;
	_ =	sdelay $0x2  }
0xb9: {  	[tilespmem:s15], [sflag:$0x1] =	stream.indirect_vreg.gather [hbm4b:s2+s3], $0x80, v4, vm0, $0xb8;
	[tilespmem:$0xB480] =	vst v63  }
0xba: {  	_ = 	snop  }
0xbb: {  	[tilespmem:s16], [sflag:$0x1] =	stream.indirect_vreg.gather [hbm4b:s2+s3], $0x80, v3, vm0, $0xb8;
	[tilespmem:$0xB480] =	vst v63  }
0xbc: {  	v3 =	vld [tilespmem:s5+$0x68];
	_ =	sdelay $0x4  }
0xbd: {  	v62 =	vshll.u32 v3, $0x1  }
0xbe: {  	v3 =	vand.u32 $0x7, v3;
	v4 =	vand.u32 $0xFFFFFFF0, v62  }
0xbf: {  	v3 =	vor.u32 v3, v4  }
0xc0: {  	v4 =	vperm.xlane v3, v0;
	_ =	sdelay $0x1  }
0xc1: {  	v3 =	vperm.xlane v3, v2;
	v4 =	vadd.s32 v1, v4;
	_ =	sdelay $0x1  }
0xc2: {  	v3 =	vadd.s32 v1, v3;
	_ =	sdelay $0x2  }
0xc3: {  	[tilespmem:s17], [sflag:$0x1] =	stream.indirect_vreg.gather [hbm4b:s2+s3], $0x80, v4, vm0, $0xb8;
	[tilespmem:$0xB480] =	vst v63  }
0xc4: {  	_ = 	snop  }
0xc5: {  	[tilespmem:s18], [sflag:$0x1] =	stream.indirect_vreg.gather [hbm4b:s2+s3], $0x80, v3, vm0, $0xb8;
	[tilespmem:$0xB480] =	vst v63  }
0xc6: {  	v3 =	vld.msk [tilespmem:s5+$0x78], $0xff;
	_ =	sdelay $0x4  }
0xc7: {  	v63 =	vshll.u32 v3, $0x1  }
0xc8: {  	v3 =	vand.u32 $0x7, v3;
	v4 =	vand.u32 $0xFFFFFFF0, v63  }
0xc9: {  	v3 =	vor.u32 v3, v4  }
0xca: {  	v3 =	vperm.xlane v3, v0;
	_ =	sdelay $0x1  }
0xcb: {  	v3 =	vadd.s32 v1, v3;
	_ =	sdelay $0x4  }
0xcc: {  	[tilespmem:s19], [sflag:$0x1] =	stream.indirect_vreg.gather [hbm4b:s2+s3], $0x80, v3, vm0, $0xb8;
	[tilespmem:$0xB480] =	vst v63  }
0xcd: {  	_ =	swait.ge [sflag:s0], $0x5800  }
0xce: {  	p0 =	sne.s32 s6, $0x5800;
	[sflag:s0] =	ssyncset.done $0x0  }
.Ltmp0:
0xcf: {  	s7 =	sadd.s32 $0xB00, s7;
	[sflag:s0] =	ssyncadd.s32 $0xFFFFA800;
	(pc) =	sbr.rel @p0 .LBB2_2-.Ltmp0, $4  }
0xd0: {  	[hbm4b:s7+s3] =	stream.linear.scatter [tilespmem:s20], [sflag:$0x3], $0x5800, $0x38;
	[tilespmem:$0xB480] =	vst v63  }
0xd1: {  	_ =	swait.ge [sflag:s8], $0x5800  }
0xd2: {  	[sflag:s8] =	ssyncset.done $0x0  }
0xd3: {  	s6 =	sadd.s32 $0x1600, s6;
	s5 =	sadd.s32 $0xB0, s5;
	[sflag:s8] =	ssyncadd.s32 $0xFFFFA800  }
0xd4: {  	v3 =	vld [tilespmem:$0x3C8];
	_ =	sdelay $0x4  }
0xd5: {  	v4 =	vshll.u32 v3, $0x1  }
0xd6: {  	v3 =	vand.u32 $0x7, v3;
	v4 =	vand.u32 $0xFFFFFFF0, v4  }
0xd7: {  	v3 =	vor.u32 v3, v4  }
0xd8: {  	v4 =	vperm.xlane v3, v0;
	_ =	sdelay $0x1  }
0xd9: {  	v3 =	vperm.xlane v3, v2;
	v4 =	vadd.s32 v1, v4;
	_ =	sdelay $0x1  }
0xda: {  	v3 =	vadd.s32 v1, v3;
	_ =	sdelay $0x2  }
0xdb: {  	[tilespmem:s20], [sflag:$0x2] =	stream.indirect_vreg.gather [hbm4b:s2+s3], $0x80, v4, vm0, $0xb8;
	[tilespmem:$0xB480] =	vst v63  }
0xdc: {  	_ = 	snop  }
0xdd: {  	[tilespmem:s21], [sflag:$0x2] =	stream.indirect_vreg.gather [hbm4b:s2+s3], $0x80, v3, vm0, $0xb8;
	[tilespmem:$0xB480] =	vst v63  }
0xde: {  	v3 =	vld [tilespmem:$0x3D8];
	_ =	sdelay $0x4  }
0xdf: {  	v59 =	vshll.u32 v3, $0x1  }
0xe0: {  	v3 =	vand.u32 $0x7, v3;
	v4 =	vand.u32 $0xFFFFFFF0, v59  }
0xe1: {  	v3 =	vor.u32 v3, v4  }
0xe2: {  	v4 =	vperm.xlane v3, v0;
	_ =	sdelay $0x1  }
0xe3: {  	v3 =	vperm.xlane v3, v2;
	v4 =	vadd.s32 v1, v4;
	_ =	sdelay $0x1  }
0xe4: {  	v3 =	vadd.s32 v1, v3;
	_ =	sdelay $0x2  }
0xe5: {  	[tilespmem:s22], [sflag:$0x2] =	stream.indirect_vreg.gather [hbm4b:s2+s3], $0x80, v4, vm0, $0xb8;
	[tilespmem:$0xB480] =	vst v63  }
0xe6: {  	_ = 	snop  }
0xe7: {  	[tilespmem:s23], [sflag:$0x2] =	stream.indirect_vreg.gather [hbm4b:s2+s3], $0x80, v3, vm0, $0xb8;
	[tilespmem:$0xB480] =	vst v63  }
0xe8: {  	v3 =	vld [tilespmem:$0x3E8];
	_ =	sdelay $0x4  }
0xe9: {  	v60 =	vshll.u32 v3, $0x1  }
0xea: {  	v3 =	vand.u32 $0x7, v3;
	v4 =	vand.u32 $0xFFFFFFF0, v60  }
0xeb: {  	v3 =	vor.u32 v3, v4  }
0xec: {  	v4 =	vperm.xlane v3, v0;
	_ =	sdelay $0x1  }
0xed: {  	v3 =	vperm.xlane v3, v2;
	v4 =	vadd.s32 v1, v4;
	_ =	sdelay $0x1  }
0xee: {  	v3 =	vadd.s32 v1, v3;
	_ =	sdelay $0x2  }
0xef: {  	[tilespmem:s24], [sflag:$0x2] =	stream.indirect_vreg.gather [hbm4b:s2+s3], $0x80, v4, vm0, $0xb8;
	[tilespmem:$0xB480] =	vst v63  }
0xf0: {  	_ = 	snop  }
0xf1: {  	[tilespmem:s25], [sflag:$0x2] =	stream.indirect_vreg.gather [hbm4b:s2+s3], $0x80, v3, vm0, $0xb8;
	[tilespmem:$0xB480] =	vst v63  }
0xf2: {  	v3 =	vld [tilespmem:$0x3F8];
	_ =	sdelay $0x4  }
0xf3: {  	v61 =	vshll.u32 v3, $0x1  }
0xf4: {  	v3 =	vand.u32 $0x7, v3;
	v4 =	vand.u32 $0xFFFFFFF0, v61  }
0xf5: {  	v3 =	vor.u32 v3, v4  }
0xf6: {  	v4 =	vperm.xlane v3, v0;
	_ =	sdelay $0x1  }
0xf7: {  	v3 =	vperm.xlane v3, v2;
	v4 =	vadd.s32 v1, v4;
	_ =	sdelay $0x1  }
0xf8: {  	v3 =	vadd.s32 v1, v3;
	_ =	sdelay $0x2  }
0xf9: {  	[tilespmem:s26], [sflag:$0x2] =	stream.indirect_vreg.gather [hbm4b:s2+s3], $0x80, v4, vm0, $0xb8;
	[tilespmem:$0xB480] =	vst v63  }
0xfa: {  	_ = 	snop  }
0xfb: {  	[tilespmem:s28], [sflag:$0x2] =	stream.indirect_vreg.gather [hbm4b:s2+s3], $0x80, v3, vm0, $0xb8;
	[tilespmem:$0xB480] =	vst v63  }
0xfc: {  	v3 =	vld [tilespmem:$0x408];
	_ =	sdelay $0x4  }
0xfd: {  	v62 =	vshll.u32 v3, $0x1  }
0xfe: {  	v3 =	vand.u32 $0x7, v3;
	v4 =	vand.u32 $0xFFFFFFF0, v62  }
0xff: {  	v3 =	vor.u32 v3, v4  }
0x100: {  	v4 =	vperm.xlane v3, v0;
	_ =	sdelay $0x1  }
0x101: {  	v3 =	vperm.xlane v3, v2;
	v4 =	vadd.s32 v1, v4;
	_ =	sdelay $0x1  }
0x102: {  	v3 =	vadd.s32 v1, v3;
	_ =	sdelay $0x2  }
0x103: {  	[tilespmem:s29], [sflag:$0x2] =	stream.indirect_vreg.gather [hbm4b:s2+s3], $0x80, v4, vm0, $0xb8;
	[tilespmem:$0xB480] =	vst v63  }
0x104: {  	_ = 	snop  }
0x105: {  	[tilespmem:s30], [sflag:$0x2] =	stream.indirect_vreg.gather [hbm4b:s2+s3], $0x80, v3, vm0, $0xb8;
	[tilespmem:$0xB480] =	vst v63  }
0x106: {  	v3 =	vld.msk [tilespmem:$0x418], $0xff;
	_ =	sdelay $0x4  }
0x107: {  	v63 =	vshll.u32 v3, $0x1  }
0x108: {  	v3 =	vand.u32 $0x7, v3;
	v4 =	vand.u32 $0xFFFFFFF0, v63  }
0x109: {  	v3 =	vor.u32 v3, v4  }
0x10a: {  	v3 =	vperm.xlane v3, v0;
	_ =	sdelay $0x1  }
0x10b: {  	v3 =	vadd.s32 v1, v3;
	_ =	sdelay $0x4  }
0x10c: {  	[tilespmem:s31], [sflag:$0x2] =	stream.indirect_vreg.gather [hbm4b:s2+s3], $0x80, v3, vm0, $0xb8;
	[tilespmem:$0xB480] =	vst v63  }
0x10d: {  	_ =	swait.ge [sflag:s1], $0x5800  }
0x10e: {  	[sflag:s1] =	ssyncset.done $0x0  }
0x10f: {  	s5 =	rddreg [dreg:$0x5];
	[sflag:s1] =	ssyncadd.s32 $0xFFFFA800  }
0x110: {  	[hbm4b:s5+s3] =	stream.linear.scatter [tilespmem:s9], [sflag:$0x3], $0x5800, $0x38;
	[tilespmem:$0xB480] =	vst v63  }
0x111: {  	_ =	swait.ge [sflag:s8], $0x5800  }
0x112: {  	[sflag:s8] =	ssyncset.done $0x0  }
0x113: {  	[sflag:s8] =	ssyncadd.s32 $0xFFFFA800  }
0x114: {  	_ =	swait.ge [sflag:s0], $0x5800  }
0x115: {  	[sflag:s0] =	ssyncset.done $0x0  }
0x116: {  	s6 =	rddreg [dreg:$0x6];
	[sflag:s0] =	ssyncadd.s32 $0xFFFFA800  }
0x117: {  	[hbm4b:s6+s3] =	stream.linear.scatter [tilespmem:s20], [sflag:$0x3], $0x5800, $0x38;
	[tilespmem:$0xB480] =	vst v63  }
0x118: {  	_ =	swait.ge [sflag:s8], $0x5800  }
0x119: {  	s4 =	sadd.s32 $0x1, s4;
	s7 =	rddreg [dreg:$0x7]  }
0x11a: {  	p0 =	sne.s32 s4, s7  }
.Ltmp1:
0x11b: {  	_ = 	snop;
	(pc) =	sbr.rel @p0 .LBB2_1-.Ltmp1, $3  }
0x11c: {  	_ =	sdelay $0x1  }
0x11d: {  	[sflag:s8] =	ssyncset.done $0x0  }
0x11e: {  	[sflag:s8] =	ssyncadd.s32 $0xFFFFA800  }
0x11f: {  	_ =	sfence.sel $0x180000  }
0x120: {  	[bflag:$0x0] =	sbarrier.arrive $0xFFFF  }
0x121: {  	_ =	strace $0x9000005C  }
0x122: {  	s0 =	stileid.u32;
	[bflag:$0x2] =	sbarrier.arrive $0xFFFF  }
0x123: {  	p0 =	sne.s32 s0, $0x0;
	s0 =	rddreg [dreg:$0x2]  }
0x124: {  	s0 =	sadd.s32 @!p0 $0x100000, s0  }
0x125: {  	[sflag:s0] =	ssyncadd.tile.s32 @!p0 $0x1;
	_ =	shalt  }
.Lfunc_end2:
_tile_overlayer_lowered:
.L_overlay_start_2:
0x126: {  	(tag) =	ssettag $0x2  }
0x127: {  	s0 =	rddreg [dreg:$0x0];
	s2 =	stileid.u32  }
0x128: {  	s1 =	rddreg [dreg:$0x1];
	p0 =	sne.s32 s2, $0x0  }
0x129: {  	s3 =	rddreg [dreg:$0x2];
	[bflag:$0x3] =	sbarrier.arrive $0xFFFF;
	s2 =	simm.s32 @!p0 $0x1C03  }
0x12a: {  	[timem:s3], [sflag:s2] =	dma.local @!p0 [hbm:s0], s1  }
0x12b: {  	s0 =	simm.s32 @!p0 $0x3  }
0x12c: {  	_ =	swait.ge @!p0 [sflag:s0], s1  }
0x12d: {  	s1 =	ssub.s32 @!p0 $0x0, s1;
	[sflag:s0] =	ssyncset.done @!p0 $0x0  }
0x12e: {  	[sflag:s0] =	ssyncadd.s32 @!p0 s1  }
0x12f: {  	[bflag:$0x3] =	sbarrier.arrive $0xFFFF  }
0x130: {  	_ =	shalt  }

</sc_bundles>
